<compile_context>
chip_gen: v7x
topology: tpu7x:2x2x1
jax: 0.10.2.dev20260603
libtpu: 0.0.44.dev20260713+nightly
codegen_flags: <defaults>
</compile_context>

<pallas_src>
import functools

import jax
import jax.numpy as jnp
from jax import lax
from jax.experimental import pallas as pl
from jax.experimental.pallas import tpu as pltpu
from jax.experimental.pallas import tpu_sc as plsc

N = 10000
E = 320000
D = 128
DH = D // 2
NEG_SLOPE = 0.2

NC = 2
NS = 16
NW = NC * NS
NP = 10240
EP = NW * 10240
C = 128
NCHA = EP // NW // C
NCHB = EP // NS // C
NPS = NP // NS

_mesh = plsc.VectorSubcoreMesh(core_axis_name="c", subcore_axis_name="s")
_sc_params = pltpu.CompilerParams(needs_layout_passes=False,
                                  use_tc_tiling_on_sc=False)


def _tc_prep_body(x_ref, w_ref, a_ref, whs_ref, s1_ref, s2_ref):
    wh = lax.dot_general(x_ref[...], w_ref[...],
                         (((1,), (1,)), ((), ())),
                         preferred_element_type=jnp.float32)
    whb = wh.astype(jnp.bfloat16)
    whs_ref[0:NP, :] = whb[:, 0:DH]
    whs_ref[NP:2 * NP, :] = whb[:, DH:D]
    s1_ref[...] = wh @ a_ref[0:D]
    s2_ref[...] = wh @ a_ref[D:2 * D]


def _tc_prep(x_p, W, a):
    return pl.pallas_call(
        _tc_prep_body,
        out_shape=[
            jax.ShapeDtypeStruct((2 * NP, DH), jnp.bfloat16),
            jax.ShapeDtypeStruct((NP,), jnp.float32),
            jax.ShapeDtypeStruct((NP,), jnp.float32),
        ],
    )(x_p, W, a)


@functools.partial(
    pl.kernel,
    out_type=[
        jax.ShapeDtypeStruct((NW, NCHA, C), jnp.bfloat16),
        jax.ShapeDtypeStruct((NW, NP), jnp.float32),
    ],
    mesh=_mesh,
    compiler_params=_sc_params,
    scratch_types=[
        pltpu.VMEM((NCHA, C), jnp.int32),
        pltpu.VMEM((NCHA, C), jnp.int32),
        pltpu.VMEM((NP,), jnp.float32),
        pltpu.VMEM((NP,), jnp.float32),
        pltpu.VMEM((NCHA, C), jnp.bfloat16),
        pltpu.VMEM((NP,), jnp.float32),
        pltpu.SemaphoreType.DMA,
    ],
)
def _sc_phase_a(src_hbm, tgt_hbm, s1_hbm, s2_hbm, p_hbm, esums_hbm,
                src_v, tgt_v, s1_v, s2_v, p_v, esum_v, isem):
    cid = lax.axis_index("c")
    sid = lax.axis_index("s")
    wid = sid * NC + cid

    pltpu.async_copy(src_hbm.at[wid], src_v, isem)
    pltpu.async_copy(tgt_hbm.at[wid], tgt_v, isem)
    pltpu.async_copy(s1_hbm, s1_v, isem)
    pltpu.async_copy(s2_hbm, s2_v, isem)

    zero16 = jnp.zeros((16,), jnp.float32)

    def _zero(i, carry):
        esum_v[pl.ds(i * 16, 16)] = zero16
        return carry

    lax.fori_loop(0, NP // 16, _zero, 0)

    pltpu.make_async_copy(src_hbm.at[wid], src_v, isem).wait()
    pltpu.make_async_copy(tgt_hbm.at[wid], tgt_v, isem).wait()
    pltpu.make_async_copy(s1_hbm, s1_v, isem).wait()
    pltpu.make_async_copy(s2_hbm, s2_v, isem).wait()

    lane = lax.iota(jnp.int32, 16)
    base = wid * (EP // NW)

    def _chunk(j, carry):
        for kp in range(C // 32):
            ps = []
            for u in range(2):
                k = 2 * kp + u
                sv = src_v[j, pl.ds(k * 16, 16)]
                tv = tgt_v[j, pl.ds(k * 16, 16)]
                e = (plsc.load_gather(s1_v, [sv])
                     + plsc.load_gather(s2_v, [tv]))
                e = jnp.where(e >= 0.0, e, e * NEG_SLOPE)
                p = jnp.exp(e)
                gidx = base + j * C + k * 16 + lane
                p = jnp.where(gidx < E, p, 0.0)
                plsc.addupdate_scatter(esum_v, [tv], p)
                ps.append(p)
            p_v[j, pl.ds(kp * 32, 32)] = plsc.pack(
                ps[0], ps[1], format=plsc.PackFormat.INTERLEAVED)
        return carry

    lax.fori_loop(0, NCHA, _chunk, 0)

    pltpu.sync_copy(p_v, p_hbm.at[wid])
    pltpu.sync_copy(esum_v, esums_hbm.at[wid])


def _tc_esum_body(e_ref, o_ref):
    o_ref[...] = 1.0 / (jnp.sum(e_ref[...], axis=0) + 1e-10)


def _tc_esum(esums):
    return pl.pallas_call(
        _tc_esum_body,
        out_shape=jax.ShapeDtypeStruct((NP,), jnp.float32),
    )(esums)


@functools.partial(
    pl.kernel,
    out_type=jax.ShapeDtypeStruct((NC, NP, DH), jnp.float32),
    mesh=_mesh,
    compiler_params=_sc_params,
    scratch_types=[
        pltpu.VMEM((NP,), jnp.float32),
        pltpu.VMEM((NCHB, C), jnp.int32),
        pltpu.VMEM((NCHB, C), jnp.int32),
        pltpu.VMEM((NCHB, C), jnp.bfloat16),
        pltpu.VMEM((C,), jnp.float32),
        pltpu.VMEM((C, DH), jnp.bfloat16),
        pltpu.VMEM((C, DH), jnp.bfloat16),
        pltpu.VMEM((C, DH), jnp.float32),
        pltpu.VMEM((C, DH), jnp.float32),
        pltpu.VMEM_SHARED((NP, DH), jnp.float32),
        pltpu.SemaphoreType.DMA,
        pltpu.SemaphoreType.DMA,
        pltpu.SemaphoreType.DMA,
        pltpu.SemaphoreType.DMA,
        pltpu.SemaphoreType.DMA,
    ],
)
def _sc_phase_b(src_hbm, tgt_hbm, p_hbm, esum_hbm, whs_hbm, out_hbm,
                esum_v, src_v, tgt_v, p_v, alpha_v, rows0_v, rows1_v,
                fbuf0_v, fbuf1_v, out_sh, gsem0, gsem1, ssem0, ssem1, isem):
    cid = lax.axis_index("c")
    sid = lax.axis_index("s")

    pltpu.sync_copy(src_hbm.at[cid * NS + sid], src_v)
    pltpu.async_copy(whs_hbm.at[src_v.at[0]], rows0_v, gsem0)
    pltpu.async_copy(tgt_hbm.at[sid], tgt_v, isem)
    pltpu.async_copy(p_hbm.at[sid], p_v, isem)
    pltpu.async_copy(esum_hbm, esum_v, isem)

    zero16 = jnp.zeros((16,), jnp.float32)

    def _zrow(r, carry):
        for q in range(DH // 16):
            fbuf0_v[r, pl.ds(q * 16, 16)] = zero16
        return carry

    lax.fori_loop(0, C, _zrow, 0)
    for m in range(NPS // C):
        pltpu.sync_copy(fbuf0_v, out_sh.at[pl.ds(sid * NPS + m * C, C)])

    pltpu.make_async_copy(tgt_hbm.at[sid], tgt_v, isem).wait()
    pltpu.make_async_copy(p_hbm.at[sid], p_v, isem).wait()
    pltpu.make_async_copy(esum_hbm, esum_v, isem).wait()

    plsc.subcore_barrier()

    bufs = (rows0_v, rows1_v)
    fbufs = (fbuf0_v, fbuf1_v)
    gsems = (gsem0, gsem1)
    ssems = (ssem0, ssem1)
    himask = jnp.full((16,), -65536, jnp.int32)

    def _body(i, carry):
        for b in range(2):
            j = 2 * i + b
            rows_b = bufs[b]
            fbuf_b = fbufs[b]
            for kp in range(C // 32):
                pb = p_v[j, pl.ds(kp * 32, 32)]
                pi = plsc.bitcast(pb, jnp.int32)
                pg = (plsc.bitcast(pi << 16, jnp.float32),
                      plsc.bitcast(pi & himask, jnp.float32))
                for u in range(2):
                    k = 2 * kp + u
                    tv = tgt_v[j, pl.ds(k * 16, 16)]
                    rin = plsc.load_gather(esum_v, [tv])
                    alpha_v[pl.ds(k * 16, 16)] = pg[u] * rin

            pltpu.make_async_copy(whs_hbm.at[src_v.at[j]], rows_b,
                                  gsems[b]).wait()

            @pl.when(j + 1 < NCHB)
            def _prefetch():
                pltpu.async_copy(whs_hbm.at[src_v.at[j + 1]], bufs[1 - b],
                                 gsems[1 - b])

            @pl.when(j >= 2)
            def _drain():
                pltpu.make_async_copy(fbuf_b, out_sh.at[tgt_v.at[j - 2]],
                                      ssems[b]).wait()

            def _scale(g, c2):
                for u in range(2):
                    al16 = alpha_v[pl.ds((2 * g + u) * 16, 16)]
                    for l in range(16):
                        av = jnp.full((16,), al16[l], jnp.float32)
                        r = (2 * g + u) * 16 + l
                        for h in range(DH // 32):
                            vb = rows_b[r, pl.ds(h * 32, 32)]
                            vi = plsc.bitcast(vb, jnp.int32)
                            lo = plsc.bitcast(vi << 16, jnp.float32)
                            hi = plsc.bitcast(vi & himask, jnp.float32)
                            fbuf_b[r, pl.ds(h * 32, 16)] = lo * av
                            fbuf_b[r, pl.ds(h * 32 + 16, 16)] = hi * av
                return c2

            lax.fori_loop(0, C // 32, _scale, 0)
            pltpu.async_copy(fbuf_b, out_sh.at[tgt_v.at[j]], ssems[b],
                             add=True)
        return carry

    lax.fori_loop(0, NCHB // 2, _body, 0)
    for b in range(2):
        pltpu.make_async_copy(fbufs[b], out_sh.at[tgt_v.at[NCHB - 2 + b]],
                              ssems[b]).wait()

    plsc.subcore_barrier()
    pltpu.sync_copy(out_sh.at[pl.ds(sid * NPS, NPS)],
                    out_hbm.at[cid, pl.ds(sid * NPS, NPS)])


def _row_perm():
    p64 = []
    for h32 in range(2):
        p64 += [h32 * 32 + 2 * m for m in range(16)]
        p64 += [h32 * 32 + 2 * m + 1 for m in range(16)]
    i64 = [0] * DH
    for s, c in enumerate(p64):
        i64[c] = s
    return tuple(h * DH + i64[c] for h in range(2) for c in range(DH))


_RP = _row_perm()


def kernel(x, edge_index, W, a):
    rp = jnp.asarray(_RP, jnp.int32)
    W2 = jnp.take(W, rp, axis=0)
    a_p = jnp.concatenate([jnp.take(a[:D], rp), jnp.take(a[D:], rp)])
    x_p = jnp.pad(x, ((0, NP - N), (0, 0)))
    ei_p = jnp.pad(edge_index, ((0, 0), (0, EP - E)))
    src_f, tgt_f = ei_p[0], ei_p[1]
    src16 = src_f.reshape(NS, NCHB, C)
    src2 = jnp.concatenate([src16, src16 + NP])

    whs, s1, s2 = _tc_prep(x_p, W2, a_p)
    p, esums = _sc_phase_a(src_f.reshape(NW, NCHA, C),
                           tgt_f.reshape(NW, NCHA, C), s1, s2)
    esum = _tc_esum(esums)
    parts = _sc_phase_b(src2, tgt_f.reshape(NS, NCHB, C),
                        p.reshape(NS, NCHB, C), esum, whs)
    return jnp.concatenate([parts[0], parts[1]], axis=1)[:N]

# --- scband reference (transcript-rebuilt; emitter-appended) ---
"""Pipeline reference for scband-gatlayer-2362232012921 (READ-ONLY COPY).

The authoritative reference and input builder live on the scoring server;
editing this copy changes nothing except your own understanding.
"""

import jax, jax.numpy as jnp
import numpy as np

N = 10000
E = 320000
D_IN = 128
D_OUT = 128
NEG_SLOPE = 0.2


def setup_inputs(seed: int = 0) -> dict:
    key = jax.random.key(seed)
    k1, k2, k3, k4 = jax.random.split(key, 4)
    x = jax.random.normal(k1, (N, D_IN), dtype=jnp.float32)
    edge_index = jax.random.randint(k2, (2, E), 0, N, dtype=jnp.int32)
    # Linear W: [out_features, in_features], no bias (kaiming-uniform-like init)
    limit_w = float(np.sqrt(1.0 / D_IN))
    W = jax.random.uniform(k3, (D_OUT, D_IN), dtype=jnp.float32, minval=-limit_w, maxval=limit_w)
    # Attention vector a: [2*out_features], xavier-uniform on shape (1, 2*out)
    limit_a = float(np.sqrt(6.0 / (1 + 2 * D_OUT)))
    a = jax.random.uniform(k4, (2 * D_OUT,), dtype=jnp.float32, minval=-limit_a, maxval=limit_a)
    return {"x": x, "edge_index": edge_index, "W": W, "a": a}


def reference(x, edge_index, W, a):
    # Wh = self.W(x)
    Wh = x @ W.T
    src = edge_index[0]
    tgt = edge_index[1]
    Wh_src = jnp.take(Wh, src, axis=0)
    Wh_tgt = jnp.take(Wh, tgt, axis=0)
    cat_features = jnp.concatenate([Wh_src, Wh_tgt], axis=1)
    e = jax.nn.leaky_relu(cat_features @ a, negative_slope=NEG_SLOPE)
    # segment softmax over destination nodes
    e_max = jax.ops.segment_max(e, tgt, num_segments=N)
    e_exp = jnp.exp(e - jnp.take(e_max, tgt, axis=0))
    e_sum = jax.ops.segment_sum(e_exp, tgt, num_segments=N)
    alpha = e_exp / (jnp.take(e_sum, tgt, axis=0) + 1e-10)
    # dropout is identity in eval mode
    messages = alpha[:, None] * Wh_src
    out = jax.ops.segment_sum(messages, tgt, num_segments=N)
    return out

if __name__ == "__main__":
    import jax
    _d = setup_inputs()
    print(jax.jit(kernel)(*tuple(_d.values())))

</pallas_src>

<mosaic_0001>
#map = affine_map<(d0, d1) -> (0, 0, 0)>
#map1 = affine_map<(d0, d1) -> (0)>
#map2 = affine_map<(d0, d1) -> (0, 0)>
module attributes {stable_mosaic.version = 14 : i64} {
  func.func @_sc_phase_a(%arg0: i32, %arg1: i32, %arg2: memref<32x80x128xi32, #tpu.memory_space<hbm>>, %arg3: memref<32x80x128xi32, #tpu.memory_space<hbm>>, %arg4: memref<10240xf32, #tpu.memory_space<hbm>>, %arg5: memref<10240xf32, #tpu.memory_space<hbm>>, %arg6: memref<32x80x128xbf16, #tpu.memory_space<hbm>>, %arg7: memref<32x10240xf32, #tpu.memory_space<hbm>>, %arg8: memref<80x128xi32, #tpu.memory_space<vmem>>, %arg9: memref<80x128xi32, #tpu.memory_space<vmem>>, %arg10: memref<10240xf32, #tpu.memory_space<vmem>>, %arg11: memref<10240xf32, #tpu.memory_space<vmem>>, %arg12: memref<80x128xbf16, #tpu.memory_space<vmem>>, %arg13: memref<10240xf32, #tpu.memory_space<vmem>>, %arg14: memref<!tpu.dma_semaphore, #tpu.memory_space<semaphore_mem>>) attributes {dimension_semantics = [#tpu.dimension_semantics<core_parallel>, #tpu.dimension_semantics<subcore_parallel>], iteration_bounds = array<i64: 2, 16>, scalar_prefetch = 0 : i64, scratch_operands = 7 : i64, tpu.core_type = #tpu.core_type<sc_vector_subcore>, window_params = [{transform_indices = #map}, {transform_indices = #map}, {transform_indices = #map1}, {transform_indices = #map1}, {transform_indices = #map}, {transform_indices = #map2}]} {
    %mul3A = arith.constant 2 : i32
    %mul3A_0 = arith.muli %arg1, %mul3A : i32
    %add3A = arith.addi %mul3A_0, %arg0 : i32
    %dma_start3A = arith.constant 0 : i32
    %dma_start3A_1 = arith.constant 0 : i32
    %dma_start3A_2 = tpu.memref_slice %arg2[%add3A, %dma_start3A, %dma_start3A_1] : memref<32x80x128xi32, #tpu.memory_space<hbm>> -> memref<1x80x128xi32, #tpu.memory_space<hbm>>
    %dma_start3A_3 = tpu.memref_squeeze %dma_start3A_2 : memref<1x80x128xi32, #tpu.memory_space<hbm>> -> memref<80x128xi32, #tpu.memory_space<hbm>>
    %dma_start3A_4 = arith.constant 0 : i32
    %dma_start3A_5 = arith.constant 0 : i32
    %dma_start3A_6 = tpu.memref_slice %arg2[%add3A, %dma_start3A_4, %dma_start3A_5] : memref<32x80x128xi32, #tpu.memory_space<hbm>> -> memref<1x80x128xi32, #tpu.memory_space<hbm>>
    %dma_start3A_7 = tpu.memref_squeeze %dma_start3A_6 : memref<1x80x128xi32, #tpu.memory_space<hbm>> -> memref<80x128xi32, #tpu.memory_space<hbm>>
    tpu.enqueue_dma source(%dma_start3A_7 : memref<80x128xi32, #tpu.memory_space<hbm>>) target(%arg8 : memref<80x128xi32, #tpu.memory_space<vmem>>) target_semaphore(%arg14 : memref<!tpu.dma_semaphore, #tpu.memory_space<semaphore_mem>>)
    %dma_start3A_8 = arith.constant 0 : i32
    %dma_start3A_9 = arith.constant 0 : i32
    %dma_start3A_10 = tpu.memref_slice %arg3[%add3A, %dma_start3A_8, %dma_start3A_9] : memref<32x80x128xi32, #tpu.memory_space<hbm>> -> memref<1x80x128xi32, #tpu.memory_space<hbm>>
    %dma_start3A_11 = tpu.memref_squeeze %dma_start3A_10 : memref<1x80x128xi32, #tpu.memory_space<hbm>> -> memref<80x128xi32, #tpu.memory_space<hbm>>
    %dma_start3A_12 = arith.constant 0 : i32
    %dma_start3A_13 = arith.constant 0 : i32
    %dma_start3A_14 = tpu.memref_slice %arg3[%add3A, %dma_start3A_12, %dma_start3A_13] : memref<32x80x128xi32, #tpu.memory_space<hbm>> -> memref<1x80x128xi32, #tpu.memory_space<hbm>>
    %dma_start3A_15 = tpu.memref_squeeze %dma_start3A_14 : memref<1x80x128xi32, #tpu.memory_space<hbm>> -> memref<80x128xi32, #tpu.memory_space<hbm>>
    tpu.enqueue_dma source(%dma_start3A_15 : memref<80x128xi32, #tpu.memory_space<hbm>>) target(%arg9 : memref<80x128xi32, #tpu.memory_space<vmem>>) target_semaphore(%arg14 : memref<!tpu.dma_semaphore, #tpu.memory_space<semaphore_mem>>)
    tpu.enqueue_dma source(%arg4 : memref<10240xf32, #tpu.memory_space<hbm>>) target(%arg10 : memref<10240xf32, #tpu.memory_space<vmem>>) target_semaphore(%arg14 : memref<!tpu.dma_semaphore, #tpu.memory_space<semaphore_mem>>)
    tpu.enqueue_dma source(%arg5 : memref<10240xf32, #tpu.memory_space<hbm>>) target(%arg11 : memref<10240xf32, #tpu.memory_space<vmem>>) target_semaphore(%arg14 : memref<!tpu.dma_semaphore, #tpu.memory_space<semaphore_mem>>)
    %broadcast_in_dim3A = arith.constant 0.000000e+00 : f32
    %broadcast_in_dim3A_16 = vector.broadcast %broadcast_in_dim3A : f32 to vector<16xf32>
    %scan3A = arith.constant 0 : i32
    %scan3A_17 = arith.constant 0 : i32
    %scan3A_18 = arith.constant 640 : i32
    %scan3A_19 = arith.addi %scan3A_17, %scan3A_18 : i32
    %scan3A_20 = arith.constant 1 : i32
    scf.for %scan3A_45 = %scan3A_17 to %scan3A_19 step %scan3A_20  : i32 {
      %mul3A_46 = arith.constant 16 : i32
      %mul3A_47 = arith.muli %scan3A_45, %mul3A_46 : i32
      %swap3A = arith.index_cast %mul3A_47 : i32 to index
      %swap3A_48 = tpu.vector_load %arg13[%swap3A] {strides = array<i32>} : memref<10240xf32, #tpu.memory_space<vmem>>, vector<16xf32>,
      tpu.vector_store %arg13[%swap3A], %broadcast_in_dim3A_16 {strides = array<i32>} : memref<10240xf32, #tpu.memory_space<vmem>>, vector<16xf32>,
    }
    %scan3A_21 = arith.constant 640 : i32
    %dma_wait3A = arith.constant 0 : i32
    %dma_wait3A_22 = arith.constant 0 : i32
    %dma_wait3A_23 = tpu.memref_slice %arg2[%add3A, %dma_wait3A, %dma_wait3A_22] : memref<32x80x128xi32, #tpu.memory_space<hbm>> -> memref<1x80x128xi32, #tpu.memory_space<hbm>>
    %dma_wait3A_24 = tpu.memref_squeeze %dma_wait3A_23 : memref<1x80x128xi32, #tpu.memory_space<hbm>> -> memref<80x128xi32, #tpu.memory_space<hbm>>
    %dma_wait3A_25 = arith.constant 0 : i32
    %dma_wait3A_26 = arith.constant 0 : i32
    %dma_wait3A_27 = tpu.memref_slice %arg2[%add3A, %dma_wait3A_25, %dma_wait3A_26] : memref<32x80x128xi32, #tpu.memory_space<hbm>> -> memref<1x80x128xi32, #tpu.memory_space<hbm>>
    %dma_wait3A_28 = tpu.memref_squeeze %dma_wait3A_27 : memref<1x80x128xi32, #tpu.memory_space<hbm>> -> memref<80x128xi32, #tpu.memory_space<hbm>>
    tpu.wait_dma2 semaphore(%arg14 : memref<!tpu.dma_semaphore, #tpu.memory_space<semaphore_mem>>) src(%dma_wait3A_28 : memref<80x128xi32, #tpu.memory_space<hbm>>) dst(%arg8 : memref<80x128xi32, #tpu.memory_space<vmem>>)
    %dma_wait3A_29 = arith.constant 0 : i32
    %dma_wait3A_30 = arith.constant 0 : i32
    %dma_wait3A_31 = tpu.memref_slice %arg3[%add3A, %dma_wait3A_29, %dma_wait3A_30] : memref<32x80x128xi32, #tpu.memory_space<hbm>> -> memref<1x80x128xi32, #tpu.memory_space<hbm>>
    %dma_wait3A_32 = tpu.memref_squeeze %dma_wait3A_31 : memref<1x80x128xi32, #tpu.memory_space<hbm>> -> memref<80x128xi32, #tpu.memory_space<hbm>>
    %dma_wait3A_33 = arith.constant 0 : i32
    %dma_wait3A_34 = arith.constant 0 : i32
    %dma_wait3A_35 = tpu.memref_slice %arg3[%add3A, %dma_wait3A_33, %dma_wait3A_34] : memref<32x80x128xi32, #tpu.memory_space<hbm>> -> memref<1x80x128xi32, #tpu.memory_space<hbm>>
    %dma_wait3A_36 = tpu.memref_squeeze %dma_wait3A_35 : memref<1x80x128xi32, #tpu.memory_space<hbm>> -> memref<80x128xi32, #tpu.memory_space<hbm>>
    tpu.wait_dma2 semaphore(%arg14 : memref<!tpu.dma_semaphore, #tpu.memory_space<semaphore_mem>>) src(%dma_wait3A_36 : memref<80x128xi32, #tpu.memory_space<hbm>>) dst(%arg9 : memref<80x128xi32, #tpu.memory_space<vmem>>)
    tpu.wait_dma2 semaphore(%arg14 : memref<!tpu.dma_semaphore, #tpu.memory_space<semaphore_mem>>) src(%arg4 : memref<10240xf32, #tpu.memory_space<hbm>>) dst(%arg10 : memref<10240xf32, #tpu.memory_space<vmem>>)
    tpu.wait_dma2 semaphore(%arg14 : memref<!tpu.dma_semaphore, #tpu.memory_space<semaphore_mem>>) src(%arg5 : memref<10240xf32, #tpu.memory_space<hbm>>) dst(%arg11 : memref<10240xf32, #tpu.memory_space<vmem>>)
    %iota3A = tpu.iota {dimensions = array<i32: 0>} : vector<16xi32>
    %mul3A_37 = arith.constant 10240 : i32
    %mul3A_38 = arith.muli %add3A, %mul3A_37 : i32
    %scan3A_39 = arith.constant 0 : i32
    %scan3A_40 = arith.constant 0 : i32
    %scan3A_41 = arith.constant 80 : i32
    %scan3A_42 = arith.addi %scan3A_40, %scan3A_41 : i32
    %scan3A_43 = arith.constant 1 : i32
    scf.for %scan3A_45 = %scan3A_40 to %scan3A_42 step %scan3A_43  : i32 {
      %get3A = arith.index_cast %scan3A_45 : i32 to index
      %get3A_46 = arith.constant 0 : index
      %get3A_47 = tpu.vector_load %arg8[%get3A, %get3A_46] {strides = array<i32>} : memref<80x128xi32, #tpu.memory_space<vmem>>, vector<16xi32>,
      %get3A_48 = arith.index_cast %scan3A_45 : i32 to index
      %get3A_49 = arith.constant 0 : index
      %get3A_50 = tpu.vector_load %arg9[%get3A_48, %get3A_49] {strides = array<i32>} : memref<80x128xi32, #tpu.memory_space<vmem>>, vector<16xi32>,
      %gather3A = tpu.vector_load_idx %arg10[%get3A_47] : memref<10240xf32, #tpu.memory_space<vmem>>[vector<16xi32>], vector<16xf32>,
      %gather3A_51 = tpu.vector_load_idx %arg11[%get3A_50] : memref<10240xf32, #tpu.memory_space<vmem>>[vector<16xi32>], vector<16xf32>,
      %add3A_52 = arith.addf %gather3A, %gather3A_51 : vector<16xf32>
      %ge3A = arith.constant 0.000000e+00 : f32
      %ge3A_53 = vector.broadcast %ge3A : f32 to vector<16xf32>
      %ge3A_54 = arith.cmpf oge, %add3A_52, %ge3A_53 : vector<16xf32>
      %mul3A_55 = arith.constant 2.000000e-01 : f32
      %mul3A_56 = vector.broadcast %mul3A_55 : f32 to vector<16xf32>
      %mul3A_57 = arith.mulf %add3A_52, %mul3A_56 : vector<16xf32>
      %select_n3A = arith.select %ge3A_54, %add3A_52, %mul3A_57 : vector<16xi1>, vector<16xf32>
      %exp3A = math.exp %select_n3A : vector<16xf32>
      %mul3A_58 = arith.constant 128 : i32
      %mul3A_59 = arith.muli %scan3A_45, %mul3A_58 : i32
      %add3A_60 = arith.addi %mul3A_38, %mul3A_59 : i32
      %add3A_61 = arith.constant 0 : i32
      %add3A_62 = arith.addi %add3A_60, %add3A_61 : i32
      %add3A_63 = vector.broadcast %add3A_62 : i32 to vector<16xi32>
      %add3A_64 = arith.addi %add3A_63, %iota3A : vector<16xi32>
      %lt3A = arith.constant 320000 : i32
      %lt3A_65 = vector.broadcast %lt3A : i32 to vector<16xi32>
      %lt3A_66 = arith.cmpi slt, %add3A_64, %lt3A_65 : vector<16xi32>
      %jit3A = arith.constant 0.000000e+00 : f32
      %broadcast_in_dim3A_67 = vector.broadcast %jit3A : f32 to vector<16xf32>
      %select_n3A_68 = arith.select %lt3A_66, %exp3A, %broadcast_in_dim3A_67 : vector<16xi1>, vector<16xf32>
      tpu.vector_store_idx %arg13[%get3A_50], %select_n3A_68 {add = true} : memref<10240xf32, #tpu.memory_space<vmem>>[vector<16xi32>], vector<16xf32>,
      %get3A_69 = arith.index_cast %scan3A_45 : i32 to index
      %get3A_70 = arith.constant 16 : index
      %get3A_71 = tpu.vector_load %arg8[%get3A_69, %get3A_70] {strides = array<i32>} : memref<80x128xi32, #tpu.memory_space<vmem>>, vector<16xi32>,
      %get3A_72 = arith.index_cast %scan3A_45 : i32 to index
      %get3A_73 = arith.constant 16 : index
      %get3A_74 = tpu.vector_load %arg9[%get3A_72, %get3A_73] {strides = array<i32>} : memref<80x128xi32, #tpu.memory_space<vmem>>, vector<16xi32>,
      %gather3A_75 = tpu.vector_load_idx %arg10[%get3A_71] : memref<10240xf32, #tpu.memory_space<vmem>>[vector<16xi32>], vector<16xf32>,
      %gather3A_76 = tpu.vector_load_idx %arg11[%get3A_74] : memref<10240xf32, #tpu.memory_space<vmem>>[vector<16xi32>], vector<16xf32>,
      %add3A_77 = arith.addf %gather3A_75, %gather3A_76 : vector<16xf32>
      %ge3A_78 = arith.constant 0.000000e+00 : f32
      %ge3A_79 = vector.broadcast %ge3A_78 : f32 to vector<16xf32>
      %ge3A_80 = arith.cmpf oge, %add3A_77, %ge3A_79 : vector<16xf32>
      %mul3A_81 = arith.constant 2.000000e-01 : f32
      %mul3A_82 = vector.broadcast %mul3A_81 : f32 to vector<16xf32>
      %mul3A_83 = arith.mulf %add3A_77, %mul3A_82 : vector<16xf32>
      %select_n3A_84 = arith.select %ge3A_80, %add3A_77, %mul3A_83 : vector<16xi1>, vector<16xf32>
      %exp3A_85 = math.exp %select_n3A_84 : vector<16xf32>
      %mul3A_86 = arith.constant 128 : i32
      %mul3A_87 = arith.muli %scan3A_45, %mul3A_86 : i32
      %add3A_88 = arith.addi %mul3A_38, %mul3A_87 : i32
      %add3A_89 = arith.constant 16 : i32
      %add3A_90 = arith.addi %add3A_88, %add3A_89 : i32
      %add3A_91 = vector.broadcast %add3A_90 : i32 to vector<16xi32>
      %add3A_92 = arith.addi %add3A_91, %iota3A : vector<16xi32>
      %lt3A_93 = arith.constant 320000 : i32
      %lt3A_94 = vector.broadcast %lt3A_93 : i32 to vector<16xi32>
      %lt3A_95 = arith.cmpi slt, %add3A_92, %lt3A_94 : vector<16xi32>
      %jit3A_96 = arith.constant 0.000000e+00 : f32
      %broadcast_in_dim3A_97 = vector.broadcast %jit3A_96 : f32 to vector<16xf32>
      %select_n3A_98 = arith.select %lt3A_95, %exp3A_85, %broadcast_in_dim3A_97 : vector<16xi1>, vector<16xf32>
      tpu.vector_store_idx %arg13[%get3A_74], %select_n3A_98 {add = true} : memref<10240xf32, #tpu.memory_space<vmem>>[vector<16xi32>], vector<16xf32>,
      %pack3A = tpu.pack_subelements %select_n3A_68, %select_n3A_98 {pack_format = #tpu.pack_format<interleaved>, positions = array<i32: 0, 1>} : vector<16xf32>, vector<16xf32> -> vector<32xbf16>
      %swap3A = arith.index_cast %scan3A_45 : i32 to index
      %swap3A_99 = arith.constant 0 : index
      %swap3A_100 = tpu.vector_load %arg12[%swap3A, %swap3A_99] {strides = array<i32>} : memref<80x128xbf16, #tpu.memory_space<vmem>>, vector<32xbf16>,
      tpu.vector_store %arg12[%swap3A, %swap3A_99], %pack3A {strides = array<i32>} : memref<80x128xbf16, #tpu.memory_space<vmem>>, vector<32xbf16>,
      %get3A_101 = arith.index_cast %scan3A_45 : i32 to index
      %get3A_102 = arith.constant 32 : index
      %get3A_103 = tpu.vector_load %arg8[%get3A_101, %get3A_102] {strides = array<i32>} : memref<80x128xi32, #tpu.memory_space<vmem>>, vector<16xi32>,
      %get3A_104 = arith.index_cast %scan3A_45 : i32 to index
      %get3A_105 = arith.constant 32 : index
      %get3A_106 = tpu.vector_load %arg9[%get3A_104, %get3A_105] {strides = array<i32>} : memref<80x128xi32, #tpu.memory_space<vmem>>, vector<16xi32>,
      %gather3A_107 = tpu.vector_load_idx %arg10[%get3A_103] : memref<10240xf32, #tpu.memory_space<vmem>>[vector<16xi32>], vector<16xf32>,
      %gather3A_108 = tpu.vector_load_idx %arg11[%get3A_106] : memref<10240xf32, #tpu.memory_space<vmem>>[vector<16xi32>], vector<16xf32>,
      %add3A_109 = arith.addf %gather3A_107, %gather3A_108 : vector<16xf32>
      %ge3A_110 = arith.constant 0.000000e+00 : f32
      %ge3A_111 = vector.broadcast %ge3A_110 : f32 to vector<16xf32>
      %ge3A_112 = arith.cmpf oge, %add3A_109, %ge3A_111 : vector<16xf32>
      %mul3A_113 = arith.constant 2.000000e-01 : f32
      %mul3A_114 = vector.broadcast %mul3A_113 : f32 to vector<16xf32>
      %mul3A_115 = arith.mulf %add3A_109, %mul3A_114 : vector<16xf32>
      %select_n3A_116 = arith.select %ge3A_112, %add3A_109, %mul3A_115 : vector<16xi1>, vector<16xf32>
      %exp3A_117 = math.exp %select_n3A_116 : vector<16xf32>
      %mul3A_118 = arith.constant 128 : i32
      %mul3A_119 = arith.muli %scan3A_45, %mul3A_118 : i32
      %add3A_120 = arith.addi %mul3A_38, %mul3A_119 : i32
      %add3A_121 = arith.constant 32 : i32
      %add3A_122 = arith.addi %add3A_120, %add3A_121 : i32
      %add3A_123 = vector.broadcast %add3A_122 : i32 to vector<16xi32>
      %add3A_124 = arith.addi %add3A_123, %iota3A : vector<16xi32>
      %lt3A_125 = arith.constant 320000 : i32
      %lt3A_126 = vector.broadcast %lt3A_125 : i32 to vector<16xi32>
      %lt3A_127 = arith.cmpi slt, %add3A_124, %lt3A_126 : vector<16xi32>
      %jit3A_128 = arith.constant 0.000000e+00 : f32
      %broadcast_in_dim3A_129 = vector.broadcast %jit3A_128 : f32 to vector<16xf32>
      %select_n3A_130 = arith.select %lt3A_127, %exp3A_117, %broadcast_in_dim3A_129 : vector<16xi1>, vector<16xf32>
      tpu.vector_store_idx %arg13[%get3A_106], %select_n3A_130 {add = true} : memref<10240xf32, #tpu.memory_space<vmem>>[vector<16xi32>], vector<16xf32>,
      %get3A_131 = arith.index_cast %scan3A_45 : i32 to index
      %get3A_132 = arith.constant 48 : index
      %get3A_133 = tpu.vector_load %arg8[%get3A_131, %get3A_132] {strides = array<i32>} : memref<80x128xi32, #tpu.memory_space<vmem>>, vector<16xi32>,
      %get3A_134 = arith.index_cast %scan3A_45 : i32 to index
      %get3A_135 = arith.constant 48 : index
      %get3A_136 = tpu.vector_load %arg9[%get3A_134, %get3A_135] {strides = array<i32>} : memref<80x128xi32, #tpu.memory_space<vmem>>, vector<16xi32>,
      %gather3A_137 = tpu.vector_load_idx %arg10[%get3A_133] : memref<10240xf32, #tpu.memory_space<vmem>>[vector<16xi32>], vector<16xf32>,
      %gather3A_138 = tpu.vector_load_idx %arg11[%get3A_136] : memref<10240xf32, #tpu.memory_space<vmem>>[vector<16xi32>], vector<16xf32>,
      %add3A_139 = arith.addf %gather3A_137, %gather3A_138 : vector<16xf32>
      %ge3A_140 = arith.constant 0.000000e+00 : f32
      %ge3A_141 = vector.broadcast %ge3A_140 : f32 to vector<16xf32>
      %ge3A_142 = arith.cmpf oge, %add3A_139, %ge3A_141 : vector<16xf32>
      %mul3A_143 = arith.constant 2.000000e-01 : f32
      %mul3A_144 = vector.broadcast %mul3A_143 : f32 to vector<16xf32>
      %mul3A_145 = arith.mulf %add3A_139, %mul3A_144 : vector<16xf32>
      %select_n3A_146 = arith.select %ge3A_142, %add3A_139, %mul3A_145 : vector<16xi1>, vector<16xf32>
      %exp3A_147 = math.exp %select_n3A_146 : vector<16xf32>
      %mul3A_148 = arith.constant 128 : i32
      %mul3A_149 = arith.muli %scan3A_45, %mul3A_148 : i32
      %add3A_150 = arith.addi %mul3A_38, %mul3A_149 : i32
      %add3A_151 = arith.constant 48 : i32
      %add3A_152 = arith.addi %add3A_150, %add3A_151 : i32
      %add3A_153 = vector.broadcast %add3A_152 : i32 to vector<16xi32>
      %add3A_154 = arith.addi %add3A_153, %iota3A : vector<16xi32>
      %lt3A_155 = arith.constant 320000 : i32
      %lt3A_156 = vector.broadcast %lt3A_155 : i32 to vector<16xi32>
      %lt3A_157 = arith.cmpi slt, %add3A_154, %lt3A_156 : vector<16xi32>
      %jit3A_158 = arith.constant 0.000000e+00 : f32
      %broadcast_in_dim3A_159 = vector.broadcast %jit3A_158 : f32 to vector<16xf32>
      %select_n3A_160 = arith.select %lt3A_157, %exp3A_147, %broadcast_in_dim3A_159 : vector<16xi1>, vector<16xf32>
      tpu.vector_store_idx %arg13[%get3A_136], %select_n3A_160 {add = true} : memref<10240xf32, #tpu.memory_space<vmem>>[vector<16xi32>], vector<16xf32>,
      %pack3A_161 = tpu.pack_subelements %select_n3A_130, %select_n3A_160 {pack_format = #tpu.pack_format<interleaved>, positions = array<i32: 0, 1>} : vector<16xf32>, vector<16xf32> -> vector<32xbf16>
      %swap3A_162 = arith.index_cast %scan3A_45 : i32 to index
      %swap3A_163 = arith.constant 32 : index
      %swap3A_164 = tpu.vector_load %arg12[%swap3A_162, %swap3A_163] {strides = array<i32>} : memref<80x128xbf16, #tpu.memory_space<vmem>>, vector<32xbf16>,
      tpu.vector_store %arg12[%swap3A_162, %swap3A_163], %pack3A_161 {strides = array<i32>} : memref<80x128xbf16, #tpu.memory_space<vmem>>, vector<32xbf16>,
      %get3A_165 = arith.index_cast %scan3A_45 : i32 to index
      %get3A_166 = arith.constant 64 : index
      %get3A_167 = tpu.vector_load %arg8[%get3A_165, %get3A_166] {strides = array<i32>} : memref<80x128xi32, #tpu.memory_space<vmem>>, vector<16xi32>,
      %get3A_168 = arith.index_cast %scan3A_45 : i32 to index
      %get3A_169 = arith.constant 64 : index
      %get3A_170 = tpu.vector_load %arg9[%get3A_168, %get3A_169] {strides = array<i32>} : memref<80x128xi32, #tpu.memory_space<vmem>>, vector<16xi32>,
      %gather3A_171 = tpu.vector_load_idx %arg10[%get3A_167] : memref<10240xf32, #tpu.memory_space<vmem>>[vector<16xi32>], vector<16xf32>,
      %gather3A_172 = tpu.vector_load_idx %arg11[%get3A_170] : memref<10240xf32, #tpu.memory_space<vmem>>[vector<16xi32>], vector<16xf32>,
      %add3A_173 = arith.addf %gather3A_171, %gather3A_172 : vector<16xf32>
      %ge3A_174 = arith.constant 0.000000e+00 : f32
      %ge3A_175 = vector.broadcast %ge3A_174 : f32 to vector<16xf32>
      %ge3A_176 = arith.cmpf oge, %add3A_173, %ge3A_175 : vector<16xf32>
      %mul3A_177 = arith.constant 2.000000e-01 : f32
      %mul3A_178 = vector.broadcast %mul3A_177 : f32 to vector<16xf32>
      %mul3A_179 = arith.mulf %add3A_173, %mul3A_178 : vector<16xf32>
      %select_n3A_180 = arith.select %ge3A_176, %add3A_173, %mul3A_179 : vector<16xi1>, vector<16xf32>
      %exp3A_181 = math.exp %select_n3A_180 : vector<16xf32>
      %mul3A_182 = arith.constant 128 : i32
      %mul3A_183 = arith.muli %scan3A_45, %mul3A_182 : i32
      %add3A_184 = arith.addi %mul3A_38, %mul3A_183 : i32
      %add3A_185 = arith.constant 64 : i32
      %add3A_186 = arith.addi %add3A_184, %add3A_185 : i32
      %add3A_187 = vector.broadcast %add3A_186 : i32 to vector<16xi32>
      %add3A_188 = arith.addi %add3A_187, %iota3A : vector<16xi32>
      %lt3A_189 = arith.constant 320000 : i32
      %lt3A_190 = vector.broadcast %lt3A_189 : i32 to vector<16xi32>
      %lt3A_191 = arith.cmpi slt, %add3A_188, %lt3A_190 : vector<16xi32>
      %jit3A_192 = arith.constant 0.000000e+00 : f32
      %broadcast_in_dim3A_193 = vector.broadcast %jit3A_192 : f32 to vector<16xf32>
      %select_n3A_194 = arith.select %lt3A_191, %exp3A_181, %broadcast_in_dim3A_193 : vector<16xi1>, vector<16xf32>
      tpu.vector_store_idx %arg13[%get3A_170], %select_n3A_194 {add = true} : memref<10240xf32, #tpu.memory_space<vmem>>[vector<16xi32>], vector<16xf32>,
      %get3A_195 = arith.index_cast %scan3A_45 : i32 to index
      %get3A_196 = arith.constant 80 : index
      %get3A_197 = tpu.vector_load %arg8[%get3A_195, %get3A_196] {strides = array<i32>} : memref<80x128xi32, #tpu.memory_space<vmem>>, vector<16xi32>,
      %get3A_198 = arith.index_cast %scan3A_45 : i32 to index
      %get3A_199 = arith.constant 80 : index
      %get3A_200 = tpu.vector_load %arg9[%get3A_198, %get3A_199] {strides = array<i32>} : memref<80x128xi32, #tpu.memory_space<vmem>>, vector<16xi32>,
      %gather3A_201 = tpu.vector_load_idx %arg10[%get3A_197] : memref<10240xf32, #tpu.memory_space<vmem>>[vector<16xi32>], vector<16xf32>,
      %gather3A_202 = tpu.vector_load_idx %arg11[%get3A_200] : memref<10240xf32, #tpu.memory_space<vmem>>[vector<16xi32>], vector<16xf32>,
      %add3A_203 = arith.addf %gather3A_201, %gather3A_202 : vector<16xf32>
      %ge3A_204 = arith.constant 0.000000e+00 : f32
      %ge3A_205 = vector.broadcast %ge3A_204 : f32 to vector<16xf32>
      %ge3A_206 = arith.cmpf oge, %add3A_203, %ge3A_205 : vector<16xf32>
      %mul3A_207 = arith.constant 2.000000e-01 : f32
      %mul3A_208 = vector.broadcast %mul3A_207 : f32 to vector<16xf32>
      %mul3A_209 = arith.mulf %add3A_203, %mul3A_208 : vector<16xf32>
      %select_n3A_210 = arith.select %ge3A_206, %add3A_203, %mul3A_209 : vector<16xi1>, vector<16xf32>
      %exp3A_211 = math.exp %select_n3A_210 : vector<16xf32>
      %mul3A_212 = arith.constant 128 : i32
      %mul3A_213 = arith.muli %scan3A_45, %mul3A_212 : i32
      %add3A_214 = arith.addi %mul3A_38, %mul3A_213 : i32
      %add3A_215 = arith.constant 80 : i32
      %add3A_216 = arith.addi %add3A_214, %add3A_215 : i32
      %add3A_217 = vector.broadcast %add3A_216 : i32 to vector<16xi32>
      %add3A_218 = arith.addi %add3A_217, %iota3A : vector<16xi32>
      %lt3A_219 = arith.constant 320000 : i32
      %lt3A_220 = vector.broadcast %lt3A_219 : i32 to vector<16xi32>
      %lt3A_221 = arith.cmpi slt, %add3A_218, %lt3A_220 : vector<16xi32>
      %jit3A_222 = arith.constant 0.000000e+00 : f32
      %broadcast_in_dim3A_223 = vector.broadcast %jit3A_222 : f32 to vector<16xf32>
      %select_n3A_224 = arith.select %lt3A_221, %exp3A_211, %broadcast_in_dim3A_223 : vector<16xi1>, vector<16xf32>
      tpu.vector_store_idx %arg13[%get3A_200], %select_n3A_224 {add = true} : memref<10240xf32, #tpu.memory_space<vmem>>[vector<16xi32>], vector<16xf32>,
      %pack3A_225 = tpu.pack_subelements %select_n3A_194, %select_n3A_224 {pack_format = #tpu.pack_format<interleaved>, positions = array<i32: 0, 1>} : vector<16xf32>, vector<16xf32> -> vector<32xbf16>
      %swap3A_226 = arith.index_cast %scan3A_45 : i32 to index
      %swap3A_227 = arith.constant 64 : index
      %swap3A_228 = tpu.vector_load %arg12[%swap3A_226, %swap3A_227] {strides = array<i32>} : memref<80x128xbf16, #tpu.memory_space<vmem>>, vector<32xbf16>,
      tpu.vector_store %arg12[%swap3A_226, %swap3A_227], %pack3A_225 {strides = array<i32>} : memref<80x128xbf16, #tpu.memory_space<vmem>>, vector<32xbf16>,
      %get3A_229 = arith.index_cast %scan3A_45 : i32 to index
      %get3A_230 = arith.constant 96 : index
      %get3A_231 = tpu.vector_load %arg8[%get3A_229, %get3A_230] {strides = array<i32>} : memref<80x128xi32, #tpu.memory_space<vmem>>, vector<16xi32>,
      %get3A_232 = arith.index_cast %scan3A_45 : i32 to index
      %get3A_233 = arith.constant 96 : index
      %get3A_234 = tpu.vector_load %arg9[%get3A_232, %get3A_233] {strides = array<i32>} : memref<80x128xi32, #tpu.memory_space<vmem>>, vector<16xi32>,
      %gather3A_235 = tpu.vector_load_idx %arg10[%get3A_231] : memref<10240xf32, #tpu.memory_space<vmem>>[vector<16xi32>], vector<16xf32>,
      %gather3A_236 = tpu.vector_load_idx %arg11[%get3A_234] : memref<10240xf32, #tpu.memory_space<vmem>>[vector<16xi32>], vector<16xf32>,
      %add3A_237 = arith.addf %gather3A_235, %gather3A_236 : vector<16xf32>
      %ge3A_238 = arith.constant 0.000000e+00 : f32
      %ge3A_239 = vector.broadcast %ge3A_238 : f32 to vector<16xf32>
      %ge3A_240 = arith.cmpf oge, %add3A_237, %ge3A_239 : vector<16xf32>
      %mul3A_241 = arith.constant 2.000000e-01 : f32
      %mul3A_242 = vector.broadcast %mul3A_241 : f32 to vector<16xf32>
      %mul3A_243 = arith.mulf %add3A_237, %mul3A_242 : vector<16xf32>
      %select_n3A_244 = arith.select %ge3A_240, %add3A_237, %mul3A_243 : vector<16xi1>, vector<16xf32>
      %exp3A_245 = math.exp %select_n3A_244 : vector<16xf32>
      %mul3A_246 = arith.constant 128 : i32
      %mul3A_247 = arith.muli %scan3A_45, %mul3A_246 : i32
      %add3A_248 = arith.addi %mul3A_38, %mul3A_247 : i32
      %add3A_249 = arith.constant 96 : i32
      %add3A_250 = arith.addi %add3A_248, %add3A_249 : i32
      %add3A_251 = vector.broadcast %add3A_250 : i32 to vector<16xi32>
      %add3A_252 = arith.addi %add3A_251, %iota3A : vector<16xi32>
      %lt3A_253 = arith.constant 320000 : i32
      %lt3A_254 = vector.broadcast %lt3A_253 : i32 to vector<16xi32>
      %lt3A_255 = arith.cmpi slt, %add3A_252, %lt3A_254 : vector<16xi32>
      %jit3A_256 = arith.constant 0.000000e+00 : f32
      %broadcast_in_dim3A_257 = vector.broadcast %jit3A_256 : f32 to vector<16xf32>
      %select_n3A_258 = arith.select %lt3A_255, %exp3A_245, %broadcast_in_dim3A_257 : vector<16xi1>, vector<16xf32>
      tpu.vector_store_idx %arg13[%get3A_234], %select_n3A_258 {add = true} : memref<10240xf32, #tpu.memory_space<vmem>>[vector<16xi32>], vector<16xf32>,
      %get3A_259 = arith.index_cast %scan3A_45 : i32 to index
      %get3A_260 = arith.constant 112 : index
      %get3A_261 = tpu.vector_load %arg8[%get3A_259, %get3A_260] {strides = array<i32>} : memref<80x128xi32, #tpu.memory_space<vmem>>, vector<16xi32>,
      %get3A_262 = arith.index_cast %scan3A_45 : i32 to index
      %get3A_263 = arith.constant 112 : index
      %get3A_264 = tpu.vector_load %arg9[%get3A_262, %get3A_263] {strides = array<i32>} : memref<80x128xi32, #tpu.memory_space<vmem>>, vector<16xi32>,
      %gather3A_265 = tpu.vector_load_idx %arg10[%get3A_261] : memref<10240xf32, #tpu.memory_space<vmem>>[vector<16xi32>], vector<16xf32>,
      %gather3A_266 = tpu.vector_load_idx %arg11[%get3A_264] : memref<10240xf32, #tpu.memory_space<vmem>>[vector<16xi32>], vector<16xf32>,
      %add3A_267 = arith.addf %gather3A_265, %gather3A_266 : vector<16xf32>
      %ge3A_268 = arith.constant 0.000000e+00 : f32
      %ge3A_269 = vector.broadcast %ge3A_268 : f32 to vector<16xf32>
      %ge3A_270 = arith.cmpf oge, %add3A_267, %ge3A_269 : vector<16xf32>
      %mul3A_271 = arith.constant 2.000000e-01 : f32
      %mul3A_272 = vector.broadcast %mul3A_271 : f32 to vector<16xf32>
      %mul3A_273 = arith.mulf %add3A_267, %mul3A_272 : vector<16xf32>
      %select_n3A_274 = arith.select %ge3A_270, %add3A_267, %mul3A_273 : vector<16xi1>, vector<16xf32>
      %exp3A_275 = math.exp %select_n3A_274 : vector<16xf32>
      %mul3A_276 = arith.constant 128 : i32
      %mul3A_277 = arith.muli %scan3A_45, %mul3A_276 : i32
      %add3A_278 = arith.addi %mul3A_38, %mul3A_277 : i32
      %add3A_279 = arith.constant 112 : i32
      %add3A_280 = arith.addi %add3A_278, %add3A_279 : i32
      %add3A_281 = vector.broadcast %add3A_280 : i32 to vector<16xi32>
      %add3A_282 = arith.addi %add3A_281, %iota3A : vector<16xi32>
      %lt3A_283 = arith.constant 320000 : i32
      %lt3A_284 = vector.broadcast %lt3A_283 : i32 to vector<16xi32>
      %lt3A_285 = arith.cmpi slt, %add3A_282, %lt3A_284 : vector<16xi32>
      %jit3A_286 = arith.constant 0.000000e+00 : f32
      %broadcast_in_dim3A_287 = vector.broadcast %jit3A_286 : f32 to vector<16xf32>
      %select_n3A_288 = arith.select %lt3A_285, %exp3A_275, %broadcast_in_dim3A_287 : vector<16xi1>, vector<16xf32>
      tpu.vector_store_idx %arg13[%get3A_264], %select_n3A_288 {add = true} : memref<10240xf32, #tpu.memory_space<vmem>>[vector<16xi32>], vector<16xf32>,
      %pack3A_289 = tpu.pack_subelements %select_n3A_258, %select_n3A_288 {pack_format = #tpu.pack_format<interleaved>, positions = array<i32: 0, 1>} : vector<16xf32>, vector<16xf32> -> vector<32xbf16>
      %swap3A_290 = arith.index_cast %scan3A_45 : i32 to index
      %swap3A_291 = arith.constant 96 : index
      %swap3A_292 = tpu.vector_load %arg12[%swap3A_290, %swap3A_291] {strides = array<i32>} : memref<80x128xbf16, #tpu.memory_space<vmem>>, vector<32xbf16>,
      tpu.vector_store %arg12[%swap3A_290, %swap3A_291], %pack3A_289 {strides = array<i32>} : memref<80x128xbf16, #tpu.memory_space<vmem>>, vector<32xbf16>,
    }
    %scan3A_44 = arith.constant 80 : i32
    "tpu.region"() ({
      %run_scoped3A = tpu.sem_alloc : memref<!tpu.dma_semaphore, #tpu.memory_space<semaphore_mem>>
      %dma_start3A_45 = arith.constant 0 : i32
      %dma_start3A_46 = arith.constant 0 : i32
      %dma_start3A_47 = tpu.memref_slice %arg6[%add3A, %dma_start3A_45, %dma_start3A_46] : memref<32x80x128xbf16, #tpu.memory_space<hbm>> -> memref<1x80x128xbf16, #tpu.memory_space<hbm>>
      %dma_start3A_48 = tpu.memref_squeeze %dma_start3A_47 : memref<1x80x128xbf16, #tpu.memory_space<hbm>> -> memref<80x128xbf16, #tpu.memory_space<hbm>>
      %dma_start3A_49 = arith.constant 0 : i32
      %dma_start3A_50 = arith.constant 0 : i32
      %dma_start3A_51 = tpu.memref_slice %arg6[%add3A, %dma_start3A_49, %dma_start3A_50] : memref<32x80x128xbf16, #tpu.memory_space<hbm>> -> memref<1x80x128xbf16, #tpu.memory_space<hbm>>
      %dma_start3A_52 = tpu.memref_squeeze %dma_start3A_51 : memref<1x80x128xbf16, #tpu.memory_space<hbm>> -> memref<80x128xbf16, #tpu.memory_space<hbm>>
      tpu.enqueue_dma source(%arg12 : memref<80x128xbf16, #tpu.memory_space<vmem>>) target(%dma_start3A_52 : memref<80x128xbf16, #tpu.memory_space<hbm>>) target_semaphore(%run_scoped3A : memref<!tpu.dma_semaphore, #tpu.memory_space<semaphore_mem>>)
      %dma_wait3A_53 = arith.constant 0 : i32
      %dma_wait3A_54 = arith.constant 0 : i32
      %dma_wait3A_55 = tpu.memref_slice %arg6[%add3A, %dma_wait3A_53, %dma_wait3A_54] : memref<32x80x128xbf16, #tpu.memory_space<hbm>> -> memref<1x80x128xbf16, #tpu.memory_space<hbm>>
      %dma_wait3A_56 = tpu.memref_squeeze %dma_wait3A_55 : memref<1x80x128xbf16, #tpu.memory_space<hbm>> -> memref<80x128xbf16, #tpu.memory_space<hbm>>
      %dma_wait3A_57 = arith.constant 0 : i32
      %dma_wait3A_58 = arith.constant 0 : i32
      %dma_wait3A_59 = tpu.memref_slice %arg6[%add3A, %dma_wait3A_57, %dma_wait3A_58] : memref<32x80x128xbf16, #tpu.memory_space<hbm>> -> memref<1x80x128xbf16, #tpu.memory_space<hbm>>
      %dma_wait3A_60 = tpu.memref_squeeze %dma_wait3A_59 : memref<1x80x128xbf16, #tpu.memory_space<hbm>> -> memref<80x128xbf16, #tpu.memory_space<hbm>>
      tpu.wait_dma2 semaphore(%run_scoped3A : memref<!tpu.dma_semaphore, #tpu.memory_space<semaphore_mem>>) src(%arg12 : memref<80x128xbf16, #tpu.memory_space<vmem>>) dst(%dma_wait3A_60 : memref<80x128xbf16, #tpu.memory_space<hbm>>)
      tpu.yield
    }) : () -> ()
    "tpu.region"() ({
      %run_scoped3A = tpu.sem_alloc : memref<!tpu.dma_semaphore, #tpu.memory_space<semaphore_mem>>
      %dma_start3A_45 = arith.constant 0 : i32
      %dma_start3A_46 = tpu.memref_slice %arg7[%add3A, %dma_start3A_45] : memref<32x10240xf32, #tpu.memory_space<hbm>> -> memref<1x10240xf32, #tpu.memory_space<hbm>>
      %dma_start3A_47 = tpu.memref_squeeze %dma_start3A_46 : memref<1x10240xf32, #tpu.memory_space<hbm>> -> memref<10240xf32, #tpu.memory_space<hbm>>
      %dma_start3A_48 = arith.constant 0 : i32
      %dma_start3A_49 = tpu.memref_slice %arg7[%add3A, %dma_start3A_48] : memref<32x10240xf32, #tpu.memory_space<hbm>> -> memref<1x10240xf32, #tpu.memory_space<hbm>>
      %dma_start3A_50 = tpu.memref_squeeze %dma_start3A_49 : memref<1x10240xf32, #tpu.memory_space<hbm>> -> memref<10240xf32, #tpu.memory_space<hbm>>
      tpu.enqueue_dma source(%arg13 : memref<10240xf32, #tpu.memory_space<vmem>>) target(%dma_start3A_50 : memref<10240xf32, #tpu.memory_space<hbm>>) target_semaphore(%run_scoped3A : memref<!tpu.dma_semaphore, #tpu.memory_space<semaphore_mem>>)
      %dma_wait3A_51 = arith.constant 0 : i32
      %dma_wait3A_52 = tpu.memref_slice %arg7[%add3A, %dma_wait3A_51] : memref<32x10240xf32, #tpu.memory_space<hbm>> -> memref<1x10240xf32, #tpu.memory_space<hbm>>
      %dma_wait3A_53 = tpu.memref_squeeze %dma_wait3A_52 : memref<1x10240xf32, #tpu.memory_space<hbm>> -> memref<10240xf32, #tpu.memory_space<hbm>>
      %dma_wait3A_54 = arith.constant 0 : i32
      %dma_wait3A_55 = tpu.memref_slice %arg7[%add3A, %dma_wait3A_54] : memref<32x10240xf32, #tpu.memory_space<hbm>> -> memref<1x10240xf32, #tpu.memory_space<hbm>>
      %dma_wait3A_56 = tpu.memref_squeeze %dma_wait3A_55 : memref<1x10240xf32, #tpu.memory_space<hbm>> -> memref<10240xf32, #tpu.memory_space<hbm>>
      tpu.wait_dma2 semaphore(%run_scoped3A : memref<!tpu.dma_semaphore, #tpu.memory_space<semaphore_mem>>) src(%arg13 : memref<10240xf32, #tpu.memory_space<vmem>>) dst(%dma_wait3A_56 : memref<10240xf32, #tpu.memory_space<hbm>>)
      tpu.yield
    }) : () -> ()
    return
  }
}

#map = affine_map<(d0, d1) -> (0, 0, 0)>
#map1 = affine_map<(d0, d1) -> (0)>
#map2 = affine_map<(d0, d1) -> (0, 0)>
module attributes {stable_mosaic.version = 14 : i64} {
  func.func @_sc_phase_b(%arg0: i32, %arg1: i32, %arg2: memref<32x160x128xi32, #tpu.memory_space<hbm>>, %arg3: memref<16x160x128xi32, #tpu.memory_space<hbm>>, %arg4: memref<16x160x128xbf16, #tpu.memory_space<hbm>>, %arg5: memref<10240xf32, #tpu.memory_space<hbm>>, %arg6: memref<20480x64xbf16, #tpu.memory_space<hbm>>, %arg7: memref<2x10240x64xf32, #tpu.memory_space<hbm>>, %arg8: memref<10240xf32, #tpu.memory_space<vmem>>, %arg9: memref<160x128xi32, #tpu.memory_space<vmem>>, %arg10: memref<160x128xi32, #tpu.memory_space<vmem>>, %arg11: memref<160x128xbf16, #tpu.memory_space<vmem>>, %arg12: memref<128xf32, #tpu.memory_space<vmem>>, %arg13: memref<128x64xbf16, #tpu.memory_space<vmem>>, %arg14: memref<128x64xbf16, #tpu.memory_space<vmem>>, %arg15: memref<128x64xf32, #tpu.memory_space<vmem>>, %arg16: memref<128x64xf32, #tpu.memory_space<vmem>>, %arg17: memref<10240x64xf32, #tpu.memory_space<vmem_shared>>, %arg18: memref<!tpu.dma_semaphore, #tpu.memory_space<semaphore_mem>>, %arg19: memref<!tpu.dma_semaphore, #tpu.memory_space<semaphore_mem>>, %arg20: memref<!tpu.dma_semaphore, #tpu.memory_space<semaphore_mem>>, %arg21: memref<!tpu.dma_semaphore, #tpu.memory_space<semaphore_mem>>, %arg22: memref<!tpu.dma_semaphore, #tpu.memory_space<semaphore_mem>>) attributes {dimension_semantics = [#tpu.dimension_semantics<core_parallel>, #tpu.dimension_semantics<subcore_parallel>], iteration_bounds = array<i64: 2, 16>, scalar_prefetch = 0 : i64, scratch_operands = 15 : i64, tpu.core_type = #tpu.core_type<sc_vector_subcore>, window_params = [{transform_indices = #map}, {transform_indices = #map}, {transform_indices = #map}, {transform_indices = #map1}, {transform_indices = #map2}, {transform_indices = #map}]} {
    %mul3A = arith.constant 16 : i32
    %mul3A_0 = arith.muli %arg0, %mul3A : i32
    %add3A = arith.addi %mul3A_0, %arg1 : i32
    "tpu.region"() ({
      %run_scoped3A = tpu.sem_alloc : memref<!tpu.dma_semaphore, #tpu.memory_space<semaphore_mem>>
      %dma_start3A_91 = arith.constant 0 : i32
      %dma_start3A_92 = arith.constant 0 : i32
      %dma_start3A_93 = tpu.memref_slice %arg2[%add3A, %dma_start3A_91, %dma_start3A_92] : memref<32x160x128xi32, #tpu.memory_space<hbm>> -> memref<1x160x128xi32, #tpu.memory_space<hbm>>
      %dma_start3A_94 = tpu.memref_squeeze %dma_start3A_93 : memref<1x160x128xi32, #tpu.memory_space<hbm>> -> memref<160x128xi32, #tpu.memory_space<hbm>>
      %dma_start3A_95 = arith.constant 0 : i32
      %dma_start3A_96 = arith.constant 0 : i32
      %dma_start3A_97 = tpu.memref_slice %arg2[%add3A, %dma_start3A_95, %dma_start3A_96] : memref<32x160x128xi32, #tpu.memory_space<hbm>> -> memref<1x160x128xi32, #tpu.memory_space<hbm>>
      %dma_start3A_98 = tpu.memref_squeeze %dma_start3A_97 : memref<1x160x128xi32, #tpu.memory_space<hbm>> -> memref<160x128xi32, #tpu.memory_space<hbm>>
      tpu.enqueue_dma source(%dma_start3A_98 : memref<160x128xi32, #tpu.memory_space<hbm>>) target(%arg9 : memref<160x128xi32, #tpu.memory_space<vmem>>) target_semaphore(%run_scoped3A : memref<!tpu.dma_semaphore, #tpu.memory_space<semaphore_mem>>)
      %dma_wait3A_99 = arith.constant 0 : i32
      %dma_wait3A_100 = arith.constant 0 : i32
      %dma_wait3A_101 = tpu.memref_slice %arg2[%add3A, %dma_wait3A_99, %dma_wait3A_100] : memref<32x160x128xi32, #tpu.memory_space<hbm>> -> memref<1x160x128xi32, #tpu.memory_space<hbm>>
      %dma_wait3A_102 = tpu.memref_squeeze %dma_wait3A_101 : memref<1x160x128xi32, #tpu.memory_space<hbm>> -> memref<160x128xi32, #tpu.memory_space<hbm>>
      %dma_wait3A_103 = arith.constant 0 : i32
      %dma_wait3A_104 = arith.constant 0 : i32
      %dma_wait3A_105 = tpu.memref_slice %arg2[%add3A, %dma_wait3A_103, %dma_wait3A_104] : memref<32x160x128xi32, #tpu.memory_space<hbm>> -> memref<1x160x128xi32, #tpu.memory_space<hbm>>
      %dma_wait3A_106 = tpu.memref_squeeze %dma_wait3A_105 : memref<1x160x128xi32, #tpu.memory_space<hbm>> -> memref<160x128xi32, #tpu.memory_space<hbm>>
      tpu.wait_dma2 semaphore(%run_scoped3A : memref<!tpu.dma_semaphore, #tpu.memory_space<semaphore_mem>>) src(%dma_wait3A_106 : memref<160x128xi32, #tpu.memory_space<hbm>>) dst(%arg9 : memref<160x128xi32, #tpu.memory_space<vmem>>)
      tpu.yield
    }) : () -> ()
    %dma_start3A = arith.constant 0 : i32
    %dma_start3A_1 = arith.constant 0 : i32
    %dma_start3A_2 = tpu.memref_slice %arg9[%dma_start3A, %dma_start3A_1] : memref<160x128xi32, #tpu.memory_space<vmem>> -> memref<1x128xi32, #tpu.memory_space<vmem>>
    %dma_start3A_3 = tpu.memref_squeeze %dma_start3A_2 : memref<1x128xi32, #tpu.memory_space<vmem>> -> memref<128xi32, #tpu.memory_space<vmem>>
    %dma_start3A_4 = arith.constant 0 : i32
    %dma_start3A_5 = arith.constant 0 : i32
    %dma_start3A_6 = tpu.memref_slice %arg6[%dma_start3A_4, %dma_start3A_5] : memref<20480x64xbf16, #tpu.memory_space<hbm>> -> memref<20480x64xbf16, #tpu.memory_space<hbm>>
    tpu.enqueue_indirect_dma source(%dma_start3A_6 : memref<20480x64xbf16, #tpu.memory_space<hbm>>) target(%arg13 : memref<128x64xbf16, #tpu.memory_space<vmem>>) offsets(%dma_start3A_3 : memref<128xi32, #tpu.memory_space<vmem>>) semaphore(%arg18 : memref<!tpu.dma_semaphore, #tpu.memory_space<semaphore_mem>>)
    %dma_start3A_7 = arith.constant 0 : i32
    %dma_start3A_8 = arith.constant 0 : i32
    %dma_start3A_9 = tpu.memref_slice %arg3[%arg1, %dma_start3A_7, %dma_start3A_8] : memref<16x160x128xi32, #tpu.memory_space<hbm>> -> memref<1x160x128xi32, #tpu.memory_space<hbm>>
    %dma_start3A_10 = tpu.memref_squeeze %dma_start3A_9 : memref<1x160x128xi32, #tpu.memory_space<hbm>> -> memref<160x128xi32, #tpu.memory_space<hbm>>
    %dma_start3A_11 = arith.constant 0 : i32
    %dma_start3A_12 = arith.constant 0 : i32
    %dma_start3A_13 = tpu.memref_slice %arg3[%arg1, %dma_start3A_11, %dma_start3A_12] : memref<16x160x128xi32, #tpu.memory_space<hbm>> -> memref<1x160x128xi32, #tpu.memory_space<hbm>>
    %dma_start3A_14 = tpu.memref_squeeze %dma_start3A_13 : memref<1x160x128xi32, #tpu.memory_space<hbm>> -> memref<160x128xi32, #tpu.memory_space<hbm>>
    tpu.enqueue_dma source(%dma_start3A_14 : memref<160x128xi32, #tpu.memory_space<hbm>>) target(%arg10 : memref<160x128xi32, #tpu.memory_space<vmem>>) target_semaphore(%arg22 : memref<!tpu.dma_semaphore, #tpu.memory_space<semaphore_mem>>)
    %dma_start3A_15 = arith.constant 0 : i32
    %dma_start3A_16 = arith.constant 0 : i32
    %dma_start3A_17 = tpu.memref_slice %arg4[%arg1, %dma_start3A_15, %dma_start3A_16] : memref<16x160x128xbf16, #tpu.memory_space<hbm>> -> memref<1x160x128xbf16, #tpu.memory_space<hbm>>
    %dma_start3A_18 = tpu.memref_squeeze %dma_start3A_17 : memref<1x160x128xbf16, #tpu.memory_space<hbm>> -> memref<160x128xbf16, #tpu.memory_space<hbm>>
    %dma_start3A_19 = arith.constant 0 : i32
    %dma_start3A_20 = arith.constant 0 : i32
    %dma_start3A_21 = tpu.memref_slice %arg4[%arg1, %dma_start3A_19, %dma_start3A_20] : memref<16x160x128xbf16, #tpu.memory_space<hbm>> -> memref<1x160x128xbf16, #tpu.memory_space<hbm>>
    %dma_start3A_22 = tpu.memref_squeeze %dma_start3A_21 : memref<1x160x128xbf16, #tpu.memory_space<hbm>> -> memref<160x128xbf16, #tpu.memory_space<hbm>>
    tpu.enqueue_dma source(%dma_start3A_22 : memref<160x128xbf16, #tpu.memory_space<hbm>>) target(%arg11 : memref<160x128xbf16, #tpu.memory_space<vmem>>) target_semaphore(%arg22 : memref<!tpu.dma_semaphore, #tpu.memory_space<semaphore_mem>>)
    tpu.enqueue_dma source(%arg5 : memref<10240xf32, #tpu.memory_space<hbm>>) target(%arg8 : memref<10240xf32, #tpu.memory_space<vmem>>) target_semaphore(%arg22 : memref<!tpu.dma_semaphore, #tpu.memory_space<semaphore_mem>>)
    %broadcast_in_dim3A = arith.constant 0.000000e+00 : f32
    %broadcast_in_dim3A_23 = vector.broadcast %broadcast_in_dim3A : f32 to vector<16xf32>
    %scan3A = arith.constant 0 : i32
    %scan3A_24 = arith.constant 0 : i32
    %scan3A_25 = arith.constant 128 : i32
    %scan3A_26 = arith.addi %scan3A_24, %scan3A_25 : i32
    %scan3A_27 = arith.constant 1 : i32
    scf.for %scan3A_91 = %scan3A_24 to %scan3A_26 step %scan3A_27  : i32 {
      %swap3A = arith.index_cast %scan3A_91 : i32 to index
      %swap3A_92 = arith.constant 0 : index
      %swap3A_93 = tpu.vector_load %arg15[%swap3A, %swap3A_92] {strides = array<i32>} : memref<128x64xf32, #tpu.memory_space<vmem>>, vector<16xf32>,
      tpu.vector_store %arg15[%swap3A, %swap3A_92], %broadcast_in_dim3A_23 {strides = array<i32>} : memref<128x64xf32, #tpu.memory_space<vmem>>, vector<16xf32>,
      %swap3A_94 = arith.index_cast %scan3A_91 : i32 to index
      %swap3A_95 = arith.constant 16 : index
      %swap3A_96 = tpu.vector_load %arg15[%swap3A_94, %swap3A_95] {strides = array<i32>} : memref<128x64xf32, #tpu.memory_space<vmem>>, vector<16xf32>,
      tpu.vector_store %arg15[%swap3A_94, %swap3A_95], %broadcast_in_dim3A_23 {strides = array<i32>} : memref<128x64xf32, #tpu.memory_space<vmem>>, vector<16xf32>,
      %swap3A_97 = arith.index_cast %scan3A_91 : i32 to index
      %swap3A_98 = arith.constant 32 : index
      %swap3A_99 = tpu.vector_load %arg15[%swap3A_97, %swap3A_98] {strides = array<i32>} : memref<128x64xf32, #tpu.memory_space<vmem>>, vector<16xf32>,
      tpu.vector_store %arg15[%swap3A_97, %swap3A_98], %broadcast_in_dim3A_23 {strides = array<i32>} : memref<128x64xf32, #tpu.memory_space<vmem>>, vector<16xf32>,
      %swap3A_100 = arith.index_cast %scan3A_91 : i32 to index
      %swap3A_101 = arith.constant 48 : index
      %swap3A_102 = tpu.vector_load %arg15[%swap3A_100, %swap3A_101] {strides = array<i32>} : memref<128x64xf32, #tpu.memory_space<vmem>>, vector<16xf32>,
      tpu.vector_store %arg15[%swap3A_100, %swap3A_101], %broadcast_in_dim3A_23 {strides = array<i32>} : memref<128x64xf32, #tpu.memory_space<vmem>>, vector<16xf32>,
    }
    %scan3A_28 = arith.constant 128 : i32
    %mul3A_29 = arith.constant 640 : i32
    %mul3A_30 = arith.muli %arg1, %mul3A_29 : i32
    %add3A_31 = arith.constant 0 : i32
    %add3A_32 = arith.addi %mul3A_30, %add3A_31 : i32
    "tpu.region"() ({
      %run_scoped3A = tpu.sem_alloc : memref<!tpu.dma_semaphore, #tpu.memory_space<semaphore_mem>>
      %dma_start3A_91 = arith.constant 0 : i32
      %dma_start3A_92 = tpu.memref_slice %arg17[%add3A_32, %dma_start3A_91] : memref<10240x64xf32, #tpu.memory_space<vmem_shared>> -> memref<128x64xf32, #tpu.memory_space<vmem_shared>>
      %dma_start3A_93 = arith.constant 0 : i32
      %dma_start3A_94 = tpu.memref_slice %arg17[%add3A_32, %dma_start3A_93] : memref<10240x64xf32, #tpu.memory_space<vmem_shared>> -> memref<128x64xf32, #tpu.memory_space<vmem_shared>>
      tpu.enqueue_dma source(%arg15 : memref<128x64xf32, #tpu.memory_space<vmem>>) target(%dma_start3A_94 : memref<128x64xf32, #tpu.memory_space<vmem_shared>>) target_semaphore(%run_scoped3A : memref<!tpu.dma_semaphore, #tpu.memory_space<semaphore_mem>>)
      %dma_wait3A_95 = arith.constant 0 : i32
      %dma_wait3A_96 = tpu.memref_slice %arg17[%add3A_32, %dma_wait3A_95] : memref<10240x64xf32, #tpu.memory_space<vmem_shared>> -> memref<128x64xf32, #tpu.memory_space<vmem_shared>>
      %dma_wait3A_97 = arith.constant 0 : i32
      %dma_wait3A_98 = tpu.memref_slice %arg17[%add3A_32, %dma_wait3A_97] : memref<10240x64xf32, #tpu.memory_space<vmem_shared>> -> memref<128x64xf32, #tpu.memory_space<vmem_shared>>
      tpu.wait_dma2 semaphore(%run_scoped3A : memref<!tpu.dma_semaphore, #tpu.memory_space<semaphore_mem>>) src(%arg15 : memref<128x64xf32, #tpu.memory_space<vmem>>) dst(%dma_wait3A_98 : memref<128x64xf32, #tpu.memory_space<vmem_shared>>)
      tpu.yield
    }) : () -> ()
    %mul3A_33 = arith.constant 640 : i32
    %mul3A_34 = arith.muli %arg1, %mul3A_33 : i32
    %add3A_35 = arith.constant 128 : i32
    %add3A_36 = arith.addi %mul3A_34, %add3A_35 : i32
    "tpu.region"() ({
      %run_scoped3A = tpu.sem_alloc : memref<!tpu.dma_semaphore, #tpu.memory_space<semaphore_mem>>
      %dma_start3A_91 = arith.constant 0 : i32
      %dma_start3A_92 = tpu.memref_slice %arg17[%add3A_36, %dma_start3A_91] : memref<10240x64xf32, #tpu.memory_space<vmem_shared>> -> memref<128x64xf32, #tpu.memory_space<vmem_shared>>
      %dma_start3A_93 = arith.constant 0 : i32
      %dma_start3A_94 = tpu.memref_slice %arg17[%add3A_36, %dma_start3A_93] : memref<10240x64xf32, #tpu.memory_space<vmem_shared>> -> memref<128x64xf32, #tpu.memory_space<vmem_shared>>
      tpu.enqueue_dma source(%arg15 : memref<128x64xf32, #tpu.memory_space<vmem>>) target(%dma_start3A_94 : memref<128x64xf32, #tpu.memory_space<vmem_shared>>) target_semaphore(%run_scoped3A : memref<!tpu.dma_semaphore, #tpu.memory_space<semaphore_mem>>)
      %dma_wait3A_95 = arith.constant 0 : i32
      %dma_wait3A_96 = tpu.memref_slice %arg17[%add3A_36, %dma_wait3A_95] : memref<10240x64xf32, #tpu.memory_space<vmem_shared>> -> memref<128x64xf32, #tpu.memory_space<vmem_shared>>
      %dma_wait3A_97 = arith.constant 0 : i32
      %dma_wait3A_98 = tpu.memref_slice %arg17[%add3A_36, %dma_wait3A_97] : memref<10240x64xf32, #tpu.memory_space<vmem_shared>> -> memref<128x64xf32, #tpu.memory_space<vmem_shared>>
      tpu.wait_dma2 semaphore(%run_scoped3A : memref<!tpu.dma_semaphore, #tpu.memory_space<semaphore_mem>>) src(%arg15 : memref<128x64xf32, #tpu.memory_space<vmem>>) dst(%dma_wait3A_98 : memref<128x64xf32, #tpu.memory_space<vmem_shared>>)
      tpu.yield
    }) : () -> ()
    %mul3A_37 = arith.constant 640 : i32
    %mul3A_38 = arith.muli %arg1, %mul3A_37 : i32
    %add3A_39 = arith.constant 256 : i32
    %add3A_40 = arith.addi %mul3A_38, %add3A_39 : i32
    "tpu.region"() ({
      %run_scoped3A = tpu.sem_alloc : memref<!tpu.dma_semaphore, #tpu.memory_space<semaphore_mem>>
      %dma_start3A_91 = arith.constant 0 : i32
      %dma_start3A_92 = tpu.memref_slice %arg17[%add3A_40, %dma_start3A_91] : memref<10240x64xf32, #tpu.memory_space<vmem_shared>> -> memref<128x64xf32, #tpu.memory_space<vmem_shared>>
      %dma_start3A_93 = arith.constant 0 : i32
      %dma_start3A_94 = tpu.memref_slice %arg17[%add3A_40, %dma_start3A_93] : memref<10240x64xf32, #tpu.memory_space<vmem_shared>> -> memref<128x64xf32, #tpu.memory_space<vmem_shared>>
      tpu.enqueue_dma source(%arg15 : memref<128x64xf32, #tpu.memory_space<vmem>>) target(%dma_start3A_94 : memref<128x64xf32, #tpu.memory_space<vmem_shared>>) target_semaphore(%run_scoped3A : memref<!tpu.dma_semaphore, #tpu.memory_space<semaphore_mem>>)
      %dma_wait3A_95 = arith.constant 0 : i32
      %dma_wait3A_96 = tpu.memref_slice %arg17[%add3A_40, %dma_wait3A_95] : memref<10240x64xf32, #tpu.memory_space<vmem_shared>> -> memref<128x64xf32, #tpu.memory_space<vmem_shared>>
      %dma_wait3A_97 = arith.constant 0 : i32
      %dma_wait3A_98 = tpu.memref_slice %arg17[%add3A_40, %dma_wait3A_97] : memref<10240x64xf32, #tpu.memory_space<vmem_shared>> -> memref<128x64xf32, #tpu.memory_space<vmem_shared>>
      tpu.wait_dma2 semaphore(%run_scoped3A : memref<!tpu.dma_semaphore, #tpu.memory_space<semaphore_mem>>) src(%arg15 : memref<128x64xf32, #tpu.memory_space<vmem>>) dst(%dma_wait3A_98 : memref<128x64xf32, #tpu.memory_space<vmem_shared>>)
      tpu.yield
    }) : () -> ()
    %mul3A_41 = arith.constant 640 : i32
    %mul3A_42 = arith.muli %arg1, %mul3A_41 : i32
    %add3A_43 = arith.constant 384 : i32
    %add3A_44 = arith.addi %mul3A_42, %add3A_43 : i32
    "tpu.region"() ({
      %run_scoped3A = tpu.sem_alloc : memref<!tpu.dma_semaphore, #tpu.memory_space<semaphore_mem>>
      %dma_start3A_91 = arith.constant 0 : i32
      %dma_start3A_92 = tpu.memref_slice %arg17[%add3A_44, %dma_start3A_91] : memref<10240x64xf32, #tpu.memory_space<vmem_shared>> -> memref<128x64xf32, #tpu.memory_space<vmem_shared>>
      %dma_start3A_93 = arith.constant 0 : i32
      %dma_start3A_94 = tpu.memref_slice %arg17[%add3A_44, %dma_start3A_93] : memref<10240x64xf32, #tpu.memory_space<vmem_shared>> -> memref<128x64xf32, #tpu.memory_space<vmem_shared>>
      tpu.enqueue_dma source(%arg15 : memref<128x64xf32, #tpu.memory_space<vmem>>) target(%dma_start3A_94 : memref<128x64xf32, #tpu.memory_space<vmem_shared>>) target_semaphore(%run_scoped3A : memref<!tpu.dma_semaphore, #tpu.memory_space<semaphore_mem>>)
      %dma_wait3A_95 = arith.constant 0 : i32
      %dma_wait3A_96 = tpu.memref_slice %arg17[%add3A_44, %dma_wait3A_95] : memref<10240x64xf32, #tpu.memory_space<vmem_shared>> -> memref<128x64xf32, #tpu.memory_space<vmem_shared>>
      %dma_wait3A_97 = arith.constant 0 : i32
      %dma_wait3A_98 = tpu.memref_slice %arg17[%add3A_44, %dma_wait3A_97] : memref<10240x64xf32, #tpu.memory_space<vmem_shared>> -> memref<128x64xf32, #tpu.memory_space<vmem_shared>>
      tpu.wait_dma2 semaphore(%run_scoped3A : memref<!tpu.dma_semaphore, #tpu.memory_space<semaphore_mem>>) src(%arg15 : memref<128x64xf32, #tpu.memory_space<vmem>>) dst(%dma_wait3A_98 : memref<128x64xf32, #tpu.memory_space<vmem_shared>>)
      tpu.yield
    }) : () -> ()
    %mul3A_45 = arith.constant 640 : i32
    %mul3A_46 = arith.muli %arg1, %mul3A_45 : i32
    %add3A_47 = arith.constant 512 : i32
    %add3A_48 = arith.addi %mul3A_46, %add3A_47 : i32
    "tpu.region"() ({
      %run_scoped3A = tpu.sem_alloc : memref<!tpu.dma_semaphore, #tpu.memory_space<semaphore_mem>>
      %dma_start3A_91 = arith.constant 0 : i32
      %dma_start3A_92 = tpu.memref_slice %arg17[%add3A_48, %dma_start3A_91] : memref<10240x64xf32, #tpu.memory_space<vmem_shared>> -> memref<128x64xf32, #tpu.memory_space<vmem_shared>>
      %dma_start3A_93 = arith.constant 0 : i32
      %dma_start3A_94 = tpu.memref_slice %arg17[%add3A_48, %dma_start3A_93] : memref<10240x64xf32, #tpu.memory_space<vmem_shared>> -> memref<128x64xf32, #tpu.memory_space<vmem_shared>>
      tpu.enqueue_dma source(%arg15 : memref<128x64xf32, #tpu.memory_space<vmem>>) target(%dma_start3A_94 : memref<128x64xf32, #tpu.memory_space<vmem_shared>>) target_semaphore(%run_scoped3A : memref<!tpu.dma_semaphore, #tpu.memory_space<semaphore_mem>>)
      %dma_wait3A_95 = arith.constant 0 : i32
      %dma_wait3A_96 = tpu.memref_slice %arg17[%add3A_48, %dma_wait3A_95] : memref<10240x64xf32, #tpu.memory_space<vmem_shared>> -> memref<128x64xf32, #tpu.memory_space<vmem_shared>>
      %dma_wait3A_97 = arith.constant 0 : i32
      %dma_wait3A_98 = tpu.memref_slice %arg17[%add3A_48, %dma_wait3A_97] : memref<10240x64xf32, #tpu.memory_space<vmem_shared>> -> memref<128x64xf32, #tpu.memory_space<vmem_shared>>
      tpu.wait_dma2 semaphore(%run_scoped3A : memref<!tpu.dma_semaphore, #tpu.memory_space<semaphore_mem>>) src(%arg15 : memref<128x64xf32, #tpu.memory_space<vmem>>) dst(%dma_wait3A_98 : memref<128x64xf32, #tpu.memory_space<vmem_shared>>)
      tpu.yield
    }) : () -> ()
    %dma_wait3A = arith.constant 0 : i32
    %dma_wait3A_49 = arith.constant 0 : i32
    %dma_wait3A_50 = tpu.memref_slice %arg3[%arg1, %dma_wait3A, %dma_wait3A_49] : memref<16x160x128xi32, #tpu.memory_space<hbm>> -> memref<1x160x128xi32, #tpu.memory_space<hbm>>
    %dma_wait3A_51 = tpu.memref_squeeze %dma_wait3A_50 : memref<1x160x128xi32, #tpu.memory_space<hbm>> -> memref<160x128xi32, #tpu.memory_space<hbm>>
    %dma_wait3A_52 = arith.constant 0 : i32
    %dma_wait3A_53 = arith.constant 0 : i32
    %dma_wait3A_54 = tpu.memref_slice %arg3[%arg1, %dma_wait3A_52, %dma_wait3A_53] : memref<16x160x128xi32, #tpu.memory_space<hbm>> -> memref<1x160x128xi32, #tpu.memory_space<hbm>>
    %dma_wait3A_55 = tpu.memref_squeeze %dma_wait3A_54 : memref<1x160x128xi32, #tpu.memory_space<hbm>> -> memref<160x128xi32, #tpu.memory_space<hbm>>
    tpu.wait_dma2 semaphore(%arg22 : memref<!tpu.dma_semaphore, #tpu.memory_space<semaphore_mem>>) src(%dma_wait3A_55 : memref<160x128xi32, #tpu.memory_space<hbm>>) dst(%arg10 : memref<160x128xi32, #tpu.memory_space<vmem>>)
    %dma_wait3A_56 = arith.constant 0 : i32
    %dma_wait3A_57 = arith.constant 0 : i32
    %dma_wait3A_58 = tpu.memref_slice %arg4[%arg1, %dma_wait3A_56, %dma_wait3A_57] : memref<16x160x128xbf16, #tpu.memory_space<hbm>> -> memref<1x160x128xbf16, #tpu.memory_space<hbm>>
    %dma_wait3A_59 = tpu.memref_squeeze %dma_wait3A_58 : memref<1x160x128xbf16, #tpu.memory_space<hbm>> -> memref<160x128xbf16, #tpu.memory_space<hbm>>
    %dma_wait3A_60 = arith.constant 0 : i32
    %dma_wait3A_61 = arith.constant 0 : i32
    %dma_wait3A_62 = tpu.memref_slice %arg4[%arg1, %dma_wait3A_60, %dma_wait3A_61] : memref<16x160x128xbf16, #tpu.memory_space<hbm>> -> memref<1x160x128xbf16, #tpu.memory_space<hbm>>
    %dma_wait3A_63 = tpu.memref_squeeze %dma_wait3A_62 : memref<1x160x128xbf16, #tpu.memory_space<hbm>> -> memref<160x128xbf16, #tpu.memory_space<hbm>>
    tpu.wait_dma2 semaphore(%arg22 : memref<!tpu.dma_semaphore, #tpu.memory_space<semaphore_mem>>) src(%dma_wait3A_63 : memref<160x128xbf16, #tpu.memory_space<hbm>>) dst(%arg11 : memref<160x128xbf16, #tpu.memory_space<vmem>>)
    tpu.wait_dma2 semaphore(%arg22 : memref<!tpu.dma_semaphore, #tpu.memory_space<semaphore_mem>>) src(%arg5 : memref<10240xf32, #tpu.memory_space<hbm>>) dst(%arg8 : memref<10240xf32, #tpu.memory_space<vmem>>)
    %barrier3A = arith.constant 0 : index
    tpu.barrier barrier_id(%barrier3A)
    %broadcast_in_dim3A_64 = arith.constant -65536 : i32
    %broadcast_in_dim3A_65 = vector.broadcast %broadcast_in_dim3A_64 : i32 to vector<16xi32>
    %scan3A_66 = arith.constant 0 : i32
    %scan3A_67 = arith.constant 0 : i32
    %scan3A_68 = arith.constant 80 : i32
    %scan3A_69 = arith.addi %scan3A_67, %scan3A_68 : i32
    %scan3A_70 = arith.constant 1 : i32
    scf.for %scan3A_91 = %scan3A_67 to %scan3A_69 step %scan3A_70  : i32 {
      %mul3A_92 = arith.constant 2 : i32
      %mul3A_93 = arith.muli %mul3A_92, %scan3A_91 : i32
      %add3A_94 = arith.constant 0 : i32
      %add3A_95 = arith.addi %mul3A_93, %add3A_94 : i32
      %get3A = arith.index_cast %add3A_95 : i32 to index
      %get3A_96 = arith.constant 0 : index
      %get3A_97 = tpu.vector_load %arg11[%get3A, %get3A_96] {strides = array<i32>} : memref<160x128xbf16, #tpu.memory_space<vmem>>, vector<32xbf16>,
      %bitcast3A = vector.bitcast %get3A_97 : vector<32xbf16> to vector<16xi32>
      %shift_left3A = arith.constant 16 : i32
      %shift_left3A_98 = vector.broadcast %shift_left3A : i32 to vector<16xi32>
      %shift_left3A_99 = arith.shli %bitcast3A, %shift_left3A_98 : vector<16xi32>
      %bitcast3A_100 = vector.bitcast %shift_left3A_99 : vector<16xi32> to vector<16xf32>
      %and3A = arith.andi %bitcast3A, %broadcast_in_dim3A_65 : vector<16xi32>
      %bitcast3A_101 = vector.bitcast %and3A : vector<16xi32> to vector<16xf32>
      %get3A_102 = arith.index_cast %add3A_95 : i32 to index
      %get3A_103 = arith.constant 0 : index
      %get3A_104 = tpu.vector_load %arg10[%get3A_102, %get3A_103] {strides = array<i32>} : memref<160x128xi32, #tpu.memory_space<vmem>>, vector<16xi32>,
      %gather3A = tpu.vector_load_idx %arg8[%get3A_104] : memref<10240xf32, #tpu.memory_space<vmem>>[vector<16xi32>], vector<16xf32>,
      %mul3A_105 = arith.mulf %bitcast3A_100, %gather3A : vector<16xf32>
      %swap3A = arith.constant 0 : index
      %swap3A_106 = tpu.vector_load %arg12[%swap3A] {strides = array<i32>} : memref<128xf32, #tpu.memory_space<vmem>>, vector<16xf32>,
      tpu.vector_store %arg12[%swap3A], %mul3A_105 {strides = array<i32>} : memref<128xf32, #tpu.memory_space<vmem>>, vector<16xf32>,
      %get3A_107 = arith.index_cast %add3A_95 : i32 to index
      %get3A_108 = arith.constant 16 : index
      %get3A_109 = tpu.vector_load %arg10[%get3A_107, %get3A_108] {strides = array<i32>} : memref<160x128xi32, #tpu.memory_space<vmem>>, vector<16xi32>,
      %gather3A_110 = tpu.vector_load_idx %arg8[%get3A_109] : memref<10240xf32, #tpu.memory_space<vmem>>[vector<16xi32>], vector<16xf32>,
      %mul3A_111 = arith.mulf %bitcast3A_101, %gather3A_110 : vector<16xf32>
      %swap3A_112 = arith.constant 16 : index
      %swap3A_113 = tpu.vector_load %arg12[%swap3A_112] {strides = array<i32>} : memref<128xf32, #tpu.memory_space<vmem>>, vector<16xf32>,
      tpu.vector_store %arg12[%swap3A_112], %mul3A_111 {strides = array<i32>} : memref<128xf32, #tpu.memory_space<vmem>>, vector<16xf32>,
      %get3A_114 = arith.index_cast %add3A_95 : i32 to index
      %get3A_115 = arith.constant 32 : index
      %get3A_116 = tpu.vector_load %arg11[%get3A_114, %get3A_115] {strides = array<i32>} : memref<160x128xbf16, #tpu.memory_space<vmem>>, vector<32xbf16>,
      %bitcast3A_117 = vector.bitcast %get3A_116 : vector<32xbf16> to vector<16xi32>
      %shift_left3A_118 = arith.constant 16 : i32
      %shift_left3A_119 = vector.broadcast %shift_left3A_118 : i32 to vector<16xi32>
      %shift_left3A_120 = arith.shli %bitcast3A_117, %shift_left3A_119 : vector<16xi32>
      %bitcast3A_121 = vector.bitcast %shift_left3A_120 : vector<16xi32> to vector<16xf32>
      %and3A_122 = arith.andi %bitcast3A_117, %broadcast_in_dim3A_65 : vector<16xi32>
      %bitcast3A_123 = vector.bitcast %and3A_122 : vector<16xi32> to vector<16xf32>
      %get3A_124 = arith.index_cast %add3A_95 : i32 to index
      %get3A_125 = arith.constant 32 : index
      %get3A_126 = tpu.vector_load %arg10[%get3A_124, %get3A_125] {strides = array<i32>} : memref<160x128xi32, #tpu.memory_space<vmem>>, vector<16xi32>,
      %gather3A_127 = tpu.vector_load_idx %arg8[%get3A_126] : memref<10240xf32, #tpu.memory_space<vmem>>[vector<16xi32>], vector<16xf32>,
      %mul3A_128 = arith.mulf %bitcast3A_121, %gather3A_127 : vector<16xf32>
      %swap3A_129 = arith.constant 32 : index
      %swap3A_130 = tpu.vector_load %arg12[%swap3A_129] {strides = array<i32>} : memref<128xf32, #tpu.memory_space<vmem>>, vector<16xf32>,
      tpu.vector_store %arg12[%swap3A_129], %mul3A_128 {strides = array<i32>} : memref<128xf32, #tpu.memory_space<vmem>>, vector<16xf32>,
      %get3A_131 = arith.index_cast %add3A_95 : i32 to index
      %get3A_132 = arith.constant 48 : index
      %get3A_133 = tpu.vector_load %arg10[%get3A_131, %get3A_132] {strides = array<i32>} : memref<160x128xi32, #tpu.memory_space<vmem>>, vector<16xi32>,
      %gather3A_134 = tpu.vector_load_idx %arg8[%get3A_133] : memref<10240xf32, #tpu.memory_space<vmem>>[vector<16xi32>], vector<16xf32>,
      %mul3A_135 = arith.mulf %bitcast3A_123, %gather3A_134 : vector<16xf32>
      %swap3A_136 = arith.constant 48 : index
      %swap3A_137 = tpu.vector_load %arg12[%swap3A_136] {strides = array<i32>} : memref<128xf32, #tpu.memory_space<vmem>>, vector<16xf32>,
      tpu.vector_store %arg12[%swap3A_136], %mul3A_135 {strides = array<i32>} : memref<128xf32, #tpu.memory_space<vmem>>, vector<16xf32>,
      %get3A_138 = arith.index_cast %add3A_95 : i32 to index
      %get3A_139 = arith.constant 64 : index
      %get3A_140 = tpu.vector_load %arg11[%get3A_138, %get3A_139] {strides = array<i32>} : memref<160x128xbf16, #tpu.memory_space<vmem>>, vector<32xbf16>,
      %bitcast3A_141 = vector.bitcast %get3A_140 : vector<32xbf16> to vector<16xi32>
      %shift_left3A_142 = arith.constant 16 : i32
      %shift_left3A_143 = vector.broadcast %shift_left3A_142 : i32 to vector<16xi32>
      %shift_left3A_144 = arith.shli %bitcast3A_141, %shift_left3A_143 : vector<16xi32>
      %bitcast3A_145 = vector.bitcast %shift_left3A_144 : vector<16xi32> to vector<16xf32>
      %and3A_146 = arith.andi %bitcast3A_141, %broadcast_in_dim3A_65 : vector<16xi32>
      %bitcast3A_147 = vector.bitcast %and3A_146 : vector<16xi32> to vector<16xf32>
      %get3A_148 = arith.index_cast %add3A_95 : i32 to index
      %get3A_149 = arith.constant 64 : index
      %get3A_150 = tpu.vector_load %arg10[%get3A_148, %get3A_149] {strides = array<i32>} : memref<160x128xi32, #tpu.memory_space<vmem>>, vector<16xi32>,
      %gather3A_151 = tpu.vector_load_idx %arg8[%get3A_150] : memref<10240xf32, #tpu.memory_space<vmem>>[vector<16xi32>], vector<16xf32>,
      %mul3A_152 = arith.mulf %bitcast3A_145, %gather3A_151 : vector<16xf32>
      %swap3A_153 = arith.constant 64 : index
      %swap3A_154 = tpu.vector_load %arg12[%swap3A_153] {strides = array<i32>} : memref<128xf32, #tpu.memory_space<vmem>>, vector<16xf32>,
      tpu.vector_store %arg12[%swap3A_153], %mul3A_152 {strides = array<i32>} : memref<128xf32, #tpu.memory_space<vmem>>, vector<16xf32>,
      %get3A_155 = arith.index_cast %add3A_95 : i32 to index
      %get3A_156 = arith.constant 80 : index
      %get3A_157 = tpu.vector_load %arg10[%get3A_155, %get3A_156] {strides = array<i32>} : memref<160x128xi32, #tpu.memory_space<vmem>>, vector<16xi32>,
      %gather3A_158 = tpu.vector_load_idx %arg8[%get3A_157] : memref<10240xf32, #tpu.memory_space<vmem>>[vector<16xi32>], vector<16xf32>,
      %mul3A_159 = arith.mulf %bitcast3A_147, %gather3A_158 : vector<16xf32>
      %swap3A_160 = arith.constant 80 : index
      %swap3A_161 = tpu.vector_load %arg12[%swap3A_160] {strides = array<i32>} : memref<128xf32, #tpu.memory_space<vmem>>, vector<16xf32>,
      tpu.vector_store %arg12[%swap3A_160], %mul3A_159 {strides = array<i32>} : memref<128xf32, #tpu.memory_space<vmem>>, vector<16xf32>,
      %get3A_162 = arith.index_cast %add3A_95 : i32 to index
      %get3A_163 = arith.constant 96 : index
      %get3A_164 = tpu.vector_load %arg11[%get3A_162, %get3A_163] {strides = array<i32>} : memref<160x128xbf16, #tpu.memory_space<vmem>>, vector<32xbf16>,
      %bitcast3A_165 = vector.bitcast %get3A_164 : vector<32xbf16> to vector<16xi32>
      %shift_left3A_166 = arith.constant 16 : i32
      %shift_left3A_167 = vector.broadcast %shift_left3A_166 : i32 to vector<16xi32>
      %shift_left3A_168 = arith.shli %bitcast3A_165, %shift_left3A_167 : vector<16xi32>
      %bitcast3A_169 = vector.bitcast %shift_left3A_168 : vector<16xi32> to vector<16xf32>
      %and3A_170 = arith.andi %bitcast3A_165, %broadcast_in_dim3A_65 : vector<16xi32>
      %bitcast3A_171 = vector.bitcast %and3A_170 : vector<16xi32> to vector<16xf32>
      %get3A_172 = arith.index_cast %add3A_95 : i32 to index
      %get3A_173 = arith.constant 96 : index
      %get3A_174 = tpu.vector_load %arg10[%get3A_172, %get3A_173] {strides = array<i32>} : memref<160x128xi32, #tpu.memory_space<vmem>>, vector<16xi32>,
      %gather3A_175 = tpu.vector_load_idx %arg8[%get3A_174] : memref<10240xf32, #tpu.memory_space<vmem>>[vector<16xi32>], vector<16xf32>,
      %mul3A_176 = arith.mulf %bitcast3A_169, %gather3A_175 : vector<16xf32>
      %swap3A_177 = arith.constant 96 : index
      %swap3A_178 = tpu.vector_load %arg12[%swap3A_177] {strides = array<i32>} : memref<128xf32, #tpu.memory_space<vmem>>, vector<16xf32>,
      tpu.vector_store %arg12[%swap3A_177], %mul3A_176 {strides = array<i32>} : memref<128xf32, #tpu.memory_space<vmem>>, vector<16xf32>,
      %get3A_179 = arith.index_cast %add3A_95 : i32 to index
      %get3A_180 = arith.constant 112 : index
      %get3A_181 = tpu.vector_load %arg10[%get3A_179, %get3A_180] {strides = array<i32>} : memref<160x128xi32, #tpu.memory_space<vmem>>, vector<16xi32>,
      %gather3A_182 = tpu.vector_load_idx %arg8[%get3A_181] : memref<10240xf32, #tpu.memory_space<vmem>>[vector<16xi32>], vector<16xf32>,
      %mul3A_183 = arith.mulf %bitcast3A_171, %gather3A_182 : vector<16xf32>
      %swap3A_184 = arith.constant 112 : index
      %swap3A_185 = tpu.vector_load %arg12[%swap3A_184] {strides = array<i32>} : memref<128xf32, #tpu.memory_space<vmem>>, vector<16xf32>,
      tpu.vector_store %arg12[%swap3A_184], %mul3A_183 {strides = array<i32>} : memref<128xf32, #tpu.memory_space<vmem>>, vector<16xf32>,
      %dma_wait3A_186 = arith.constant 0 : i32
      %dma_wait3A_187 = tpu.memref_slice %arg9[%add3A_95, %dma_wait3A_186] : memref<160x128xi32, #tpu.memory_space<vmem>> -> memref<1x128xi32, #tpu.memory_space<vmem>>
      %dma_wait3A_188 = tpu.memref_squeeze %dma_wait3A_187 : memref<1x128xi32, #tpu.memory_space<vmem>> -> memref<128xi32, #tpu.memory_space<vmem>>
      %dma_wait3A_189 = arith.constant 0 : i32
      %dma_wait3A_190 = arith.constant 0 : i32
      %dma_wait3A_191 = tpu.memref_slice %arg6[%dma_wait3A_189, %dma_wait3A_190] : memref<20480x64xbf16, #tpu.memory_space<hbm>> -> memref<20480x64xbf16, #tpu.memory_space<hbm>>
      tpu.wait_indirect_dma semaphore(%arg18 : memref<!tpu.dma_semaphore, #tpu.memory_space<semaphore_mem>>) src(%dma_wait3A_191 : memref<20480x64xbf16, #tpu.memory_space<hbm>>) dst(%arg13 : memref<128x64xbf16, #tpu.memory_space<vmem>>)
      %add3A_192 = arith.constant 1 : i32
      %add3A_193 = arith.addi %add3A_95, %add3A_192 : i32
      %lt3A = arith.constant 160 : i32
      %lt3A_194 = arith.cmpi slt, %add3A_193, %lt3A : i32
      %convert_element_type3A = arith.extui %lt3A_194 : i1 to i32
      %cond3A = arith.constant 0 : i32
      %cond3A_195 = arith.cmpi ne, %convert_element_type3A, %cond3A : i32
      scf.if %cond3A_195 {
        %add3A_342 = arith.constant 1 : i32
        %add3A_343 = arith.addi %add3A_95, %add3A_342 : i32
        %dma_start3A_344 = arith.constant 0 : i32
        %dma_start3A_345 = tpu.memref_slice %arg9[%add3A_343, %dma_start3A_344] : memref<160x128xi32, #tpu.memory_space<vmem>> -> memref<1x128xi32, #tpu.memory_space<vmem>>
        %dma_start3A_346 = tpu.memref_squeeze %dma_start3A_345 : memref<1x128xi32, #tpu.memory_space<vmem>> -> memref<128xi32, #tpu.memory_space<vmem>>
        %dma_start3A_347 = arith.constant 0 : i32
        %dma_start3A_348 = arith.constant 0 : i32
        %dma_start3A_349 = tpu.memref_slice %arg6[%dma_start3A_347, %dma_start3A_348] : memref<20480x64xbf16, #tpu.memory_space<hbm>> -> memref<20480x64xbf16, #tpu.memory_space<hbm>>
        tpu.enqueue_indirect_dma source(%dma_start3A_349 : memref<20480x64xbf16, #tpu.memory_space<hbm>>) target(%arg14 : memref<128x64xbf16, #tpu.memory_space<vmem>>) offsets(%dma_start3A_346 : memref<128xi32, #tpu.memory_space<vmem>>) semaphore(%arg19 : memref<!tpu.dma_semaphore, #tpu.memory_space<semaphore_mem>>)
      } else {
      }
      %ge3A = arith.constant 2 : i32
      %ge3A_196 = arith.cmpi sge, %add3A_95, %ge3A : i32
      %convert_element_type3A_197 = arith.extui %ge3A_196 : i1 to i32
      %cond3A_198 = arith.constant 0 : i32
      %cond3A_199 = arith.cmpi ne, %convert_element_type3A_197, %cond3A_198 : i32
      scf.if %cond3A_199 {
        %sub3A = arith.constant 2 : i32
        %sub3A_342 = arith.subi %add3A_95, %sub3A : i32
        %dma_wait3A_343 = arith.constant 0 : i32
        %dma_wait3A_344 = tpu.memref_slice %arg10[%sub3A_342, %dma_wait3A_343] : memref<160x128xi32, #tpu.memory_space<vmem>> -> memref<1x128xi32, #tpu.memory_space<vmem>>
        %dma_wait3A_345 = tpu.memref_squeeze %dma_wait3A_344 : memref<1x128xi32, #tpu.memory_space<vmem>> -> memref<128xi32, #tpu.memory_space<vmem>>
        %dma_wait3A_346 = arith.constant 0 : i32
        %dma_wait3A_347 = arith.constant 0 : i32
        %dma_wait3A_348 = tpu.memref_slice %arg17[%dma_wait3A_346, %dma_wait3A_347] : memref<10240x64xf32, #tpu.memory_space<vmem_shared>> -> memref<10240x64xf32, #tpu.memory_space<vmem_shared>>
        tpu.wait_indirect_dma semaphore(%arg20 : memref<!tpu.dma_semaphore, #tpu.memory_space<semaphore_mem>>) src(%arg15 : memref<128x64xf32, #tpu.memory_space<vmem>>) dst(%dma_wait3A_348 : memref<10240x64xf32, #tpu.memory_space<vmem_shared>>)
      } else {
      }
      %scan3A_200 = arith.constant 0 : i32
      %scan3A_201 = arith.constant 0 : i32
      %scan3A_202 = arith.constant 4 : i32
      %scan3A_203 = arith.addi %scan3A_201, %scan3A_202 : i32
      %scan3A_204 = arith.constant 1 : i32
      scf.for %scan3A_342 = %scan3A_201 to %scan3A_203 step %scan3A_204  : i32 {
        %mul3A_343 = arith.constant 2 : i32
        %mul3A_344 = arith.muli %mul3A_343, %scan3A_342 : i32
        %add3A_345 = arith.constant 0 : i32
        %add3A_346 = arith.addi %mul3A_344, %add3A_345 : i32
        %mul3A_347 = arith.constant 16 : i32
        %mul3A_348 = arith.muli %add3A_346, %mul3A_347 : i32
        %get3A_349 = arith.index_cast %mul3A_348 : i32 to index
        %get3A_350 = tpu.vector_load %arg12[%get3A_349] {strides = array<i32>} : memref<128xf32, #tpu.memory_space<vmem>>, vector<16xf32>,
        %slice3A = vector.extract_strided_slice %get3A_350 {offsets = [0], sizes = [1], strides = [1]} : vector<16xf32> to vector<1xf32>
        %squeeze3A = vector.extract %slice3A[0] : f32 from vector<1xf32>
        %broadcast_in_dim3A_351 = vector.broadcast %squeeze3A : f32 to vector<16xf32>
        %mul3A_352 = arith.constant 2 : i32
        %mul3A_353 = arith.muli %mul3A_352, %scan3A_342 : i32
        %add3A_354 = arith.constant 0 : i32
        %add3A_355 = arith.addi %mul3A_353, %add3A_354 : i32
        %mul3A_356 = arith.constant 16 : i32
        %mul3A_357 = arith.muli %add3A_355, %mul3A_356 : i32
        %add3A_358 = arith.constant 0 : i32
        %add3A_359 = arith.addi %mul3A_357, %add3A_358 : i32
        %get3A_360 = arith.index_cast %add3A_359 : i32 to index
        %get3A_361 = arith.constant 0 : index
        %get3A_362 = tpu.vector_load %arg13[%get3A_360, %get3A_361] {strides = array<i32>} : memref<128x64xbf16, #tpu.memory_space<vmem>>, vector<32xbf16>,
        %bitcast3A_363 = vector.bitcast %get3A_362 : vector<32xbf16> to vector<16xi32>
        %shift_left3A_364 = arith.constant 16 : i32
        %shift_left3A_365 = vector.broadcast %shift_left3A_364 : i32 to vector<16xi32>
        %shift_left3A_366 = arith.shli %bitcast3A_363, %shift_left3A_365 : vector<16xi32>
        %bitcast3A_367 = vector.bitcast %shift_left3A_366 : vector<16xi32> to vector<16xf32>
        %and3A_368 = arith.andi %bitcast3A_363, %broadcast_in_dim3A_65 : vector<16xi32>
        %bitcast3A_369 = vector.bitcast %and3A_368 : vector<16xi32> to vector<16xf32>
        %mul3A_370 = arith.mulf %bitcast3A_367, %broadcast_in_dim3A_351 : vector<16xf32>
        %swap3A_371 = arith.index_cast %add3A_359 : i32 to index
        %swap3A_372 = arith.constant 0 : index
        %swap3A_373 = tpu.vector_load %arg15[%swap3A_371, %swap3A_372] {strides = array<i32>} : memref<128x64xf32, #tpu.memory_space<vmem>>, vector<16xf32>,
        tpu.vector_store %arg15[%swap3A_371, %swap3A_372], %mul3A_370 {strides = array<i32>} : memref<128x64xf32, #tpu.memory_space<vmem>>, vector<16xf32>,
        %mul3A_374 = arith.mulf %bitcast3A_369, %broadcast_in_dim3A_351 : vector<16xf32>
        %swap3A_375 = arith.index_cast %add3A_359 : i32 to index
        %swap3A_376 = arith.constant 16 : index
        %swap3A_377 = tpu.vector_load %arg15[%swap3A_375, %swap3A_376] {strides = array<i32>} : memref<128x64xf32, #tpu.memory_space<vmem>>, vector<16xf32>,
        tpu.vector_store %arg15[%swap3A_375, %swap3A_376], %mul3A_374 {strides = array<i32>} : memref<128x64xf32, #tpu.memory_space<vmem>>, vector<16xf32>,
        %get3A_378 = arith.index_cast %add3A_359 : i32 to index
        %get3A_379 = arith.constant 32 : index
        %get3A_380 = tpu.vector_load %arg13[%get3A_378, %get3A_379] {strides = array<i32>} : memref<128x64xbf16, #tpu.memory_space<vmem>>, vector<32xbf16>,
        %bitcast3A_381 = vector.bitcast %get3A_380 : vector<32xbf16> to vector<16xi32>
        %shift_left3A_382 = arith.constant 16 : i32
        %shift_left3A_383 = vector.broadcast %shift_left3A_382 : i32 to vector<16xi32>
        %shift_left3A_384 = arith.shli %bitcast3A_381, %shift_left3A_383 : vector<16xi32>
        %bitcast3A_385 = vector.bitcast %shift_left3A_384 : vector<16xi32> to vector<16xf32>
        %and3A_386 = arith.andi %bitcast3A_381, %broadcast_in_dim3A_65 : vector<16xi32>
        %bitcast3A_387 = vector.bitcast %and3A_386 : vector<16xi32> to vector<16xf32>
        %mul3A_388 = arith.mulf %bitcast3A_385, %broadcast_in_dim3A_351 : vector<16xf32>
        %swap3A_389 = arith.index_cast %add3A_359 : i32 to index
        %swap3A_390 = arith.constant 32 : index
        %swap3A_391 = tpu.vector_load %arg15[%swap3A_389, %swap3A_390] {strides = array<i32>} : memref<128x64xf32, #tpu.memory_space<vmem>>, vector<16xf32>,
        tpu.vector_store %arg15[%swap3A_389, %swap3A_390], %mul3A_388 {strides = array<i32>} : memref<128x64xf32, #tpu.memory_space<vmem>>, vector<16xf32>,
        %mul3A_392 = arith.mulf %bitcast3A_387, %broadcast_in_dim3A_351 : vector<16xf32>
        %swap3A_393 = arith.index_cast %add3A_359 : i32 to index
        %swap3A_394 = arith.constant 48 : index
        %swap3A_395 = tpu.vector_load %arg15[%swap3A_393, %swap3A_394] {strides = array<i32>} : memref<128x64xf32, #tpu.memory_space<vmem>>, vector<16xf32>,
        tpu.vector_store %arg15[%swap3A_393, %swap3A_394], %mul3A_392 {strides = array<i32>} : memref<128x64xf32, #tpu.memory_space<vmem>>, vector<16xf32>,
        %slice3A_396 = vector.extract_strided_slice %get3A_350 {offsets = [1], sizes = [1], strides = [1]} : vector<16xf32> to vector<1xf32>
        %squeeze3A_397 = vector.extract %slice3A_396[0] : f32 from vector<1xf32>
        %broadcast_in_dim3A_398 = vector.broadcast %squeeze3A_397 : f32 to vector<16xf32>
        %mul3A_399 = arith.constant 2 : i32
        %mul3A_400 = arith.muli %mul3A_399, %scan3A_342 : i32
        %add3A_401 = arith.constant 0 : i32
        %add3A_402 = arith.addi %mul3A_400, %add3A_401 : i32
        %mul3A_403 = arith.constant 16 : i32
        %mul3A_404 = arith.muli %add3A_402, %mul3A_403 : i32
        %add3A_405 = arith.constant 1 : i32
        %add3A_406 = arith.addi %mul3A_404, %add3A_405 : i32
        %get3A_407 = arith.index_cast %add3A_406 : i32 to index
        %get3A_408 = arith.constant 0 : index
        %get3A_409 = tpu.vector_load %arg13[%get3A_407, %get3A_408] {strides = array<i32>} : memref<128x64xbf16, #tpu.memory_space<vmem>>, vector<32xbf16>,
        %bitcast3A_410 = vector.bitcast %get3A_409 : vector<32xbf16> to vector<16xi32>
        %shift_left3A_411 = arith.constant 16 : i32
        %shift_left3A_412 = vector.broadcast %shift_left3A_411 : i32 to vector<16xi32>
        %shift_left3A_413 = arith.shli %bitcast3A_410, %shift_left3A_412 : vector<16xi32>
        %bitcast3A_414 = vector.bitcast %shift_left3A_413 : vector<16xi32> to vector<16xf32>
        %and3A_415 = arith.andi %bitcast3A_410, %broadcast_in_dim3A_65 : vector<16xi32>
        %bitcast3A_416 = vector.bitcast %and3A_415 : vector<16xi32> to vector<16xf32>
        %mul3A_417 = arith.mulf %bitcast3A_414, %broadcast_in_dim3A_398 : vector<16xf32>
        %swap3A_418 = arith.index_cast %add3A_406 : i32 to index
        %swap3A_419 = arith.constant 0 : index
        %swap3A_420 = tpu.vector_load %arg15[%swap3A_418, %swap3A_419] {strides = array<i32>} : memref<128x64xf32, #tpu.memory_space<vmem>>, vector<16xf32>,
        tpu.vector_store %arg15[%swap3A_418, %swap3A_419], %mul3A_417 {strides = array<i32>} : memref<128x64xf32, #tpu.memory_space<vmem>>, vector<16xf32>,
        %mul3A_421 = arith.mulf %bitcast3A_416, %broadcast_in_dim3A_398 : vector<16xf32>
        %swap3A_422 = arith.index_cast %add3A_406 : i32 to index
        %swap3A_423 = arith.constant 16 : index
        %swap3A_424 = tpu.vector_load %arg15[%swap3A_422, %swap3A_423] {strides = array<i32>} : memref<128x64xf32, #tpu.memory_space<vmem>>, vector<16xf32>,
        tpu.vector_store %arg15[%swap3A_422, %swap3A_423], %mul3A_421 {strides = array<i32>} : memref<128x64xf32, #tpu.memory_space<vmem>>, vector<16xf32>,
        %get3A_425 = arith.index_cast %add3A_406 : i32 to index
        %get3A_426 = arith.constant 32 : index
        %get3A_427 = tpu.vector_load %arg13[%get3A_425, %get3A_426] {strides = array<i32>} : memref<128x64xbf16, #tpu.memory_space<vmem>>, vector<32xbf16>,
        %bitcast3A_428 = vector.bitcast %get3A_427 : vector<32xbf16> to vector<16xi32>
        %shift_left3A_429 = arith.constant 16 : i32
        %shift_left3A_430 = vector.broadcast %shift_left3A_429 : i32 to vector<16xi32>
        %shift_left3A_431 = arith.shli %bitcast3A_428, %shift_left3A_430 : vector<16xi32>
        %bitcast3A_432 = vector.bitcast %shift_left3A_431 : vector<16xi32> to vector<16xf32>
        %and3A_433 = arith.andi %bitcast3A_428, %broadcast_in_dim3A_65 : vector<16xi32>
        %bitcast3A_434 = vector.bitcast %and3A_433 : vector<16xi32> to vector<16xf32>
        %mul3A_435 = arith.mulf %bitcast3A_432, %broadcast_in_dim3A_398 : vector<16xf32>
        %swap3A_436 = arith.index_cast %add3A_406 : i32 to index
        %swap3A_437 = arith.constant 32 : index
        %swap3A_438 = tpu.vector_load %arg15[%swap3A_436, %swap3A_437] {strides = array<i32>} : memref<128x64xf32, #tpu.memory_space<vmem>>, vector<16xf32>,
        tpu.vector_store %arg15[%swap3A_436, %swap3A_437], %mul3A_435 {strides = array<i32>} : memref<128x64xf32, #tpu.memory_space<vmem>>, vector<16xf32>,
        %mul3A_439 = arith.mulf %bitcast3A_434, %broadcast_in_dim3A_398 : vector<16xf32>
        %swap3A_440 = arith.index_cast %add3A_406 : i32 to index
        %swap3A_441 = arith.constant 48 : index
        %swap3A_442 = tpu.vector_load %arg15[%swap3A_440, %swap3A_441] {strides = array<i32>} : memref<128x64xf32, #tpu.memory_space<vmem>>, vector<16xf32>,
        tpu.vector_store %arg15[%swap3A_440, %swap3A_441], %mul3A_439 {strides = array<i32>} : memref<128x64xf32, #tpu.memory_space<vmem>>, vector<16xf32>,
        %slice3A_443 = vector.extract_strided_slice %get3A_350 {offsets = [2], sizes = [1], strides = [1]} : vector<16xf32> to vector<1xf32>
        %squeeze3A_444 = vector.extract %slice3A_443[0] : f32 from vector<1xf32>
        %broadcast_in_dim3A_445 = vector.broadcast %squeeze3A_444 : f32 to vector<16xf32>
        %mul3A_446 = arith.constant 2 : i32
        %mul3A_447 = arith.muli %mul3A_446, %scan3A_342 : i32
        %add3A_448 = arith.constant 0 : i32
        %add3A_449 = arith.addi %mul3A_447, %add3A_448 : i32
        %mul3A_450 = arith.constant 16 : i32
        %mul3A_451 = arith.muli %add3A_449, %mul3A_450 : i32
        %add3A_452 = arith.constant 2 : i32
        %add3A_453 = arith.addi %mul3A_451, %add3A_452 : i32
        %get3A_454 = arith.index_cast %add3A_453 : i32 to index
        %get3A_455 = arith.constant 0 : index
        %get3A_456 = tpu.vector_load %arg13[%get3A_454, %get3A_455] {strides = array<i32>} : memref<128x64xbf16, #tpu.memory_space<vmem>>, vector<32xbf16>,
        %bitcast3A_457 = vector.bitcast %get3A_456 : vector<32xbf16> to vector<16xi32>
        %shift_left3A_458 = arith.constant 16 : i32
        %shift_left3A_459 = vector.broadcast %shift_left3A_458 : i32 to vector<16xi32>
        %shift_left3A_460 = arith.shli %bitcast3A_457, %shift_left3A_459 : vector<16xi32>
        %bitcast3A_461 = vector.bitcast %shift_left3A_460 : vector<16xi32> to vector<16xf32>
        %and3A_462 = arith.andi %bitcast3A_457, %broadcast_in_dim3A_65 : vector<16xi32>
        %bitcast3A_463 = vector.bitcast %and3A_462 : vector<16xi32> to vector<16xf32>
        %mul3A_464 = arith.mulf %bitcast3A_461, %broadcast_in_dim3A_445 : vector<16xf32>
        %swap3A_465 = arith.index_cast %add3A_453 : i32 to index
        %swap3A_466 = arith.constant 0 : index
        %swap3A_467 = tpu.vector_load %arg15[%swap3A_465, %swap3A_466] {strides = array<i32>} : memref<128x64xf32, #tpu.memory_space<vmem>>, vector<16xf32>,
        tpu.vector_store %arg15[%swap3A_465, %swap3A_466], %mul3A_464 {strides = array<i32>} : memref<128x64xf32, #tpu.memory_space<vmem>>, vector<16xf32>,
        %mul3A_468 = arith.mulf %bitcast3A_463, %broadcast_in_dim3A_445 : vector<16xf32>
        %swap3A_469 = arith.index_cast %add3A_453 : i32 to index
        %swap3A_470 = arith.constant 16 : index
        %swap3A_471 = tpu.vector_load %arg15[%swap3A_469, %swap3A_470] {strides = array<i32>} : memref<128x64xf32, #tpu.memory_space<vmem>>, vector<16xf32>,
        tpu.vector_store %arg15[%swap3A_469, %swap3A_470], %mul3A_468 {strides = array<i32>} : memref<128x64xf32, #tpu.memory_space<vmem>>, vector<16xf32>,
        %get3A_472 = arith.index_cast %add3A_453 : i32 to index
        %get3A_473 = arith.constant 32 : index
        %get3A_474 = tpu.vector_load %arg13[%get3A_472, %get3A_473] {strides = array<i32>} : memref<128x64xbf16, #tpu.memory_space<vmem>>, vector<32xbf16>,
        %bitcast3A_475 = vector.bitcast %get3A_474 : vector<32xbf16> to vector<16xi32>
        %shift_left3A_476 = arith.constant 16 : i32
        %shift_left3A_477 = vector.broadcast %shift_left3A_476 : i32 to vector<16xi32>
        %shift_left3A_478 = arith.shli %bitcast3A_475, %shift_left3A_477 : vector<16xi32>
        %bitcast3A_479 = vector.bitcast %shift_left3A_478 : vector<16xi32> to vector<16xf32>
        %and3A_480 = arith.andi %bitcast3A_475, %broadcast_in_dim3A_65 : vector<16xi32>
        %bitcast3A_481 = vector.bitcast %and3A_480 : vector<16xi32> to vector<16xf32>
        %mul3A_482 = arith.mulf %bitcast3A_479, %broadcast_in_dim3A_445 : vector<16xf32>
        %swap3A_483 = arith.index_cast %add3A_453 : i32 to index
        %swap3A_484 = arith.constant 32 : index
        %swap3A_485 = tpu.vector_load %arg15[%swap3A_483, %swap3A_484] {strides = array<i32>} : memref<128x64xf32, #tpu.memory_space<vmem>>, vector<16xf32>,
        tpu.vector_store %arg15[%swap3A_483, %swap3A_484], %mul3A_482 {strides = array<i32>} : memref<128x64xf32, #tpu.memory_space<vmem>>, vector<16xf32>,
        %mul3A_486 = arith.mulf %bitcast3A_481, %broadcast_in_dim3A_445 : vector<16xf32>
        %swap3A_487 = arith.index_cast %add3A_453 : i32 to index
        %swap3A_488 = arith.constant 48 : index
        %swap3A_489 = tpu.vector_load %arg15[%swap3A_487, %swap3A_488] {strides = array<i32>} : memref<128x64xf32, #tpu.memory_space<vmem>>, vector<16xf32>,
        tpu.vector_store %arg15[%swap3A_487, %swap3A_488], %mul3A_486 {strides = array<i32>} : memref<128x64xf32, #tpu.memory_space<vmem>>, vector<16xf32>,
        %slice3A_490 = vector.extract_strided_slice %get3A_350 {offsets = [3], sizes = [1], strides = [1]} : vector<16xf32> to vector<1xf32>
        %squeeze3A_491 = vector.extract %slice3A_490[0] : f32 from vector<1xf32>
        %broadcast_in_dim3A_492 = vector.broadcast %squeeze3A_491 : f32 to vector<16xf32>
        %mul3A_493 = arith.constant 2 : i32
        %mul3A_494 = arith.muli %mul3A_493, %scan3A_342 : i32
        %add3A_495 = arith.constant 0 : i32
        %add3A_496 = arith.addi %mul3A_494, %add3A_495 : i32
        %mul3A_497 = arith.constant 16 : i32
        %mul3A_498 = arith.muli %add3A_496, %mul3A_497 : i32
        %add3A_499 = arith.constant 3 : i32
        %add3A_500 = arith.addi %mul3A_498, %add3A_499 : i32
        %get3A_501 = arith.index_cast %add3A_500 : i32 to index
        %get3A_502 = arith.constant 0 : index
        %get3A_503 = tpu.vector_load %arg13[%get3A_501, %get3A_502] {strides = array<i32>} : memref<128x64xbf16, #tpu.memory_space<vmem>>, vector<32xbf16>,
        %bitcast3A_504 = vector.bitcast %get3A_503 : vector<32xbf16> to vector<16xi32>
        %shift_left3A_505 = arith.constant 16 : i32
        %shift_left3A_506 = vector.broadcast %shift_left3A_505 : i32 to vector<16xi32>
        %shift_left3A_507 = arith.shli %bitcast3A_504, %shift_left3A_506 : vector<16xi32>
        %bitcast3A_508 = vector.bitcast %shift_left3A_507 : vector<16xi32> to vector<16xf32>
        %and3A_509 = arith.andi %bitcast3A_504, %broadcast_in_dim3A_65 : vector<16xi32>
        %bitcast3A_510 = vector.bitcast %and3A_509 : vector<16xi32> to vector<16xf32>
        %mul3A_511 = arith.mulf %bitcast3A_508, %broadcast_in_dim3A_492 : vector<16xf32>
        %swap3A_512 = arith.index_cast %add3A_500 : i32 to index
        %swap3A_513 = arith.constant 0 : index
        %swap3A_514 = tpu.vector_load %arg15[%swap3A_512, %swap3A_513] {strides = array<i32>} : memref<128x64xf32, #tpu.memory_space<vmem>>, vector<16xf32>,
        tpu.vector_store %arg15[%swap3A_512, %swap3A_513], %mul3A_511 {strides = array<i32>} : memref<128x64xf32, #tpu.memory_space<vmem>>, vector<16xf32>,
        %mul3A_515 = arith.mulf %bitcast3A_510, %broadcast_in_dim3A_492 : vector<16xf32>
        %swap3A_516 = arith.index_cast %add3A_500 : i32 to index
        %swap3A_517 = arith.constant 16 : index
        %swap3A_518 = tpu.vector_load %arg15[%swap3A_516, %swap3A_517] {strides = array<i32>} : memref<128x64xf32, #tpu.memory_space<vmem>>, vector<16xf32>,
        tpu.vector_store %arg15[%swap3A_516, %swap3A_517], %mul3A_515 {strides = array<i32>} : memref<128x64xf32, #tpu.memory_space<vmem>>, vector<16xf32>,
        %get3A_519 = arith.index_cast %add3A_500 : i32 to index
        %get3A_520 = arith.constant 32 : index
        %get3A_521 = tpu.vector_load %arg13[%get3A_519, %get3A_520] {strides = array<i32>} : memref<128x64xbf16, #tpu.memory_space<vmem>>, vector<32xbf16>,
        %bitcast3A_522 = vector.bitcast %get3A_521 : vector<32xbf16> to vector<16xi32>
        %shift_left3A_523 = arith.constant 16 : i32
        %shift_left3A_524 = vector.broadcast %shift_left3A_523 : i32 to vector<16xi32>
        %shift_left3A_525 = arith.shli %bitcast3A_522, %shift_left3A_524 : vector<16xi32>
        %bitcast3A_526 = vector.bitcast %shift_left3A_525 : vector<16xi32> to vector<16xf32>
        %and3A_527 = arith.andi %bitcast3A_522, %broadcast_in_dim3A_65 : vector<16xi32>
        %bitcast3A_528 = vector.bitcast %and3A_527 : vector<16xi32> to vector<16xf32>
        %mul3A_529 = arith.mulf %bitcast3A_526, %broadcast_in_dim3A_492 : vector<16xf32>
        %swap3A_530 = arith.index_cast %add3A_500 : i32 to index
        %swap3A_531 = arith.constant 32 : index
        %swap3A_532 = tpu.vector_load %arg15[%swap3A_530, %swap3A_531] {strides = array<i32>} : memref<128x64xf32, #tpu.memory_space<vmem>>, vector<16xf32>,
        tpu.vector_store %arg15[%swap3A_530, %swap3A_531], %mul3A_529 {strides = array<i32>} : memref<128x64xf32, #tpu.memory_space<vmem>>, vector<16xf32>,
        %mul3A_533 = arith.mulf %bitcast3A_528, %broadcast_in_dim3A_492 : vector<16xf32>
        %swap3A_534 = arith.index_cast %add3A_500 : i32 to index
        %swap3A_535 = arith.constant 48 : index
        %swap3A_536 = tpu.vector_load %arg15[%swap3A_534, %swap3A_535] {strides = array<i32>} : memref<128x64xf32, #tpu.memory_space<vmem>>, vector<16xf32>,
        tpu.vector_store %arg15[%swap3A_534, %swap3A_535], %mul3A_533 {strides = array<i32>} : memref<128x64xf32, #tpu.memory_space<vmem>>, vector<16xf32>,
        %slice3A_537 = vector.extract_strided_slice %get3A_350 {offsets = [4], sizes = [1], strides = [1]} : vector<16xf32> to vector<1xf32>
        %squeeze3A_538 = vector.extract %slice3A_537[0] : f32 from vector<1xf32>
        %broadcast_in_dim3A_539 = vector.broadcast %squeeze3A_538 : f32 to vector<16xf32>
        %mul3A_540 = arith.constant 2 : i32
        %mul3A_541 = arith.muli %mul3A_540, %scan3A_342 : i32
        %add3A_542 = arith.constant 0 : i32
        %add3A_543 = arith.addi %mul3A_541, %add3A_542 : i32
        %mul3A_544 = arith.constant 16 : i32
        %mul3A_545 = arith.muli %add3A_543, %mul3A_544 : i32
        %add3A_546 = arith.constant 4 : i32
        %add3A_547 = arith.addi %mul3A_545, %add3A_546 : i32
        %get3A_548 = arith.index_cast %add3A_547 : i32 to index
        %get3A_549 = arith.constant 0 : index
        %get3A_550 = tpu.vector_load %arg13[%get3A_548, %get3A_549] {strides = array<i32>} : memref<128x64xbf16, #tpu.memory_space<vmem>>, vector<32xbf16>,
        %bitcast3A_551 = vector.bitcast %get3A_550 : vector<32xbf16> to vector<16xi32>
        %shift_left3A_552 = arith.constant 16 : i32
        %shift_left3A_553 = vector.broadcast %shift_left3A_552 : i32 to vector<16xi32>
        %shift_left3A_554 = arith.shli %bitcast3A_551, %shift_left3A_553 : vector<16xi32>
        %bitcast3A_555 = vector.bitcast %shift_left3A_554 : vector<16xi32> to vector<16xf32>
        %and3A_556 = arith.andi %bitcast3A_551, %broadcast_in_dim3A_65 : vector<16xi32>
        %bitcast3A_557 = vector.bitcast %and3A_556 : vector<16xi32> to vector<16xf32>
        %mul3A_558 = arith.mulf %bitcast3A_555, %broadcast_in_dim3A_539 : vector<16xf32>
        %swap3A_559 = arith.index_cast %add3A_547 : i32 to index
        %swap3A_560 = arith.constant 0 : index
        %swap3A_561 = tpu.vector_load %arg15[%swap3A_559, %swap3A_560] {strides = array<i32>} : memref<128x64xf32, #tpu.memory_space<vmem>>, vector<16xf32>,
        tpu.vector_store %arg15[%swap3A_559, %swap3A_560], %mul3A_558 {strides = array<i32>} : memref<128x64xf32, #tpu.memory_space<vmem>>, vector<16xf32>,
        %mul3A_562 = arith.mulf %bitcast3A_557, %broadcast_in_dim3A_539 : vector<16xf32>
        %swap3A_563 = arith.index_cast %add3A_547 : i32 to index
        %swap3A_564 = arith.constant 16 : index
        %swap3A_565 = tpu.vector_load %arg15[%swap3A_563, %swap3A_564] {strides = array<i32>} : memref<128x64xf32, #tpu.memory_space<vmem>>, vector<16xf32>,
        tpu.vector_store %arg15[%swap3A_563, %swap3A_564], %mul3A_562 {strides = array<i32>} : memref<128x64xf32, #tpu.memory_space<vmem>>, vector<16xf32>,
        %get3A_566 = arith.index_cast %add3A_547 : i32 to index
        %get3A_567 = arith.constant 32 : index
        %get3A_568 = tpu.vector_load %arg13[%get3A_566, %get3A_567] {strides = array<i32>} : memref<128x64xbf16, #tpu.memory_space<vmem>>, vector<32xbf16>,
        %bitcast3A_569 = vector.bitcast %get3A_568 : vector<32xbf16> to vector<16xi32>
        %shift_left3A_570 = arith.constant 16 : i32
        %shift_left3A_571 = vector.broadcast %shift_left3A_570 : i32 to vector<16xi32>
        %shift_left3A_572 = arith.shli %bitcast3A_569, %shift_left3A_571 : vector<16xi32>
        %bitcast3A_573 = vector.bitcast %shift_left3A_572 : vector<16xi32> to vector<16xf32>
        %and3A_574 = arith.andi %bitcast3A_569, %broadcast_in_dim3A_65 : vector<16xi32>
        %bitcast3A_575 = vector.bitcast %and3A_574 : vector<16xi32> to vector<16xf32>
        %mul3A_576 = arith.mulf %bitcast3A_573, %broadcast_in_dim3A_539 : vector<16xf32>
        %swap3A_577 = arith.index_cast %add3A_547 : i32 to index
        %swap3A_578 = arith.constant 32 : index
        %swap3A_579 = tpu.vector_load %arg15[%swap3A_577, %swap3A_578] {strides = array<i32>} : memref<128x64xf32, #tpu.memory_space<vmem>>, vector<16xf32>,
        tpu.vector_store %arg15[%swap3A_577, %swap3A_578], %mul3A_576 {strides = array<i32>} : memref<128x64xf32, #tpu.memory_space<vmem>>, vector<16xf32>,
        %mul3A_580 = arith.mulf %bitcast3A_575, %broadcast_in_dim3A_539 : vector<16xf32>
        %swap3A_581 = arith.index_cast %add3A_547 : i32 to index
        %swap3A_582 = arith.constant 48 : index
        %swap3A_583 = tpu.vector_load %arg15[%swap3A_581, %swap3A_582] {strides = array<i32>} : memref<128x64xf32, #tpu.memory_space<vmem>>, vector<16xf32>,
        tpu.vector_store %arg15[%swap3A_581, %swap3A_582], %mul3A_580 {strides = array<i32>} : memref<128x64xf32, #tpu.memory_space<vmem>>, vector<16xf32>,
        %slice3A_584 = vector.extract_strided_slice %get3A_350 {offsets = [5], sizes = [1], strides = [1]} : vector<16xf32> to vector<1xf32>
        %squeeze3A_585 = vector.extract %slice3A_584[0] : f32 from vector<1xf32>
        %broadcast_in_dim3A_586 = vector.broadcast %squeeze3A_585 : f32 to vector<16xf32>
        %mul3A_587 = arith.constant 2 : i32
        %mul3A_588 = arith.muli %mul3A_587, %scan3A_342 : i32
        %add3A_589 = arith.constant 0 : i32
        %add3A_590 = arith.addi %mul3A_588, %add3A_589 : i32
        %mul3A_591 = arith.constant 16 : i32
        %mul3A_592 = arith.muli %add3A_590, %mul3A_591 : i32
        %add3A_593 = arith.constant 5 : i32
        %add3A_594 = arith.addi %mul3A_592, %add3A_593 : i32
        %get3A_595 = arith.index_cast %add3A_594 : i32 to index
        %get3A_596 = arith.constant 0 : index
        %get3A_597 = tpu.vector_load %arg13[%get3A_595, %get3A_596] {strides = array<i32>} : memref<128x64xbf16, #tpu.memory_space<vmem>>, vector<32xbf16>,
        %bitcast3A_598 = vector.bitcast %get3A_597 : vector<32xbf16> to vector<16xi32>
        %shift_left3A_599 = arith.constant 16 : i32
        %shift_left3A_600 = vector.broadcast %shift_left3A_599 : i32 to vector<16xi32>
        %shift_left3A_601 = arith.shli %bitcast3A_598, %shift_left3A_600 : vector<16xi32>
        %bitcast3A_602 = vector.bitcast %shift_left3A_601 : vector<16xi32> to vector<16xf32>
        %and3A_603 = arith.andi %bitcast3A_598, %broadcast_in_dim3A_65 : vector<16xi32>
        %bitcast3A_604 = vector.bitcast %and3A_603 : vector<16xi32> to vector<16xf32>
        %mul3A_605 = arith.mulf %bitcast3A_602, %broadcast_in_dim3A_586 : vector<16xf32>
        %swap3A_606 = arith.index_cast %add3A_594 : i32 to index
        %swap3A_607 = arith.constant 0 : index
        %swap3A_608 = tpu.vector_load %arg15[%swap3A_606, %swap3A_607] {strides = array<i32>} : memref<128x64xf32, #tpu.memory_space<vmem>>, vector<16xf32>,
        tpu.vector_store %arg15[%swap3A_606, %swap3A_607], %mul3A_605 {strides = array<i32>} : memref<128x64xf32, #tpu.memory_space<vmem>>, vector<16xf32>,
        %mul3A_609 = arith.mulf %bitcast3A_604, %broadcast_in_dim3A_586 : vector<16xf32>
        %swap3A_610 = arith.index_cast %add3A_594 : i32 to index
        %swap3A_611 = arith.constant 16 : index
        %swap3A_612 = tpu.vector_load %arg15[%swap3A_610, %swap3A_611] {strides = array<i32>} : memref<128x64xf32, #tpu.memory_space<vmem>>, vector<16xf32>,
        tpu.vector_store %arg15[%swap3A_610, %swap3A_611], %mul3A_609 {strides = array<i32>} : memref<128x64xf32, #tpu.memory_space<vmem>>, vector<16xf32>,
        %get3A_613 = arith.index_cast %add3A_594 : i32 to index
        %get3A_614 = arith.constant 32 : index
        %get3A_615 = tpu.vector_load %arg13[%get3A_613, %get3A_614] {strides = array<i32>} : memref<128x64xbf16, #tpu.memory_space<vmem>>, vector<32xbf16>,
        %bitcast3A_616 = vector.bitcast %get3A_615 : vector<32xbf16> to vector<16xi32>
        %shift_left3A_617 = arith.constant 16 : i32
        %shift_left3A_618 = vector.broadcast %shift_left3A_617 : i32 to vector<16xi32>
        %shift_left3A_619 = arith.shli %bitcast3A_616, %shift_left3A_618 : vector<16xi32>
        %bitcast3A_620 = vector.bitcast %shift_left3A_619 : vector<16xi32> to vector<16xf32>
        %and3A_621 = arith.andi %bitcast3A_616, %broadcast_in_dim3A_65 : vector<16xi32>
        %bitcast3A_622 = vector.bitcast %and3A_621 : vector<16xi32> to vector<16xf32>
        %mul3A_623 = arith.mulf %bitcast3A_620, %broadcast_in_dim3A_586 : vector<16xf32>
        %swap3A_624 = arith.index_cast %add3A_594 : i32 to index
        %swap3A_625 = arith.constant 32 : index
        %swap3A_626 = tpu.vector_load %arg15[%swap3A_624, %swap3A_625] {strides = array<i32>} : memref<128x64xf32, #tpu.memory_space<vmem>>, vector<16xf32>,
        tpu.vector_store %arg15[%swap3A_624, %swap3A_625], %mul3A_623 {strides = array<i32>} : memref<128x64xf32, #tpu.memory_space<vmem>>, vector<16xf32>,
        %mul3A_627 = arith.mulf %bitcast3A_622, %broadcast_in_dim3A_586 : vector<16xf32>
        %swap3A_628 = arith.index_cast %add3A_594 : i32 to index
        %swap3A_629 = arith.constant 48 : index
        %swap3A_630 = tpu.vector_load %arg15[%swap3A_628, %swap3A_629] {strides = array<i32>} : memref<128x64xf32, #tpu.memory_space<vmem>>, vector<16xf32>,
        tpu.vector_store %arg15[%swap3A_628, %swap3A_629], %mul3A_627 {strides = array<i32>} : memref<128x64xf32, #tpu.memory_space<vmem>>, vector<16xf32>,
        %slice3A_631 = vector.extract_strided_slice %get3A_350 {offsets = [6], sizes = [1], strides = [1]} : vector<16xf32> to vector<1xf32>
        %squeeze3A_632 = vector.extract %slice3A_631[0] : f32 from vector<1xf32>
        %broadcast_in_dim3A_633 = vector.broadcast %squeeze3A_632 : f32 to vector<16xf32>
        %mul3A_634 = arith.constant 2 : i32
        %mul3A_635 = arith.muli %mul3A_634, %scan3A_342 : i32
        %add3A_636 = arith.constant 0 : i32
        %add3A_637 = arith.addi %mul3A_635, %add3A_636 : i32
        %mul3A_638 = arith.constant 16 : i32
        %mul3A_639 = arith.muli %add3A_637, %mul3A_638 : i32
        %add3A_640 = arith.constant 6 : i32
        %add3A_641 = arith.addi %mul3A_639, %add3A_640 : i32
        %get3A_642 = arith.index_cast %add3A_641 : i32 to index
        %get3A_643 = arith.constant 0 : index
        %get3A_644 = tpu.vector_load %arg13[%get3A_642, %get3A_643] {strides = array<i32>} : memref<128x64xbf16, #tpu.memory_space<vmem>>, vector<32xbf16>,
        %bitcast3A_645 = vector.bitcast %get3A_644 : vector<32xbf16> to vector<16xi32>
        %shift_left3A_646 = arith.constant 16 : i32
        %shift_left3A_647 = vector.broadcast %shift_left3A_646 : i32 to vector<16xi32>
        %shift_left3A_648 = arith.shli %bitcast3A_645, %shift_left3A_647 : vector<16xi32>
        %bitcast3A_649 = vector.bitcast %shift_left3A_648 : vector<16xi32> to vector<16xf32>
        %and3A_650 = arith.andi %bitcast3A_645, %broadcast_in_dim3A_65 : vector<16xi32>
        %bitcast3A_651 = vector.bitcast %and3A_650 : vector<16xi32> to vector<16xf32>
        %mul3A_652 = arith.mulf %bitcast3A_649, %broadcast_in_dim3A_633 : vector<16xf32>
        %swap3A_653 = arith.index_cast %add3A_641 : i32 to index
        %swap3A_654 = arith.constant 0 : index
        %swap3A_655 = tpu.vector_load %arg15[%swap3A_653, %swap3A_654] {strides = array<i32>} : memref<128x64xf32, #tpu.memory_space<vmem>>, vector<16xf32>,
        tpu.vector_store %arg15[%swap3A_653, %swap3A_654], %mul3A_652 {strides = array<i32>} : memref<128x64xf32, #tpu.memory_space<vmem>>, vector<16xf32>,
        %mul3A_656 = arith.mulf %bitcast3A_651, %broadcast_in_dim3A_633 : vector<16xf32>
        %swap3A_657 = arith.index_cast %add3A_641 : i32 to index
        %swap3A_658 = arith.constant 16 : index
        %swap3A_659 = tpu.vector_load %arg15[%swap3A_657, %swap3A_658] {strides = array<i32>} : memref<128x64xf32, #tpu.memory_space<vmem>>, vector<16xf32>,
        tpu.vector_store %arg15[%swap3A_657, %swap3A_658], %mul3A_656 {strides = array<i32>} : memref<128x64xf32, #tpu.memory_space<vmem>>, vector<16xf32>,
        %get3A_660 = arith.index_cast %add3A_641 : i32 to index
        %get3A_661 = arith.constant 32 : index
        %get3A_662 = tpu.vector_load %arg13[%get3A_660, %get3A_661] {strides = array<i32>} : memref<128x64xbf16, #tpu.memory_space<vmem>>, vector<32xbf16>,
        %bitcast3A_663 = vector.bitcast %get3A_662 : vector<32xbf16> to vector<16xi32>
        %shift_left3A_664 = arith.constant 16 : i32
        %shift_left3A_665 = vector.broadcast %shift_left3A_664 : i32 to vector<16xi32>
        %shift_left3A_666 = arith.shli %bitcast3A_663, %shift_left3A_665 : vector<16xi32>
        %bitcast3A_667 = vector.bitcast %shift_left3A_666 : vector<16xi32> to vector<16xf32>
        %and3A_668 = arith.andi %bitcast3A_663, %broadcast_in_dim3A_65 : vector<16xi32>
        %bitcast3A_669 = vector.bitcast %and3A_668 : vector<16xi32> to vector<16xf32>
        %mul3A_670 = arith.mulf %bitcast3A_667, %broadcast_in_dim3A_633 : vector<16xf32>
        %swap3A_671 = arith.index_cast %add3A_641 : i32 to index
        %swap3A_672 = arith.constant 32 : index
        %swap3A_673 = tpu.vector_load %arg15[%swap3A_671, %swap3A_672] {strides = array<i32>} : memref<128x64xf32, #tpu.memory_space<vmem>>, vector<16xf32>,
        tpu.vector_store %arg15[%swap3A_671, %swap3A_672], %mul3A_670 {strides = array<i32>} : memref<128x64xf32, #tpu.memory_space<vmem>>, vector<16xf32>,
        %mul3A_674 = arith.mulf %bitcast3A_669, %broadcast_in_dim3A_633 : vector<16xf32>
        %swap3A_675 = arith.index_cast %add3A_641 : i32 to index
        %swap3A_676 = arith.constant 48 : index
        %swap3A_677 = tpu.vector_load %arg15[%swap3A_675, %swap3A_676] {strides = array<i32>} : memref<128x64xf32, #tpu.memory_space<vmem>>, vector<16xf32>,
        tpu.vector_store %arg15[%swap3A_675, %swap3A_676], %mul3A_674 {strides = array<i32>} : memref<128x64xf32, #tpu.memory_space<vmem>>, vector<16xf32>,
        %slice3A_678 = vector.extract_strided_slice %get3A_350 {offsets = [7], sizes = [1], strides = [1]} : vector<16xf32> to vector<1xf32>
        %squeeze3A_679 = vector.extract %slice3A_678[0] : f32 from vector<1xf32>
        %broadcast_in_dim3A_680 = vector.broadcast %squeeze3A_679 : f32 to vector<16xf32>
        %mul3A_681 = arith.constant 2 : i32
        %mul3A_682 = arith.muli %mul3A_681, %scan3A_342 : i32
        %add3A_683 = arith.constant 0 : i32
        %add3A_684 = arith.addi %mul3A_682, %add3A_683 : i32
        %mul3A_685 = arith.constant 16 : i32
        %mul3A_686 = arith.muli %add3A_684, %mul3A_685 : i32
        %add3A_687 = arith.constant 7 : i32
        %add3A_688 = arith.addi %mul3A_686, %add3A_687 : i32
        %get3A_689 = arith.index_cast %add3A_688 : i32 to index
        %get3A_690 = arith.constant 0 : index
        %get3A_691 = tpu.vector_load %arg13[%get3A_689, %get3A_690] {strides = array<i32>} : memref<128x64xbf16, #tpu.memory_space<vmem>>, vector<32xbf16>,
        %bitcast3A_692 = vector.bitcast %get3A_691 : vector<32xbf16> to vector<16xi32>
        %shift_left3A_693 = arith.constant 16 : i32
        %shift_left3A_694 = vector.broadcast %shift_left3A_693 : i32 to vector<16xi32>
        %shift_left3A_695 = arith.shli %bitcast3A_692, %shift_left3A_694 : vector<16xi32>
        %bitcast3A_696 = vector.bitcast %shift_left3A_695 : vector<16xi32> to vector<16xf32>
        %and3A_697 = arith.andi %bitcast3A_692, %broadcast_in_dim3A_65 : vector<16xi32>
        %bitcast3A_698 = vector.bitcast %and3A_697 : vector<16xi32> to vector<16xf32>
        %mul3A_699 = arith.mulf %bitcast3A_696, %broadcast_in_dim3A_680 : vector<16xf32>
        %swap3A_700 = arith.index_cast %add3A_688 : i32 to index
        %swap3A_701 = arith.constant 0 : index
        %swap3A_702 = tpu.vector_load %arg15[%swap3A_700, %swap3A_701] {strides = array<i32>} : memref<128x64xf32, #tpu.memory_space<vmem>>, vector<16xf32>,
        tpu.vector_store %arg15[%swap3A_700, %swap3A_701], %mul3A_699 {strides = array<i32>} : memref<128x64xf32, #tpu.memory_space<vmem>>, vector<16xf32>,
        %mul3A_703 = arith.mulf %bitcast3A_698, %broadcast_in_dim3A_680 : vector<16xf32>
        %swap3A_704 = arith.index_cast %add3A_688 : i32 to index
        %swap3A_705 = arith.constant 16 : index
        %swap3A_706 = tpu.vector_load %arg15[%swap3A_704, %swap3A_705] {strides = array<i32>} : memref<128x64xf32, #tpu.memory_space<vmem>>, vector<16xf32>,
        tpu.vector_store %arg15[%swap3A_704, %swap3A_705], %mul3A_703 {strides = array<i32>} : memref<128x64xf32, #tpu.memory_space<vmem>>, vector<16xf32>,
        %get3A_707 = arith.index_cast %add3A_688 : i32 to index
        %get3A_708 = arith.constant 32 : index
        %get3A_709 = tpu.vector_load %arg13[%get3A_707, %get3A_708] {strides = array<i32>} : memref<128x64xbf16, #tpu.memory_space<vmem>>, vector<32xbf16>,
        %bitcast3A_710 = vector.bitcast %get3A_709 : vector<32xbf16> to vector<16xi32>
        %shift_left3A_711 = arith.constant 16 : i32
        %shift_left3A_712 = vector.broadcast %shift_left3A_711 : i32 to vector<16xi32>
        %shift_left3A_713 = arith.shli %bitcast3A_710, %shift_left3A_712 : vector<16xi32>
        %bitcast3A_714 = vector.bitcast %shift_left3A_713 : vector<16xi32> to vector<16xf32>
        %and3A_715 = arith.andi %bitcast3A_710, %broadcast_in_dim3A_65 : vector<16xi32>
        %bitcast3A_716 = vector.bitcast %and3A_715 : vector<16xi32> to vector<16xf32>
        %mul3A_717 = arith.mulf %bitcast3A_714, %broadcast_in_dim3A_680 : vector<16xf32>
        %swap3A_718 = arith.index_cast %add3A_688 : i32 to index
        %swap3A_719 = arith.constant 32 : index
        %swap3A_720 = tpu.vector_load %arg15[%swap3A_718, %swap3A_719] {strides = array<i32>} : memref<128x64xf32, #tpu.memory_space<vmem>>, vector<16xf32>,
        tpu.vector_store %arg15[%swap3A_718, %swap3A_719], %mul3A_717 {strides = array<i32>} : memref<128x64xf32, #tpu.memory_space<vmem>>, vector<16xf32>,
        %mul3A_721 = arith.mulf %bitcast3A_716, %broadcast_in_dim3A_680 : vector<16xf32>
        %swap3A_722 = arith.index_cast %add3A_688 : i32 to index
        %swap3A_723 = arith.constant 48 : index
        %swap3A_724 = tpu.vector_load %arg15[%swap3A_722, %swap3A_723] {strides = array<i32>} : memref<128x64xf32, #tpu.memory_space<vmem>>, vector<16xf32>,
        tpu.vector_store %arg15[%swap3A_722, %swap3A_723], %mul3A_721 {strides = array<i32>} : memref<128x64xf32, #tpu.memory_space<vmem>>, vector<16xf32>,
        %slice3A_725 = vector.extract_strided_slice %get3A_350 {offsets = [8], sizes = [1], strides = [1]} : vector<16xf32> to vector<1xf32>
        %squeeze3A_726 = vector.extract %slice3A_725[0] : f32 from vector<1xf32>
        %broadcast_in_dim3A_727 = vector.broadcast %squeeze3A_726 : f32 to vector<16xf32>
        %mul3A_728 = arith.constant 2 : i32
        %mul3A_729 = arith.muli %mul3A_728, %scan3A_342 : i32
        %add3A_730 = arith.constant 0 : i32
        %add3A_731 = arith.addi %mul3A_729, %add3A_730 : i32
        %mul3A_732 = arith.constant 16 : i32
        %mul3A_733 = arith.muli %add3A_731, %mul3A_732 : i32
        %add3A_734 = arith.constant 8 : i32
        %add3A_735 = arith.addi %mul3A_733, %add3A_734 : i32
        %get3A_736 = arith.index_cast %add3A_735 : i32 to index
        %get3A_737 = arith.constant 0 : index
        %get3A_738 = tpu.vector_load %arg13[%get3A_736, %get3A_737] {strides = array<i32>} : memref<128x64xbf16, #tpu.memory_space<vmem>>, vector<32xbf16>,
        %bitcast3A_739 = vector.bitcast %get3A_738 : vector<32xbf16> to vector<16xi32>
        %shift_left3A_740 = arith.constant 16 : i32
        %shift_left3A_741 = vector.broadcast %shift_left3A_740 : i32 to vector<16xi32>
        %shift_left3A_742 = arith.shli %bitcast3A_739, %shift_left3A_741 : vector<16xi32>
        %bitcast3A_743 = vector.bitcast %shift_left3A_742 : vector<16xi32> to vector<16xf32>
        %and3A_744 = arith.andi %bitcast3A_739, %broadcast_in_dim3A_65 : vector<16xi32>
        %bitcast3A_745 = vector.bitcast %and3A_744 : vector<16xi32> to vector<16xf32>
        %mul3A_746 = arith.mulf %bitcast3A_743, %broadcast_in_dim3A_727 : vector<16xf32>
        %swap3A_747 = arith.index_cast %add3A_735 : i32 to index
        %swap3A_748 = arith.constant 0 : index
        %swap3A_749 = tpu.vector_load %arg15[%swap3A_747, %swap3A_748] {strides = array<i32>} : memref<128x64xf32, #tpu.memory_space<vmem>>, vector<16xf32>,
        tpu.vector_store %arg15[%swap3A_747, %swap3A_748], %mul3A_746 {strides = array<i32>} : memref<128x64xf32, #tpu.memory_space<vmem>>, vector<16xf32>,
        %mul3A_750 = arith.mulf %bitcast3A_745, %broadcast_in_dim3A_727 : vector<16xf32>
        %swap3A_751 = arith.index_cast %add3A_735 : i32 to index
        %swap3A_752 = arith.constant 16 : index
        %swap3A_753 = tpu.vector_load %arg15[%swap3A_751, %swap3A_752] {strides = array<i32>} : memref<128x64xf32, #tpu.memory_space<vmem>>, vector<16xf32>,
        tpu.vector_store %arg15[%swap3A_751, %swap3A_752], %mul3A_750 {strides = array<i32>} : memref<128x64xf32, #tpu.memory_space<vmem>>, vector<16xf32>,
        %get3A_754 = arith.index_cast %add3A_735 : i32 to index
        %get3A_755 = arith.constant 32 : index
        %get3A_756 = tpu.vector_load %arg13[%get3A_754, %get3A_755] {strides = array<i32>} : memref<128x64xbf16, #tpu.memory_space<vmem>>, vector<32xbf16>,
        %bitcast3A_757 = vector.bitcast %get3A_756 : vector<32xbf16> to vector<16xi32>
        %shift_left3A_758 = arith.constant 16 : i32
        %shift_left3A_759 = vector.broadcast %shift_left3A_758 : i32 to vector<16xi32>
        %shift_left3A_760 = arith.shli %bitcast3A_757, %shift_left3A_759 : vector<16xi32>
        %bitcast3A_761 = vector.bitcast %shift_left3A_760 : vector<16xi32> to vector<16xf32>
        %and3A_762 = arith.andi %bitcast3A_757, %broadcast_in_dim3A_65 : vector<16xi32>
        %bitcast3A_763 = vector.bitcast %and3A_762 : vector<16xi32> to vector<16xf32>
        %mul3A_764 = arith.mulf %bitcast3A_761, %broadcast_in_dim3A_727 : vector<16xf32>
        %swap3A_765 = arith.index_cast %add3A_735 : i32 to index
        %swap3A_766 = arith.constant 32 : index
        %swap3A_767 = tpu.vector_load %arg15[%swap3A_765, %swap3A_766] {strides = array<i32>} : memref<128x64xf32, #tpu.memory_space<vmem>>, vector<16xf32>,
        tpu.vector_store %arg15[%swap3A_765, %swap3A_766], %mul3A_764 {strides = array<i32>} : memref<128x64xf32, #tpu.memory_space<vmem>>, vector<16xf32>,
        %mul3A_768 = arith.mulf %bitcast3A_763, %broadcast_in_dim3A_727 : vector<16xf32>
        %swap3A_769 = arith.index_cast %add3A_735 : i32 to index
        %swap3A_770 = arith.constant 48 : index
        %swap3A_771 = tpu.vector_load %arg15[%swap3A_769, %swap3A_770] {strides = array<i32>} : memref<128x64xf32, #tpu.memory_space<vmem>>, vector<16xf32>,
        tpu.vector_store %arg15[%swap3A_769, %swap3A_770], %mul3A_768 {strides = array<i32>} : memref<128x64xf32, #tpu.memory_space<vmem>>, vector<16xf32>,
        %slice3A_772 = vector.extract_strided_slice %get3A_350 {offsets = [9], sizes = [1], strides = [1]} : vector<16xf32> to vector<1xf32>
        %squeeze3A_773 = vector.extract %slice3A_772[0] : f32 from vector<1xf32>
        %broadcast_in_dim3A_774 = vector.broadcast %squeeze3A_773 : f32 to vector<16xf32>
        %mul3A_775 = arith.constant 2 : i32
        %mul3A_776 = arith.muli %mul3A_775, %scan3A_342 : i32
        %add3A_777 = arith.constant 0 : i32
        %add3A_778 = arith.addi %mul3A_776, %add3A_777 : i32
        %mul3A_779 = arith.constant 16 : i32
        %mul3A_780 = arith.muli %add3A_778, %mul3A_779 : i32
        %add3A_781 = arith.constant 9 : i32
        %add3A_782 = arith.addi %mul3A_780, %add3A_781 : i32
        %get3A_783 = arith.index_cast %add3A_782 : i32 to index
        %get3A_784 = arith.constant 0 : index
        %get3A_785 = tpu.vector_load %arg13[%get3A_783, %get3A_784] {strides = array<i32>} : memref<128x64xbf16, #tpu.memory_space<vmem>>, vector<32xbf16>,
        %bitcast3A_786 = vector.bitcast %get3A_785 : vector<32xbf16> to vector<16xi32>
        %shift_left3A_787 = arith.constant 16 : i32
        %shift_left3A_788 = vector.broadcast %shift_left3A_787 : i32 to vector<16xi32>
        %shift_left3A_789 = arith.shli %bitcast3A_786, %shift_left3A_788 : vector<16xi32>
        %bitcast3A_790 = vector.bitcast %shift_left3A_789 : vector<16xi32> to vector<16xf32>
        %and3A_791 = arith.andi %bitcast3A_786, %broadcast_in_dim3A_65 : vector<16xi32>
        %bitcast3A_792 = vector.bitcast %and3A_791 : vector<16xi32> to vector<16xf32>
        %mul3A_793 = arith.mulf %bitcast3A_790, %broadcast_in_dim3A_774 : vector<16xf32>
        %swap3A_794 = arith.index_cast %add3A_782 : i32 to index
        %swap3A_795 = arith.constant 0 : index
        %swap3A_796 = tpu.vector_load %arg15[%swap3A_794, %swap3A_795] {strides = array<i32>} : memref<128x64xf32, #tpu.memory_space<vmem>>, vector<16xf32>,
        tpu.vector_store %arg15[%swap3A_794, %swap3A_795], %mul3A_793 {strides = array<i32>} : memref<128x64xf32, #tpu.memory_space<vmem>>, vector<16xf32>,
        %mul3A_797 = arith.mulf %bitcast3A_792, %broadcast_in_dim3A_774 : vector<16xf32>
        %swap3A_798 = arith.index_cast %add3A_782 : i32 to index
        %swap3A_799 = arith.constant 16 : index
        %swap3A_800 = tpu.vector_load %arg15[%swap3A_798, %swap3A_799] {strides = array<i32>} : memref<128x64xf32, #tpu.memory_space<vmem>>, vector<16xf32>,
        tpu.vector_store %arg15[%swap3A_798, %swap3A_799], %mul3A_797 {strides = array<i32>} : memref<128x64xf32, #tpu.memory_space<vmem>>, vector<16xf32>,
        %get3A_801 = arith.index_cast %add3A_782 : i32 to index
        %get3A_802 = arith.constant 32 : index
        %get3A_803 = tpu.vector_load %arg13[%get3A_801, %get3A_802] {strides = array<i32>} : memref<128x64xbf16, #tpu.memory_space<vmem>>, vector<32xbf16>,
        %bitcast3A_804 = vector.bitcast %get3A_803 : vector<32xbf16> to vector<16xi32>
        %shift_left3A_805 = arith.constant 16 : i32
        %shift_left3A_806 = vector.broadcast %shift_left3A_805 : i32 to vector<16xi32>
        %shift_left3A_807 = arith.shli %bitcast3A_804, %shift_left3A_806 : vector<16xi32>
        %bitcast3A_808 = vector.bitcast %shift_left3A_807 : vector<16xi32> to vector<16xf32>
        %and3A_809 = arith.andi %bitcast3A_804, %broadcast_in_dim3A_65 : vector<16xi32>
        %bitcast3A_810 = vector.bitcast %and3A_809 : vector<16xi32> to vector<16xf32>
        %mul3A_811 = arith.mulf %bitcast3A_808, %broadcast_in_dim3A_774 : vector<16xf32>
        %swap3A_812 = arith.index_cast %add3A_782 : i32 to index
        %swap3A_813 = arith.constant 32 : index
        %swap3A_814 = tpu.vector_load %arg15[%swap3A_812, %swap3A_813] {strides = array<i32>} : memref<128x64xf32, #tpu.memory_space<vmem>>, vector<16xf32>,
        tpu.vector_store %arg15[%swap3A_812, %swap3A_813], %mul3A_811 {strides = array<i32>} : memref<128x64xf32, #tpu.memory_space<vmem>>, vector<16xf32>,
        %mul3A_815 = arith.mulf %bitcast3A_810, %broadcast_in_dim3A_774 : vector<16xf32>
        %swap3A_816 = arith.index_cast %add3A_782 : i32 to index
        %swap3A_817 = arith.constant 48 : index
        %swap3A_818 = tpu.vector_load %arg15[%swap3A_816, %swap3A_817] {strides = array<i32>} : memref<128x64xf32, #tpu.memory_space<vmem>>, vector<16xf32>,
        tpu.vector_store %arg15[%swap3A_816, %swap3A_817], %mul3A_815 {strides = array<i32>} : memref<128x64xf32, #tpu.memory_space<vmem>>, vector<16xf32>,
        %slice3A_819 = vector.extract_strided_slice %get3A_350 {offsets = [10], sizes = [1], strides = [1]} : vector<16xf32> to vector<1xf32>
        %squeeze3A_820 = vector.extract %slice3A_819[0] : f32 from vector<1xf32>
        %broadcast_in_dim3A_821 = vector.broadcast %squeeze3A_820 : f32 to vector<16xf32>
        %mul3A_822 = arith.constant 2 : i32
        %mul3A_823 = arith.muli %mul3A_822, %scan3A_342 : i32
        %add3A_824 = arith.constant 0 : i32
        %add3A_825 = arith.addi %mul3A_823, %add3A_824 : i32
        %mul3A_826 = arith.constant 16 : i32
        %mul3A_827 = arith.muli %add3A_825, %mul3A_826 : i32
        %add3A_828 = arith.constant 10 : i32
        %add3A_829 = arith.addi %mul3A_827, %add3A_828 : i32
        %get3A_830 = arith.index_cast %add3A_829 : i32 to index
        %get3A_831 = arith.constant 0 : index
        %get3A_832 = tpu.vector_load %arg13[%get3A_830, %get3A_831] {strides = array<i32>} : memref<128x64xbf16, #tpu.memory_space<vmem>>, vector<32xbf16>,
        %bitcast3A_833 = vector.bitcast %get3A_832 : vector<32xbf16> to vector<16xi32>
        %shift_left3A_834 = arith.constant 16 : i32
        %shift_left3A_835 = vector.broadcast %shift_left3A_834 : i32 to vector<16xi32>
        %shift_left3A_836 = arith.shli %bitcast3A_833, %shift_left3A_835 : vector<16xi32>
        %bitcast3A_837 = vector.bitcast %shift_left3A_836 : vector<16xi32> to vector<16xf32>
        %and3A_838 = arith.andi %bitcast3A_833, %broadcast_in_dim3A_65 : vector<16xi32>
        %bitcast3A_839 = vector.bitcast %and3A_838 : vector<16xi32> to vector<16xf32>
        %mul3A_840 = arith.mulf %bitcast3A_837, %broadcast_in_dim3A_821 : vector<16xf32>
        %swap3A_841 = arith.index_cast %add3A_829 : i32 to index
        %swap3A_842 = arith.constant 0 : index
        %swap3A_843 = tpu.vector_load %arg15[%swap3A_841, %swap3A_842] {strides = array<i32>} : memref<128x64xf32, #tpu.memory_space<vmem>>, vector<16xf32>,
        tpu.vector_store %arg15[%swap3A_841, %swap3A_842], %mul3A_840 {strides = array<i32>} : memref<128x64xf32, #tpu.memory_space<vmem>>, vector<16xf32>,
        %mul3A_844 = arith.mulf %bitcast3A_839, %broadcast_in_dim3A_821 : vector<16xf32>
        %swap3A_845 = arith.index_cast %add3A_829 : i32 to index
        %swap3A_846 = arith.constant 16 : index
        %swap3A_847 = tpu.vector_load %arg15[%swap3A_845, %swap3A_846] {strides = array<i32>} : memref<128x64xf32, #tpu.memory_space<vmem>>, vector<16xf32>,
        tpu.vector_store %arg15[%swap3A_845, %swap3A_846], %mul3A_844 {strides = array<i32>} : memref<128x64xf32, #tpu.memory_space<vmem>>, vector<16xf32>,
        %get3A_848 = arith.index_cast %add3A_829 : i32 to index
        %get3A_849 = arith.constant 32 : index
        %get3A_850 = tpu.vector_load %arg13[%get3A_848, %get3A_849] {strides = array<i32>} : memref<128x64xbf16, #tpu.memory_space<vmem>>, vector<32xbf16>,
        %bitcast3A_851 = vector.bitcast %get3A_850 : vector<32xbf16> to vector<16xi32>
        %shift_left3A_852 = arith.constant 16 : i32
        %shift_left3A_853 = vector.broadcast %shift_left3A_852 : i32 to vector<16xi32>
        %shift_left3A_854 = arith.shli %bitcast3A_851, %shift_left3A_853 : vector<16xi32>
        %bitcast3A_855 = vector.bitcast %shift_left3A_854 : vector<16xi32> to vector<16xf32>
        %and3A_856 = arith.andi %bitcast3A_851, %broadcast_in_dim3A_65 : vector<16xi32>
        %bitcast3A_857 = vector.bitcast %and3A_856 : vector<16xi32> to vector<16xf32>
        %mul3A_858 = arith.mulf %bitcast3A_855, %broadcast_in_dim3A_821 : vector<16xf32>
        %swap3A_859 = arith.index_cast %add3A_829 : i32 to index
        %swap3A_860 = arith.constant 32 : index
        %swap3A_861 = tpu.vector_load %arg15[%swap3A_859, %swap3A_860] {strides = array<i32>} : memref<128x64xf32, #tpu.memory_space<vmem>>, vector<16xf32>,
        tpu.vector_store %arg15[%swap3A_859, %swap3A_860], %mul3A_858 {strides = array<i32>} : memref<128x64xf32, #tpu.memory_space<vmem>>, vector<16xf32>,
        %mul3A_862 = arith.mulf %bitcast3A_857, %broadcast_in_dim3A_821 : vector<16xf32>
        %swap3A_863 = arith.index_cast %add3A_829 : i32 to index
        %swap3A_864 = arith.constant 48 : index
        %swap3A_865 = tpu.vector_load %arg15[%swap3A_863, %swap3A_864] {strides = array<i32>} : memref<128x64xf32, #tpu.memory_space<vmem>>, vector<16xf32>,
        tpu.vector_store %arg15[%swap3A_863, %swap3A_864], %mul3A_862 {strides = array<i32>} : memref<128x64xf32, #tpu.memory_space<vmem>>, vector<16xf32>,
        %slice3A_866 = vector.extract_strided_slice %get3A_350 {offsets = [11], sizes = [1], strides = [1]} : vector<16xf32> to vector<1xf32>
        %squeeze3A_867 = vector.extract %slice3A_866[0] : f32 from vector<1xf32>
        %broadcast_in_dim3A_868 = vector.broadcast %squeeze3A_867 : f32 to vector<16xf32>
        %mul3A_869 = arith.constant 2 : i32
        %mul3A_870 = arith.muli %mul3A_869, %scan3A_342 : i32
        %add3A_871 = arith.constant 0 : i32
        %add3A_872 = arith.addi %mul3A_870, %add3A_871 : i32
        %mul3A_873 = arith.constant 16 : i32
        %mul3A_874 = arith.muli %add3A_872, %mul3A_873 : i32
        %add3A_875 = arith.constant 11 : i32
        %add3A_876 = arith.addi %mul3A_874, %add3A_875 : i32
        %get3A_877 = arith.index_cast %add3A_876 : i32 to index
        %get3A_878 = arith.constant 0 : index
        %get3A_879 = tpu.vector_load %arg13[%get3A_877, %get3A_878] {strides = array<i32>} : memref<128x64xbf16, #tpu.memory_space<vmem>>, vector<32xbf16>,
        %bitcast3A_880 = vector.bitcast %get3A_879 : vector<32xbf16> to vector<16xi32>
        %shift_left3A_881 = arith.constant 16 : i32
        %shift_left3A_882 = vector.broadcast %shift_left3A_881 : i32 to vector<16xi32>
        %shift_left3A_883 = arith.shli %bitcast3A_880, %shift_left3A_882 : vector<16xi32>
        %bitcast3A_884 = vector.bitcast %shift_left3A_883 : vector<16xi32> to vector<16xf32>
        %and3A_885 = arith.andi %bitcast3A_880, %broadcast_in_dim3A_65 : vector<16xi32>
        %bitcast3A_886 = vector.bitcast %and3A_885 : vector<16xi32> to vector<16xf32>
        %mul3A_887 = arith.mulf %bitcast3A_884, %broadcast_in_dim3A_868 : vector<16xf32>
        %swap3A_888 = arith.index_cast %add3A_876 : i32 to index
        %swap3A_889 = arith.constant 0 : index
        %swap3A_890 = tpu.vector_load %arg15[%swap3A_888, %swap3A_889] {strides = array<i32>} : memref<128x64xf32, #tpu.memory_space<vmem>>, vector<16xf32>,
        tpu.vector_store %arg15[%swap3A_888, %swap3A_889], %mul3A_887 {strides = array<i32>} : memref<128x64xf32, #tpu.memory_space<vmem>>, vector<16xf32>,
        %mul3A_891 = arith.mulf %bitcast3A_886, %broadcast_in_dim3A_868 : vector<16xf32>
        %swap3A_892 = arith.index_cast %add3A_876 : i32 to index
        %swap3A_893 = arith.constant 16 : index
        %swap3A_894 = tpu.vector_load %arg15[%swap3A_892, %swap3A_893] {strides = array<i32>} : memref<128x64xf32, #tpu.memory_space<vmem>>, vector<16xf32>,
        tpu.vector_store %arg15[%swap3A_892, %swap3A_893], %mul3A_891 {strides = array<i32>} : memref<128x64xf32, #tpu.memory_space<vmem>>, vector<16xf32>,
        %get3A_895 = arith.index_cast %add3A_876 : i32 to index
        %get3A_896 = arith.constant 32 : index
        %get3A_897 = tpu.vector_load %arg13[%get3A_895, %get3A_896] {strides = array<i32>} : memref<128x64xbf16, #tpu.memory_space<vmem>>, vector<32xbf16>,
        %bitcast3A_898 = vector.bitcast %get3A_897 : vector<32xbf16> to vector<16xi32>
        %shift_left3A_899 = arith.constant 16 : i32
        %shift_left3A_900 = vector.broadcast %shift_left3A_899 : i32 to vector<16xi32>
        %shift_left3A_901 = arith.shli %bitcast3A_898, %shift_left3A_900 : vector<16xi32>
        %bitcast3A_902 = vector.bitcast %shift_left3A_901 : vector<16xi32> to vector<16xf32>
        %and3A_903 = arith.andi %bitcast3A_898, %broadcast_in_dim3A_65 : vector<16xi32>
        %bitcast3A_904 = vector.bitcast %and3A_903 : vector<16xi32> to vector<16xf32>
        %mul3A_905 = arith.mulf %bitcast3A_902, %broadcast_in_dim3A_868 : vector<16xf32>
        %swap3A_906 = arith.index_cast %add3A_876 : i32 to index
        %swap3A_907 = arith.constant 32 : index
        %swap3A_908 = tpu.vector_load %arg15[%swap3A_906, %swap3A_907] {strides = array<i32>} : memref<128x64xf32, #tpu.memory_space<vmem>>, vector<16xf32>,
        tpu.vector_store %arg15[%swap3A_906, %swap3A_907], %mul3A_905 {strides = array<i32>} : memref<128x64xf32, #tpu.memory_space<vmem>>, vector<16xf32>,
        %mul3A_909 = arith.mulf %bitcast3A_904, %broadcast_in_dim3A_868 : vector<16xf32>
        %swap3A_910 = arith.index_cast %add3A_876 : i32 to index
        %swap3A_911 = arith.constant 48 : index
        %swap3A_912 = tpu.vector_load %arg15[%swap3A_910, %swap3A_911] {strides = array<i32>} : memref<128x64xf32, #tpu.memory_space<vmem>>, vector<16xf32>,
        tpu.vector_store %arg15[%swap3A_910, %swap3A_911], %mul3A_909 {strides = array<i32>} : memref<128x64xf32, #tpu.memory_space<vmem>>, vector<16xf32>,
        %slice3A_913 = vector.extract_strided_slice %get3A_350 {offsets = [12], sizes = [1], strides = [1]} : vector<16xf32> to vector<1xf32>
        %squeeze3A_914 = vector.extract %slice3A_913[0] : f32 from vector<1xf32>
        %broadcast_in_dim3A_915 = vector.broadcast %squeeze3A_914 : f32 to vector<16xf32>
        %mul3A_916 = arith.constant 2 : i32
        %mul3A_917 = arith.muli %mul3A_916, %scan3A_342 : i32
        %add3A_918 = arith.constant 0 : i32
        %add3A_919 = arith.addi %mul3A_917, %add3A_918 : i32
        %mul3A_920 = arith.constant 16 : i32
        %mul3A_921 = arith.muli %add3A_919, %mul3A_920 : i32
        %add3A_922 = arith.constant 12 : i32
        %add3A_923 = arith.addi %mul3A_921, %add3A_922 : i32
        %get3A_924 = arith.index_cast %add3A_923 : i32 to index
        %get3A_925 = arith.constant 0 : index
        %get3A_926 = tpu.vector_load %arg13[%get3A_924, %get3A_925] {strides = array<i32>} : memref<128x64xbf16, #tpu.memory_space<vmem>>, vector<32xbf16>,
        %bitcast3A_927 = vector.bitcast %get3A_926 : vector<32xbf16> to vector<16xi32>
        %shift_left3A_928 = arith.constant 16 : i32
        %shift_left3A_929 = vector.broadcast %shift_left3A_928 : i32 to vector<16xi32>
        %shift_left3A_930 = arith.shli %bitcast3A_927, %shift_left3A_929 : vector<16xi32>
        %bitcast3A_931 = vector.bitcast %shift_left3A_930 : vector<16xi32> to vector<16xf32>
        %and3A_932 = arith.andi %bitcast3A_927, %broadcast_in_dim3A_65 : vector<16xi32>
        %bitcast3A_933 = vector.bitcast %and3A_932 : vector<16xi32> to vector<16xf32>
        %mul3A_934 = arith.mulf %bitcast3A_931, %broadcast_in_dim3A_915 : vector<16xf32>
        %swap3A_935 = arith.index_cast %add3A_923 : i32 to index
        %swap3A_936 = arith.constant 0 : index
        %swap3A_937 = tpu.vector_load %arg15[%swap3A_935, %swap3A_936] {strides = array<i32>} : memref<128x64xf32, #tpu.memory_space<vmem>>, vector<16xf32>,
        tpu.vector_store %arg15[%swap3A_935, %swap3A_936], %mul3A_934 {strides = array<i32>} : memref<128x64xf32, #tpu.memory_space<vmem>>, vector<16xf32>,
        %mul3A_938 = arith.mulf %bitcast3A_933, %broadcast_in_dim3A_915 : vector<16xf32>
        %swap3A_939 = arith.index_cast %add3A_923 : i32 to index
        %swap3A_940 = arith.constant 16 : index
        %swap3A_941 = tpu.vector_load %arg15[%swap3A_939, %swap3A_940] {strides = array<i32>} : memref<128x64xf32, #tpu.memory_space<vmem>>, vector<16xf32>,
        tpu.vector_store %arg15[%swap3A_939, %swap3A_940], %mul3A_938 {strides = array<i32>} : memref<128x64xf32, #tpu.memory_space<vmem>>, vector<16xf32>,
        %get3A_942 = arith.index_cast %add3A_923 : i32 to index
        %get3A_943 = arith.constant 32 : index
        %get3A_944 = tpu.vector_load %arg13[%get3A_942, %get3A_943] {strides = array<i32>} : memref<128x64xbf16, #tpu.memory_space<vmem>>, vector<32xbf16>,
        %bitcast3A_945 = vector.bitcast %get3A_944 : vector<32xbf16> to vector<16xi32>
        %shift_left3A_946 = arith.constant 16 : i32
        %shift_left3A_947 = vector.broadcast %shift_left3A_946 : i32 to vector<16xi32>
        %shift_left3A_948 = arith.shli %bitcast3A_945, %shift_left3A_947 : vector<16xi32>
        %bitcast3A_949 = vector.bitcast %shift_left3A_948 : vector<16xi32> to vector<16xf32>
        %and3A_950 = arith.andi %bitcast3A_945, %broadcast_in_dim3A_65 : vector<16xi32>
        %bitcast3A_951 = vector.bitcast %and3A_950 : vector<16xi32> to vector<16xf32>
        %mul3A_952 = arith.mulf %bitcast3A_949, %broadcast_in_dim3A_915 : vector<16xf32>
        %swap3A_953 = arith.index_cast %add3A_923 : i32 to index
        %swap3A_954 = arith.constant 32 : index
        %swap3A_955 = tpu.vector_load %arg15[%swap3A_953, %swap3A_954] {strides = array<i32>} : memref<128x64xf32, #tpu.memory_space<vmem>>, vector<16xf32>,
        tpu.vector_store %arg15[%swap3A_953, %swap3A_954], %mul3A_952 {strides = array<i32>} : memref<128x64xf32, #tpu.memory_space<vmem>>, vector<16xf32>,
        %mul3A_956 = arith.mulf %bitcast3A_951, %broadcast_in_dim3A_915 : vector<16xf32>
        %swap3A_957 = arith.index_cast %add3A_923 : i32 to index
        %swap3A_958 = arith.constant 48 : index
        %swap3A_959 = tpu.vector_load %arg15[%swap3A_957, %swap3A_958] {strides = array<i32>} : memref<128x64xf32, #tpu.memory_space<vmem>>, vector<16xf32>,
        tpu.vector_store %arg15[%swap3A_957, %swap3A_958], %mul3A_956 {strides = array<i32>} : memref<128x64xf32, #tpu.memory_space<vmem>>, vector<16xf32>,
        %slice3A_960 = vector.extract_strided_slice %get3A_350 {offsets = [13], sizes = [1], strides = [1]} : vector<16xf32> to vector<1xf32>
        %squeeze3A_961 = vector.extract %slice3A_960[0] : f32 from vector<1xf32>
        %broadcast_in_dim3A_962 = vector.broadcast %squeeze3A_961 : f32 to vector<16xf32>
        %mul3A_963 = arith.constant 2 : i32
        %mul3A_964 = arith.muli %mul3A_963, %scan3A_342 : i32
        %add3A_965 = arith.constant 0 : i32
        %add3A_966 = arith.addi %mul3A_964, %add3A_965 : i32
        %mul3A_967 = arith.constant 16 : i32
        %mul3A_968 = arith.muli %add3A_966, %mul3A_967 : i32
        %add3A_969 = arith.constant 13 : i32
        %add3A_970 = arith.addi %mul3A_968, %add3A_969 : i32
        %get3A_971 = arith.index_cast %add3A_970 : i32 to index
        %get3A_972 = arith.constant 0 : index
        %get3A_973 = tpu.vector_load %arg13[%get3A_971, %get3A_972] {strides = array<i32>} : memref<128x64xbf16, #tpu.memory_space<vmem>>, vector<32xbf16>,
        %bitcast3A_974 = vector.bitcast %get3A_973 : vector<32xbf16> to vector<16xi32>
        %shift_left3A_975 = arith.constant 16 : i32
        %shift_left3A_976 = vector.broadcast %shift_left3A_975 : i32 to vector<16xi32>
        %shift_left3A_977 = arith.shli %bitcast3A_974, %shift_left3A_976 : vector<16xi32>
        %bitcast3A_978 = vector.bitcast %shift_left3A_977 : vector<16xi32> to vector<16xf32>
        %and3A_979 = arith.andi %bitcast3A_974, %broadcast_in_dim3A_65 : vector<16xi32>
        %bitcast3A_980 = vector.bitcast %and3A_979 : vector<16xi32> to vector<16xf32>
        %mul3A_981 = arith.mulf %bitcast3A_978, %broadcast_in_dim3A_962 : vector<16xf32>
        %swap3A_982 = arith.index_cast %add3A_970 : i32 to index
        %swap3A_983 = arith.constant 0 : index
        %swap3A_984 = tpu.vector_load %arg15[%swap3A_982, %swap3A_983] {strides = array<i32>} : memref<128x64xf32, #tpu.memory_space<vmem>>, vector<16xf32>,
        tpu.vector_store %arg15[%swap3A_982, %swap3A_983], %mul3A_981 {strides = array<i32>} : memref<128x64xf32, #tpu.memory_space<vmem>>, vector<16xf32>,
        %mul3A_985 = arith.mulf %bitcast3A_980, %broadcast_in_dim3A_962 : vector<16xf32>
        %swap3A_986 = arith.index_cast %add3A_970 : i32 to index
        %swap3A_987 = arith.constant 16 : index
        %swap3A_988 = tpu.vector_load %arg15[%swap3A_986, %swap3A_987] {strides = array<i32>} : memref<128x64xf32, #tpu.memory_space<vmem>>, vector<16xf32>,
        tpu.vector_store %arg15[%swap3A_986, %swap3A_987], %mul3A_985 {strides = array<i32>} : memref<128x64xf32, #tpu.memory_space<vmem>>, vector<16xf32>,
        %get3A_989 = arith.index_cast %add3A_970 : i32 to index
        %get3A_990 = arith.constant 32 : index
        %get3A_991 = tpu.vector_load %arg13[%get3A_989, %get3A_990] {strides = array<i32>} : memref<128x64xbf16, #tpu.memory_space<vmem>>, vector<32xbf16>,
        %bitcast3A_992 = vector.bitcast %get3A_991 : vector<32xbf16> to vector<16xi32>
        %shift_left3A_993 = arith.constant 16 : i32
        %shift_left3A_994 = vector.broadcast %shift_left3A_993 : i32 to vector<16xi32>
        %shift_left3A_995 = arith.shli %bitcast3A_992, %shift_left3A_994 : vector<16xi32>
        %bitcast3A_996 = vector.bitcast %shift_left3A_995 : vector<16xi32> to vector<16xf32>
        %and3A_997 = arith.andi %bitcast3A_992, %broadcast_in_dim3A_65 : vector<16xi32>
        %bitcast3A_998 = vector.bitcast %and3A_997 : vector<16xi32> to vector<16xf32>
        %mul3A_999 = arith.mulf %bitcast3A_996, %broadcast_in_dim3A_962 : vector<16xf32>
        %swap3A_1000 = arith.index_cast %add3A_970 : i32 to index
        %swap3A_1001 = arith.constant 32 : index
        %swap3A_1002 = tpu.vector_load %arg15[%swap3A_1000, %swap3A_1001] {strides = array<i32>} : memref<128x64xf32, #tpu.memory_space<vmem>>, vector<16xf32>,
        tpu.vector_store %arg15[%swap3A_1000, %swap3A_1001], %mul3A_999 {strides = array<i32>} : memref<128x64xf32, #tpu.memory_space<vmem>>, vector<16xf32>,
        %mul3A_1003 = arith.mulf %bitcast3A_998, %broadcast_in_dim3A_962 : vector<16xf32>
        %swap3A_1004 = arith.index_cast %add3A_970 : i32 to index
        %swap3A_1005 = arith.constant 48 : index
        %swap3A_1006 = tpu.vector_load %arg15[%swap3A_1004, %swap3A_1005] {strides = array<i32>} : memref<128x64xf32, #tpu.memory_space<vmem>>, vector<16xf32>,
        tpu.vector_store %arg15[%swap3A_1004, %swap3A_1005], %mul3A_1003 {strides = array<i32>} : memref<128x64xf32, #tpu.memory_space<vmem>>, vector<16xf32>,
        %slice3A_1007 = vector.extract_strided_slice %get3A_350 {offsets = [14], sizes = [1], strides = [1]} : vector<16xf32> to vector<1xf32>
        %squeeze3A_1008 = vector.extract %slice3A_1007[0] : f32 from vector<1xf32>
        %broadcast_in_dim3A_1009 = vector.broadcast %squeeze3A_1008 : f32 to vector<16xf32>
        %mul3A_1010 = arith.constant 2 : i32
        %mul3A_1011 = arith.muli %mul3A_1010, %scan3A_342 : i32
        %add3A_1012 = arith.constant 0 : i32
        %add3A_1013 = arith.addi %mul3A_1011, %add3A_1012 : i32
        %mul3A_1014 = arith.constant 16 : i32
        %mul3A_1015 = arith.muli %add3A_1013, %mul3A_1014 : i32
        %add3A_1016 = arith.constant 14 : i32
        %add3A_1017 = arith.addi %mul3A_1015, %add3A_1016 : i32
        %get3A_1018 = arith.index_cast %add3A_1017 : i32 to index
        %get3A_1019 = arith.constant 0 : index
        %get3A_1020 = tpu.vector_load %arg13[%get3A_1018, %get3A_1019] {strides = array<i32>} : memref<128x64xbf16, #tpu.memory_space<vmem>>, vector<32xbf16>,
        %bitcast3A_1021 = vector.bitcast %get3A_1020 : vector<32xbf16> to vector<16xi32>
        %shift_left3A_1022 = arith.constant 16 : i32
        %shift_left3A_1023 = vector.broadcast %shift_left3A_1022 : i32 to vector<16xi32>
        %shift_left3A_1024 = arith.shli %bitcast3A_1021, %shift_left3A_1023 : vector<16xi32>
        %bitcast3A_1025 = vector.bitcast %shift_left3A_1024 : vector<16xi32> to vector<16xf32>
        %and3A_1026 = arith.andi %bitcast3A_1021, %broadcast_in_dim3A_65 : vector<16xi32>
        %bitcast3A_1027 = vector.bitcast %and3A_1026 : vector<16xi32> to vector<16xf32>
        %mul3A_1028 = arith.mulf %bitcast3A_1025, %broadcast_in_dim3A_1009 : vector<16xf32>
        %swap3A_1029 = arith.index_cast %add3A_1017 : i32 to index
        %swap3A_1030 = arith.constant 0 : index
        %swap3A_1031 = tpu.vector_load %arg15[%swap3A_1029, %swap3A_1030] {strides = array<i32>} : memref<128x64xf32, #tpu.memory_space<vmem>>, vector<16xf32>,
        tpu.vector_store %arg15[%swap3A_1029, %swap3A_1030], %mul3A_1028 {strides = array<i32>} : memref<128x64xf32, #tpu.memory_space<vmem>>, vector<16xf32>,
        %mul3A_1032 = arith.mulf %bitcast3A_1027, %broadcast_in_dim3A_1009 : vector<16xf32>
        %swap3A_1033 = arith.index_cast %add3A_1017 : i32 to index
        %swap3A_1034 = arith.constant 16 : index
        %swap3A_1035 = tpu.vector_load %arg15[%swap3A_1033, %swap3A_1034] {strides = array<i32>} : memref<128x64xf32, #tpu.memory_space<vmem>>, vector<16xf32>,
        tpu.vector_store %arg15[%swap3A_1033, %swap3A_1034], %mul3A_1032 {strides = array<i32>} : memref<128x64xf32, #tpu.memory_space<vmem>>, vector<16xf32>,
        %get3A_1036 = arith.index_cast %add3A_1017 : i32 to index
        %get3A_1037 = arith.constant 32 : index
        %get3A_1038 = tpu.vector_load %arg13[%get3A_1036, %get3A_1037] {strides = array<i32>} : memref<128x64xbf16, #tpu.memory_space<vmem>>, vector<32xbf16>,
        %bitcast3A_1039 = vector.bitcast %get3A_1038 : vector<32xbf16> to vector<16xi32>
        %shift_left3A_1040 = arith.constant 16 : i32
        %shift_left3A_1041 = vector.broadcast %shift_left3A_1040 : i32 to vector<16xi32>
        %shift_left3A_1042 = arith.shli %bitcast3A_1039, %shift_left3A_1041 : vector<16xi32>
        %bitcast3A_1043 = vector.bitcast %shift_left3A_1042 : vector<16xi32> to vector<16xf32>
        %and3A_1044 = arith.andi %bitcast3A_1039, %broadcast_in_dim3A_65 : vector<16xi32>
        %bitcast3A_1045 = vector.bitcast %and3A_1044 : vector<16xi32> to vector<16xf32>
        %mul3A_1046 = arith.mulf %bitcast3A_1043, %broadcast_in_dim3A_1009 : vector<16xf32>
        %swap3A_1047 = arith.index_cast %add3A_1017 : i32 to index
        %swap3A_1048 = arith.constant 32 : index
        %swap3A_1049 = tpu.vector_load %arg15[%swap3A_1047, %swap3A_1048] {strides = array<i32>} : memref<128x64xf32, #tpu.memory_space<vmem>>, vector<16xf32>,
        tpu.vector_store %arg15[%swap3A_1047, %swap3A_1048], %mul3A_1046 {strides = array<i32>} : memref<128x64xf32, #tpu.memory_space<vmem>>, vector<16xf32>,
        %mul3A_1050 = arith.mulf %bitcast3A_1045, %broadcast_in_dim3A_1009 : vector<16xf32>
        %swap3A_1051 = arith.index_cast %add3A_1017 : i32 to index
        %swap3A_1052 = arith.constant 48 : index
        %swap3A_1053 = tpu.vector_load %arg15[%swap3A_1051, %swap3A_1052] {strides = array<i32>} : memref<128x64xf32, #tpu.memory_space<vmem>>, vector<16xf32>,
        tpu.vector_store %arg15[%swap3A_1051, %swap3A_1052], %mul3A_1050 {strides = array<i32>} : memref<128x64xf32, #tpu.memory_space<vmem>>, vector<16xf32>,
        %slice3A_1054 = vector.extract_strided_slice %get3A_350 {offsets = [15], sizes = [1], strides = [1]} : vector<16xf32> to vector<1xf32>
        %squeeze3A_1055 = vector.extract %slice3A_1054[0] : f32 from vector<1xf32>
        %broadcast_in_dim3A_1056 = vector.broadcast %squeeze3A_1055 : f32 to vector<16xf32>
        %mul3A_1057 = arith.constant 2 : i32
        %mul3A_1058 = arith.muli %mul3A_1057, %scan3A_342 : i32
        %add3A_1059 = arith.constant 0 : i32
        %add3A_1060 = arith.addi %mul3A_1058, %add3A_1059 : i32
        %mul3A_1061 = arith.constant 16 : i32
        %mul3A_1062 = arith.muli %add3A_1060, %mul3A_1061 : i32
        %add3A_1063 = arith.constant 15 : i32
        %add3A_1064 = arith.addi %mul3A_1062, %add3A_1063 : i32
        %get3A_1065 = arith.index_cast %add3A_1064 : i32 to index
        %get3A_1066 = arith.constant 0 : index
        %get3A_1067 = tpu.vector_load %arg13[%get3A_1065, %get3A_1066] {strides = array<i32>} : memref<128x64xbf16, #tpu.memory_space<vmem>>, vector<32xbf16>,
        %bitcast3A_1068 = vector.bitcast %get3A_1067 : vector<32xbf16> to vector<16xi32>
        %shift_left3A_1069 = arith.constant 16 : i32
        %shift_left3A_1070 = vector.broadcast %shift_left3A_1069 : i32 to vector<16xi32>
        %shift_left3A_1071 = arith.shli %bitcast3A_1068, %shift_left3A_1070 : vector<16xi32>
        %bitcast3A_1072 = vector.bitcast %shift_left3A_1071 : vector<16xi32> to vector<16xf32>
        %and3A_1073 = arith.andi %bitcast3A_1068, %broadcast_in_dim3A_65 : vector<16xi32>
        %bitcast3A_1074 = vector.bitcast %and3A_1073 : vector<16xi32> to vector<16xf32>
        %mul3A_1075 = arith.mulf %bitcast3A_1072, %broadcast_in_dim3A_1056 : vector<16xf32>
        %swap3A_1076 = arith.index_cast %add3A_1064 : i32 to index
        %swap3A_1077 = arith.constant 0 : index
        %swap3A_1078 = tpu.vector_load %arg15[%swap3A_1076, %swap3A_1077] {strides = array<i32>} : memref<128x64xf32, #tpu.memory_space<vmem>>, vector<16xf32>,
        tpu.vector_store %arg15[%swap3A_1076, %swap3A_1077], %mul3A_1075 {strides = array<i32>} : memref<128x64xf32, #tpu.memory_space<vmem>>, vector<16xf32>,
        %mul3A_1079 = arith.mulf %bitcast3A_1074, %broadcast_in_dim3A_1056 : vector<16xf32>
        %swap3A_1080 = arith.index_cast %add3A_1064 : i32 to index
        %swap3A_1081 = arith.constant 16 : index
        %swap3A_1082 = tpu.vector_load %arg15[%swap3A_1080, %swap3A_1081] {strides = array<i32>} : memref<128x64xf32, #tpu.memory_space<vmem>>, vector<16xf32>,
        tpu.vector_store %arg15[%swap3A_1080, %swap3A_1081], %mul3A_1079 {strides = array<i32>} : memref<128x64xf32, #tpu.memory_space<vmem>>, vector<16xf32>,
        %get3A_1083 = arith.index_cast %add3A_1064 : i32 to index
        %get3A_1084 = arith.constant 32 : index
        %get3A_1085 = tpu.vector_load %arg13[%get3A_1083, %get3A_1084] {strides = array<i32>} : memref<128x64xbf16, #tpu.memory_space<vmem>>, vector<32xbf16>,
        %bitcast3A_1086 = vector.bitcast %get3A_1085 : vector<32xbf16> to vector<16xi32>
        %shift_left3A_1087 = arith.constant 16 : i32
        %shift_left3A_1088 = vector.broadcast %shift_left3A_1087 : i32 to vector<16xi32>
        %shift_left3A_1089 = arith.shli %bitcast3A_1086, %shift_left3A_1088 : vector<16xi32>
        %bitcast3A_1090 = vector.bitcast %shift_left3A_1089 : vector<16xi32> to vector<16xf32>
        %and3A_1091 = arith.andi %bitcast3A_1086, %broadcast_in_dim3A_65 : vector<16xi32>
        %bitcast3A_1092 = vector.bitcast %and3A_1091 : vector<16xi32> to vector<16xf32>
        %mul3A_1093 = arith.mulf %bitcast3A_1090, %broadcast_in_dim3A_1056 : vector<16xf32>
        %swap3A_1094 = arith.index_cast %add3A_1064 : i32 to index
        %swap3A_1095 = arith.constant 32 : index
        %swap3A_1096 = tpu.vector_load %arg15[%swap3A_1094, %swap3A_1095] {strides = array<i32>} : memref<128x64xf32, #tpu.memory_space<vmem>>, vector<16xf32>,
        tpu.vector_store %arg15[%swap3A_1094, %swap3A_1095], %mul3A_1093 {strides = array<i32>} : memref<128x64xf32, #tpu.memory_space<vmem>>, vector<16xf32>,
        %mul3A_1097 = arith.mulf %bitcast3A_1092, %broadcast_in_dim3A_1056 : vector<16xf32>
        %swap3A_1098 = arith.index_cast %add3A_1064 : i32 to index
        %swap3A_1099 = arith.constant 48 : index
        %swap3A_1100 = tpu.vector_load %arg15[%swap3A_1098, %swap3A_1099] {strides = array<i32>} : memref<128x64xf32, #tpu.memory_space<vmem>>, vector<16xf32>,
        tpu.vector_store %arg15[%swap3A_1098, %swap3A_1099], %mul3A_1097 {strides = array<i32>} : memref<128x64xf32, #tpu.memory_space<vmem>>, vector<16xf32>,
        %mul3A_1101 = arith.constant 2 : i32
        %mul3A_1102 = arith.muli %mul3A_1101, %scan3A_342 : i32
        %add3A_1103 = arith.constant 1 : i32
        %add3A_1104 = arith.addi %mul3A_1102, %add3A_1103 : i32
        %mul3A_1105 = arith.constant 16 : i32
        %mul3A_1106 = arith.muli %add3A_1104, %mul3A_1105 : i32
        %get3A_1107 = arith.index_cast %mul3A_1106 : i32 to index
        %get3A_1108 = tpu.vector_load %arg12[%get3A_1107] {strides = array<i32>} : memref<128xf32, #tpu.memory_space<vmem>>, vector<16xf32>,
        %slice3A_1109 = vector.extract_strided_slice %get3A_1108 {offsets = [0], sizes = [1], strides = [1]} : vector<16xf32> to vector<1xf32>
        %squeeze3A_1110 = vector.extract %slice3A_1109[0] : f32 from vector<1xf32>
        %broadcast_in_dim3A_1111 = vector.broadcast %squeeze3A_1110 : f32 to vector<16xf32>
        %mul3A_1112 = arith.constant 2 : i32
        %mul3A_1113 = arith.muli %mul3A_1112, %scan3A_342 : i32
        %add3A_1114 = arith.constant 1 : i32
        %add3A_1115 = arith.addi %mul3A_1113, %add3A_1114 : i32
        %mul3A_1116 = arith.constant 16 : i32
        %mul3A_1117 = arith.muli %add3A_1115, %mul3A_1116 : i32
        %add3A_1118 = arith.constant 0 : i32
        %add3A_1119 = arith.addi %mul3A_1117, %add3A_1118 : i32
        %get3A_1120 = arith.index_cast %add3A_1119 : i32 to index
        %get3A_1121 = arith.constant 0 : index
        %get3A_1122 = tpu.vector_load %arg13[%get3A_1120, %get3A_1121] {strides = array<i32>} : memref<128x64xbf16, #tpu.memory_space<vmem>>, vector<32xbf16>,
        %bitcast3A_1123 = vector.bitcast %get3A_1122 : vector<32xbf16> to vector<16xi32>
        %shift_left3A_1124 = arith.constant 16 : i32
        %shift_left3A_1125 = vector.broadcast %shift_left3A_1124 : i32 to vector<16xi32>
        %shift_left3A_1126 = arith.shli %bitcast3A_1123, %shift_left3A_1125 : vector<16xi32>
        %bitcast3A_1127 = vector.bitcast %shift_left3A_1126 : vector<16xi32> to vector<16xf32>
        %and3A_1128 = arith.andi %bitcast3A_1123, %broadcast_in_dim3A_65 : vector<16xi32>
        %bitcast3A_1129 = vector.bitcast %and3A_1128 : vector<16xi32> to vector<16xf32>
        %mul3A_1130 = arith.mulf %bitcast3A_1127, %broadcast_in_dim3A_1111 : vector<16xf32>
        %swap3A_1131 = arith.index_cast %add3A_1119 : i32 to index
        %swap3A_1132 = arith.constant 0 : index
        %swap3A_1133 = tpu.vector_load %arg15[%swap3A_1131, %swap3A_1132] {strides = array<i32>} : memref<128x64xf32, #tpu.memory_space<vmem>>, vector<16xf32>,
        tpu.vector_store %arg15[%swap3A_1131, %swap3A_1132], %mul3A_1130 {strides = array<i32>} : memref<128x64xf32, #tpu.memory_space<vmem>>, vector<16xf32>,
        %mul3A_1134 = arith.mulf %bitcast3A_1129, %broadcast_in_dim3A_1111 : vector<16xf32>
        %swap3A_1135 = arith.index_cast %add3A_1119 : i32 to index
        %swap3A_1136 = arith.constant 16 : index
        %swap3A_1137 = tpu.vector_load %arg15[%swap3A_1135, %swap3A_1136] {strides = array<i32>} : memref<128x64xf32, #tpu.memory_space<vmem>>, vector<16xf32>,
        tpu.vector_store %arg15[%swap3A_1135, %swap3A_1136], %mul3A_1134 {strides = array<i32>} : memref<128x64xf32, #tpu.memory_space<vmem>>, vector<16xf32>,
        %get3A_1138 = arith.index_cast %add3A_1119 : i32 to index
        %get3A_1139 = arith.constant 32 : index
        %get3A_1140 = tpu.vector_load %arg13[%get3A_1138, %get3A_1139] {strides = array<i32>} : memref<128x64xbf16, #tpu.memory_space<vmem>>, vector<32xbf16>,
        %bitcast3A_1141 = vector.bitcast %get3A_1140 : vector<32xbf16> to vector<16xi32>
        %shift_left3A_1142 = arith.constant 16 : i32
        %shift_left3A_1143 = vector.broadcast %shift_left3A_1142 : i32 to vector<16xi32>
        %shift_left3A_1144 = arith.shli %bitcast3A_1141, %shift_left3A_1143 : vector<16xi32>
        %bitcast3A_1145 = vector.bitcast %shift_left3A_1144 : vector<16xi32> to vector<16xf32>
        %and3A_1146 = arith.andi %bitcast3A_1141, %broadcast_in_dim3A_65 : vector<16xi32>
        %bitcast3A_1147 = vector.bitcast %and3A_1146 : vector<16xi32> to vector<16xf32>
        %mul3A_1148 = arith.mulf %bitcast3A_1145, %broadcast_in_dim3A_1111 : vector<16xf32>
        %swap3A_1149 = arith.index_cast %add3A_1119 : i32 to index
        %swap3A_1150 = arith.constant 32 : index
        %swap3A_1151 = tpu.vector_load %arg15[%swap3A_1149, %swap3A_1150] {strides = array<i32>} : memref<128x64xf32, #tpu.memory_space<vmem>>, vector<16xf32>,
        tpu.vector_store %arg15[%swap3A_1149, %swap3A_1150], %mul3A_1148 {strides = array<i32>} : memref<128x64xf32, #tpu.memory_space<vmem>>, vector<16xf32>,
        %mul3A_1152 = arith.mulf %bitcast3A_1147, %broadcast_in_dim3A_1111 : vector<16xf32>
        %swap3A_1153 = arith.index_cast %add3A_1119 : i32 to index
        %swap3A_1154 = arith.constant 48 : index
        %swap3A_1155 = tpu.vector_load %arg15[%swap3A_1153, %swap3A_1154] {strides = array<i32>} : memref<128x64xf32, #tpu.memory_space<vmem>>, vector<16xf32>,
        tpu.vector_store %arg15[%swap3A_1153, %swap3A_1154], %mul3A_1152 {strides = array<i32>} : memref<128x64xf32, #tpu.memory_space<vmem>>, vector<16xf32>,
        %slice3A_1156 = vector.extract_strided_slice %get3A_1108 {offsets = [1], sizes = [1], strides = [1]} : vector<16xf32> to vector<1xf32>
        %squeeze3A_1157 = vector.extract %slice3A_1156[0] : f32 from vector<1xf32>
        %broadcast_in_dim3A_1158 = vector.broadcast %squeeze3A_1157 : f32 to vector<16xf32>
        %mul3A_1159 = arith.constant 2 : i32
        %mul3A_1160 = arith.muli %mul3A_1159, %scan3A_342 : i32
        %add3A_1161 = arith.constant 1 : i32
        %add3A_1162 = arith.addi %mul3A_1160, %add3A_1161 : i32
        %mul3A_1163 = arith.constant 16 : i32
        %mul3A_1164 = arith.muli %add3A_1162, %mul3A_1163 : i32
        %add3A_1165 = arith.constant 1 : i32
        %add3A_1166 = arith.addi %mul3A_1164, %add3A_1165 : i32
        %get3A_1167 = arith.index_cast %add3A_1166 : i32 to index
        %get3A_1168 = arith.constant 0 : index
        %get3A_1169 = tpu.vector_load %arg13[%get3A_1167, %get3A_1168] {strides = array<i32>} : memref<128x64xbf16, #tpu.memory_space<vmem>>, vector<32xbf16>,
        %bitcast3A_1170 = vector.bitcast %get3A_1169 : vector<32xbf16> to vector<16xi32>
        %shift_left3A_1171 = arith.constant 16 : i32
        %shift_left3A_1172 = vector.broadcast %shift_left3A_1171 : i32 to vector<16xi32>
        %shift_left3A_1173 = arith.shli %bitcast3A_1170, %shift_left3A_1172 : vector<16xi32>
        %bitcast3A_1174 = vector.bitcast %shift_left3A_1173 : vector<16xi32> to vector<16xf32>
        %and3A_1175 = arith.andi %bitcast3A_1170, %broadcast_in_dim3A_65 : vector<16xi32>
        %bitcast3A_1176 = vector.bitcast %and3A_1175 : vector<16xi32> to vector<16xf32>
        %mul3A_1177 = arith.mulf %bitcast3A_1174, %broadcast_in_dim3A_1158 : vector<16xf32>
        %swap3A_1178 = arith.index_cast %add3A_1166 : i32 to index
        %swap3A_1179 = arith.constant 0 : index
        %swap3A_1180 = tpu.vector_load %arg15[%swap3A_1178, %swap3A_1179] {strides = array<i32>} : memref<128x64xf32, #tpu.memory_space<vmem>>, vector<16xf32>,
        tpu.vector_store %arg15[%swap3A_1178, %swap3A_1179], %mul3A_1177 {strides = array<i32>} : memref<128x64xf32, #tpu.memory_space<vmem>>, vector<16xf32>,
        %mul3A_1181 = arith.mulf %bitcast3A_1176, %broadcast_in_dim3A_1158 : vector<16xf32>
        %swap3A_1182 = arith.index_cast %add3A_1166 : i32 to index
        %swap3A_1183 = arith.constant 16 : index
        %swap3A_1184 = tpu.vector_load %arg15[%swap3A_1182, %swap3A_1183] {strides = array<i32>} : memref<128x64xf32, #tpu.memory_space<vmem>>, vector<16xf32>,
        tpu.vector_store %arg15[%swap3A_1182, %swap3A_1183], %mul3A_1181 {strides = array<i32>} : memref<128x64xf32, #tpu.memory_space<vmem>>, vector<16xf32>,
        %get3A_1185 = arith.index_cast %add3A_1166 : i32 to index
        %get3A_1186 = arith.constant 32 : index
        %get3A_1187 = tpu.vector_load %arg13[%get3A_1185, %get3A_1186] {strides = array<i32>} : memref<128x64xbf16, #tpu.memory_space<vmem>>, vector<32xbf16>,
        %bitcast3A_1188 = vector.bitcast %get3A_1187 : vector<32xbf16> to vector<16xi32>
        %shift_left3A_1189 = arith.constant 16 : i32
        %shift_left3A_1190 = vector.broadcast %shift_left3A_1189 : i32 to vector<16xi32>
        %shift_left3A_1191 = arith.shli %bitcast3A_1188, %shift_left3A_1190 : vector<16xi32>
        %bitcast3A_1192 = vector.bitcast %shift_left3A_1191 : vector<16xi32> to vector<16xf32>
        %and3A_1193 = arith.andi %bitcast3A_1188, %broadcast_in_dim3A_65 : vector<16xi32>
        %bitcast3A_1194 = vector.bitcast %and3A_1193 : vector<16xi32> to vector<16xf32>
        %mul3A_1195 = arith.mulf %bitcast3A_1192, %broadcast_in_dim3A_1158 : vector<16xf32>
        %swap3A_1196 = arith.index_cast %add3A_1166 : i32 to index
        %swap3A_1197 = arith.constant 32 : index
        %swap3A_1198 = tpu.vector_load %arg15[%swap3A_1196, %swap3A_1197] {strides = array<i32>} : memref<128x64xf32, #tpu.memory_space<vmem>>, vector<16xf32>,
        tpu.vector_store %arg15[%swap3A_1196, %swap3A_1197], %mul3A_1195 {strides = array<i32>} : memref<128x64xf32, #tpu.memory_space<vmem>>, vector<16xf32>,
        %mul3A_1199 = arith.mulf %bitcast3A_1194, %broadcast_in_dim3A_1158 : vector<16xf32>
        %swap3A_1200 = arith.index_cast %add3A_1166 : i32 to index
        %swap3A_1201 = arith.constant 48 : index
        %swap3A_1202 = tpu.vector_load %arg15[%swap3A_1200, %swap3A_1201] {strides = array<i32>} : memref<128x64xf32, #tpu.memory_space<vmem>>, vector<16xf32>,
        tpu.vector_store %arg15[%swap3A_1200, %swap3A_1201], %mul3A_1199 {strides = array<i32>} : memref<128x64xf32, #tpu.memory_space<vmem>>, vector<16xf32>,
        %slice3A_1203 = vector.extract_strided_slice %get3A_1108 {offsets = [2], sizes = [1], strides = [1]} : vector<16xf32> to vector<1xf32>
        %squeeze3A_1204 = vector.extract %slice3A_1203[0] : f32 from vector<1xf32>
        %broadcast_in_dim3A_1205 = vector.broadcast %squeeze3A_1204 : f32 to vector<16xf32>
        %mul3A_1206 = arith.constant 2 : i32
        %mul3A_1207 = arith.muli %mul3A_1206, %scan3A_342 : i32
        %add3A_1208 = arith.constant 1 : i32
        %add3A_1209 = arith.addi %mul3A_1207, %add3A_1208 : i32
        %mul3A_1210 = arith.constant 16 : i32
        %mul3A_1211 = arith.muli %add3A_1209, %mul3A_1210 : i32
        %add3A_1212 = arith.constant 2 : i32
        %add3A_1213 = arith.addi %mul3A_1211, %add3A_1212 : i32
        %get3A_1214 = arith.index_cast %add3A_1213 : i32 to index
        %get3A_1215 = arith.constant 0 : index
        %get3A_1216 = tpu.vector_load %arg13[%get3A_1214, %get3A_1215] {strides = array<i32>} : memref<128x64xbf16, #tpu.memory_space<vmem>>, vector<32xbf16>,
        %bitcast3A_1217 = vector.bitcast %get3A_1216 : vector<32xbf16> to vector<16xi32>
        %shift_left3A_1218 = arith.constant 16 : i32
        %shift_left3A_1219 = vector.broadcast %shift_left3A_1218 : i32 to vector<16xi32>
        %shift_left3A_1220 = arith.shli %bitcast3A_1217, %shift_left3A_1219 : vector<16xi32>
        %bitcast3A_1221 = vector.bitcast %shift_left3A_1220 : vector<16xi32> to vector<16xf32>
        %and3A_1222 = arith.andi %bitcast3A_1217, %broadcast_in_dim3A_65 : vector<16xi32>
        %bitcast3A_1223 = vector.bitcast %and3A_1222 : vector<16xi32> to vector<16xf32>
        %mul3A_1224 = arith.mulf %bitcast3A_1221, %broadcast_in_dim3A_1205 : vector<16xf32>
        %swap3A_1225 = arith.index_cast %add3A_1213 : i32 to index
        %swap3A_1226 = arith.constant 0 : index
        %swap3A_1227 = tpu.vector_load %arg15[%swap3A_1225, %swap3A_1226] {strides = array<i32>} : memref<128x64xf32, #tpu.memory_space<vmem>>, vector<16xf32>,
        tpu.vector_store %arg15[%swap3A_1225, %swap3A_1226], %mul3A_1224 {strides = array<i32>} : memref<128x64xf32, #tpu.memory_space<vmem>>, vector<16xf32>,
        %mul3A_1228 = arith.mulf %bitcast3A_1223, %broadcast_in_dim3A_1205 : vector<16xf32>
        %swap3A_1229 = arith.index_cast %add3A_1213 : i32 to index
        %swap3A_1230 = arith.constant 16 : index
        %swap3A_1231 = tpu.vector_load %arg15[%swap3A_1229, %swap3A_1230] {strides = array<i32>} : memref<128x64xf32, #tpu.memory_space<vmem>>, vector<16xf32>,
        tpu.vector_store %arg15[%swap3A_1229, %swap3A_1230], %mul3A_1228 {strides = array<i32>} : memref<128x64xf32, #tpu.memory_space<vmem>>, vector<16xf32>,
        %get3A_1232 = arith.index_cast %add3A_1213 : i32 to index
        %get3A_1233 = arith.constant 32 : index
        %get3A_1234 = tpu.vector_load %arg13[%get3A_1232, %get3A_1233] {strides = array<i32>} : memref<128x64xbf16, #tpu.memory_space<vmem>>, vector<32xbf16>,
        %bitcast3A_1235 = vector.bitcast %get3A_1234 : vector<32xbf16> to vector<16xi32>
        %shift_left3A_1236 = arith.constant 16 : i32
        %shift_left3A_1237 = vector.broadcast %shift_left3A_1236 : i32 to vector<16xi32>
        %shift_left3A_1238 = arith.shli %bitcast3A_1235, %shift_left3A_1237 : vector<16xi32>
        %bitcast3A_1239 = vector.bitcast %shift_left3A_1238 : vector<16xi32> to vector<16xf32>
        %and3A_1240 = arith.andi %bitcast3A_1235, %broadcast_in_dim3A_65 : vector<16xi32>
        %bitcast3A_1241 = vector.bitcast %and3A_1240 : vector<16xi32> to vector<16xf32>
        %mul3A_1242 = arith.mulf %bitcast3A_1239, %broadcast_in_dim3A_1205 : vector<16xf32>
        %swap3A_1243 = arith.index_cast %add3A_1213 : i32 to index
        %swap3A_1244 = arith.constant 32 : index
        %swap3A_1245 = tpu.vector_load %arg15[%swap3A_1243, %swap3A_1244] {strides = array<i32>} : memref<128x64xf32, #tpu.memory_space<vmem>>, vector<16xf32>,
        tpu.vector_store %arg15[%swap3A_1243, %swap3A_1244], %mul3A_1242 {strides = array<i32>} : memref<128x64xf32, #tpu.memory_space<vmem>>, vector<16xf32>,
        %mul3A_1246 = arith.mulf %bitcast3A_1241, %broadcast_in_dim3A_1205 : vector<16xf32>
        %swap3A_1247 = arith.index_cast %add3A_1213 : i32 to index
        %swap3A_1248 = arith.constant 48 : index
        %swap3A_1249 = tpu.vector_load %arg15[%swap3A_1247, %swap3A_1248] {strides = array<i32>} : memref<128x64xf32, #tpu.memory_space<vmem>>, vector<16xf32>,
        tpu.vector_store %arg15[%swap3A_1247, %swap3A_1248], %mul3A_1246 {strides = array<i32>} : memref<128x64xf32, #tpu.memory_space<vmem>>, vector<16xf32>,
        %slice3A_1250 = vector.extract_strided_slice %get3A_1108 {offsets = [3], sizes = [1], strides = [1]} : vector<16xf32> to vector<1xf32>
        %squeeze3A_1251 = vector.extract %slice3A_1250[0] : f32 from vector<1xf32>
        %broadcast_in_dim3A_1252 = vector.broadcast %squeeze3A_1251 : f32 to vector<16xf32>
        %mul3A_1253 = arith.constant 2 : i32
        %mul3A_1254 = arith.muli %mul3A_1253, %scan3A_342 : i32
        %add3A_1255 = arith.constant 1 : i32
        %add3A_1256 = arith.addi %mul3A_1254, %add3A_1255 : i32
        %mul3A_1257 = arith.constant 16 : i32
        %mul3A_1258 = arith.muli %add3A_1256, %mul3A_1257 : i32
        %add3A_1259 = arith.constant 3 : i32
        %add3A_1260 = arith.addi %mul3A_1258, %add3A_1259 : i32
        %get3A_1261 = arith.index_cast %add3A_1260 : i32 to index
        %get3A_1262 = arith.constant 0 : index
        %get3A_1263 = tpu.vector_load %arg13[%get3A_1261, %get3A_1262] {strides = array<i32>} : memref<128x64xbf16, #tpu.memory_space<vmem>>, vector<32xbf16>,
        %bitcast3A_1264 = vector.bitcast %get3A_1263 : vector<32xbf16> to vector<16xi32>
        %shift_left3A_1265 = arith.constant 16 : i32
        %shift_left3A_1266 = vector.broadcast %shift_left3A_1265 : i32 to vector<16xi32>
        %shift_left3A_1267 = arith.shli %bitcast3A_1264, %shift_left3A_1266 : vector<16xi32>
        %bitcast3A_1268 = vector.bitcast %shift_left3A_1267 : vector<16xi32> to vector<16xf32>
        %and3A_1269 = arith.andi %bitcast3A_1264, %broadcast_in_dim3A_65 : vector<16xi32>
        %bitcast3A_1270 = vector.bitcast %and3A_1269 : vector<16xi32> to vector<16xf32>
        %mul3A_1271 = arith.mulf %bitcast3A_1268, %broadcast_in_dim3A_1252 : vector<16xf32>
        %swap3A_1272 = arith.index_cast %add3A_1260 : i32 to index
        %swap3A_1273 = arith.constant 0 : index
        %swap3A_1274 = tpu.vector_load %arg15[%swap3A_1272, %swap3A_1273] {strides = array<i32>} : memref<128x64xf32, #tpu.memory_space<vmem>>, vector<16xf32>,
        tpu.vector_store %arg15[%swap3A_1272, %swap3A_1273], %mul3A_1271 {strides = array<i32>} : memref<128x64xf32, #tpu.memory_space<vmem>>, vector<16xf32>,
        %mul3A_1275 = arith.mulf %bitcast3A_1270, %broadcast_in_dim3A_1252 : vector<16xf32>
        %swap3A_1276 = arith.index_cast %add3A_1260 : i32 to index
        %swap3A_1277 = arith.constant 16 : index
        %swap3A_1278 = tpu.vector_load %arg15[%swap3A_1276, %swap3A_1277] {strides = array<i32>} : memref<128x64xf32, #tpu.memory_space<vmem>>, vector<16xf32>,
        tpu.vector_store %arg15[%swap3A_1276, %swap3A_1277], %mul3A_1275 {strides = array<i32>} : memref<128x64xf32, #tpu.memory_space<vmem>>, vector<16xf32>,
        %get3A_1279 = arith.index_cast %add3A_1260 : i32 to index
        %get3A_1280 = arith.constant 32 : index
        %get3A_1281 = tpu.vector_load %arg13[%get3A_1279, %get3A_1280] {strides = array<i32>} : memref<128x64xbf16, #tpu.memory_space<vmem>>, vector<32xbf16>,
        %bitcast3A_1282 = vector.bitcast %get3A_1281 : vector<32xbf16> to vector<16xi32>
        %shift_left3A_1283 = arith.constant 16 : i32
        %shift_left3A_1284 = vector.broadcast %shift_left3A_1283 : i32 to vector<16xi32>
        %shift_left3A_1285 = arith.shli %bitcast3A_1282, %shift_left3A_1284 : vector<16xi32>
        %bitcast3A_1286 = vector.bitcast %shift_left3A_1285 : vector<16xi32> to vector<16xf32>
        %and3A_1287 = arith.andi %bitcast3A_1282, %broadcast_in_dim3A_65 : vector<16xi32>
        %bitcast3A_1288 = vector.bitcast %and3A_1287 : vector<16xi32> to vector<16xf32>
        %mul3A_1289 = arith.mulf %bitcast3A_1286, %broadcast_in_dim3A_1252 : vector<16xf32>
        %swap3A_1290 = arith.index_cast %add3A_1260 : i32 to index
        %swap3A_1291 = arith.constant 32 : index
        %swap3A_1292 = tpu.vector_load %arg15[%swap3A_1290, %swap3A_1291] {strides = array<i32>} : memref<128x64xf32, #tpu.memory_space<vmem>>, vector<16xf32>,
        tpu.vector_store %arg15[%swap3A_1290, %swap3A_1291], %mul3A_1289 {strides = array<i32>} : memref<128x64xf32, #tpu.memory_space<vmem>>, vector<16xf32>,
        %mul3A_1293 = arith.mulf %bitcast3A_1288, %broadcast_in_dim3A_1252 : vector<16xf32>
        %swap3A_1294 = arith.index_cast %add3A_1260 : i32 to index
        %swap3A_1295 = arith.constant 48 : index
        %swap3A_1296 = tpu.vector_load %arg15[%swap3A_1294, %swap3A_1295] {strides = array<i32>} : memref<128x64xf32, #tpu.memory_space<vmem>>, vector<16xf32>,
        tpu.vector_store %arg15[%swap3A_1294, %swap3A_1295], %mul3A_1293 {strides = array<i32>} : memref<128x64xf32, #tpu.memory_space<vmem>>, vector<16xf32>,
        %slice3A_1297 = vector.extract_strided_slice %get3A_1108 {offsets = [4], sizes = [1], strides = [1]} : vector<16xf32> to vector<1xf32>
        %squeeze3A_1298 = vector.extract %slice3A_1297[0] : f32 from vector<1xf32>
        %broadcast_in_dim3A_1299 = vector.broadcast %squeeze3A_1298 : f32 to vector<16xf32>
        %mul3A_1300 = arith.constant 2 : i32
        %mul3A_1301 = arith.muli %mul3A_1300, %scan3A_342 : i32
        %add3A_1302 = arith.constant 1 : i32
        %add3A_1303 = arith.addi %mul3A_1301, %add3A_1302 : i32
        %mul3A_1304 = arith.constant 16 : i32
        %mul3A_1305 = arith.muli %add3A_1303, %mul3A_1304 : i32
        %add3A_1306 = arith.constant 4 : i32
        %add3A_1307 = arith.addi %mul3A_1305, %add3A_1306 : i32
        %get3A_1308 = arith.index_cast %add3A_1307 : i32 to index
        %get3A_1309 = arith.constant 0 : index
        %get3A_1310 = tpu.vector_load %arg13[%get3A_1308, %get3A_1309] {strides = array<i32>} : memref<128x64xbf16, #tpu.memory_space<vmem>>, vector<32xbf16>,
        %bitcast3A_1311 = vector.bitcast %get3A_1310 : vector<32xbf16> to vector<16xi32>
        %shift_left3A_1312 = arith.constant 16 : i32
        %shift_left3A_1313 = vector.broadcast %shift_left3A_1312 : i32 to vector<16xi32>
        %shift_left3A_1314 = arith.shli %bitcast3A_1311, %shift_left3A_1313 : vector<16xi32>
        %bitcast3A_1315 = vector.bitcast %shift_left3A_1314 : vector<16xi32> to vector<16xf32>
        %and3A_1316 = arith.andi %bitcast3A_1311, %broadcast_in_dim3A_65 : vector<16xi32>
        %bitcast3A_1317 = vector.bitcast %and3A_1316 : vector<16xi32> to vector<16xf32>
        %mul3A_1318 = arith.mulf %bitcast3A_1315, %broadcast_in_dim3A_1299 : vector<16xf32>
        %swap3A_1319 = arith.index_cast %add3A_1307 : i32 to index
        %swap3A_1320 = arith.constant 0 : index
        %swap3A_1321 = tpu.vector_load %arg15[%swap3A_1319, %swap3A_1320] {strides = array<i32>} : memref<128x64xf32, #tpu.memory_space<vmem>>, vector<16xf32>,
        tpu.vector_store %arg15[%swap3A_1319, %swap3A_1320], %mul3A_1318 {strides = array<i32>} : memref<128x64xf32, #tpu.memory_space<vmem>>, vector<16xf32>,
        %mul3A_1322 = arith.mulf %bitcast3A_1317, %broadcast_in_dim3A_1299 : vector<16xf32>
        %swap3A_1323 = arith.index_cast %add3A_1307 : i32 to index
        %swap3A_1324 = arith.constant 16 : index
        %swap3A_1325 = tpu.vector_load %arg15[%swap3A_1323, %swap3A_1324] {strides = array<i32>} : memref<128x64xf32, #tpu.memory_space<vmem>>, vector<16xf32>,
        tpu.vector_store %arg15[%swap3A_1323, %swap3A_1324], %mul3A_1322 {strides = array<i32>} : memref<128x64xf32, #tpu.memory_space<vmem>>, vector<16xf32>,
        %get3A_1326 = arith.index_cast %add3A_1307 : i32 to index
        %get3A_1327 = arith.constant 32 : index
        %get3A_1328 = tpu.vector_load %arg13[%get3A_1326, %get3A_1327] {strides = array<i32>} : memref<128x64xbf16, #tpu.memory_space<vmem>>, vector<32xbf16>,
        %bitcast3A_1329 = vector.bitcast %get3A_1328 : vector<32xbf16> to vector<16xi32>
        %shift_left3A_1330 = arith.constant 16 : i32
        %shift_left3A_1331 = vector.broadcast %shift_left3A_1330 : i32 to vector<16xi32>
        %shift_left3A_1332 = arith.shli %bitcast3A_1329, %shift_left3A_1331 : vector<16xi32>
        %bitcast3A_1333 = vector.bitcast %shift_left3A_1332 : vector<16xi32> to vector<16xf32>
        %and3A_1334 = arith.andi %bitcast3A_1329, %broadcast_in_dim3A_65 : vector<16xi32>
        %bitcast3A_1335 = vector.bitcast %and3A_1334 : vector<16xi32> to vector<16xf32>
        %mul3A_1336 = arith.mulf %bitcast3A_1333, %broadcast_in_dim3A_1299 : vector<16xf32>
        %swap3A_1337 = arith.index_cast %add3A_1307 : i32 to index
        %swap3A_1338 = arith.constant 32 : index
        %swap3A_1339 = tpu.vector_load %arg15[%swap3A_1337, %swap3A_1338] {strides = array<i32>} : memref<128x64xf32, #tpu.memory_space<vmem>>, vector<16xf32>,
        tpu.vector_store %arg15[%swap3A_1337, %swap3A_1338], %mul3A_1336 {strides = array<i32>} : memref<128x64xf32, #tpu.memory_space<vmem>>, vector<16xf32>,
        %mul3A_1340 = arith.mulf %bitcast3A_1335, %broadcast_in_dim3A_1299 : vector<16xf32>
        %swap3A_1341 = arith.index_cast %add3A_1307 : i32 to index
        %swap3A_1342 = arith.constant 48 : index
        %swap3A_1343 = tpu.vector_load %arg15[%swap3A_1341, %swap3A_1342] {strides = array<i32>} : memref<128x64xf32, #tpu.memory_space<vmem>>, vector<16xf32>,
        tpu.vector_store %arg15[%swap3A_1341, %swap3A_1342], %mul3A_1340 {strides = array<i32>} : memref<128x64xf32, #tpu.memory_space<vmem>>, vector<16xf32>,
        %slice3A_1344 = vector.extract_strided_slice %get3A_1108 {offsets = [5], sizes = [1], strides = [1]} : vector<16xf32> to vector<1xf32>
        %squeeze3A_1345 = vector.extract %slice3A_1344[0] : f32 from vector<1xf32>
        %broadcast_in_dim3A_1346 = vector.broadcast %squeeze3A_1345 : f32 to vector<16xf32>
        %mul3A_1347 = arith.constant 2 : i32
        %mul3A_1348 = arith.muli %mul3A_1347, %scan3A_342 : i32
        %add3A_1349 = arith.constant 1 : i32
        %add3A_1350 = arith.addi %mul3A_1348, %add3A_1349 : i32
        %mul3A_1351 = arith.constant 16 : i32
        %mul3A_1352 = arith.muli %add3A_1350, %mul3A_1351 : i32
        %add3A_1353 = arith.constant 5 : i32
        %add3A_1354 = arith.addi %mul3A_1352, %add3A_1353 : i32
        %get3A_1355 = arith.index_cast %add3A_1354 : i32 to index
        %get3A_1356 = arith.constant 0 : index
        %get3A_1357 = tpu.vector_load %arg13[%get3A_1355, %get3A_1356] {strides = array<i32>} : memref<128x64xbf16, #tpu.memory_space<vmem>>, vector<32xbf16>,
        %bitcast3A_1358 = vector.bitcast %get3A_1357 : vector<32xbf16> to vector<16xi32>
        %shift_left3A_1359 = arith.constant 16 : i32
        %shift_left3A_1360 = vector.broadcast %shift_left3A_1359 : i32 to vector<16xi32>
        %shift_left3A_1361 = arith.shli %bitcast3A_1358, %shift_left3A_1360 : vector<16xi32>
        %bitcast3A_1362 = vector.bitcast %shift_left3A_1361 : vector<16xi32> to vector<16xf32>
        %and3A_1363 = arith.andi %bitcast3A_1358, %broadcast_in_dim3A_65 : vector<16xi32>
        %bitcast3A_1364 = vector.bitcast %and3A_1363 : vector<16xi32> to vector<16xf32>
        %mul3A_1365 = arith.mulf %bitcast3A_1362, %broadcast_in_dim3A_1346 : vector<16xf32>
        %swap3A_1366 = arith.index_cast %add3A_1354 : i32 to index
        %swap3A_1367 = arith.constant 0 : index
        %swap3A_1368 = tpu.vector_load %arg15[%swap3A_1366, %swap3A_1367] {strides = array<i32>} : memref<128x64xf32, #tpu.memory_space<vmem>>, vector<16xf32>,
        tpu.vector_store %arg15[%swap3A_1366, %swap3A_1367], %mul3A_1365 {strides = array<i32>} : memref<128x64xf32, #tpu.memory_space<vmem>>, vector<16xf32>,
        %mul3A_1369 = arith.mulf %bitcast3A_1364, %broadcast_in_dim3A_1346 : vector<16xf32>
        %swap3A_1370 = arith.index_cast %add3A_1354 : i32 to index
        %swap3A_1371 = arith.constant 16 : index
        %swap3A_1372 = tpu.vector_load %arg15[%swap3A_1370, %swap3A_1371] {strides = array<i32>} : memref<128x64xf32, #tpu.memory_space<vmem>>, vector<16xf32>,
        tpu.vector_store %arg15[%swap3A_1370, %swap3A_1371], %mul3A_1369 {strides = array<i32>} : memref<128x64xf32, #tpu.memory_space<vmem>>, vector<16xf32>,
        %get3A_1373 = arith.index_cast %add3A_1354 : i32 to index
        %get3A_1374 = arith.constant 32 : index
        %get3A_1375 = tpu.vector_load %arg13[%get3A_1373, %get3A_1374] {strides = array<i32>} : memref<128x64xbf16, #tpu.memory_space<vmem>>, vector<32xbf16>,
        %bitcast3A_1376 = vector.bitcast %get3A_1375 : vector<32xbf16> to vector<16xi32>
        %shift_left3A_1377 = arith.constant 16 : i32
        %shift_left3A_1378 = vector.broadcast %shift_left3A_1377 : i32 to vector<16xi32>
        %shift_left3A_1379 = arith.shli %bitcast3A_1376, %shift_left3A_1378 : vector<16xi32>
        %bitcast3A_1380 = vector.bitcast %shift_left3A_1379 : vector<16xi32> to vector<16xf32>
        %and3A_1381 = arith.andi %bitcast3A_1376, %broadcast_in_dim3A_65 : vector<16xi32>
        %bitcast3A_1382 = vector.bitcast %and3A_1381 : vector<16xi32> to vector<16xf32>
        %mul3A_1383 = arith.mulf %bitcast3A_1380, %broadcast_in_dim3A_1346 : vector<16xf32>
        %swap3A_1384 = arith.index_cast %add3A_1354 : i32 to index
        %swap3A_1385 = arith.constant 32 : index
        %swap3A_1386 = tpu.vector_load %arg15[%swap3A_1384, %swap3A_1385] {strides = array<i32>} : memref<128x64xf32, #tpu.memory_space<vmem>>, vector<16xf32>,
        tpu.vector_store %arg15[%swap3A_1384, %swap3A_1385], %mul3A_1383 {strides = array<i32>} : memref<128x64xf32, #tpu.memory_space<vmem>>, vector<16xf32>,
        %mul3A_1387 = arith.mulf %bitcast3A_1382, %broadcast_in_dim3A_1346 : vector<16xf32>
        %swap3A_1388 = arith.index_cast %add3A_1354 : i32 to index
        %swap3A_1389 = arith.constant 48 : index
        %swap3A_1390 = tpu.vector_load %arg15[%swap3A_1388, %swap3A_1389] {strides = array<i32>} : memref<128x64xf32, #tpu.memory_space<vmem>>, vector<16xf32>,
        tpu.vector_store %arg15[%swap3A_1388, %swap3A_1389], %mul3A_1387 {strides = array<i32>} : memref<128x64xf32, #tpu.memory_space<vmem>>, vector<16xf32>,
        %slice3A_1391 = vector.extract_strided_slice %get3A_1108 {offsets = [6], sizes = [1], strides = [1]} : vector<16xf32> to vector<1xf32>
        %squeeze3A_1392 = vector.extract %slice3A_1391[0] : f32 from vector<1xf32>
        %broadcast_in_dim3A_1393 = vector.broadcast %squeeze3A_1392 : f32 to vector<16xf32>
        %mul3A_1394 = arith.constant 2 : i32
        %mul3A_1395 = arith.muli %mul3A_1394, %scan3A_342 : i32
        %add3A_1396 = arith.constant 1 : i32
        %add3A_1397 = arith.addi %mul3A_1395, %add3A_1396 : i32
        %mul3A_1398 = arith.constant 16 : i32
        %mul3A_1399 = arith.muli %add3A_1397, %mul3A_1398 : i32
        %add3A_1400 = arith.constant 6 : i32
        %add3A_1401 = arith.addi %mul3A_1399, %add3A_1400 : i32
        %get3A_1402 = arith.index_cast %add3A_1401 : i32 to index
        %get3A_1403 = arith.constant 0 : index
        %get3A_1404 = tpu.vector_load %arg13[%get3A_1402, %get3A_1403] {strides = array<i32>} : memref<128x64xbf16, #tpu.memory_space<vmem>>, vector<32xbf16>,
        %bitcast3A_1405 = vector.bitcast %get3A_1404 : vector<32xbf16> to vector<16xi32>
        %shift_left3A_1406 = arith.constant 16 : i32
        %shift_left3A_1407 = vector.broadcast %shift_left3A_1406 : i32 to vector<16xi32>
        %shift_left3A_1408 = arith.shli %bitcast3A_1405, %shift_left3A_1407 : vector<16xi32>
        %bitcast3A_1409 = vector.bitcast %shift_left3A_1408 : vector<16xi32> to vector<16xf32>
        %and3A_1410 = arith.andi %bitcast3A_1405, %broadcast_in_dim3A_65 : vector<16xi32>
        %bitcast3A_1411 = vector.bitcast %and3A_1410 : vector<16xi32> to vector<16xf32>
        %mul3A_1412 = arith.mulf %bitcast3A_1409, %broadcast_in_dim3A_1393 : vector<16xf32>
        %swap3A_1413 = arith.index_cast %add3A_1401 : i32 to index
        %swap3A_1414 = arith.constant 0 : index
        %swap3A_1415 = tpu.vector_load %arg15[%swap3A_1413, %swap3A_1414] {strides = array<i32>} : memref<128x64xf32, #tpu.memory_space<vmem>>, vector<16xf32>,
        tpu.vector_store %arg15[%swap3A_1413, %swap3A_1414], %mul3A_1412 {strides = array<i32>} : memref<128x64xf32, #tpu.memory_space<vmem>>, vector<16xf32>,
        %mul3A_1416 = arith.mulf %bitcast3A_1411, %broadcast_in_dim3A_1393 : vector<16xf32>
        %swap3A_1417 = arith.index_cast %add3A_1401 : i32 to index
        %swap3A_1418 = arith.constant 16 : index
        %swap3A_1419 = tpu.vector_load %arg15[%swap3A_1417, %swap3A_1418] {strides = array<i32>} : memref<128x64xf32, #tpu.memory_space<vmem>>, vector<16xf32>,
        tpu.vector_store %arg15[%swap3A_1417, %swap3A_1418], %mul3A_1416 {strides = array<i32>} : memref<128x64xf32, #tpu.memory_space<vmem>>, vector<16xf32>,
        %get3A_1420 = arith.index_cast %add3A_1401 : i32 to index
        %get3A_1421 = arith.constant 32 : index
        %get3A_1422 = tpu.vector_load %arg13[%get3A_1420, %get3A_1421] {strides = array<i32>} : memref<128x64xbf16, #tpu.memory_space<vmem>>, vector<32xbf16>,
        %bitcast3A_1423 = vector.bitcast %get3A_1422 : vector<32xbf16> to vector<16xi32>
        %shift_left3A_1424 = arith.constant 16 : i32
        %shift_left3A_1425 = vector.broadcast %shift_left3A_1424 : i32 to vector<16xi32>
        %shift_left3A_1426 = arith.shli %bitcast3A_1423, %shift_left3A_1425 : vector<16xi32>
        %bitcast3A_1427 = vector.bitcast %shift_left3A_1426 : vector<16xi32> to vector<16xf32>
        %and3A_1428 = arith.andi %bitcast3A_1423, %broadcast_in_dim3A_65 : vector<16xi32>
        %bitcast3A_1429 = vector.bitcast %and3A_1428 : vector<16xi32> to vector<16xf32>
        %mul3A_1430 = arith.mulf %bitcast3A_1427, %broadcast_in_dim3A_1393 : vector<16xf32>
        %swap3A_1431 = arith.index_cast %add3A_1401 : i32 to index
        %swap3A_1432 = arith.constant 32 : index
        %swap3A_1433 = tpu.vector_load %arg15[%swap3A_1431, %swap3A_1432] {strides = array<i32>} : memref<128x64xf32, #tpu.memory_space<vmem>>, vector<16xf32>,
        tpu.vector_store %arg15[%swap3A_1431, %swap3A_1432], %mul3A_1430 {strides = array<i32>} : memref<128x64xf32, #tpu.memory_space<vmem>>, vector<16xf32>,
        %mul3A_1434 = arith.mulf %bitcast3A_1429, %broadcast_in_dim3A_1393 : vector<16xf32>
        %swap3A_1435 = arith.index_cast %add3A_1401 : i32 to index
        %swap3A_1436 = arith.constant 48 : index
        %swap3A_1437 = tpu.vector_load %arg15[%swap3A_1435, %swap3A_1436] {strides = array<i32>} : memref<128x64xf32, #tpu.memory_space<vmem>>, vector<16xf32>,
        tpu.vector_store %arg15[%swap3A_1435, %swap3A_1436], %mul3A_1434 {strides = array<i32>} : memref<128x64xf32, #tpu.memory_space<vmem>>, vector<16xf32>,
        %slice3A_1438 = vector.extract_strided_slice %get3A_1108 {offsets = [7], sizes = [1], strides = [1]} : vector<16xf32> to vector<1xf32>
        %squeeze3A_1439 = vector.extract %slice3A_1438[0] : f32 from vector<1xf32>
        %broadcast_in_dim3A_1440 = vector.broadcast %squeeze3A_1439 : f32 to vector<16xf32>
        %mul3A_1441 = arith.constant 2 : i32
        %mul3A_1442 = arith.muli %mul3A_1441, %scan3A_342 : i32
        %add3A_1443 = arith.constant 1 : i32
        %add3A_1444 = arith.addi %mul3A_1442, %add3A_1443 : i32
        %mul3A_1445 = arith.constant 16 : i32
        %mul3A_1446 = arith.muli %add3A_1444, %mul3A_1445 : i32
        %add3A_1447 = arith.constant 7 : i32
        %add3A_1448 = arith.addi %mul3A_1446, %add3A_1447 : i32
        %get3A_1449 = arith.index_cast %add3A_1448 : i32 to index
        %get3A_1450 = arith.constant 0 : index
        %get3A_1451 = tpu.vector_load %arg13[%get3A_1449, %get3A_1450] {strides = array<i32>} : memref<128x64xbf16, #tpu.memory_space<vmem>>, vector<32xbf16>,
        %bitcast3A_1452 = vector.bitcast %get3A_1451 : vector<32xbf16> to vector<16xi32>
        %shift_left3A_1453 = arith.constant 16 : i32
        %shift_left3A_1454 = vector.broadcast %shift_left3A_1453 : i32 to vector<16xi32>
        %shift_left3A_1455 = arith.shli %bitcast3A_1452, %shift_left3A_1454 : vector<16xi32>
        %bitcast3A_1456 = vector.bitcast %shift_left3A_1455 : vector<16xi32> to vector<16xf32>
        %and3A_1457 = arith.andi %bitcast3A_1452, %broadcast_in_dim3A_65 : vector<16xi32>
        %bitcast3A_1458 = vector.bitcast %and3A_1457 : vector<16xi32> to vector<16xf32>
        %mul3A_1459 = arith.mulf %bitcast3A_1456, %broadcast_in_dim3A_1440 : vector<16xf32>
        %swap3A_1460 = arith.index_cast %add3A_1448 : i32 to index
        %swap3A_1461 = arith.constant 0 : index
        %swap3A_1462 = tpu.vector_load %arg15[%swap3A_1460, %swap3A_1461] {strides = array<i32>} : memref<128x64xf32, #tpu.memory_space<vmem>>, vector<16xf32>,
        tpu.vector_store %arg15[%swap3A_1460, %swap3A_1461], %mul3A_1459 {strides = array<i32>} : memref<128x64xf32, #tpu.memory_space<vmem>>, vector<16xf32>,
        %mul3A_1463 = arith.mulf %bitcast3A_1458, %broadcast_in_dim3A_1440 : vector<16xf32>
        %swap3A_1464 = arith.index_cast %add3A_1448 : i32 to index
        %swap3A_1465 = arith.constant 16 : index
        %swap3A_1466 = tpu.vector_load %arg15[%swap3A_1464, %swap3A_1465] {strides = array<i32>} : memref<128x64xf32, #tpu.memory_space<vmem>>, vector<16xf32>,
        tpu.vector_store %arg15[%swap3A_1464, %swap3A_1465], %mul3A_1463 {strides = array<i32>} : memref<128x64xf32, #tpu.memory_space<vmem>>, vector<16xf32>,
        %get3A_1467 = arith.index_cast %add3A_1448 : i32 to index
        %get3A_1468 = arith.constant 32 : index
        %get3A_1469 = tpu.vector_load %arg13[%get3A_1467, %get3A_1468] {strides = array<i32>} : memref<128x64xbf16, #tpu.memory_space<vmem>>, vector<32xbf16>,
        %bitcast3A_1470 = vector.bitcast %get3A_1469 : vector<32xbf16> to vector<16xi32>
        %shift_left3A_1471 = arith.constant 16 : i32
        %shift_left3A_1472 = vector.broadcast %shift_left3A_1471 : i32 to vector<16xi32>
        %shift_left3A_1473 = arith.shli %bitcast3A_1470, %shift_left3A_1472 : vector<16xi32>
        %bitcast3A_1474 = vector.bitcast %shift_left3A_1473 : vector<16xi32> to vector<16xf32>
        %and3A_1475 = arith.andi %bitcast3A_1470, %broadcast_in_dim3A_65 : vector<16xi32>
        %bitcast3A_1476 = vector.bitcast %and3A_1475 : vector<16xi32> to vector<16xf32>
        %mul3A_1477 = arith.mulf %bitcast3A_1474, %broadcast_in_dim3A_1440 : vector<16xf32>
        %swap3A_1478 = arith.index_cast %add3A_1448 : i32 to index
        %swap3A_1479 = arith.constant 32 : index
        %swap3A_1480 = tpu.vector_load %arg15[%swap3A_1478, %swap3A_1479] {strides = array<i32>} : memref<128x64xf32, #tpu.memory_space<vmem>>, vector<16xf32>,
        tpu.vector_store %arg15[%swap3A_1478, %swap3A_1479], %mul3A_1477 {strides = array<i32>} : memref<128x64xf32, #tpu.memory_space<vmem>>, vector<16xf32>,
        %mul3A_1481 = arith.mulf %bitcast3A_1476, %broadcast_in_dim3A_1440 : vector<16xf32>
        %swap3A_1482 = arith.index_cast %add3A_1448 : i32 to index
        %swap3A_1483 = arith.constant 48 : index
        %swap3A_1484 = tpu.vector_load %arg15[%swap3A_1482, %swap3A_1483] {strides = array<i32>} : memref<128x64xf32, #tpu.memory_space<vmem>>, vector<16xf32>,
        tpu.vector_store %arg15[%swap3A_1482, %swap3A_1483], %mul3A_1481 {strides = array<i32>} : memref<128x64xf32, #tpu.memory_space<vmem>>, vector<16xf32>,
        %slice3A_1485 = vector.extract_strided_slice %get3A_1108 {offsets = [8], sizes = [1], strides = [1]} : vector<16xf32> to vector<1xf32>
        %squeeze3A_1486 = vector.extract %slice3A_1485[0] : f32 from vector<1xf32>
        %broadcast_in_dim3A_1487 = vector.broadcast %squeeze3A_1486 : f32 to vector<16xf32>
        %mul3A_1488 = arith.constant 2 : i32
        %mul3A_1489 = arith.muli %mul3A_1488, %scan3A_342 : i32
        %add3A_1490 = arith.constant 1 : i32
        %add3A_1491 = arith.addi %mul3A_1489, %add3A_1490 : i32
        %mul3A_1492 = arith.constant 16 : i32
        %mul3A_1493 = arith.muli %add3A_1491, %mul3A_1492 : i32
        %add3A_1494 = arith.constant 8 : i32
        %add3A_1495 = arith.addi %mul3A_1493, %add3A_1494 : i32
        %get3A_1496 = arith.index_cast %add3A_1495 : i32 to index
        %get3A_1497 = arith.constant 0 : index
        %get3A_1498 = tpu.vector_load %arg13[%get3A_1496, %get3A_1497] {strides = array<i32>} : memref<128x64xbf16, #tpu.memory_space<vmem>>, vector<32xbf16>,
        %bitcast3A_1499 = vector.bitcast %get3A_1498 : vector<32xbf16> to vector<16xi32>
        %shift_left3A_1500 = arith.constant 16 : i32
        %shift_left3A_1501 = vector.broadcast %shift_left3A_1500 : i32 to vector<16xi32>
        %shift_left3A_1502 = arith.shli %bitcast3A_1499, %shift_left3A_1501 : vector<16xi32>
        %bitcast3A_1503 = vector.bitcast %shift_left3A_1502 : vector<16xi32> to vector<16xf32>
        %and3A_1504 = arith.andi %bitcast3A_1499, %broadcast_in_dim3A_65 : vector<16xi32>
        %bitcast3A_1505 = vector.bitcast %and3A_1504 : vector<16xi32> to vector<16xf32>
        %mul3A_1506 = arith.mulf %bitcast3A_1503, %broadcast_in_dim3A_1487 : vector<16xf32>
        %swap3A_1507 = arith.index_cast %add3A_1495 : i32 to index
        %swap3A_1508 = arith.constant 0 : index
        %swap3A_1509 = tpu.vector_load %arg15[%swap3A_1507, %swap3A_1508] {strides = array<i32>} : memref<128x64xf32, #tpu.memory_space<vmem>>, vector<16xf32>,
        tpu.vector_store %arg15[%swap3A_1507, %swap3A_1508], %mul3A_1506 {strides = array<i32>} : memref<128x64xf32, #tpu.memory_space<vmem>>, vector<16xf32>,
        %mul3A_1510 = arith.mulf %bitcast3A_1505, %broadcast_in_dim3A_1487 : vector<16xf32>
        %swap3A_1511 = arith.index_cast %add3A_1495 : i32 to index
        %swap3A_1512 = arith.constant 16 : index
        %swap3A_1513 = tpu.vector_load %arg15[%swap3A_1511, %swap3A_1512] {strides = array<i32>} : memref<128x64xf32, #tpu.memory_space<vmem>>, vector<16xf32>,
        tpu.vector_store %arg15[%swap3A_1511, %swap3A_1512], %mul3A_1510 {strides = array<i32>} : memref<128x64xf32, #tpu.memory_space<vmem>>, vector<16xf32>,
        %get3A_1514 = arith.index_cast %add3A_1495 : i32 to index
        %get3A_1515 = arith.constant 32 : index
        %get3A_1516 = tpu.vector_load %arg13[%get3A_1514, %get3A_1515] {strides = array<i32>} : memref<128x64xbf16, #tpu.memory_space<vmem>>, vector<32xbf16>,
        %bitcast3A_1517 = vector.bitcast %get3A_1516 : vector<32xbf16> to vector<16xi32>
        %shift_left3A_1518 = arith.constant 16 : i32
        %shift_left3A_1519 = vector.broadcast %shift_left3A_1518 : i32 to vector<16xi32>
        %shift_left3A_1520 = arith.shli %bitcast3A_1517, %shift_left3A_1519 : vector<16xi32>
        %bitcast3A_1521 = vector.bitcast %shift_left3A_1520 : vector<16xi32> to vector<16xf32>
        %and3A_1522 = arith.andi %bitcast3A_1517, %broadcast_in_dim3A_65 : vector<16xi32>
        %bitcast3A_1523 = vector.bitcast %and3A_1522 : vector<16xi32> to vector<16xf32>
        %mul3A_1524 = arith.mulf %bitcast3A_1521, %broadcast_in_dim3A_1487 : vector<16xf32>
        %swap3A_1525 = arith.index_cast %add3A_1495 : i32 to index
        %swap3A_1526 = arith.constant 32 : index
        %swap3A_1527 = tpu.vector_load %arg15[%swap3A_1525, %swap3A_1526] {strides = array<i32>} : memref<128x64xf32, #tpu.memory_space<vmem>>, vector<16xf32>,
        tpu.vector_store %arg15[%swap3A_1525, %swap3A_1526], %mul3A_1524 {strides = array<i32>} : memref<128x64xf32, #tpu.memory_space<vmem>>, vector<16xf32>,
        %mul3A_1528 = arith.mulf %bitcast3A_1523, %broadcast_in_dim3A_1487 : vector<16xf32>
        %swap3A_1529 = arith.index_cast %add3A_1495 : i32 to index
        %swap3A_1530 = arith.constant 48 : index
        %swap3A_1531 = tpu.vector_load %arg15[%swap3A_1529, %swap3A_1530] {strides = array<i32>} : memref<128x64xf32, #tpu.memory_space<vmem>>, vector<16xf32>,
        tpu.vector_store %arg15[%swap3A_1529, %swap3A_1530], %mul3A_1528 {strides = array<i32>} : memref<128x64xf32, #tpu.memory_space<vmem>>, vector<16xf32>,
        %slice3A_1532 = vector.extract_strided_slice %get3A_1108 {offsets = [9], sizes = [1], strides = [1]} : vector<16xf32> to vector<1xf32>
        %squeeze3A_1533 = vector.extract %slice3A_1532[0] : f32 from vector<1xf32>
        %broadcast_in_dim3A_1534 = vector.broadcast %squeeze3A_1533 : f32 to vector<16xf32>
        %mul3A_1535 = arith.constant 2 : i32
        %mul3A_1536 = arith.muli %mul3A_1535, %scan3A_342 : i32
        %add3A_1537 = arith.constant 1 : i32
        %add3A_1538 = arith.addi %mul3A_1536, %add3A_1537 : i32
        %mul3A_1539 = arith.constant 16 : i32
        %mul3A_1540 = arith.muli %add3A_1538, %mul3A_1539 : i32
        %add3A_1541 = arith.constant 9 : i32
        %add3A_1542 = arith.addi %mul3A_1540, %add3A_1541 : i32
        %get3A_1543 = arith.index_cast %add3A_1542 : i32 to index
        %get3A_1544 = arith.constant 0 : index
        %get3A_1545 = tpu.vector_load %arg13[%get3A_1543, %get3A_1544] {strides = array<i32>} : memref<128x64xbf16, #tpu.memory_space<vmem>>, vector<32xbf16>,
        %bitcast3A_1546 = vector.bitcast %get3A_1545 : vector<32xbf16> to vector<16xi32>
        %shift_left3A_1547 = arith.constant 16 : i32
        %shift_left3A_1548 = vector.broadcast %shift_left3A_1547 : i32 to vector<16xi32>
        %shift_left3A_1549 = arith.shli %bitcast3A_1546, %shift_left3A_1548 : vector<16xi32>
        %bitcast3A_1550 = vector.bitcast %shift_left3A_1549 : vector<16xi32> to vector<16xf32>
        %and3A_1551 = arith.andi %bitcast3A_1546, %broadcast_in_dim3A_65 : vector<16xi32>
        %bitcast3A_1552 = vector.bitcast %and3A_1551 : vector<16xi32> to vector<16xf32>
        %mul3A_1553 = arith.mulf %bitcast3A_1550, %broadcast_in_dim3A_1534 : vector<16xf32>
        %swap3A_1554 = arith.index_cast %add3A_1542 : i32 to index
        %swap3A_1555 = arith.constant 0 : index
        %swap3A_1556 = tpu.vector_load %arg15[%swap3A_1554, %swap3A_1555] {strides = array<i32>} : memref<128x64xf32, #tpu.memory_space<vmem>>, vector<16xf32>,
        tpu.vector_store %arg15[%swap3A_1554, %swap3A_1555], %mul3A_1553 {strides = array<i32>} : memref<128x64xf32, #tpu.memory_space<vmem>>, vector<16xf32>,
        %mul3A_1557 = arith.mulf %bitcast3A_1552, %broadcast_in_dim3A_1534 : vector<16xf32>
        %swap3A_1558 = arith.index_cast %add3A_1542 : i32 to index
        %swap3A_1559 = arith.constant 16 : index
        %swap3A_1560 = tpu.vector_load %arg15[%swap3A_1558, %swap3A_1559] {strides = array<i32>} : memref<128x64xf32, #tpu.memory_space<vmem>>, vector<16xf32>,
        tpu.vector_store %arg15[%swap3A_1558, %swap3A_1559], %mul3A_1557 {strides = array<i32>} : memref<128x64xf32, #tpu.memory_space<vmem>>, vector<16xf32>,
        %get3A_1561 = arith.index_cast %add3A_1542 : i32 to index
        %get3A_1562 = arith.constant 32 : index
        %get3A_1563 = tpu.vector_load %arg13[%get3A_1561, %get3A_1562] {strides = array<i32>} : memref<128x64xbf16, #tpu.memory_space<vmem>>, vector<32xbf16>,
        %bitcast3A_1564 = vector.bitcast %get3A_1563 : vector<32xbf16> to vector<16xi32>
        %shift_left3A_1565 = arith.constant 16 : i32
        %shift_left3A_1566 = vector.broadcast %shift_left3A_1565 : i32 to vector<16xi32>
        %shift_left3A_1567 = arith.shli %bitcast3A_1564, %shift_left3A_1566 : vector<16xi32>
        %bitcast3A_1568 = vector.bitcast %shift_left3A_1567 : vector<16xi32> to vector<16xf32>
        %and3A_1569 = arith.andi %bitcast3A_1564, %broadcast_in_dim3A_65 : vector<16xi32>
        %bitcast3A_1570 = vector.bitcast %and3A_1569 : vector<16xi32> to vector<16xf32>
        %mul3A_1571 = arith.mulf %bitcast3A_1568, %broadcast_in_dim3A_1534 : vector<16xf32>
        %swap3A_1572 = arith.index_cast %add3A_1542 : i32 to index
        %swap3A_1573 = arith.constant 32 : index
        %swap3A_1574 = tpu.vector_load %arg15[%swap3A_1572, %swap3A_1573] {strides = array<i32>} : memref<128x64xf32, #tpu.memory_space<vmem>>, vector<16xf32>,
        tpu.vector_store %arg15[%swap3A_1572, %swap3A_1573], %mul3A_1571 {strides = array<i32>} : memref<128x64xf32, #tpu.memory_space<vmem>>, vector<16xf32>,
        %mul3A_1575 = arith.mulf %bitcast3A_1570, %broadcast_in_dim3A_1534 : vector<16xf32>
        %swap3A_1576 = arith.index_cast %add3A_1542 : i32 to index
        %swap3A_1577 = arith.constant 48 : index
        %swap3A_1578 = tpu.vector_load %arg15[%swap3A_1576, %swap3A_1577] {strides = array<i32>} : memref<128x64xf32, #tpu.memory_space<vmem>>, vector<16xf32>,
        tpu.vector_store %arg15[%swap3A_1576, %swap3A_1577], %mul3A_1575 {strides = array<i32>} : memref<128x64xf32, #tpu.memory_space<vmem>>, vector<16xf32>,
        %slice3A_1579 = vector.extract_strided_slice %get3A_1108 {offsets = [10], sizes = [1], strides = [1]} : vector<16xf32> to vector<1xf32>
        %squeeze3A_1580 = vector.extract %slice3A_1579[0] : f32 from vector<1xf32>
        %broadcast_in_dim3A_1581 = vector.broadcast %squeeze3A_1580 : f32 to vector<16xf32>
        %mul3A_1582 = arith.constant 2 : i32
        %mul3A_1583 = arith.muli %mul3A_1582, %scan3A_342 : i32
        %add3A_1584 = arith.constant 1 : i32
        %add3A_1585 = arith.addi %mul3A_1583, %add3A_1584 : i32
        %mul3A_1586 = arith.constant 16 : i32
        %mul3A_1587 = arith.muli %add3A_1585, %mul3A_1586 : i32
        %add3A_1588 = arith.constant 10 : i32
        %add3A_1589 = arith.addi %mul3A_1587, %add3A_1588 : i32
        %get3A_1590 = arith.index_cast %add3A_1589 : i32 to index
        %get3A_1591 = arith.constant 0 : index
        %get3A_1592 = tpu.vector_load %arg13[%get3A_1590, %get3A_1591] {strides = array<i32>} : memref<128x64xbf16, #tpu.memory_space<vmem>>, vector<32xbf16>,
        %bitcast3A_1593 = vector.bitcast %get3A_1592 : vector<32xbf16> to vector<16xi32>
        %shift_left3A_1594 = arith.constant 16 : i32
        %shift_left3A_1595 = vector.broadcast %shift_left3A_1594 : i32 to vector<16xi32>
        %shift_left3A_1596 = arith.shli %bitcast3A_1593, %shift_left3A_1595 : vector<16xi32>
        %bitcast3A_1597 = vector.bitcast %shift_left3A_1596 : vector<16xi32> to vector<16xf32>
        %and3A_1598 = arith.andi %bitcast3A_1593, %broadcast_in_dim3A_65 : vector<16xi32>
        %bitcast3A_1599 = vector.bitcast %and3A_1598 : vector<16xi32> to vector<16xf32>
        %mul3A_1600 = arith.mulf %bitcast3A_1597, %broadcast_in_dim3A_1581 : vector<16xf32>
        %swap3A_1601 = arith.index_cast %add3A_1589 : i32 to index
        %swap3A_1602 = arith.constant 0 : index
        %swap3A_1603 = tpu.vector_load %arg15[%swap3A_1601, %swap3A_1602] {strides = array<i32>} : memref<128x64xf32, #tpu.memory_space<vmem>>, vector<16xf32>,
        tpu.vector_store %arg15[%swap3A_1601, %swap3A_1602], %mul3A_1600 {strides = array<i32>} : memref<128x64xf32, #tpu.memory_space<vmem>>, vector<16xf32>,
        %mul3A_1604 = arith.mulf %bitcast3A_1599, %broadcast_in_dim3A_1581 : vector<16xf32>
        %swap3A_1605 = arith.index_cast %add3A_1589 : i32 to index
        %swap3A_1606 = arith.constant 16 : index
        %swap3A_1607 = tpu.vector_load %arg15[%swap3A_1605, %swap3A_1606] {strides = array<i32>} : memref<128x64xf32, #tpu.memory_space<vmem>>, vector<16xf32>,
        tpu.vector_store %arg15[%swap3A_1605, %swap3A_1606], %mul3A_1604 {strides = array<i32>} : memref<128x64xf32, #tpu.memory_space<vmem>>, vector<16xf32>,
        %get3A_1608 = arith.index_cast %add3A_1589 : i32 to index
        %get3A_1609 = arith.constant 32 : index
        %get3A_1610 = tpu.vector_load %arg13[%get3A_1608, %get3A_1609] {strides = array<i32>} : memref<128x64xbf16, #tpu.memory_space<vmem>>, vector<32xbf16>,
        %bitcast3A_1611 = vector.bitcast %get3A_1610 : vector<32xbf16> to vector<16xi32>
        %shift_left3A_1612 = arith.constant 16 : i32
        %shift_left3A_1613 = vector.broadcast %shift_left3A_1612 : i32 to vector<16xi32>
        %shift_left3A_1614 = arith.shli %bitcast3A_1611, %shift_left3A_1613 : vector<16xi32>
        %bitcast3A_1615 = vector.bitcast %shift_left3A_1614 : vector<16xi32> to vector<16xf32>
        %and3A_1616 = arith.andi %bitcast3A_1611, %broadcast_in_dim3A_65 : vector<16xi32>
        %bitcast3A_1617 = vector.bitcast %and3A_1616 : vector<16xi32> to vector<16xf32>
        %mul3A_1618 = arith.mulf %bitcast3A_1615, %broadcast_in_dim3A_1581 : vector<16xf32>
        %swap3A_1619 = arith.index_cast %add3A_1589 : i32 to index
        %swap3A_1620 = arith.constant 32 : index
        %swap3A_1621 = tpu.vector_load %arg15[%swap3A_1619, %swap3A_1620] {strides = array<i32>} : memref<128x64xf32, #tpu.memory_space<vmem>>, vector<16xf32>,
        tpu.vector_store %arg15[%swap3A_1619, %swap3A_1620], %mul3A_1618 {strides = array<i32>} : memref<128x64xf32, #tpu.memory_space<vmem>>, vector<16xf32>,
        %mul3A_1622 = arith.mulf %bitcast3A_1617, %broadcast_in_dim3A_1581 : vector<16xf32>
        %swap3A_1623 = arith.index_cast %add3A_1589 : i32 to index
        %swap3A_1624 = arith.constant 48 : index
        %swap3A_1625 = tpu.vector_load %arg15[%swap3A_1623, %swap3A_1624] {strides = array<i32>} : memref<128x64xf32, #tpu.memory_space<vmem>>, vector<16xf32>,
        tpu.vector_store %arg15[%swap3A_1623, %swap3A_1624], %mul3A_1622 {strides = array<i32>} : memref<128x64xf32, #tpu.memory_space<vmem>>, vector<16xf32>,
        %slice3A_1626 = vector.extract_strided_slice %get3A_1108 {offsets = [11], sizes = [1], strides = [1]} : vector<16xf32> to vector<1xf32>
        %squeeze3A_1627 = vector.extract %slice3A_1626[0] : f32 from vector<1xf32>
        %broadcast_in_dim3A_1628 = vector.broadcast %squeeze3A_1627 : f32 to vector<16xf32>
        %mul3A_1629 = arith.constant 2 : i32
        %mul3A_1630 = arith.muli %mul3A_1629, %scan3A_342 : i32
        %add3A_1631 = arith.constant 1 : i32
        %add3A_1632 = arith.addi %mul3A_1630, %add3A_1631 : i32
        %mul3A_1633 = arith.constant 16 : i32
        %mul3A_1634 = arith.muli %add3A_1632, %mul3A_1633 : i32
        %add3A_1635 = arith.constant 11 : i32
        %add3A_1636 = arith.addi %mul3A_1634, %add3A_1635 : i32
        %get3A_1637 = arith.index_cast %add3A_1636 : i32 to index
        %get3A_1638 = arith.constant 0 : index
        %get3A_1639 = tpu.vector_load %arg13[%get3A_1637, %get3A_1638] {strides = array<i32>} : memref<128x64xbf16, #tpu.memory_space<vmem>>, vector<32xbf16>,
        %bitcast3A_1640 = vector.bitcast %get3A_1639 : vector<32xbf16> to vector<16xi32>
        %shift_left3A_1641 = arith.constant 16 : i32
        %shift_left3A_1642 = vector.broadcast %shift_left3A_1641 : i32 to vector<16xi32>
        %shift_left3A_1643 = arith.shli %bitcast3A_1640, %shift_left3A_1642 : vector<16xi32>
        %bitcast3A_1644 = vector.bitcast %shift_left3A_1643 : vector<16xi32> to vector<16xf32>
        %and3A_1645 = arith.andi %bitcast3A_1640, %broadcast_in_dim3A_65 : vector<16xi32>
        %bitcast3A_1646 = vector.bitcast %and3A_1645 : vector<16xi32> to vector<16xf32>
        %mul3A_1647 = arith.mulf %bitcast3A_1644, %broadcast_in_dim3A_1628 : vector<16xf32>
        %swap3A_1648 = arith.index_cast %add3A_1636 : i32 to index
        %swap3A_1649 = arith.constant 0 : index
        %swap3A_1650 = tpu.vector_load %arg15[%swap3A_1648, %swap3A_1649] {strides = array<i32>} : memref<128x64xf32, #tpu.memory_space<vmem>>, vector<16xf32>,
        tpu.vector_store %arg15[%swap3A_1648, %swap3A_1649], %mul3A_1647 {strides = array<i32>} : memref<128x64xf32, #tpu.memory_space<vmem>>, vector<16xf32>,
        %mul3A_1651 = arith.mulf %bitcast3A_1646, %broadcast_in_dim3A_1628 : vector<16xf32>
        %swap3A_1652 = arith.index_cast %add3A_1636 : i32 to index
        %swap3A_1653 = arith.constant 16 : index
        %swap3A_1654 = tpu.vector_load %arg15[%swap3A_1652, %swap3A_1653] {strides = array<i32>} : memref<128x64xf32, #tpu.memory_space<vmem>>, vector<16xf32>,
        tpu.vector_store %arg15[%swap3A_1652, %swap3A_1653], %mul3A_1651 {strides = array<i32>} : memref<128x64xf32, #tpu.memory_space<vmem>>, vector<16xf32>,
        %get3A_1655 = arith.index_cast %add3A_1636 : i32 to index
        %get3A_1656 = arith.constant 32 : index
        %get3A_1657 = tpu.vector_load %arg13[%get3A_1655, %get3A_1656] {strides = array<i32>} : memref<128x64xbf16, #tpu.memory_space<vmem>>, vector<32xbf16>,
        %bitcast3A_1658 = vector.bitcast %get3A_1657 : vector<32xbf16> to vector<16xi32>
        %shift_left3A_1659 = arith.constant 16 : i32
        %shift_left3A_1660 = vector.broadcast %shift_left3A_1659 : i32 to vector<16xi32>
        %shift_left3A_1661 = arith.shli %bitcast3A_1658, %shift_left3A_1660 : vector<16xi32>
        %bitcast3A_1662 = vector.bitcast %shift_left3A_1661 : vector<16xi32> to vector<16xf32>
        %and3A_1663 = arith.andi %bitcast3A_1658, %broadcast_in_dim3A_65 : vector<16xi32>
        %bitcast3A_1664 = vector.bitcast %and3A_1663 : vector<16xi32> to vector<16xf32>
        %mul3A_1665 = arith.mulf %bitcast3A_1662, %broadcast_in_dim3A_1628 : vector<16xf32>
        %swap3A_1666 = arith.index_cast %add3A_1636 : i32 to index
        %swap3A_1667 = arith.constant 32 : index
        %swap3A_1668 = tpu.vector_load %arg15[%swap3A_1666, %swap3A_1667] {strides = array<i32>} : memref<128x64xf32, #tpu.memory_space<vmem>>, vector<16xf32>,
        tpu.vector_store %arg15[%swap3A_1666, %swap3A_1667], %mul3A_1665 {strides = array<i32>} : memref<128x64xf32, #tpu.memory_space<vmem>>, vector<16xf32>,
        %mul3A_1669 = arith.mulf %bitcast3A_1664, %broadcast_in_dim3A_1628 : vector<16xf32>
        %swap3A_1670 = arith.index_cast %add3A_1636 : i32 to index
        %swap3A_1671 = arith.constant 48 : index
        %swap3A_1672 = tpu.vector_load %arg15[%swap3A_1670, %swap3A_1671] {strides = array<i32>} : memref<128x64xf32, #tpu.memory_space<vmem>>, vector<16xf32>,
        tpu.vector_store %arg15[%swap3A_1670, %swap3A_1671], %mul3A_1669 {strides = array<i32>} : memref<128x64xf32, #tpu.memory_space<vmem>>, vector<16xf32>,
        %slice3A_1673 = vector.extract_strided_slice %get3A_1108 {offsets = [12], sizes = [1], strides = [1]} : vector<16xf32> to vector<1xf32>
        %squeeze3A_1674 = vector.extract %slice3A_1673[0] : f32 from vector<1xf32>
        %broadcast_in_dim3A_1675 = vector.broadcast %squeeze3A_1674 : f32 to vector<16xf32>
        %mul3A_1676 = arith.constant 2 : i32
        %mul3A_1677 = arith.muli %mul3A_1676, %scan3A_342 : i32
        %add3A_1678 = arith.constant 1 : i32
        %add3A_1679 = arith.addi %mul3A_1677, %add3A_1678 : i32
        %mul3A_1680 = arith.constant 16 : i32
        %mul3A_1681 = arith.muli %add3A_1679, %mul3A_1680 : i32
        %add3A_1682 = arith.constant 12 : i32
        %add3A_1683 = arith.addi %mul3A_1681, %add3A_1682 : i32
        %get3A_1684 = arith.index_cast %add3A_1683 : i32 to index
        %get3A_1685 = arith.constant 0 : index
        %get3A_1686 = tpu.vector_load %arg13[%get3A_1684, %get3A_1685] {strides = array<i32>} : memref<128x64xbf16, #tpu.memory_space<vmem>>, vector<32xbf16>,
        %bitcast3A_1687 = vector.bitcast %get3A_1686 : vector<32xbf16> to vector<16xi32>
        %shift_left3A_1688 = arith.constant 16 : i32
        %shift_left3A_1689 = vector.broadcast %shift_left3A_1688 : i32 to vector<16xi32>
        %shift_left3A_1690 = arith.shli %bitcast3A_1687, %shift_left3A_1689 : vector<16xi32>
        %bitcast3A_1691 = vector.bitcast %shift_left3A_1690 : vector<16xi32> to vector<16xf32>
        %and3A_1692 = arith.andi %bitcast3A_1687, %broadcast_in_dim3A_65 : vector<16xi32>
        %bitcast3A_1693 = vector.bitcast %and3A_1692 : vector<16xi32> to vector<16xf32>
        %mul3A_1694 = arith.mulf %bitcast3A_1691, %broadcast_in_dim3A_1675 : vector<16xf32>
        %swap3A_1695 = arith.index_cast %add3A_1683 : i32 to index
        %swap3A_1696 = arith.constant 0 : index
        %swap3A_1697 = tpu.vector_load %arg15[%swap3A_1695, %swap3A_1696] {strides = array<i32>} : memref<128x64xf32, #tpu.memory_space<vmem>>, vector<16xf32>,
        tpu.vector_store %arg15[%swap3A_1695, %swap3A_1696], %mul3A_1694 {strides = array<i32>} : memref<128x64xf32, #tpu.memory_space<vmem>>, vector<16xf32>,
        %mul3A_1698 = arith.mulf %bitcast3A_1693, %broadcast_in_dim3A_1675 : vector<16xf32>
        %swap3A_1699 = arith.index_cast %add3A_1683 : i32 to index
        %swap3A_1700 = arith.constant 16 : index
        %swap3A_1701 = tpu.vector_load %arg15[%swap3A_1699, %swap3A_1700] {strides = array<i32>} : memref<128x64xf32, #tpu.memory_space<vmem>>, vector<16xf32>,
        tpu.vector_store %arg15[%swap3A_1699, %swap3A_1700], %mul3A_1698 {strides = array<i32>} : memref<128x64xf32, #tpu.memory_space<vmem>>, vector<16xf32>,
        %get3A_1702 = arith.index_cast %add3A_1683 : i32 to index
        %get3A_1703 = arith.constant 32 : index
        %get3A_1704 = tpu.vector_load %arg13[%get3A_1702, %get3A_1703] {strides = array<i32>} : memref<128x64xbf16, #tpu.memory_space<vmem>>, vector<32xbf16>,
        %bitcast3A_1705 = vector.bitcast %get3A_1704 : vector<32xbf16> to vector<16xi32>
        %shift_left3A_1706 = arith.constant 16 : i32
        %shift_left3A_1707 = vector.broadcast %shift_left3A_1706 : i32 to vector<16xi32>
        %shift_left3A_1708 = arith.shli %bitcast3A_1705, %shift_left3A_1707 : vector<16xi32>
        %bitcast3A_1709 = vector.bitcast %shift_left3A_1708 : vector<16xi32> to vector<16xf32>
        %and3A_1710 = arith.andi %bitcast3A_1705, %broadcast_in_dim3A_65 : vector<16xi32>
        %bitcast3A_1711 = vector.bitcast %and3A_1710 : vector<16xi32> to vector<16xf32>
        %mul3A_1712 = arith.mulf %bitcast3A_1709, %broadcast_in_dim3A_1675 : vector<16xf32>
        %swap3A_1713 = arith.index_cast %add3A_1683 : i32 to index
        %swap3A_1714 = arith.constant 32 : index
        %swap3A_1715 = tpu.vector_load %arg15[%swap3A_1713, %swap3A_1714] {strides = array<i32>} : memref<128x64xf32, #tpu.memory_space<vmem>>, vector<16xf32>,
        tpu.vector_store %arg15[%swap3A_1713, %swap3A_1714], %mul3A_1712 {strides = array<i32>} : memref<128x64xf32, #tpu.memory_space<vmem>>, vector<16xf32>,
        %mul3A_1716 = arith.mulf %bitcast3A_1711, %broadcast_in_dim3A_1675 : vector<16xf32>
        %swap3A_1717 = arith.index_cast %add3A_1683 : i32 to index
        %swap3A_1718 = arith.constant 48 : index
        %swap3A_1719 = tpu.vector_load %arg15[%swap3A_1717, %swap3A_1718] {strides = array<i32>} : memref<128x64xf32, #tpu.memory_space<vmem>>, vector<16xf32>,
        tpu.vector_store %arg15[%swap3A_1717, %swap3A_1718], %mul3A_1716 {strides = array<i32>} : memref<128x64xf32, #tpu.memory_space<vmem>>, vector<16xf32>,
        %slice3A_1720 = vector.extract_strided_slice %get3A_1108 {offsets = [13], sizes = [1], strides = [1]} : vector<16xf32> to vector<1xf32>
        %squeeze3A_1721 = vector.extract %slice3A_1720[0] : f32 from vector<1xf32>
        %broadcast_in_dim3A_1722 = vector.broadcast %squeeze3A_1721 : f32 to vector<16xf32>
        %mul3A_1723 = arith.constant 2 : i32
        %mul3A_1724 = arith.muli %mul3A_1723, %scan3A_342 : i32
        %add3A_1725 = arith.constant 1 : i32
        %add3A_1726 = arith.addi %mul3A_1724, %add3A_1725 : i32
        %mul3A_1727 = arith.constant 16 : i32
        %mul3A_1728 = arith.muli %add3A_1726, %mul3A_1727 : i32
        %add3A_1729 = arith.constant 13 : i32
        %add3A_1730 = arith.addi %mul3A_1728, %add3A_1729 : i32
        %get3A_1731 = arith.index_cast %add3A_1730 : i32 to index
        %get3A_1732 = arith.constant 0 : index
        %get3A_1733 = tpu.vector_load %arg13[%get3A_1731, %get3A_1732] {strides = array<i32>} : memref<128x64xbf16, #tpu.memory_space<vmem>>, vector<32xbf16>,
        %bitcast3A_1734 = vector.bitcast %get3A_1733 : vector<32xbf16> to vector<16xi32>
        %shift_left3A_1735 = arith.constant 16 : i32
        %shift_left3A_1736 = vector.broadcast %shift_left3A_1735 : i32 to vector<16xi32>
        %shift_left3A_1737 = arith.shli %bitcast3A_1734, %shift_left3A_1736 : vector<16xi32>
        %bitcast3A_1738 = vector.bitcast %shift_left3A_1737 : vector<16xi32> to vector<16xf32>
        %and3A_1739 = arith.andi %bitcast3A_1734, %broadcast_in_dim3A_65 : vector<16xi32>
        %bitcast3A_1740 = vector.bitcast %and3A_1739 : vector<16xi32> to vector<16xf32>
        %mul3A_1741 = arith.mulf %bitcast3A_1738, %broadcast_in_dim3A_1722 : vector<16xf32>
        %swap3A_1742 = arith.index_cast %add3A_1730 : i32 to index
        %swap3A_1743 = arith.constant 0 : index
        %swap3A_1744 = tpu.vector_load %arg15[%swap3A_1742, %swap3A_1743] {strides = array<i32>} : memref<128x64xf32, #tpu.memory_space<vmem>>, vector<16xf32>,
        tpu.vector_store %arg15[%swap3A_1742, %swap3A_1743], %mul3A_1741 {strides = array<i32>} : memref<128x64xf32, #tpu.memory_space<vmem>>, vector<16xf32>,
        %mul3A_1745 = arith.mulf %bitcast3A_1740, %broadcast_in_dim3A_1722 : vector<16xf32>
        %swap3A_1746 = arith.index_cast %add3A_1730 : i32 to index
        %swap3A_1747 = arith.constant 16 : index
        %swap3A_1748 = tpu.vector_load %arg15[%swap3A_1746, %swap3A_1747] {strides = array<i32>} : memref<128x64xf32, #tpu.memory_space<vmem>>, vector<16xf32>,
        tpu.vector_store %arg15[%swap3A_1746, %swap3A_1747], %mul3A_1745 {strides = array<i32>} : memref<128x64xf32, #tpu.memory_space<vmem>>, vector<16xf32>,
        %get3A_1749 = arith.index_cast %add3A_1730 : i32 to index
        %get3A_1750 = arith.constant 32 : index
        %get3A_1751 = tpu.vector_load %arg13[%get3A_1749, %get3A_1750] {strides = array<i32>} : memref<128x64xbf16, #tpu.memory_space<vmem>>, vector<32xbf16>,
        %bitcast3A_1752 = vector.bitcast %get3A_1751 : vector<32xbf16> to vector<16xi32>
        %shift_left3A_1753 = arith.constant 16 : i32
        %shift_left3A_1754 = vector.broadcast %shift_left3A_1753 : i32 to vector<16xi32>
        %shift_left3A_1755 = arith.shli %bitcast3A_1752, %shift_left3A_1754 : vector<16xi32>
        %bitcast3A_1756 = vector.bitcast %shift_left3A_1755 : vector<16xi32> to vector<16xf32>
        %and3A_1757 = arith.andi %bitcast3A_1752, %broadcast_in_dim3A_65 : vector<16xi32>
        %bitcast3A_1758 = vector.bitcast %and3A_1757 : vector<16xi32> to vector<16xf32>
        %mul3A_1759 = arith.mulf %bitcast3A_1756, %broadcast_in_dim3A_1722 : vector<16xf32>
        %swap3A_1760 = arith.index_cast %add3A_1730 : i32 to index
        %swap3A_1761 = arith.constant 32 : index
        %swap3A_1762 = tpu.vector_load %arg15[%swap3A_1760, %swap3A_1761] {strides = array<i32>} : memref<128x64xf32, #tpu.memory_space<vmem>>, vector<16xf32>,
        tpu.vector_store %arg15[%swap3A_1760, %swap3A_1761], %mul3A_1759 {strides = array<i32>} : memref<128x64xf32, #tpu.memory_space<vmem>>, vector<16xf32>,
        %mul3A_1763 = arith.mulf %bitcast3A_1758, %broadcast_in_dim3A_1722 : vector<16xf32>
        %swap3A_1764 = arith.index_cast %add3A_1730 : i32 to index
        %swap3A_1765 = arith.constant 48 : index
        %swap3A_1766 = tpu.vector_load %arg15[%swap3A_1764, %swap3A_1765] {strides = array<i32>} : memref<128x64xf32, #tpu.memory_space<vmem>>, vector<16xf32>,
        tpu.vector_store %arg15[%swap3A_1764, %swap3A_1765], %mul3A_1763 {strides = array<i32>} : memref<128x64xf32, #tpu.memory_space<vmem>>, vector<16xf32>,
        %slice3A_1767 = vector.extract_strided_slice %get3A_1108 {offsets = [14], sizes = [1], strides = [1]} : vector<16xf32> to vector<1xf32>
        %squeeze3A_1768 = vector.extract %slice3A_1767[0] : f32 from vector<1xf32>
        %broadcast_in_dim3A_1769 = vector.broadcast %squeeze3A_1768 : f32 to vector<16xf32>
        %mul3A_1770 = arith.constant 2 : i32
        %mul3A_1771 = arith.muli %mul3A_1770, %scan3A_342 : i32
        %add3A_1772 = arith.constant 1 : i32
        %add3A_1773 = arith.addi %mul3A_1771, %add3A_1772 : i32
        %mul3A_1774 = arith.constant 16 : i32
        %mul3A_1775 = arith.muli %add3A_1773, %mul3A_1774 : i32
        %add3A_1776 = arith.constant 14 : i32
        %add3A_1777 = arith.addi %mul3A_1775, %add3A_1776 : i32
        %get3A_1778 = arith.index_cast %add3A_1777 : i32 to index
        %get3A_1779 = arith.constant 0 : index
        %get3A_1780 = tpu.vector_load %arg13[%get3A_1778, %get3A_1779] {strides = array<i32>} : memref<128x64xbf16, #tpu.memory_space<vmem>>, vector<32xbf16>,
        %bitcast3A_1781 = vector.bitcast %get3A_1780 : vector<32xbf16> to vector<16xi32>
        %shift_left3A_1782 = arith.constant 16 : i32
        %shift_left3A_1783 = vector.broadcast %shift_left3A_1782 : i32 to vector<16xi32>
        %shift_left3A_1784 = arith.shli %bitcast3A_1781, %shift_left3A_1783 : vector<16xi32>
        %bitcast3A_1785 = vector.bitcast %shift_left3A_1784 : vector<16xi32> to vector<16xf32>
        %and3A_1786 = arith.andi %bitcast3A_1781, %broadcast_in_dim3A_65 : vector<16xi32>
        %bitcast3A_1787 = vector.bitcast %and3A_1786 : vector<16xi32> to vector<16xf32>
        %mul3A_1788 = arith.mulf %bitcast3A_1785, %broadcast_in_dim3A_1769 : vector<16xf32>
        %swap3A_1789 = arith.index_cast %add3A_1777 : i32 to index
        %swap3A_1790 = arith.constant 0 : index
        %swap3A_1791 = tpu.vector_load %arg15[%swap3A_1789, %swap3A_1790] {strides = array<i32>} : memref<128x64xf32, #tpu.memory_space<vmem>>, vector<16xf32>,
        tpu.vector_store %arg15[%swap3A_1789, %swap3A_1790], %mul3A_1788 {strides = array<i32>} : memref<128x64xf32, #tpu.memory_space<vmem>>, vector<16xf32>,
        %mul3A_1792 = arith.mulf %bitcast3A_1787, %broadcast_in_dim3A_1769 : vector<16xf32>
        %swap3A_1793 = arith.index_cast %add3A_1777 : i32 to index
        %swap3A_1794 = arith.constant 16 : index
        %swap3A_1795 = tpu.vector_load %arg15[%swap3A_1793, %swap3A_1794] {strides = array<i32>} : memref<128x64xf32, #tpu.memory_space<vmem>>, vector<16xf32>,
        tpu.vector_store %arg15[%swap3A_1793, %swap3A_1794], %mul3A_1792 {strides = array<i32>} : memref<128x64xf32, #tpu.memory_space<vmem>>, vector<16xf32>,
        %get3A_1796 = arith.index_cast %add3A_1777 : i32 to index
        %get3A_1797 = arith.constant 32 : index
        %get3A_1798 = tpu.vector_load %arg13[%get3A_1796, %get3A_1797] {strides = array<i32>} : memref<128x64xbf16, #tpu.memory_space<vmem>>, vector<32xbf16>,
        %bitcast3A_1799 = vector.bitcast %get3A_1798 : vector<32xbf16> to vector<16xi32>
        %shift_left3A_1800 = arith.constant 16 : i32
        %shift_left3A_1801 = vector.broadcast %shift_left3A_1800 : i32 to vector<16xi32>
        %shift_left3A_1802 = arith.shli %bitcast3A_1799, %shift_left3A_1801 : vector<16xi32>
        %bitcast3A_1803 = vector.bitcast %shift_left3A_1802 : vector<16xi32> to vector<16xf32>
        %and3A_1804 = arith.andi %bitcast3A_1799, %broadcast_in_dim3A_65 : vector<16xi32>
        %bitcast3A_1805 = vector.bitcast %and3A_1804 : vector<16xi32> to vector<16xf32>
        %mul3A_1806 = arith.mulf %bitcast3A_1803, %broadcast_in_dim3A_1769 : vector<16xf32>
        %swap3A_1807 = arith.index_cast %add3A_1777 : i32 to index
        %swap3A_1808 = arith.constant 32 : index
        %swap3A_1809 = tpu.vector_load %arg15[%swap3A_1807, %swap3A_1808] {strides = array<i32>} : memref<128x64xf32, #tpu.memory_space<vmem>>, vector<16xf32>,
        tpu.vector_store %arg15[%swap3A_1807, %swap3A_1808], %mul3A_1806 {strides = array<i32>} : memref<128x64xf32, #tpu.memory_space<vmem>>, vector<16xf32>,
        %mul3A_1810 = arith.mulf %bitcast3A_1805, %broadcast_in_dim3A_1769 : vector<16xf32>
        %swap3A_1811 = arith.index_cast %add3A_1777 : i32 to index
        %swap3A_1812 = arith.constant 48 : index
        %swap3A_1813 = tpu.vector_load %arg15[%swap3A_1811, %swap3A_1812] {strides = array<i32>} : memref<128x64xf32, #tpu.memory_space<vmem>>, vector<16xf32>,
        tpu.vector_store %arg15[%swap3A_1811, %swap3A_1812], %mul3A_1810 {strides = array<i32>} : memref<128x64xf32, #tpu.memory_space<vmem>>, vector<16xf32>,
        %slice3A_1814 = vector.extract_strided_slice %get3A_1108 {offsets = [15], sizes = [1], strides = [1]} : vector<16xf32> to vector<1xf32>
        %squeeze3A_1815 = vector.extract %slice3A_1814[0] : f32 from vector<1xf32>
        %broadcast_in_dim3A_1816 = vector.broadcast %squeeze3A_1815 : f32 to vector<16xf32>
        %mul3A_1817 = arith.constant 2 : i32
        %mul3A_1818 = arith.muli %mul3A_1817, %scan3A_342 : i32
        %add3A_1819 = arith.constant 1 : i32
        %add3A_1820 = arith.addi %mul3A_1818, %add3A_1819 : i32
        %mul3A_1821 = arith.constant 16 : i32
        %mul3A_1822 = arith.muli %add3A_1820, %mul3A_1821 : i32
        %add3A_1823 = arith.constant 15 : i32
        %add3A_1824 = arith.addi %mul3A_1822, %add3A_1823 : i32
        %get3A_1825 = arith.index_cast %add3A_1824 : i32 to index
        %get3A_1826 = arith.constant 0 : index
        %get3A_1827 = tpu.vector_load %arg13[%get3A_1825, %get3A_1826] {strides = array<i32>} : memref<128x64xbf16, #tpu.memory_space<vmem>>, vector<32xbf16>,
        %bitcast3A_1828 = vector.bitcast %get3A_1827 : vector<32xbf16> to vector<16xi32>
        %shift_left3A_1829 = arith.constant 16 : i32
        %shift_left3A_1830 = vector.broadcast %shift_left3A_1829 : i32 to vector<16xi32>
        %shift_left3A_1831 = arith.shli %bitcast3A_1828, %shift_left3A_1830 : vector<16xi32>
        %bitcast3A_1832 = vector.bitcast %shift_left3A_1831 : vector<16xi32> to vector<16xf32>
        %and3A_1833 = arith.andi %bitcast3A_1828, %broadcast_in_dim3A_65 : vector<16xi32>
        %bitcast3A_1834 = vector.bitcast %and3A_1833 : vector<16xi32> to vector<16xf32>
        %mul3A_1835 = arith.mulf %bitcast3A_1832, %broadcast_in_dim3A_1816 : vector<16xf32>
        %swap3A_1836 = arith.index_cast %add3A_1824 : i32 to index
        %swap3A_1837 = arith.constant 0 : index
        %swap3A_1838 = tpu.vector_load %arg15[%swap3A_1836, %swap3A_1837] {strides = array<i32>} : memref<128x64xf32, #tpu.memory_space<vmem>>, vector<16xf32>,
        tpu.vector_store %arg15[%swap3A_1836, %swap3A_1837], %mul3A_1835 {strides = array<i32>} : memref<128x64xf32, #tpu.memory_space<vmem>>, vector<16xf32>,
        %mul3A_1839 = arith.mulf %bitcast3A_1834, %broadcast_in_dim3A_1816 : vector<16xf32>
        %swap3A_1840 = arith.index_cast %add3A_1824 : i32 to index
        %swap3A_1841 = arith.constant 16 : index
        %swap3A_1842 = tpu.vector_load %arg15[%swap3A_1840, %swap3A_1841] {strides = array<i32>} : memref<128x64xf32, #tpu.memory_space<vmem>>, vector<16xf32>,
        tpu.vector_store %arg15[%swap3A_1840, %swap3A_1841], %mul3A_1839 {strides = array<i32>} : memref<128x64xf32, #tpu.memory_space<vmem>>, vector<16xf32>,
        %get3A_1843 = arith.index_cast %add3A_1824 : i32 to index
        %get3A_1844 = arith.constant 32 : index
        %get3A_1845 = tpu.vector_load %arg13[%get3A_1843, %get3A_1844] {strides = array<i32>} : memref<128x64xbf16, #tpu.memory_space<vmem>>, vector<32xbf16>,
        %bitcast3A_1846 = vector.bitcast %get3A_1845 : vector<32xbf16> to vector<16xi32>
        %shift_left3A_1847 = arith.constant 16 : i32
        %shift_left3A_1848 = vector.broadcast %shift_left3A_1847 : i32 to vector<16xi32>
        %shift_left3A_1849 = arith.shli %bitcast3A_1846, %shift_left3A_1848 : vector<16xi32>
        %bitcast3A_1850 = vector.bitcast %shift_left3A_1849 : vector<16xi32> to vector<16xf32>
        %and3A_1851 = arith.andi %bitcast3A_1846, %broadcast_in_dim3A_65 : vector<16xi32>
        %bitcast3A_1852 = vector.bitcast %and3A_1851 : vector<16xi32> to vector<16xf32>
        %mul3A_1853 = arith.mulf %bitcast3A_1850, %broadcast_in_dim3A_1816 : vector<16xf32>
        %swap3A_1854 = arith.index_cast %add3A_1824 : i32 to index
        %swap3A_1855 = arith.constant 32 : index
        %swap3A_1856 = tpu.vector_load %arg15[%swap3A_1854, %swap3A_1855] {strides = array<i32>} : memref<128x64xf32, #tpu.memory_space<vmem>>, vector<16xf32>,
        tpu.vector_store %arg15[%swap3A_1854, %swap3A_1855], %mul3A_1853 {strides = array<i32>} : memref<128x64xf32, #tpu.memory_space<vmem>>, vector<16xf32>,
        %mul3A_1857 = arith.mulf %bitcast3A_1852, %broadcast_in_dim3A_1816 : vector<16xf32>
        %swap3A_1858 = arith.index_cast %add3A_1824 : i32 to index
        %swap3A_1859 = arith.constant 48 : index
        %swap3A_1860 = tpu.vector_load %arg15[%swap3A_1858, %swap3A_1859] {strides = array<i32>} : memref<128x64xf32, #tpu.memory_space<vmem>>, vector<16xf32>,
        tpu.vector_store %arg15[%swap3A_1858, %swap3A_1859], %mul3A_1857 {strides = array<i32>} : memref<128x64xf32, #tpu.memory_space<vmem>>, vector<16xf32>,
      }
      %scan3A_205 = arith.constant 4 : i32
      %dma_start3A_206 = arith.constant 0 : i32
      %dma_start3A_207 = tpu.memref_slice %arg10[%add3A_95, %dma_start3A_206] : memref<160x128xi32, #tpu.memory_space<vmem>> -> memref<1x128xi32, #tpu.memory_space<vmem>>
      %dma_start3A_208 = tpu.memref_squeeze %dma_start3A_207 : memref<1x128xi32, #tpu.memory_space<vmem>> -> memref<128xi32, #tpu.memory_space<vmem>>
      %dma_start3A_209 = arith.constant 0 : i32
      %dma_start3A_210 = arith.constant 0 : i32
      %dma_start3A_211 = tpu.memref_slice %arg17[%dma_start3A_209, %dma_start3A_210] : memref<10240x64xf32, #tpu.memory_space<vmem_shared>> -> memref<10240x64xf32, #tpu.memory_space<vmem_shared>>
      tpu.enqueue_indirect_dma source(%arg15 : memref<128x64xf32, #tpu.memory_space<vmem>>) target(%dma_start3A_211 : memref<10240x64xf32, #tpu.memory_space<vmem_shared>>) offsets(%dma_start3A_208 : memref<128xi32, #tpu.memory_space<vmem>>) semaphore(%arg20 : memref<!tpu.dma_semaphore, #tpu.memory_space<semaphore_mem>>) {add = true}
      %mul3A_212 = arith.constant 2 : i32
      %mul3A_213 = arith.muli %mul3A_212, %scan3A_91 : i32
      %add3A_214 = arith.constant 1 : i32
      %add3A_215 = arith.addi %mul3A_213, %add3A_214 : i32
      %get3A_216 = arith.index_cast %add3A_215 : i32 to index
      %get3A_217 = arith.constant 0 : index
      %get3A_218 = tpu.vector_load %arg11[%get3A_216, %get3A_217] {strides = array<i32>} : memref<160x128xbf16, #tpu.memory_space<vmem>>, vector<32xbf16>,
      %bitcast3A_219 = vector.bitcast %get3A_218 : vector<32xbf16> to vector<16xi32>
      %shift_left3A_220 = arith.constant 16 : i32
      %shift_left3A_221 = vector.broadcast %shift_left3A_220 : i32 to vector<16xi32>
      %shift_left3A_222 = arith.shli %bitcast3A_219, %shift_left3A_221 : vector<16xi32>
      %bitcast3A_223 = vector.bitcast %shift_left3A_222 : vector<16xi32> to vector<16xf32>
      %and3A_224 = arith.andi %bitcast3A_219, %broadcast_in_dim3A_65 : vector<16xi32>
      %bitcast3A_225 = vector.bitcast %and3A_224 : vector<16xi32> to vector<16xf32>
      %get3A_226 = arith.index_cast %add3A_215 : i32 to index
      %get3A_227 = arith.constant 0 : index
      %get3A_228 = tpu.vector_load %arg10[%get3A_226, %get3A_227] {strides = array<i32>} : memref<160x128xi32, #tpu.memory_space<vmem>>, vector<16xi32>,
      %gather3A_229 = tpu.vector_load_idx %arg8[%get3A_228] : memref<10240xf32, #tpu.memory_space<vmem>>[vector<16xi32>], vector<16xf32>,
      %mul3A_230 = arith.mulf %bitcast3A_223, %gather3A_229 : vector<16xf32>
      %swap3A_231 = arith.constant 0 : index
      %swap3A_232 = tpu.vector_load %arg12[%swap3A_231] {strides = array<i32>} : memref<128xf32, #tpu.memory_space<vmem>>, vector<16xf32>,
      tpu.vector_store %arg12[%swap3A_231], %mul3A_230 {strides = array<i32>} : memref<128xf32, #tpu.memory_space<vmem>>, vector<16xf32>,
      %get3A_233 = arith.index_cast %add3A_215 : i32 to index
      %get3A_234 = arith.constant 16 : index
      %get3A_235 = tpu.vector_load %arg10[%get3A_233, %get3A_234] {strides = array<i32>} : memref<160x128xi32, #tpu.memory_space<vmem>>, vector<16xi32>,
      %gather3A_236 = tpu.vector_load_idx %arg8[%get3A_235] : memref<10240xf32, #tpu.memory_space<vmem>>[vector<16xi32>], vector<16xf32>,
      %mul3A_237 = arith.mulf %bitcast3A_225, %gather3A_236 : vector<16xf32>
      %swap3A_238 = arith.constant 16 : index
      %swap3A_239 = tpu.vector_load %arg12[%swap3A_238] {strides = array<i32>} : memref<128xf32, #tpu.memory_space<vmem>>, vector<16xf32>,
      tpu.vector_store %arg12[%swap3A_238], %mul3A_237 {strides = array<i32>} : memref<128xf32, #tpu.memory_space<vmem>>, vector<16xf32>,
      %get3A_240 = arith.index_cast %add3A_215 : i32 to index
      %get3A_241 = arith.constant 32 : index
      %get3A_242 = tpu.vector_load %arg11[%get3A_240, %get3A_241] {strides = array<i32>} : memref<160x128xbf16, #tpu.memory_space<vmem>>, vector<32xbf16>,
      %bitcast3A_243 = vector.bitcast %get3A_242 : vector<32xbf16> to vector<16xi32>
      %shift_left3A_244 = arith.constant 16 : i32
      %shift_left3A_245 = vector.broadcast %shift_left3A_244 : i32 to vector<16xi32>
      %shift_left3A_246 = arith.shli %bitcast3A_243, %shift_left3A_245 : vector<16xi32>
      %bitcast3A_247 = vector.bitcast %shift_left3A_246 : vector<16xi32> to vector<16xf32>
      %and3A_248 = arith.andi %bitcast3A_243, %broadcast_in_dim3A_65 : vector<16xi32>
      %bitcast3A_249 = vector.bitcast %and3A_248 : vector<16xi32> to vector<16xf32>
      %get3A_250 = arith.index_cast %add3A_215 : i32 to index
      %get3A_251 = arith.constant 32 : index
      %get3A_252 = tpu.vector_load %arg10[%get3A_250, %get3A_251] {strides = array<i32>} : memref<160x128xi32, #tpu.memory_space<vmem>>, vector<16xi32>,
      %gather3A_253 = tpu.vector_load_idx %arg8[%get3A_252] : memref<10240xf32, #tpu.memory_space<vmem>>[vector<16xi32>], vector<16xf32>,
      %mul3A_254 = arith.mulf %bitcast3A_247, %gather3A_253 : vector<16xf32>
      %swap3A_255 = arith.constant 32 : index
      %swap3A_256 = tpu.vector_load %arg12[%swap3A_255] {strides = array<i32>} : memref<128xf32, #tpu.memory_space<vmem>>, vector<16xf32>,
      tpu.vector_store %arg12[%swap3A_255], %mul3A_254 {strides = array<i32>} : memref<128xf32, #tpu.memory_space<vmem>>, vector<16xf32>,
      %get3A_257 = arith.index_cast %add3A_215 : i32 to index
      %get3A_258 = arith.constant 48 : index
      %get3A_259 = tpu.vector_load %arg10[%get3A_257, %get3A_258] {strides = array<i32>} : memref<160x128xi32, #tpu.memory_space<vmem>>, vector<16xi32>,
      %gather3A_260 = tpu.vector_load_idx %arg8[%get3A_259] : memref<10240xf32, #tpu.memory_space<vmem>>[vector<16xi32>], vector<16xf32>,
      %mul3A_261 = arith.mulf %bitcast3A_249, %gather3A_260 : vector<16xf32>
      %swap3A_262 = arith.constant 48 : index
      %swap3A_263 = tpu.vector_load %arg12[%swap3A_262] {strides = array<i32>} : memref<128xf32, #tpu.memory_space<vmem>>, vector<16xf32>,
      tpu.vector_store %arg12[%swap3A_262], %mul3A_261 {strides = array<i32>} : memref<128xf32, #tpu.memory_space<vmem>>, vector<16xf32>,
      %get3A_264 = arith.index_cast %add3A_215 : i32 to index
      %get3A_265 = arith.constant 64 : index
      %get3A_266 = tpu.vector_load %arg11[%get3A_264, %get3A_265] {strides = array<i32>} : memref<160x128xbf16, #tpu.memory_space<vmem>>, vector<32xbf16>,
      %bitcast3A_267 = vector.bitcast %get3A_266 : vector<32xbf16> to vector<16xi32>
      %shift_left3A_268 = arith.constant 16 : i32
      %shift_left3A_269 = vector.broadcast %shift_left3A_268 : i32 to vector<16xi32>
      %shift_left3A_270 = arith.shli %bitcast3A_267, %shift_left3A_269 : vector<16xi32>
      %bitcast3A_271 = vector.bitcast %shift_left3A_270 : vector<16xi32> to vector<16xf32>
      %and3A_272 = arith.andi %bitcast3A_267, %broadcast_in_dim3A_65 : vector<16xi32>
      %bitcast3A_273 = vector.bitcast %and3A_272 : vector<16xi32> to vector<16xf32>
      %get3A_274 = arith.index_cast %add3A_215 : i32 to index
      %get3A_275 = arith.constant 64 : index
      %get3A_276 = tpu.vector_load %arg10[%get3A_274, %get3A_275] {strides = array<i32>} : memref<160x128xi32, #tpu.memory_space<vmem>>, vector<16xi32>,
      %gather3A_277 = tpu.vector_load_idx %arg8[%get3A_276] : memref<10240xf32, #tpu.memory_space<vmem>>[vector<16xi32>], vector<16xf32>,
      %mul3A_278 = arith.mulf %bitcast3A_271, %gather3A_277 : vector<16xf32>
      %swap3A_279 = arith.constant 64 : index
      %swap3A_280 = tpu.vector_load %arg12[%swap3A_279] {strides = array<i32>} : memref<128xf32, #tpu.memory_space<vmem>>, vector<16xf32>,
      tpu.vector_store %arg12[%swap3A_279], %mul3A_278 {strides = array<i32>} : memref<128xf32, #tpu.memory_space<vmem>>, vector<16xf32>,
      %get3A_281 = arith.index_cast %add3A_215 : i32 to index
      %get3A_282 = arith.constant 80 : index
      %get3A_283 = tpu.vector_load %arg10[%get3A_281, %get3A_282] {strides = array<i32>} : memref<160x128xi32, #tpu.memory_space<vmem>>, vector<16xi32>,
      %gather3A_284 = tpu.vector_load_idx %arg8[%get3A_283] : memref<10240xf32, #tpu.memory_space<vmem>>[vector<16xi32>], vector<16xf32>,
      %mul3A_285 = arith.mulf %bitcast3A_273, %gather3A_284 : vector<16xf32>
      %swap3A_286 = arith.constant 80 : index
      %swap3A_287 = tpu.vector_load %arg12[%swap3A_286] {strides = array<i32>} : memref<128xf32, #tpu.memory_space<vmem>>, vector<16xf32>,
      tpu.vector_store %arg12[%swap3A_286], %mul3A_285 {strides = array<i32>} : memref<128xf32, #tpu.memory_space<vmem>>, vector<16xf32>,
      %get3A_288 = arith.index_cast %add3A_215 : i32 to index
      %get3A_289 = arith.constant 96 : index
      %get3A_290 = tpu.vector_load %arg11[%get3A_288, %get3A_289] {strides = array<i32>} : memref<160x128xbf16, #tpu.memory_space<vmem>>, vector<32xbf16>,
      %bitcast3A_291 = vector.bitcast %get3A_290 : vector<32xbf16> to vector<16xi32>
      %shift_left3A_292 = arith.constant 16 : i32
      %shift_left3A_293 = vector.broadcast %shift_left3A_292 : i32 to vector<16xi32>
      %shift_left3A_294 = arith.shli %bitcast3A_291, %shift_left3A_293 : vector<16xi32>
      %bitcast3A_295 = vector.bitcast %shift_left3A_294 : vector<16xi32> to vector<16xf32>
      %and3A_296 = arith.andi %bitcast3A_291, %broadcast_in_dim3A_65 : vector<16xi32>
      %bitcast3A_297 = vector.bitcast %and3A_296 : vector<16xi32> to vector<16xf32>
      %get3A_298 = arith.index_cast %add3A_215 : i32 to index
      %get3A_299 = arith.constant 96 : index
      %get3A_300 = tpu.vector_load %arg10[%get3A_298, %get3A_299] {strides = array<i32>} : memref<160x128xi32, #tpu.memory_space<vmem>>, vector<16xi32>,
      %gather3A_301 = tpu.vector_load_idx %arg8[%get3A_300] : memref<10240xf32, #tpu.memory_space<vmem>>[vector<16xi32>], vector<16xf32>,
      %mul3A_302 = arith.mulf %bitcast3A_295, %gather3A_301 : vector<16xf32>
      %swap3A_303 = arith.constant 96 : index
      %swap3A_304 = tpu.vector_load %arg12[%swap3A_303] {strides = array<i32>} : memref<128xf32, #tpu.memory_space<vmem>>, vector<16xf32>,
      tpu.vector_store %arg12[%swap3A_303], %mul3A_302 {strides = array<i32>} : memref<128xf32, #tpu.memory_space<vmem>>, vector<16xf32>,
      %get3A_305 = arith.index_cast %add3A_215 : i32 to index
      %get3A_306 = arith.constant 112 : index
      %get3A_307 = tpu.vector_load %arg10[%get3A_305, %get3A_306] {strides = array<i32>} : memref<160x128xi32, #tpu.memory_space<vmem>>, vector<16xi32>,
      %gather3A_308 = tpu.vector_load_idx %arg8[%get3A_307] : memref<10240xf32, #tpu.memory_space<vmem>>[vector<16xi32>], vector<16xf32>,
      %mul3A_309 = arith.mulf %bitcast3A_297, %gather3A_308 : vector<16xf32>
      %swap3A_310 = arith.constant 112 : index
      %swap3A_311 = tpu.vector_load %arg12[%swap3A_310] {strides = array<i32>} : memref<128xf32, #tpu.memory_space<vmem>>, vector<16xf32>,
      tpu.vector_store %arg12[%swap3A_310], %mul3A_309 {strides = array<i32>} : memref<128xf32, #tpu.memory_space<vmem>>, vector<16xf32>,
      %dma_wait3A_312 = arith.constant 0 : i32
      %dma_wait3A_313 = tpu.memref_slice %arg9[%add3A_215, %dma_wait3A_312] : memref<160x128xi32, #tpu.memory_space<vmem>> -> memref<1x128xi32, #tpu.memory_space<vmem>>
      %dma_wait3A_314 = tpu.memref_squeeze %dma_wait3A_313 : memref<1x128xi32, #tpu.memory_space<vmem>> -> memref<128xi32, #tpu.memory_space<vmem>>
      %dma_wait3A_315 = arith.constant 0 : i32
      %dma_wait3A_316 = arith.constant 0 : i32
      %dma_wait3A_317 = tpu.memref_slice %arg6[%dma_wait3A_315, %dma_wait3A_316] : memref<20480x64xbf16, #tpu.memory_space<hbm>> -> memref<20480x64xbf16, #tpu.memory_space<hbm>>
      tpu.wait_indirect_dma semaphore(%arg19 : memref<!tpu.dma_semaphore, #tpu.memory_space<semaphore_mem>>) src(%dma_wait3A_317 : memref<20480x64xbf16, #tpu.memory_space<hbm>>) dst(%arg14 : memref<128x64xbf16, #tpu.memory_space<vmem>>)
      %add3A_318 = arith.constant 1 : i32
      %add3A_319 = arith.addi %add3A_215, %add3A_318 : i32
      %lt3A_320 = arith.constant 160 : i32
      %lt3A_321 = arith.cmpi slt, %add3A_319, %lt3A_320 : i32
      %convert_element_type3A_322 = arith.extui %lt3A_321 : i1 to i32
      %cond3A_323 = arith.constant 0 : i32
      %cond3A_324 = arith.cmpi ne, %convert_element_type3A_322, %cond3A_323 : i32
      scf.if %cond3A_324 {
        %add3A_342 = arith.constant 1 : i32
        %add3A_343 = arith.addi %add3A_215, %add3A_342 : i32
        %dma_start3A_344 = arith.constant 0 : i32
        %dma_start3A_345 = tpu.memref_slice %arg9[%add3A_343, %dma_start3A_344] : memref<160x128xi32, #tpu.memory_space<vmem>> -> memref<1x128xi32, #tpu.memory_space<vmem>>
        %dma_start3A_346 = tpu.memref_squeeze %dma_start3A_345 : memref<1x128xi32, #tpu.memory_space<vmem>> -> memref<128xi32, #tpu.memory_space<vmem>>
        %dma_start3A_347 = arith.constant 0 : i32
        %dma_start3A_348 = arith.constant 0 : i32
        %dma_start3A_349 = tpu.memref_slice %arg6[%dma_start3A_347, %dma_start3A_348] : memref<20480x64xbf16, #tpu.memory_space<hbm>> -> memref<20480x64xbf16, #tpu.memory_space<hbm>>
        tpu.enqueue_indirect_dma source(%dma_start3A_349 : memref<20480x64xbf16, #tpu.memory_space<hbm>>) target(%arg13 : memref<128x64xbf16, #tpu.memory_space<vmem>>) offsets(%dma_start3A_346 : memref<128xi32, #tpu.memory_space<vmem>>) semaphore(%arg18 : memref<!tpu.dma_semaphore, #tpu.memory_space<semaphore_mem>>)
      } else {
      }
      %ge3A_325 = arith.constant 2 : i32
      %ge3A_326 = arith.cmpi sge, %add3A_215, %ge3A_325 : i32
      %convert_element_type3A_327 = arith.extui %ge3A_326 : i1 to i32
      %cond3A_328 = arith.constant 0 : i32
      %cond3A_329 = arith.cmpi ne, %convert_element_type3A_327, %cond3A_328 : i32
      scf.if %cond3A_329 {
        %sub3A = arith.constant 2 : i32
        %sub3A_342 = arith.subi %add3A_215, %sub3A : i32
        %dma_wait3A_343 = arith.constant 0 : i32
        %dma_wait3A_344 = tpu.memref_slice %arg10[%sub3A_342, %dma_wait3A_343] : memref<160x128xi32, #tpu.memory_space<vmem>> -> memref<1x128xi32, #tpu.memory_space<vmem>>
        %dma_wait3A_345 = tpu.memref_squeeze %dma_wait3A_344 : memref<1x128xi32, #tpu.memory_space<vmem>> -> memref<128xi32, #tpu.memory_space<vmem>>
        %dma_wait3A_346 = arith.constant 0 : i32
        %dma_wait3A_347 = arith.constant 0 : i32
        %dma_wait3A_348 = tpu.memref_slice %arg17[%dma_wait3A_346, %dma_wait3A_347] : memref<10240x64xf32, #tpu.memory_space<vmem_shared>> -> memref<10240x64xf32, #tpu.memory_space<vmem_shared>>
        tpu.wait_indirect_dma semaphore(%arg21 : memref<!tpu.dma_semaphore, #tpu.memory_space<semaphore_mem>>) src(%arg16 : memref<128x64xf32, #tpu.memory_space<vmem>>) dst(%dma_wait3A_348 : memref<10240x64xf32, #tpu.memory_space<vmem_shared>>)
      } else {
      }
      %scan3A_330 = arith.constant 0 : i32
      %scan3A_331 = arith.constant 0 : i32
      %scan3A_332 = arith.constant 4 : i32
      %scan3A_333 = arith.addi %scan3A_331, %scan3A_332 : i32
      %scan3A_334 = arith.constant 1 : i32
      scf.for %scan3A_342 = %scan3A_331 to %scan3A_333 step %scan3A_334  : i32 {
        %mul3A_343 = arith.constant 2 : i32
        %mul3A_344 = arith.muli %mul3A_343, %scan3A_342 : i32
        %add3A_345 = arith.constant 0 : i32
        %add3A_346 = arith.addi %mul3A_344, %add3A_345 : i32
        %mul3A_347 = arith.constant 16 : i32
        %mul3A_348 = arith.muli %add3A_346, %mul3A_347 : i32
        %get3A_349 = arith.index_cast %mul3A_348 : i32 to index
        %get3A_350 = tpu.vector_load %arg12[%get3A_349] {strides = array<i32>} : memref<128xf32, #tpu.memory_space<vmem>>, vector<16xf32>,
        %slice3A = vector.extract_strided_slice %get3A_350 {offsets = [0], sizes = [1], strides = [1]} : vector<16xf32> to vector<1xf32>
        %squeeze3A = vector.extract %slice3A[0] : f32 from vector<1xf32>
        %broadcast_in_dim3A_351 = vector.broadcast %squeeze3A : f32 to vector<16xf32>
        %mul3A_352 = arith.constant 2 : i32
        %mul3A_353 = arith.muli %mul3A_352, %scan3A_342 : i32
        %add3A_354 = arith.constant 0 : i32
        %add3A_355 = arith.addi %mul3A_353, %add3A_354 : i32
        %mul3A_356 = arith.constant 16 : i32
        %mul3A_357 = arith.muli %add3A_355, %mul3A_356 : i32
        %add3A_358 = arith.constant 0 : i32
        %add3A_359 = arith.addi %mul3A_357, %add3A_358 : i32
        %get3A_360 = arith.index_cast %add3A_359 : i32 to index
        %get3A_361 = arith.constant 0 : index
        %get3A_362 = tpu.vector_load %arg14[%get3A_360, %get3A_361] {strides = array<i32>} : memref<128x64xbf16, #tpu.memory_space<vmem>>, vector<32xbf16>,
        %bitcast3A_363 = vector.bitcast %get3A_362 : vector<32xbf16> to vector<16xi32>
        %shift_left3A_364 = arith.constant 16 : i32
        %shift_left3A_365 = vector.broadcast %shift_left3A_364 : i32 to vector<16xi32>
        %shift_left3A_366 = arith.shli %bitcast3A_363, %shift_left3A_365 : vector<16xi32>
        %bitcast3A_367 = vector.bitcast %shift_left3A_366 : vector<16xi32> to vector<16xf32>
        %and3A_368 = arith.andi %bitcast3A_363, %broadcast_in_dim3A_65 : vector<16xi32>
        %bitcast3A_369 = vector.bitcast %and3A_368 : vector<16xi32> to vector<16xf32>
        %mul3A_370 = arith.mulf %bitcast3A_367, %broadcast_in_dim3A_351 : vector<16xf32>
        %swap3A_371 = arith.index_cast %add3A_359 : i32 to index
        %swap3A_372 = arith.constant 0 : index
        %swap3A_373 = tpu.vector_load %arg16[%swap3A_371, %swap3A_372] {strides = array<i32>} : memref<128x64xf32, #tpu.memory_space<vmem>>, vector<16xf32>,
        tpu.vector_store %arg16[%swap3A_371, %swap3A_372], %mul3A_370 {strides = array<i32>} : memref<128x64xf32, #tpu.memory_space<vmem>>, vector<16xf32>,
        %mul3A_374 = arith.mulf %bitcast3A_369, %broadcast_in_dim3A_351 : vector<16xf32>
        %swap3A_375 = arith.index_cast %add3A_359 : i32 to index
        %swap3A_376 = arith.constant 16 : index
        %swap3A_377 = tpu.vector_load %arg16[%swap3A_375, %swap3A_376] {strides = array<i32>} : memref<128x64xf32, #tpu.memory_space<vmem>>, vector<16xf32>,
        tpu.vector_store %arg16[%swap3A_375, %swap3A_376], %mul3A_374 {strides = array<i32>} : memref<128x64xf32, #tpu.memory_space<vmem>>, vector<16xf32>,
        %get3A_378 = arith.index_cast %add3A_359 : i32 to index
        %get3A_379 = arith.constant 32 : index
        %get3A_380 = tpu.vector_load %arg14[%get3A_378, %get3A_379] {strides = array<i32>} : memref<128x64xbf16, #tpu.memory_space<vmem>>, vector<32xbf16>,
        %bitcast3A_381 = vector.bitcast %get3A_380 : vector<32xbf16> to vector<16xi32>
        %shift_left3A_382 = arith.constant 16 : i32
        %shift_left3A_383 = vector.broadcast %shift_left3A_382 : i32 to vector<16xi32>
        %shift_left3A_384 = arith.shli %bitcast3A_381, %shift_left3A_383 : vector<16xi32>
        %bitcast3A_385 = vector.bitcast %shift_left3A_384 : vector<16xi32> to vector<16xf32>
        %and3A_386 = arith.andi %bitcast3A_381, %broadcast_in_dim3A_65 : vector<16xi32>
        %bitcast3A_387 = vector.bitcast %and3A_386 : vector<16xi32> to vector<16xf32>
        %mul3A_388 = arith.mulf %bitcast3A_385, %broadcast_in_dim3A_351 : vector<16xf32>
        %swap3A_389 = arith.index_cast %add3A_359 : i32 to index
        %swap3A_390 = arith.constant 32 : index
        %swap3A_391 = tpu.vector_load %arg16[%swap3A_389, %swap3A_390] {strides = array<i32>} : memref<128x64xf32, #tpu.memory_space<vmem>>, vector<16xf32>,
        tpu.vector_store %arg16[%swap3A_389, %swap3A_390], %mul3A_388 {strides = array<i32>} : memref<128x64xf32, #tpu.memory_space<vmem>>, vector<16xf32>,
        %mul3A_392 = arith.mulf %bitcast3A_387, %broadcast_in_dim3A_351 : vector<16xf32>
        %swap3A_393 = arith.index_cast %add3A_359 : i32 to index
        %swap3A_394 = arith.constant 48 : index
        %swap3A_395 = tpu.vector_load %arg16[%swap3A_393, %swap3A_394] {strides = array<i32>} : memref<128x64xf32, #tpu.memory_space<vmem>>, vector<16xf32>,
        tpu.vector_store %arg16[%swap3A_393, %swap3A_394], %mul3A_392 {strides = array<i32>} : memref<128x64xf32, #tpu.memory_space<vmem>>, vector<16xf32>,
        %slice3A_396 = vector.extract_strided_slice %get3A_350 {offsets = [1], sizes = [1], strides = [1]} : vector<16xf32> to vector<1xf32>
        %squeeze3A_397 = vector.extract %slice3A_396[0] : f32 from vector<1xf32>
        %broadcast_in_dim3A_398 = vector.broadcast %squeeze3A_397 : f32 to vector<16xf32>
        %mul3A_399 = arith.constant 2 : i32
        %mul3A_400 = arith.muli %mul3A_399, %scan3A_342 : i32
        %add3A_401 = arith.constant 0 : i32
        %add3A_402 = arith.addi %mul3A_400, %add3A_401 : i32
        %mul3A_403 = arith.constant 16 : i32
        %mul3A_404 = arith.muli %add3A_402, %mul3A_403 : i32
        %add3A_405 = arith.constant 1 : i32
        %add3A_406 = arith.addi %mul3A_404, %add3A_405 : i32
        %get3A_407 = arith.index_cast %add3A_406 : i32 to index
        %get3A_408 = arith.constant 0 : index
        %get3A_409 = tpu.vector_load %arg14[%get3A_407, %get3A_408] {strides = array<i32>} : memref<128x64xbf16, #tpu.memory_space<vmem>>, vector<32xbf16>,
        %bitcast3A_410 = vector.bitcast %get3A_409 : vector<32xbf16> to vector<16xi32>
        %shift_left3A_411 = arith.constant 16 : i32
        %shift_left3A_412 = vector.broadcast %shift_left3A_411 : i32 to vector<16xi32>
        %shift_left3A_413 = arith.shli %bitcast3A_410, %shift_left3A_412 : vector<16xi32>
        %bitcast3A_414 = vector.bitcast %shift_left3A_413 : vector<16xi32> to vector<16xf32>
        %and3A_415 = arith.andi %bitcast3A_410, %broadcast_in_dim3A_65 : vector<16xi32>
        %bitcast3A_416 = vector.bitcast %and3A_415 : vector<16xi32> to vector<16xf32>
        %mul3A_417 = arith.mulf %bitcast3A_414, %broadcast_in_dim3A_398 : vector<16xf32>
        %swap3A_418 = arith.index_cast %add3A_406 : i32 to index
        %swap3A_419 = arith.constant 0 : index
        %swap3A_420 = tpu.vector_load %arg16[%swap3A_418, %swap3A_419] {strides = array<i32>} : memref<128x64xf32, #tpu.memory_space<vmem>>, vector<16xf32>,
        tpu.vector_store %arg16[%swap3A_418, %swap3A_419], %mul3A_417 {strides = array<i32>} : memref<128x64xf32, #tpu.memory_space<vmem>>, vector<16xf32>,
        %mul3A_421 = arith.mulf %bitcast3A_416, %broadcast_in_dim3A_398 : vector<16xf32>
        %swap3A_422 = arith.index_cast %add3A_406 : i32 to index
        %swap3A_423 = arith.constant 16 : index
        %swap3A_424 = tpu.vector_load %arg16[%swap3A_422, %swap3A_423] {strides = array<i32>} : memref<128x64xf32, #tpu.memory_space<vmem>>, vector<16xf32>,
        tpu.vector_store %arg16[%swap3A_422, %swap3A_423], %mul3A_421 {strides = array<i32>} : memref<128x64xf32, #tpu.memory_space<vmem>>, vector<16xf32>,
        %get3A_425 = arith.index_cast %add3A_406 : i32 to index
        %get3A_426 = arith.constant 32 : index
        %get3A_427 = tpu.vector_load %arg14[%get3A_425, %get3A_426] {strides = array<i32>} : memref<128x64xbf16, #tpu.memory_space<vmem>>, vector<32xbf16>,
        %bitcast3A_428 = vector.bitcast %get3A_427 : vector<32xbf16> to vector<16xi32>
        %shift_left3A_429 = arith.constant 16 : i32
        %shift_left3A_430 = vector.broadcast %shift_left3A_429 : i32 to vector<16xi32>
        %shift_left3A_431 = arith.shli %bitcast3A_428, %shift_left3A_430 : vector<16xi32>
        %bitcast3A_432 = vector.bitcast %shift_left3A_431 : vector<16xi32> to vector<16xf32>
        %and3A_433 = arith.andi %bitcast3A_428, %broadcast_in_dim3A_65 : vector<16xi32>
        %bitcast3A_434 = vector.bitcast %and3A_433 : vector<16xi32> to vector<16xf32>
        %mul3A_435 = arith.mulf %bitcast3A_432, %broadcast_in_dim3A_398 : vector<16xf32>
        %swap3A_436 = arith.index_cast %add3A_406 : i32 to index
        %swap3A_437 = arith.constant 32 : index
        %swap3A_438 = tpu.vector_load %arg16[%swap3A_436, %swap3A_437] {strides = array<i32>} : memref<128x64xf32, #tpu.memory_space<vmem>>, vector<16xf32>,
        tpu.vector_store %arg16[%swap3A_436, %swap3A_437], %mul3A_435 {strides = array<i32>} : memref<128x64xf32, #tpu.memory_space<vmem>>, vector<16xf32>,
        %mul3A_439 = arith.mulf %bitcast3A_434, %broadcast_in_dim3A_398 : vector<16xf32>
        %swap3A_440 = arith.index_cast %add3A_406 : i32 to index
        %swap3A_441 = arith.constant 48 : index
        %swap3A_442 = tpu.vector_load %arg16[%swap3A_440, %swap3A_441] {strides = array<i32>} : memref<128x64xf32, #tpu.memory_space<vmem>>, vector<16xf32>,
        tpu.vector_store %arg16[%swap3A_440, %swap3A_441], %mul3A_439 {strides = array<i32>} : memref<128x64xf32, #tpu.memory_space<vmem>>, vector<16xf32>,
        %slice3A_443 = vector.extract_strided_slice %get3A_350 {offsets = [2], sizes = [1], strides = [1]} : vector<16xf32> to vector<1xf32>
        %squeeze3A_444 = vector.extract %slice3A_443[0] : f32 from vector<1xf32>
        %broadcast_in_dim3A_445 = vector.broadcast %squeeze3A_444 : f32 to vector<16xf32>
        %mul3A_446 = arith.constant 2 : i32
        %mul3A_447 = arith.muli %mul3A_446, %scan3A_342 : i32
        %add3A_448 = arith.constant 0 : i32
        %add3A_449 = arith.addi %mul3A_447, %add3A_448 : i32
        %mul3A_450 = arith.constant 16 : i32
        %mul3A_451 = arith.muli %add3A_449, %mul3A_450 : i32
        %add3A_452 = arith.constant 2 : i32
        %add3A_453 = arith.addi %mul3A_451, %add3A_452 : i32
        %get3A_454 = arith.index_cast %add3A_453 : i32 to index
        %get3A_455 = arith.constant 0 : index
        %get3A_456 = tpu.vector_load %arg14[%get3A_454, %get3A_455] {strides = array<i32>} : memref<128x64xbf16, #tpu.memory_space<vmem>>, vector<32xbf16>,
        %bitcast3A_457 = vector.bitcast %get3A_456 : vector<32xbf16> to vector<16xi32>
        %shift_left3A_458 = arith.constant 16 : i32
        %shift_left3A_459 = vector.broadcast %shift_left3A_458 : i32 to vector<16xi32>
        %shift_left3A_460 = arith.shli %bitcast3A_457, %shift_left3A_459 : vector<16xi32>
        %bitcast3A_461 = vector.bitcast %shift_left3A_460 : vector<16xi32> to vector<16xf32>
        %and3A_462 = arith.andi %bitcast3A_457, %broadcast_in_dim3A_65 : vector<16xi32>
        %bitcast3A_463 = vector.bitcast %and3A_462 : vector<16xi32> to vector<16xf32>
        %mul3A_464 = arith.mulf %bitcast3A_461, %broadcast_in_dim3A_445 : vector<16xf32>
        %swap3A_465 = arith.index_cast %add3A_453 : i32 to index
        %swap3A_466 = arith.constant 0 : index
        %swap3A_467 = tpu.vector_load %arg16[%swap3A_465, %swap3A_466] {strides = array<i32>} : memref<128x64xf32, #tpu.memory_space<vmem>>, vector<16xf32>,
        tpu.vector_store %arg16[%swap3A_465, %swap3A_466], %mul3A_464 {strides = array<i32>} : memref<128x64xf32, #tpu.memory_space<vmem>>, vector<16xf32>,
        %mul3A_468 = arith.mulf %bitcast3A_463, %broadcast_in_dim3A_445 : vector<16xf32>
        %swap3A_469 = arith.index_cast %add3A_453 : i32 to index
        %swap3A_470 = arith.constant 16 : index
        %swap3A_471 = tpu.vector_load %arg16[%swap3A_469, %swap3A_470] {strides = array<i32>} : memref<128x64xf32, #tpu.memory_space<vmem>>, vector<16xf32>,
        tpu.vector_store %arg16[%swap3A_469, %swap3A_470], %mul3A_468 {strides = array<i32>} : memref<128x64xf32, #tpu.memory_space<vmem>>, vector<16xf32>,
        %get3A_472 = arith.index_cast %add3A_453 : i32 to index
        %get3A_473 = arith.constant 32 : index
        %get3A_474 = tpu.vector_load %arg14[%get3A_472, %get3A_473] {strides = array<i32>} : memref<128x64xbf16, #tpu.memory_space<vmem>>, vector<32xbf16>,
        %bitcast3A_475 = vector.bitcast %get3A_474 : vector<32xbf16> to vector<16xi32>
        %shift_left3A_476 = arith.constant 16 : i32
        %shift_left3A_477 = vector.broadcast %shift_left3A_476 : i32 to vector<16xi32>
        %shift_left3A_478 = arith.shli %bitcast3A_475, %shift_left3A_477 : vector<16xi32>
        %bitcast3A_479 = vector.bitcast %shift_left3A_478 : vector<16xi32> to vector<16xf32>
        %and3A_480 = arith.andi %bitcast3A_475, %broadcast_in_dim3A_65 : vector<16xi32>
        %bitcast3A_481 = vector.bitcast %and3A_480 : vector<16xi32> to vector<16xf32>
        %mul3A_482 = arith.mulf %bitcast3A_479, %broadcast_in_dim3A_445 : vector<16xf32>
        %swap3A_483 = arith.index_cast %add3A_453 : i32 to index
        %swap3A_484 = arith.constant 32 : index
        %swap3A_485 = tpu.vector_load %arg16[%swap3A_483, %swap3A_484] {strides = array<i32>} : memref<128x64xf32, #tpu.memory_space<vmem>>, vector<16xf32>,
        tpu.vector_store %arg16[%swap3A_483, %swap3A_484], %mul3A_482 {strides = array<i32>} : memref<128x64xf32, #tpu.memory_space<vmem>>, vector<16xf32>,
        %mul3A_486 = arith.mulf %bitcast3A_481, %broadcast_in_dim3A_445 : vector<16xf32>
        %swap3A_487 = arith.index_cast %add3A_453 : i32 to index
        %swap3A_488 = arith.constant 48 : index
        %swap3A_489 = tpu.vector_load %arg16[%swap3A_487, %swap3A_488] {strides = array<i32>} : memref<128x64xf32, #tpu.memory_space<vmem>>, vector<16xf32>,
        tpu.vector_store %arg16[%swap3A_487, %swap3A_488], %mul3A_486 {strides = array<i32>} : memref<128x64xf32, #tpu.memory_space<vmem>>, vector<16xf32>,
        %slice3A_490 = vector.extract_strided_slice %get3A_350 {offsets = [3], sizes = [1], strides = [1]} : vector<16xf32> to vector<1xf32>
        %squeeze3A_491 = vector.extract %slice3A_490[0] : f32 from vector<1xf32>
        %broadcast_in_dim3A_492 = vector.broadcast %squeeze3A_491 : f32 to vector<16xf32>
        %mul3A_493 = arith.constant 2 : i32
        %mul3A_494 = arith.muli %mul3A_493, %scan3A_342 : i32
        %add3A_495 = arith.constant 0 : i32
        %add3A_496 = arith.addi %mul3A_494, %add3A_495 : i32
        %mul3A_497 = arith.constant 16 : i32
        %mul3A_498 = arith.muli %add3A_496, %mul3A_497 : i32
        %add3A_499 = arith.constant 3 : i32
        %add3A_500 = arith.addi %mul3A_498, %add3A_499 : i32
        %get3A_501 = arith.index_cast %add3A_500 : i32 to index
        %get3A_502 = arith.constant 0 : index
        %get3A_503 = tpu.vector_load %arg14[%get3A_501, %get3A_502] {strides = array<i32>} : memref<128x64xbf16, #tpu.memory_space<vmem>>, vector<32xbf16>,
        %bitcast3A_504 = vector.bitcast %get3A_503 : vector<32xbf16> to vector<16xi32>
        %shift_left3A_505 = arith.constant 16 : i32
        %shift_left3A_506 = vector.broadcast %shift_left3A_505 : i32 to vector<16xi32>
        %shift_left3A_507 = arith.shli %bitcast3A_504, %shift_left3A_506 : vector<16xi32>
        %bitcast3A_508 = vector.bitcast %shift_left3A_507 : vector<16xi32> to vector<16xf32>
        %and3A_509 = arith.andi %bitcast3A_504, %broadcast_in_dim3A_65 : vector<16xi32>
        %bitcast3A_510 = vector.bitcast %and3A_509 : vector<16xi32> to vector<16xf32>
        %mul3A_511 = arith.mulf %bitcast3A_508, %broadcast_in_dim3A_492 : vector<16xf32>
        %swap3A_512 = arith.index_cast %add3A_500 : i32 to index
        %swap3A_513 = arith.constant 0 : index
        %swap3A_514 = tpu.vector_load %arg16[%swap3A_512, %swap3A_513] {strides = array<i32>} : memref<128x64xf32, #tpu.memory_space<vmem>>, vector<16xf32>,
        tpu.vector_store %arg16[%swap3A_512, %swap3A_513], %mul3A_511 {strides = array<i32>} : memref<128x64xf32, #tpu.memory_space<vmem>>, vector<16xf32>,
        %mul3A_515 = arith.mulf %bitcast3A_510, %broadcast_in_dim3A_492 : vector<16xf32>
        %swap3A_516 = arith.index_cast %add3A_500 : i32 to index
        %swap3A_517 = arith.constant 16 : index
        %swap3A_518 = tpu.vector_load %arg16[%swap3A_516, %swap3A_517] {strides = array<i32>} : memref<128x64xf32, #tpu.memory_space<vmem>>, vector<16xf32>,
        tpu.vector_store %arg16[%swap3A_516, %swap3A_517], %mul3A_515 {strides = array<i32>} : memref<128x64xf32, #tpu.memory_space<vmem>>, vector<16xf32>,
        %get3A_519 = arith.index_cast %add3A_500 : i32 to index
        %get3A_520 = arith.constant 32 : index
        %get3A_521 = tpu.vector_load %arg14[%get3A_519, %get3A_520] {strides = array<i32>} : memref<128x64xbf16, #tpu.memory_space<vmem>>, vector<32xbf16>,
        %bitcast3A_522 = vector.bitcast %get3A_521 : vector<32xbf16> to vector<16xi32>
        %shift_left3A_523 = arith.constant 16 : i32
        %shift_left3A_524 = vector.broadcast %shift_left3A_523 : i32 to vector<16xi32>
        %shift_left3A_525 = arith.shli %bitcast3A_522, %shift_left3A_524 : vector<16xi32>
        %bitcast3A_526 = vector.bitcast %shift_left3A_525 : vector<16xi32> to vector<16xf32>
        %and3A_527 = arith.andi %bitcast3A_522, %broadcast_in_dim3A_65 : vector<16xi32>
        %bitcast3A_528 = vector.bitcast %and3A_527 : vector<16xi32> to vector<16xf32>
        %mul3A_529 = arith.mulf %bitcast3A_526, %broadcast_in_dim3A_492 : vector<16xf32>
        %swap3A_530 = arith.index_cast %add3A_500 : i32 to index
        %swap3A_531 = arith.constant 32 : index
        %swap3A_532 = tpu.vector_load %arg16[%swap3A_530, %swap3A_531] {strides = array<i32>} : memref<128x64xf32, #tpu.memory_space<vmem>>, vector<16xf32>,
        tpu.vector_store %arg16[%swap3A_530, %swap3A_531], %mul3A_529 {strides = array<i32>} : memref<128x64xf32, #tpu.memory_space<vmem>>, vector<16xf32>,
        %mul3A_533 = arith.mulf %bitcast3A_528, %broadcast_in_dim3A_492 : vector<16xf32>
        %swap3A_534 = arith.index_cast %add3A_500 : i32 to index
        %swap3A_535 = arith.constant 48 : index
        %swap3A_536 = tpu.vector_load %arg16[%swap3A_534, %swap3A_535] {strides = array<i32>} : memref<128x64xf32, #tpu.memory_space<vmem>>, vector<16xf32>,
        tpu.vector_store %arg16[%swap3A_534, %swap3A_535], %mul3A_533 {strides = array<i32>} : memref<128x64xf32, #tpu.memory_space<vmem>>, vector<16xf32>,
        %slice3A_537 = vector.extract_strided_slice %get3A_350 {offsets = [4], sizes = [1], strides = [1]} : vector<16xf32> to vector<1xf32>
        %squeeze3A_538 = vector.extract %slice3A_537[0] : f32 from vector<1xf32>
        %broadcast_in_dim3A_539 = vector.broadcast %squeeze3A_538 : f32 to vector<16xf32>
        %mul3A_540 = arith.constant 2 : i32
        %mul3A_541 = arith.muli %mul3A_540, %scan3A_342 : i32
        %add3A_542 = arith.constant 0 : i32
        %add3A_543 = arith.addi %mul3A_541, %add3A_542 : i32
        %mul3A_544 = arith.constant 16 : i32
        %mul3A_545 = arith.muli %add3A_543, %mul3A_544 : i32
        %add3A_546 = arith.constant 4 : i32
        %add3A_547 = arith.addi %mul3A_545, %add3A_546 : i32
        %get3A_548 = arith.index_cast %add3A_547 : i32 to index
        %get3A_549 = arith.constant 0 : index
        %get3A_550 = tpu.vector_load %arg14[%get3A_548, %get3A_549] {strides = array<i32>} : memref<128x64xbf16, #tpu.memory_space<vmem>>, vector<32xbf16>,
        %bitcast3A_551 = vector.bitcast %get3A_550 : vector<32xbf16> to vector<16xi32>
        %shift_left3A_552 = arith.constant 16 : i32
        %shift_left3A_553 = vector.broadcast %shift_left3A_552 : i32 to vector<16xi32>
        %shift_left3A_554 = arith.shli %bitcast3A_551, %shift_left3A_553 : vector<16xi32>
        %bitcast3A_555 = vector.bitcast %shift_left3A_554 : vector<16xi32> to vector<16xf32>
        %and3A_556 = arith.andi %bitcast3A_551, %broadcast_in_dim3A_65 : vector<16xi32>
        %bitcast3A_557 = vector.bitcast %and3A_556 : vector<16xi32> to vector<16xf32>
        %mul3A_558 = arith.mulf %bitcast3A_555, %broadcast_in_dim3A_539 : vector<16xf32>
        %swap3A_559 = arith.index_cast %add3A_547 : i32 to index
        %swap3A_560 = arith.constant 0 : index
        %swap3A_561 = tpu.vector_load %arg16[%swap3A_559, %swap3A_560] {strides = array<i32>} : memref<128x64xf32, #tpu.memory_space<vmem>>, vector<16xf32>,
        tpu.vector_store %arg16[%swap3A_559, %swap3A_560], %mul3A_558 {strides = array<i32>} : memref<128x64xf32, #tpu.memory_space<vmem>>, vector<16xf32>,
        %mul3A_562 = arith.mulf %bitcast3A_557, %broadcast_in_dim3A_539 : vector<16xf32>
        %swap3A_563 = arith.index_cast %add3A_547 : i32 to index
        %swap3A_564 = arith.constant 16 : index
        %swap3A_565 = tpu.vector_load %arg16[%swap3A_563, %swap3A_564] {strides = array<i32>} : memref<128x64xf32, #tpu.memory_space<vmem>>, vector<16xf32>,
        tpu.vector_store %arg16[%swap3A_563, %swap3A_564], %mul3A_562 {strides = array<i32>} : memref<128x64xf32, #tpu.memory_space<vmem>>, vector<16xf32>,
        %get3A_566 = arith.index_cast %add3A_547 : i32 to index
        %get3A_567 = arith.constant 32 : index
        %get3A_568 = tpu.vector_load %arg14[%get3A_566, %get3A_567] {strides = array<i32>} : memref<128x64xbf16, #tpu.memory_space<vmem>>, vector<32xbf16>,
        %bitcast3A_569 = vector.bitcast %get3A_568 : vector<32xbf16> to vector<16xi32>
        %shift_left3A_570 = arith.constant 16 : i32
        %shift_left3A_571 = vector.broadcast %shift_left3A_570 : i32 to vector<16xi32>
        %shift_left3A_572 = arith.shli %bitcast3A_569, %shift_left3A_571 : vector<16xi32>
        %bitcast3A_573 = vector.bitcast %shift_left3A_572 : vector<16xi32> to vector<16xf32>
        %and3A_574 = arith.andi %bitcast3A_569, %broadcast_in_dim3A_65 : vector<16xi32>
        %bitcast3A_575 = vector.bitcast %and3A_574 : vector<16xi32> to vector<16xf32>
        %mul3A_576 = arith.mulf %bitcast3A_573, %broadcast_in_dim3A_539 : vector<16xf32>
        %swap3A_577 = arith.index_cast %add3A_547 : i32 to index
        %swap3A_578 = arith.constant 32 : index
        %swap3A_579 = tpu.vector_load %arg16[%swap3A_577, %swap3A_578] {strides = array<i32>} : memref<128x64xf32, #tpu.memory_space<vmem>>, vector<16xf32>,
        tpu.vector_store %arg16[%swap3A_577, %swap3A_578], %mul3A_576 {strides = array<i32>} : memref<128x64xf32, #tpu.memory_space<vmem>>, vector<16xf32>,
        %mul3A_580 = arith.mulf %bitcast3A_575, %broadcast_in_dim3A_539 : vector<16xf32>
        %swap3A_581 = arith.index_cast %add3A_547 : i32 to index
        %swap3A_582 = arith.constant 48 : index
        %swap3A_583 = tpu.vector_load %arg16[%swap3A_581, %swap3A_582] {strides = array<i32>} : memref<128x64xf32, #tpu.memory_space<vmem>>, vector<16xf32>,
        tpu.vector_store %arg16[%swap3A_581, %swap3A_582], %mul3A_580 {strides = array<i32>} : memref<128x64xf32, #tpu.memory_space<vmem>>, vector<16xf32>,
        %slice3A_584 = vector.extract_strided_slice %get3A_350 {offsets = [5], sizes = [1], strides = [1]} : vector<16xf32> to vector<1xf32>
        %squeeze3A_585 = vector.extract %slice3A_584[0] : f32 from vector<1xf32>
        %broadcast_in_dim3A_586 = vector.broadcast %squeeze3A_585 : f32 to vector<16xf32>
        %mul3A_587 = arith.constant 2 : i32
        %mul3A_588 = arith.muli %mul3A_587, %scan3A_342 : i32
        %add3A_589 = arith.constant 0 : i32
        %add3A_590 = arith.addi %mul3A_588, %add3A_589 : i32
        %mul3A_591 = arith.constant 16 : i32
        %mul3A_592 = arith.muli %add3A_590, %mul3A_591 : i32
        %add3A_593 = arith.constant 5 : i32
        %add3A_594 = arith.addi %mul3A_592, %add3A_593 : i32
        %get3A_595 = arith.index_cast %add3A_594 : i32 to index
        %get3A_596 = arith.constant 0 : index
        %get3A_597 = tpu.vector_load %arg14[%get3A_595, %get3A_596] {strides = array<i32>} : memref<128x64xbf16, #tpu.memory_space<vmem>>, vector<32xbf16>,
        %bitcast3A_598 = vector.bitcast %get3A_597 : vector<32xbf16> to vector<16xi32>
        %shift_left3A_599 = arith.constant 16 : i32
        %shift_left3A_600 = vector.broadcast %shift_left3A_599 : i32 to vector<16xi32>
        %shift_left3A_601 = arith.shli %bitcast3A_598, %shift_left3A_600 : vector<16xi32>
        %bitcast3A_602 = vector.bitcast %shift_left3A_601 : vector<16xi32> to vector<16xf32>
        %and3A_603 = arith.andi %bitcast3A_598, %broadcast_in_dim3A_65 : vector<16xi32>
        %bitcast3A_604 = vector.bitcast %and3A_603 : vector<16xi32> to vector<16xf32>
        %mul3A_605 = arith.mulf %bitcast3A_602, %broadcast_in_dim3A_586 : vector<16xf32>
        %swap3A_606 = arith.index_cast %add3A_594 : i32 to index
        %swap3A_607 = arith.constant 0 : index
        %swap3A_608 = tpu.vector_load %arg16[%swap3A_606, %swap3A_607] {strides = array<i32>} : memref<128x64xf32, #tpu.memory_space<vmem>>, vector<16xf32>,
        tpu.vector_store %arg16[%swap3A_606, %swap3A_607], %mul3A_605 {strides = array<i32>} : memref<128x64xf32, #tpu.memory_space<vmem>>, vector<16xf32>,
        %mul3A_609 = arith.mulf %bitcast3A_604, %broadcast_in_dim3A_586 : vector<16xf32>
        %swap3A_610 = arith.index_cast %add3A_594 : i32 to index
        %swap3A_611 = arith.constant 16 : index
        %swap3A_612 = tpu.vector_load %arg16[%swap3A_610, %swap3A_611] {strides = array<i32>} : memref<128x64xf32, #tpu.memory_space<vmem>>, vector<16xf32>,
        tpu.vector_store %arg16[%swap3A_610, %swap3A_611], %mul3A_609 {strides = array<i32>} : memref<128x64xf32, #tpu.memory_space<vmem>>, vector<16xf32>,
        %get3A_613 = arith.index_cast %add3A_594 : i32 to index
        %get3A_614 = arith.constant 32 : index
        %get3A_615 = tpu.vector_load %arg14[%get3A_613, %get3A_614] {strides = array<i32>} : memref<128x64xbf16, #tpu.memory_space<vmem>>, vector<32xbf16>,
        %bitcast3A_616 = vector.bitcast %get3A_615 : vector<32xbf16> to vector<16xi32>
        %shift_left3A_617 = arith.constant 16 : i32
        %shift_left3A_618 = vector.broadcast %shift_left3A_617 : i32 to vector<16xi32>
        %shift_left3A_619 = arith.shli %bitcast3A_616, %shift_left3A_618 : vector<16xi32>
        %bitcast3A_620 = vector.bitcast %shift_left3A_619 : vector<16xi32> to vector<16xf32>
        %and3A_621 = arith.andi %bitcast3A_616, %broadcast_in_dim3A_65 : vector<16xi32>
        %bitcast3A_622 = vector.bitcast %and3A_621 : vector<16xi32> to vector<16xf32>
        %mul3A_623 = arith.mulf %bitcast3A_620, %broadcast_in_dim3A_586 : vector<16xf32>
        %swap3A_624 = arith.index_cast %add3A_594 : i32 to index
        %swap3A_625 = arith.constant 32 : index
        %swap3A_626 = tpu.vector_load %arg16[%swap3A_624, %swap3A_625] {strides = array<i32>} : memref<128x64xf32, #tpu.memory_space<vmem>>, vector<16xf32>,
        tpu.vector_store %arg16[%swap3A_624, %swap3A_625], %mul3A_623 {strides = array<i32>} : memref<128x64xf32, #tpu.memory_space<vmem>>, vector<16xf32>,
        %mul3A_627 = arith.mulf %bitcast3A_622, %broadcast_in_dim3A_586 : vector<16xf32>
        %swap3A_628 = arith.index_cast %add3A_594 : i32 to index
        %swap3A_629 = arith.constant 48 : index
        %swap3A_630 = tpu.vector_load %arg16[%swap3A_628, %swap3A_629] {strides = array<i32>} : memref<128x64xf32, #tpu.memory_space<vmem>>, vector<16xf32>,
        tpu.vector_store %arg16[%swap3A_628, %swap3A_629], %mul3A_627 {strides = array<i32>} : memref<128x64xf32, #tpu.memory_space<vmem>>, vector<16xf32>,
        %slice3A_631 = vector.extract_strided_slice %get3A_350 {offsets = [6], sizes = [1], strides = [1]} : vector<16xf32> to vector<1xf32>
        %squeeze3A_632 = vector.extract %slice3A_631[0] : f32 from vector<1xf32>
        %broadcast_in_dim3A_633 = vector.broadcast %squeeze3A_632 : f32 to vector<16xf32>
        %mul3A_634 = arith.constant 2 : i32
        %mul3A_635 = arith.muli %mul3A_634, %scan3A_342 : i32
        %add3A_636 = arith.constant 0 : i32
        %add3A_637 = arith.addi %mul3A_635, %add3A_636 : i32
        %mul3A_638 = arith.constant 16 : i32
        %mul3A_639 = arith.muli %add3A_637, %mul3A_638 : i32
        %add3A_640 = arith.constant 6 : i32
        %add3A_641 = arith.addi %mul3A_639, %add3A_640 : i32
        %get3A_642 = arith.index_cast %add3A_641 : i32 to index
        %get3A_643 = arith.constant 0 : index
        %get3A_644 = tpu.vector_load %arg14[%get3A_642, %get3A_643] {strides = array<i32>} : memref<128x64xbf16, #tpu.memory_space<vmem>>, vector<32xbf16>,
        %bitcast3A_645 = vector.bitcast %get3A_644 : vector<32xbf16> to vector<16xi32>
        %shift_left3A_646 = arith.constant 16 : i32
        %shift_left3A_647 = vector.broadcast %shift_left3A_646 : i32 to vector<16xi32>
        %shift_left3A_648 = arith.shli %bitcast3A_645, %shift_left3A_647 : vector<16xi32>
        %bitcast3A_649 = vector.bitcast %shift_left3A_648 : vector<16xi32> to vector<16xf32>
        %and3A_650 = arith.andi %bitcast3A_645, %broadcast_in_dim3A_65 : vector<16xi32>
        %bitcast3A_651 = vector.bitcast %and3A_650 : vector<16xi32> to vector<16xf32>
        %mul3A_652 = arith.mulf %bitcast3A_649, %broadcast_in_dim3A_633 : vector<16xf32>
        %swap3A_653 = arith.index_cast %add3A_641 : i32 to index
        %swap3A_654 = arith.constant 0 : index
        %swap3A_655 = tpu.vector_load %arg16[%swap3A_653, %swap3A_654] {strides = array<i32>} : memref<128x64xf32, #tpu.memory_space<vmem>>, vector<16xf32>,
        tpu.vector_store %arg16[%swap3A_653, %swap3A_654], %mul3A_652 {strides = array<i32>} : memref<128x64xf32, #tpu.memory_space<vmem>>, vector<16xf32>,
        %mul3A_656 = arith.mulf %bitcast3A_651, %broadcast_in_dim3A_633 : vector<16xf32>
        %swap3A_657 = arith.index_cast %add3A_641 : i32 to index
        %swap3A_658 = arith.constant 16 : index
        %swap3A_659 = tpu.vector_load %arg16[%swap3A_657, %swap3A_658] {strides = array<i32>} : memref<128x64xf32, #tpu.memory_space<vmem>>, vector<16xf32>,
        tpu.vector_store %arg16[%swap3A_657, %swap3A_658], %mul3A_656 {strides = array<i32>} : memref<128x64xf32, #tpu.memory_space<vmem>>, vector<16xf32>,
        %get3A_660 = arith.index_cast %add3A_641 : i32 to index
        %get3A_661 = arith.constant 32 : index
        %get3A_662 = tpu.vector_load %arg14[%get3A_660, %get3A_661] {strides = array<i32>} : memref<128x64xbf16, #tpu.memory_space<vmem>>, vector<32xbf16>,
        %bitcast3A_663 = vector.bitcast %get3A_662 : vector<32xbf16> to vector<16xi32>
        %shift_left3A_664 = arith.constant 16 : i32
        %shift_left3A_665 = vector.broadcast %shift_left3A_664 : i32 to vector<16xi32>
        %shift_left3A_666 = arith.shli %bitcast3A_663, %shift_left3A_665 : vector<16xi32>
        %bitcast3A_667 = vector.bitcast %shift_left3A_666 : vector<16xi32> to vector<16xf32>
        %and3A_668 = arith.andi %bitcast3A_663, %broadcast_in_dim3A_65 : vector<16xi32>
        %bitcast3A_669 = vector.bitcast %and3A_668 : vector<16xi32> to vector<16xf32>
        %mul3A_670 = arith.mulf %bitcast3A_667, %broadcast_in_dim3A_633 : vector<16xf32>
        %swap3A_671 = arith.index_cast %add3A_641 : i32 to index
        %swap3A_672 = arith.constant 32 : index
        %swap3A_673 = tpu.vector_load %arg16[%swap3A_671, %swap3A_672] {strides = array<i32>} : memref<128x64xf32, #tpu.memory_space<vmem>>, vector<16xf32>,
        tpu.vector_store %arg16[%swap3A_671, %swap3A_672], %mul3A_670 {strides = array<i32>} : memref<128x64xf32, #tpu.memory_space<vmem>>, vector<16xf32>,
        %mul3A_674 = arith.mulf %bitcast3A_669, %broadcast_in_dim3A_633 : vector<16xf32>
        %swap3A_675 = arith.index_cast %add3A_641 : i32 to index
        %swap3A_676 = arith.constant 48 : index
        %swap3A_677 = tpu.vector_load %arg16[%swap3A_675, %swap3A_676] {strides = array<i32>} : memref<128x64xf32, #tpu.memory_space<vmem>>, vector<16xf32>,
        tpu.vector_store %arg16[%swap3A_675, %swap3A_676], %mul3A_674 {strides = array<i32>} : memref<128x64xf32, #tpu.memory_space<vmem>>, vector<16xf32>,
        %slice3A_678 = vector.extract_strided_slice %get3A_350 {offsets = [7], sizes = [1], strides = [1]} : vector<16xf32> to vector<1xf32>
        %squeeze3A_679 = vector.extract %slice3A_678[0] : f32 from vector<1xf32>
        %broadcast_in_dim3A_680 = vector.broadcast %squeeze3A_679 : f32 to vector<16xf32>
        %mul3A_681 = arith.constant 2 : i32
        %mul3A_682 = arith.muli %mul3A_681, %scan3A_342 : i32
        %add3A_683 = arith.constant 0 : i32
        %add3A_684 = arith.addi %mul3A_682, %add3A_683 : i32
        %mul3A_685 = arith.constant 16 : i32
        %mul3A_686 = arith.muli %add3A_684, %mul3A_685 : i32
        %add3A_687 = arith.constant 7 : i32
        %add3A_688 = arith.addi %mul3A_686, %add3A_687 : i32
        %get3A_689 = arith.index_cast %add3A_688 : i32 to index
        %get3A_690 = arith.constant 0 : index
        %get3A_691 = tpu.vector_load %arg14[%get3A_689, %get3A_690] {strides = array<i32>} : memref<128x64xbf16, #tpu.memory_space<vmem>>, vector<32xbf16>,
        %bitcast3A_692 = vector.bitcast %get3A_691 : vector<32xbf16> to vector<16xi32>
        %shift_left3A_693 = arith.constant 16 : i32
        %shift_left3A_694 = vector.broadcast %shift_left3A_693 : i32 to vector<16xi32>
        %shift_left3A_695 = arith.shli %bitcast3A_692, %shift_left3A_694 : vector<16xi32>
        %bitcast3A_696 = vector.bitcast %shift_left3A_695 : vector<16xi32> to vector<16xf32>
        %and3A_697 = arith.andi %bitcast3A_692, %broadcast_in_dim3A_65 : vector<16xi32>
        %bitcast3A_698 = vector.bitcast %and3A_697 : vector<16xi32> to vector<16xf32>
        %mul3A_699 = arith.mulf %bitcast3A_696, %broadcast_in_dim3A_680 : vector<16xf32>
        %swap3A_700 = arith.index_cast %add3A_688 : i32 to index
        %swap3A_701 = arith.constant 0 : index
        %swap3A_702 = tpu.vector_load %arg16[%swap3A_700, %swap3A_701] {strides = array<i32>} : memref<128x64xf32, #tpu.memory_space<vmem>>, vector<16xf32>,
        tpu.vector_store %arg16[%swap3A_700, %swap3A_701], %mul3A_699 {strides = array<i32>} : memref<128x64xf32, #tpu.memory_space<vmem>>, vector<16xf32>,
        %mul3A_703 = arith.mulf %bitcast3A_698, %broadcast_in_dim3A_680 : vector<16xf32>
        %swap3A_704 = arith.index_cast %add3A_688 : i32 to index
        %swap3A_705 = arith.constant 16 : index
        %swap3A_706 = tpu.vector_load %arg16[%swap3A_704, %swap3A_705] {strides = array<i32>} : memref<128x64xf32, #tpu.memory_space<vmem>>, vector<16xf32>,
        tpu.vector_store %arg16[%swap3A_704, %swap3A_705], %mul3A_703 {strides = array<i32>} : memref<128x64xf32, #tpu.memory_space<vmem>>, vector<16xf32>,
        %get3A_707 = arith.index_cast %add3A_688 : i32 to index
        %get3A_708 = arith.constant 32 : index
        %get3A_709 = tpu.vector_load %arg14[%get3A_707, %get3A_708] {strides = array<i32>} : memref<128x64xbf16, #tpu.memory_space<vmem>>, vector<32xbf16>,
        %bitcast3A_710 = vector.bitcast %get3A_709 : vector<32xbf16> to vector<16xi32>
        %shift_left3A_711 = arith.constant 16 : i32
        %shift_left3A_712 = vector.broadcast %shift_left3A_711 : i32 to vector<16xi32>
        %shift_left3A_713 = arith.shli %bitcast3A_710, %shift_left3A_712 : vector<16xi32>
        %bitcast3A_714 = vector.bitcast %shift_left3A_713 : vector<16xi32> to vector<16xf32>
        %and3A_715 = arith.andi %bitcast3A_710, %broadcast_in_dim3A_65 : vector<16xi32>
        %bitcast3A_716 = vector.bitcast %and3A_715 : vector<16xi32> to vector<16xf32>
        %mul3A_717 = arith.mulf %bitcast3A_714, %broadcast_in_dim3A_680 : vector<16xf32>
        %swap3A_718 = arith.index_cast %add3A_688 : i32 to index
        %swap3A_719 = arith.constant 32 : index
        %swap3A_720 = tpu.vector_load %arg16[%swap3A_718, %swap3A_719] {strides = array<i32>} : memref<128x64xf32, #tpu.memory_space<vmem>>, vector<16xf32>,
        tpu.vector_store %arg16[%swap3A_718, %swap3A_719], %mul3A_717 {strides = array<i32>} : memref<128x64xf32, #tpu.memory_space<vmem>>, vector<16xf32>,
        %mul3A_721 = arith.mulf %bitcast3A_716, %broadcast_in_dim3A_680 : vector<16xf32>
        %swap3A_722 = arith.index_cast %add3A_688 : i32 to index
        %swap3A_723 = arith.constant 48 : index
        %swap3A_724 = tpu.vector_load %arg16[%swap3A_722, %swap3A_723] {strides = array<i32>} : memref<128x64xf32, #tpu.memory_space<vmem>>, vector<16xf32>,
        tpu.vector_store %arg16[%swap3A_722, %swap3A_723], %mul3A_721 {strides = array<i32>} : memref<128x64xf32, #tpu.memory_space<vmem>>, vector<16xf32>,
        %slice3A_725 = vector.extract_strided_slice %get3A_350 {offsets = [8], sizes = [1], strides = [1]} : vector<16xf32> to vector<1xf32>
        %squeeze3A_726 = vector.extract %slice3A_725[0] : f32 from vector<1xf32>
        %broadcast_in_dim3A_727 = vector.broadcast %squeeze3A_726 : f32 to vector<16xf32>
        %mul3A_728 = arith.constant 2 : i32
        %mul3A_729 = arith.muli %mul3A_728, %scan3A_342 : i32
        %add3A_730 = arith.constant 0 : i32
        %add3A_731 = arith.addi %mul3A_729, %add3A_730 : i32
        %mul3A_732 = arith.constant 16 : i32
        %mul3A_733 = arith.muli %add3A_731, %mul3A_732 : i32
        %add3A_734 = arith.constant 8 : i32
        %add3A_735 = arith.addi %mul3A_733, %add3A_734 : i32
        %get3A_736 = arith.index_cast %add3A_735 : i32 to index
        %get3A_737 = arith.constant 0 : index
        %get3A_738 = tpu.vector_load %arg14[%get3A_736, %get3A_737] {strides = array<i32>} : memref<128x64xbf16, #tpu.memory_space<vmem>>, vector<32xbf16>,
        %bitcast3A_739 = vector.bitcast %get3A_738 : vector<32xbf16> to vector<16xi32>
        %shift_left3A_740 = arith.constant 16 : i32
        %shift_left3A_741 = vector.broadcast %shift_left3A_740 : i32 to vector<16xi32>
        %shift_left3A_742 = arith.shli %bitcast3A_739, %shift_left3A_741 : vector<16xi32>
        %bitcast3A_743 = vector.bitcast %shift_left3A_742 : vector<16xi32> to vector<16xf32>
        %and3A_744 = arith.andi %bitcast3A_739, %broadcast_in_dim3A_65 : vector<16xi32>
        %bitcast3A_745 = vector.bitcast %and3A_744 : vector<16xi32> to vector<16xf32>
        %mul3A_746 = arith.mulf %bitcast3A_743, %broadcast_in_dim3A_727 : vector<16xf32>
        %swap3A_747 = arith.index_cast %add3A_735 : i32 to index
        %swap3A_748 = arith.constant 0 : index
        %swap3A_749 = tpu.vector_load %arg16[%swap3A_747, %swap3A_748] {strides = array<i32>} : memref<128x64xf32, #tpu.memory_space<vmem>>, vector<16xf32>,
        tpu.vector_store %arg16[%swap3A_747, %swap3A_748], %mul3A_746 {strides = array<i32>} : memref<128x64xf32, #tpu.memory_space<vmem>>, vector<16xf32>,
        %mul3A_750 = arith.mulf %bitcast3A_745, %broadcast_in_dim3A_727 : vector<16xf32>
        %swap3A_751 = arith.index_cast %add3A_735 : i32 to index
        %swap3A_752 = arith.constant 16 : index
        %swap3A_753 = tpu.vector_load %arg16[%swap3A_751, %swap3A_752] {strides = array<i32>} : memref<128x64xf32, #tpu.memory_space<vmem>>, vector<16xf32>,
        tpu.vector_store %arg16[%swap3A_751, %swap3A_752], %mul3A_750 {strides = array<i32>} : memref<128x64xf32, #tpu.memory_space<vmem>>, vector<16xf32>,
        %get3A_754 = arith.index_cast %add3A_735 : i32 to index
        %get3A_755 = arith.constant 32 : index
        %get3A_756 = tpu.vector_load %arg14[%get3A_754, %get3A_755] {strides = array<i32>} : memref<128x64xbf16, #tpu.memory_space<vmem>>, vector<32xbf16>,
        %bitcast3A_757 = vector.bitcast %get3A_756 : vector<32xbf16> to vector<16xi32>
        %shift_left3A_758 = arith.constant 16 : i32
        %shift_left3A_759 = vector.broadcast %shift_left3A_758 : i32 to vector<16xi32>
        %shift_left3A_760 = arith.shli %bitcast3A_757, %shift_left3A_759 : vector<16xi32>
        %bitcast3A_761 = vector.bitcast %shift_left3A_760 : vector<16xi32> to vector<16xf32>
        %and3A_762 = arith.andi %bitcast3A_757, %broadcast_in_dim3A_65 : vector<16xi32>
        %bitcast3A_763 = vector.bitcast %and3A_762 : vector<16xi32> to vector<16xf32>
        %mul3A_764 = arith.mulf %bitcast3A_761, %broadcast_in_dim3A_727 : vector<16xf32>
        %swap3A_765 = arith.index_cast %add3A_735 : i32 to index
        %swap3A_766 = arith.constant 32 : index
        %swap3A_767 = tpu.vector_load %arg16[%swap3A_765, %swap3A_766] {strides = array<i32>} : memref<128x64xf32, #tpu.memory_space<vmem>>, vector<16xf32>,
        tpu.vector_store %arg16[%swap3A_765, %swap3A_766], %mul3A_764 {strides = array<i32>} : memref<128x64xf32, #tpu.memory_space<vmem>>, vector<16xf32>,
        %mul3A_768 = arith.mulf %bitcast3A_763, %broadcast_in_dim3A_727 : vector<16xf32>
        %swap3A_769 = arith.index_cast %add3A_735 : i32 to index
        %swap3A_770 = arith.constant 48 : index
        %swap3A_771 = tpu.vector_load %arg16[%swap3A_769, %swap3A_770] {strides = array<i32>} : memref<128x64xf32, #tpu.memory_space<vmem>>, vector<16xf32>,
        tpu.vector_store %arg16[%swap3A_769, %swap3A_770], %mul3A_768 {strides = array<i32>} : memref<128x64xf32, #tpu.memory_space<vmem>>, vector<16xf32>,
        %slice3A_772 = vector.extract_strided_slice %get3A_350 {offsets = [9], sizes = [1], strides = [1]} : vector<16xf32> to vector<1xf32>
        %squeeze3A_773 = vector.extract %slice3A_772[0] : f32 from vector<1xf32>
        %broadcast_in_dim3A_774 = vector.broadcast %squeeze3A_773 : f32 to vector<16xf32>
        %mul3A_775 = arith.constant 2 : i32
        %mul3A_776 = arith.muli %mul3A_775, %scan3A_342 : i32
        %add3A_777 = arith.constant 0 : i32
        %add3A_778 = arith.addi %mul3A_776, %add3A_777 : i32
        %mul3A_779 = arith.constant 16 : i32
        %mul3A_780 = arith.muli %add3A_778, %mul3A_779 : i32
        %add3A_781 = arith.constant 9 : i32
        %add3A_782 = arith.addi %mul3A_780, %add3A_781 : i32
        %get3A_783 = arith.index_cast %add3A_782 : i32 to index
        %get3A_784 = arith.constant 0 : index
        %get3A_785 = tpu.vector_load %arg14[%get3A_783, %get3A_784] {strides = array<i32>} : memref<128x64xbf16, #tpu.memory_space<vmem>>, vector<32xbf16>,
        %bitcast3A_786 = vector.bitcast %get3A_785 : vector<32xbf16> to vector<16xi32>
        %shift_left3A_787 = arith.constant 16 : i32
        %shift_left3A_788 = vector.broadcast %shift_left3A_787 : i32 to vector<16xi32>
        %shift_left3A_789 = arith.shli %bitcast3A_786, %shift_left3A_788 : vector<16xi32>
        %bitcast3A_790 = vector.bitcast %shift_left3A_789 : vector<16xi32> to vector<16xf32>
        %and3A_791 = arith.andi %bitcast3A_786, %broadcast_in_dim3A_65 : vector<16xi32>
        %bitcast3A_792 = vector.bitcast %and3A_791 : vector<16xi32> to vector<16xf32>
        %mul3A_793 = arith.mulf %bitcast3A_790, %broadcast_in_dim3A_774 : vector<16xf32>
        %swap3A_794 = arith.index_cast %add3A_782 : i32 to index
        %swap3A_795 = arith.constant 0 : index
        %swap3A_796 = tpu.vector_load %arg16[%swap3A_794, %swap3A_795] {strides = array<i32>} : memref<128x64xf32, #tpu.memory_space<vmem>>, vector<16xf32>,
        tpu.vector_store %arg16[%swap3A_794, %swap3A_795], %mul3A_793 {strides = array<i32>} : memref<128x64xf32, #tpu.memory_space<vmem>>, vector<16xf32>,
        %mul3A_797 = arith.mulf %bitcast3A_792, %broadcast_in_dim3A_774 : vector<16xf32>
        %swap3A_798 = arith.index_cast %add3A_782 : i32 to index
        %swap3A_799 = arith.constant 16 : index
        %swap3A_800 = tpu.vector_load %arg16[%swap3A_798, %swap3A_799] {strides = array<i32>} : memref<128x64xf32, #tpu.memory_space<vmem>>, vector<16xf32>,
        tpu.vector_store %arg16[%swap3A_798, %swap3A_799], %mul3A_797 {strides = array<i32>} : memref<128x64xf32, #tpu.memory_space<vmem>>, vector<16xf32>,
        %get3A_801 = arith.index_cast %add3A_782 : i32 to index
        %get3A_802 = arith.constant 32 : index
        %get3A_803 = tpu.vector_load %arg14[%get3A_801, %get3A_802] {strides = array<i32>} : memref<128x64xbf16, #tpu.memory_space<vmem>>, vector<32xbf16>,
        %bitcast3A_804 = vector.bitcast %get3A_803 : vector<32xbf16> to vector<16xi32>
        %shift_left3A_805 = arith.constant 16 : i32
        %shift_left3A_806 = vector.broadcast %shift_left3A_805 : i32 to vector<16xi32>
        %shift_left3A_807 = arith.shli %bitcast3A_804, %shift_left3A_806 : vector<16xi32>
        %bitcast3A_808 = vector.bitcast %shift_left3A_807 : vector<16xi32> to vector<16xf32>
        %and3A_809 = arith.andi %bitcast3A_804, %broadcast_in_dim3A_65 : vector<16xi32>
        %bitcast3A_810 = vector.bitcast %and3A_809 : vector<16xi32> to vector<16xf32>
        %mul3A_811 = arith.mulf %bitcast3A_808, %broadcast_in_dim3A_774 : vector<16xf32>
        %swap3A_812 = arith.index_cast %add3A_782 : i32 to index
        %swap3A_813 = arith.constant 32 : index
        %swap3A_814 = tpu.vector_load %arg16[%swap3A_812, %swap3A_813] {strides = array<i32>} : memref<128x64xf32, #tpu.memory_space<vmem>>, vector<16xf32>,
        tpu.vector_store %arg16[%swap3A_812, %swap3A_813], %mul3A_811 {strides = array<i32>} : memref<128x64xf32, #tpu.memory_space<vmem>>, vector<16xf32>,
        %mul3A_815 = arith.mulf %bitcast3A_810, %broadcast_in_dim3A_774 : vector<16xf32>
        %swap3A_816 = arith.index_cast %add3A_782 : i32 to index
        %swap3A_817 = arith.constant 48 : index
        %swap3A_818 = tpu.vector_load %arg16[%swap3A_816, %swap3A_817] {strides = array<i32>} : memref<128x64xf32, #tpu.memory_space<vmem>>, vector<16xf32>,
        tpu.vector_store %arg16[%swap3A_816, %swap3A_817], %mul3A_815 {strides = array<i32>} : memref<128x64xf32, #tpu.memory_space<vmem>>, vector<16xf32>,
        %slice3A_819 = vector.extract_strided_slice %get3A_350 {offsets = [10], sizes = [1], strides = [1]} : vector<16xf32> to vector<1xf32>
        %squeeze3A_820 = vector.extract %slice3A_819[0] : f32 from vector<1xf32>
        %broadcast_in_dim3A_821 = vector.broadcast %squeeze3A_820 : f32 to vector<16xf32>
        %mul3A_822 = arith.constant 2 : i32
        %mul3A_823 = arith.muli %mul3A_822, %scan3A_342 : i32
        %add3A_824 = arith.constant 0 : i32
        %add3A_825 = arith.addi %mul3A_823, %add3A_824 : i32
        %mul3A_826 = arith.constant 16 : i32
        %mul3A_827 = arith.muli %add3A_825, %mul3A_826 : i32
        %add3A_828 = arith.constant 10 : i32
        %add3A_829 = arith.addi %mul3A_827, %add3A_828 : i32
        %get3A_830 = arith.index_cast %add3A_829 : i32 to index
        %get3A_831 = arith.constant 0 : index
        %get3A_832 = tpu.vector_load %arg14[%get3A_830, %get3A_831] {strides = array<i32>} : memref<128x64xbf16, #tpu.memory_space<vmem>>, vector<32xbf16>,
        %bitcast3A_833 = vector.bitcast %get3A_832 : vector<32xbf16> to vector<16xi32>
        %shift_left3A_834 = arith.constant 16 : i32
        %shift_left3A_835 = vector.broadcast %shift_left3A_834 : i32 to vector<16xi32>
        %shift_left3A_836 = arith.shli %bitcast3A_833, %shift_left3A_835 : vector<16xi32>
        %bitcast3A_837 = vector.bitcast %shift_left3A_836 : vector<16xi32> to vector<16xf32>
        %and3A_838 = arith.andi %bitcast3A_833, %broadcast_in_dim3A_65 : vector<16xi32>
        %bitcast3A_839 = vector.bitcast %and3A_838 : vector<16xi32> to vector<16xf32>
        %mul3A_840 = arith.mulf %bitcast3A_837, %broadcast_in_dim3A_821 : vector<16xf32>
        %swap3A_841 = arith.index_cast %add3A_829 : i32 to index
        %swap3A_842 = arith.constant 0 : index
        %swap3A_843 = tpu.vector_load %arg16[%swap3A_841, %swap3A_842] {strides = array<i32>} : memref<128x64xf32, #tpu.memory_space<vmem>>, vector<16xf32>,
        tpu.vector_store %arg16[%swap3A_841, %swap3A_842], %mul3A_840 {strides = array<i32>} : memref<128x64xf32, #tpu.memory_space<vmem>>, vector<16xf32>,
        %mul3A_844 = arith.mulf %bitcast3A_839, %broadcast_in_dim3A_821 : vector<16xf32>
        %swap3A_845 = arith.index_cast %add3A_829 : i32 to index
        %swap3A_846 = arith.constant 16 : index
        %swap3A_847 = tpu.vector_load %arg16[%swap3A_845, %swap3A_846] {strides = array<i32>} : memref<128x64xf32, #tpu.memory_space<vmem>>, vector<16xf32>,
        tpu.vector_store %arg16[%swap3A_845, %swap3A_846], %mul3A_844 {strides = array<i32>} : memref<128x64xf32, #tpu.memory_space<vmem>>, vector<16xf32>,
        %get3A_848 = arith.index_cast %add3A_829 : i32 to index
        %get3A_849 = arith.constant 32 : index
        %get3A_850 = tpu.vector_load %arg14[%get3A_848, %get3A_849] {strides = array<i32>} : memref<128x64xbf16, #tpu.memory_space<vmem>>, vector<32xbf16>,
        %bitcast3A_851 = vector.bitcast %get3A_850 : vector<32xbf16> to vector<16xi32>
        %shift_left3A_852 = arith.constant 16 : i32
        %shift_left3A_853 = vector.broadcast %shift_left3A_852 : i32 to vector<16xi32>
        %shift_left3A_854 = arith.shli %bitcast3A_851, %shift_left3A_853 : vector<16xi32>
        %bitcast3A_855 = vector.bitcast %shift_left3A_854 : vector<16xi32> to vector<16xf32>
        %and3A_856 = arith.andi %bitcast3A_851, %broadcast_in_dim3A_65 : vector<16xi32>
        %bitcast3A_857 = vector.bitcast %and3A_856 : vector<16xi32> to vector<16xf32>
        %mul3A_858 = arith.mulf %bitcast3A_855, %broadcast_in_dim3A_821 : vector<16xf32>
        %swap3A_859 = arith.index_cast %add3A_829 : i32 to index
        %swap3A_860 = arith.constant 32 : index
        %swap3A_861 = tpu.vector_load %arg16[%swap3A_859, %swap3A_860] {strides = array<i32>} : memref<128x64xf32, #tpu.memory_space<vmem>>, vector<16xf32>,
        tpu.vector_store %arg16[%swap3A_859, %swap3A_860], %mul3A_858 {strides = array<i32>} : memref<128x64xf32, #tpu.memory_space<vmem>>, vector<16xf32>,
        %mul3A_862 = arith.mulf %bitcast3A_857, %broadcast_in_dim3A_821 : vector<16xf32>
        %swap3A_863 = arith.index_cast %add3A_829 : i32 to index
        %swap3A_864 = arith.constant 48 : index
        %swap3A_865 = tpu.vector_load %arg16[%swap3A_863, %swap3A_864] {strides = array<i32>} : memref<128x64xf32, #tpu.memory_space<vmem>>, vector<16xf32>,
        tpu.vector_store %arg16[%swap3A_863, %swap3A_864], %mul3A_862 {strides = array<i32>} : memref<128x64xf32, #tpu.memory_space<vmem>>, vector<16xf32>,
        %slice3A_866 = vector.extract_strided_slice %get3A_350 {offsets = [11], sizes = [1], strides = [1]} : vector<16xf32> to vector<1xf32>
        %squeeze3A_867 = vector.extract %slice3A_866[0] : f32 from vector<1xf32>
        %broadcast_in_dim3A_868 = vector.broadcast %squeeze3A_867 : f32 to vector<16xf32>
        %mul3A_869 = arith.constant 2 : i32
        %mul3A_870 = arith.muli %mul3A_869, %scan3A_342 : i32
        %add3A_871 = arith.constant 0 : i32
        %add3A_872 = arith.addi %mul3A_870, %add3A_871 : i32
        %mul3A_873 = arith.constant 16 : i32
        %mul3A_874 = arith.muli %add3A_872, %mul3A_873 : i32
        %add3A_875 = arith.constant 11 : i32
        %add3A_876 = arith.addi %mul3A_874, %add3A_875 : i32
        %get3A_877 = arith.index_cast %add3A_876 : i32 to index
        %get3A_878 = arith.constant 0 : index
        %get3A_879 = tpu.vector_load %arg14[%get3A_877, %get3A_878] {strides = array<i32>} : memref<128x64xbf16, #tpu.memory_space<vmem>>, vector<32xbf16>,
        %bitcast3A_880 = vector.bitcast %get3A_879 : vector<32xbf16> to vector<16xi32>
        %shift_left3A_881 = arith.constant 16 : i32
        %shift_left3A_882 = vector.broadcast %shift_left3A_881 : i32 to vector<16xi32>
        %shift_left3A_883 = arith.shli %bitcast3A_880, %shift_left3A_882 : vector<16xi32>
        %bitcast3A_884 = vector.bitcast %shift_left3A_883 : vector<16xi32> to vector<16xf32>
        %and3A_885 = arith.andi %bitcast3A_880, %broadcast_in_dim3A_65 : vector<16xi32>
        %bitcast3A_886 = vector.bitcast %and3A_885 : vector<16xi32> to vector<16xf32>
        %mul3A_887 = arith.mulf %bitcast3A_884, %broadcast_in_dim3A_868 : vector<16xf32>
        %swap3A_888 = arith.index_cast %add3A_876 : i32 to index
        %swap3A_889 = arith.constant 0 : index
        %swap3A_890 = tpu.vector_load %arg16[%swap3A_888, %swap3A_889] {strides = array<i32>} : memref<128x64xf32, #tpu.memory_space<vmem>>, vector<16xf32>,
        tpu.vector_store %arg16[%swap3A_888, %swap3A_889], %mul3A_887 {strides = array<i32>} : memref<128x64xf32, #tpu.memory_space<vmem>>, vector<16xf32>,
        %mul3A_891 = arith.mulf %bitcast3A_886, %broadcast_in_dim3A_868 : vector<16xf32>
        %swap3A_892 = arith.index_cast %add3A_876 : i32 to index
        %swap3A_893 = arith.constant 16 : index
        %swap3A_894 = tpu.vector_load %arg16[%swap3A_892, %swap3A_893] {strides = array<i32>} : memref<128x64xf32, #tpu.memory_space<vmem>>, vector<16xf32>,
        tpu.vector_store %arg16[%swap3A_892, %swap3A_893], %mul3A_891 {strides = array<i32>} : memref<128x64xf32, #tpu.memory_space<vmem>>, vector<16xf32>,
        %get3A_895 = arith.index_cast %add3A_876 : i32 to index
        %get3A_896 = arith.constant 32 : index
        %get3A_897 = tpu.vector_load %arg14[%get3A_895, %get3A_896] {strides = array<i32>} : memref<128x64xbf16, #tpu.memory_space<vmem>>, vector<32xbf16>,
        %bitcast3A_898 = vector.bitcast %get3A_897 : vector<32xbf16> to vector<16xi32>
        %shift_left3A_899 = arith.constant 16 : i32
        %shift_left3A_900 = vector.broadcast %shift_left3A_899 : i32 to vector<16xi32>
        %shift_left3A_901 = arith.shli %bitcast3A_898, %shift_left3A_900 : vector<16xi32>
        %bitcast3A_902 = vector.bitcast %shift_left3A_901 : vector<16xi32> to vector<16xf32>
        %and3A_903 = arith.andi %bitcast3A_898, %broadcast_in_dim3A_65 : vector<16xi32>
        %bitcast3A_904 = vector.bitcast %and3A_903 : vector<16xi32> to vector<16xf32>
        %mul3A_905 = arith.mulf %bitcast3A_902, %broadcast_in_dim3A_868 : vector<16xf32>
        %swap3A_906 = arith.index_cast %add3A_876 : i32 to index
        %swap3A_907 = arith.constant 32 : index
        %swap3A_908 = tpu.vector_load %arg16[%swap3A_906, %swap3A_907] {strides = array<i32>} : memref<128x64xf32, #tpu.memory_space<vmem>>, vector<16xf32>,
        tpu.vector_store %arg16[%swap3A_906, %swap3A_907], %mul3A_905 {strides = array<i32>} : memref<128x64xf32, #tpu.memory_space<vmem>>, vector<16xf32>,
        %mul3A_909 = arith.mulf %bitcast3A_904, %broadcast_in_dim3A_868 : vector<16xf32>
        %swap3A_910 = arith.index_cast %add3A_876 : i32 to index
        %swap3A_911 = arith.constant 48 : index
        %swap3A_912 = tpu.vector_load %arg16[%swap3A_910, %swap3A_911] {strides = array<i32>} : memref<128x64xf32, #tpu.memory_space<vmem>>, vector<16xf32>,
        tpu.vector_store %arg16[%swap3A_910, %swap3A_911], %mul3A_909 {strides = array<i32>} : memref<128x64xf32, #tpu.memory_space<vmem>>, vector<16xf32>,
        %slice3A_913 = vector.extract_strided_slice %get3A_350 {offsets = [12], sizes = [1], strides = [1]} : vector<16xf32> to vector<1xf32>
        %squeeze3A_914 = vector.extract %slice3A_913[0] : f32 from vector<1xf32>
        %broadcast_in_dim3A_915 = vector.broadcast %squeeze3A_914 : f32 to vector<16xf32>
        %mul3A_916 = arith.constant 2 : i32
        %mul3A_917 = arith.muli %mul3A_916, %scan3A_342 : i32
        %add3A_918 = arith.constant 0 : i32
        %add3A_919 = arith.addi %mul3A_917, %add3A_918 : i32
        %mul3A_920 = arith.constant 16 : i32
        %mul3A_921 = arith.muli %add3A_919, %mul3A_920 : i32
        %add3A_922 = arith.constant 12 : i32
        %add3A_923 = arith.addi %mul3A_921, %add3A_922 : i32
        %get3A_924 = arith.index_cast %add3A_923 : i32 to index
        %get3A_925 = arith.constant 0 : index
        %get3A_926 = tpu.vector_load %arg14[%get3A_924, %get3A_925] {strides = array<i32>} : memref<128x64xbf16, #tpu.memory_space<vmem>>, vector<32xbf16>,
        %bitcast3A_927 = vector.bitcast %get3A_926 : vector<32xbf16> to vector<16xi32>
        %shift_left3A_928 = arith.constant 16 : i32
        %shift_left3A_929 = vector.broadcast %shift_left3A_928 : i32 to vector<16xi32>
        %shift_left3A_930 = arith.shli %bitcast3A_927, %shift_left3A_929 : vector<16xi32>
        %bitcast3A_931 = vector.bitcast %shift_left3A_930 : vector<16xi32> to vector<16xf32>
        %and3A_932 = arith.andi %bitcast3A_927, %broadcast_in_dim3A_65 : vector<16xi32>
        %bitcast3A_933 = vector.bitcast %and3A_932 : vector<16xi32> to vector<16xf32>
        %mul3A_934 = arith.mulf %bitcast3A_931, %broadcast_in_dim3A_915 : vector<16xf32>
        %swap3A_935 = arith.index_cast %add3A_923 : i32 to index
        %swap3A_936 = arith.constant 0 : index
        %swap3A_937 = tpu.vector_load %arg16[%swap3A_935, %swap3A_936] {strides = array<i32>} : memref<128x64xf32, #tpu.memory_space<vmem>>, vector<16xf32>,
        tpu.vector_store %arg16[%swap3A_935, %swap3A_936], %mul3A_934 {strides = array<i32>} : memref<128x64xf32, #tpu.memory_space<vmem>>, vector<16xf32>,
        %mul3A_938 = arith.mulf %bitcast3A_933, %broadcast_in_dim3A_915 : vector<16xf32>
        %swap3A_939 = arith.index_cast %add3A_923 : i32 to index
        %swap3A_940 = arith.constant 16 : index
        %swap3A_941 = tpu.vector_load %arg16[%swap3A_939, %swap3A_940] {strides = array<i32>} : memref<128x64xf32, #tpu.memory_space<vmem>>, vector<16xf32>,
        tpu.vector_store %arg16[%swap3A_939, %swap3A_940], %mul3A_938 {strides = array<i32>} : memref<128x64xf32, #tpu.memory_space<vmem>>, vector<16xf32>,
        %get3A_942 = arith.index_cast %add3A_923 : i32 to index
        %get3A_943 = arith.constant 32 : index
        %get3A_944 = tpu.vector_load %arg14[%get3A_942, %get3A_943] {strides = array<i32>} : memref<128x64xbf16, #tpu.memory_space<vmem>>, vector<32xbf16>,
        %bitcast3A_945 = vector.bitcast %get3A_944 : vector<32xbf16> to vector<16xi32>
        %shift_left3A_946 = arith.constant 16 : i32
        %shift_left3A_947 = vector.broadcast %shift_left3A_946 : i32 to vector<16xi32>
        %shift_left3A_948 = arith.shli %bitcast3A_945, %shift_left3A_947 : vector<16xi32>
        %bitcast3A_949 = vector.bitcast %shift_left3A_948 : vector<16xi32> to vector<16xf32>
        %and3A_950 = arith.andi %bitcast3A_945, %broadcast_in_dim3A_65 : vector<16xi32>
        %bitcast3A_951 = vector.bitcast %and3A_950 : vector<16xi32> to vector<16xf32>
        %mul3A_952 = arith.mulf %bitcast3A_949, %broadcast_in_dim3A_915 : vector<16xf32>
        %swap3A_953 = arith.index_cast %add3A_923 : i32 to index
        %swap3A_954 = arith.constant 32 : index
        %swap3A_955 = tpu.vector_load %arg16[%swap3A_953, %swap3A_954] {strides = array<i32>} : memref<128x64xf32, #tpu.memory_space<vmem>>, vector<16xf32>,
        tpu.vector_store %arg16[%swap3A_953, %swap3A_954], %mul3A_952 {strides = array<i32>} : memref<128x64xf32, #tpu.memory_space<vmem>>, vector<16xf32>,
        %mul3A_956 = arith.mulf %bitcast3A_951, %broadcast_in_dim3A_915 : vector<16xf32>
        %swap3A_957 = arith.index_cast %add3A_923 : i32 to index
        %swap3A_958 = arith.constant 48 : index
        %swap3A_959 = tpu.vector_load %arg16[%swap3A_957, %swap3A_958] {strides = array<i32>} : memref<128x64xf32, #tpu.memory_space<vmem>>, vector<16xf32>,
        tpu.vector_store %arg16[%swap3A_957, %swap3A_958], %mul3A_956 {strides = array<i32>} : memref<128x64xf32, #tpu.memory_space<vmem>>, vector<16xf32>,
        %slice3A_960 = vector.extract_strided_slice %get3A_350 {offsets = [13], sizes = [1], strides = [1]} : vector<16xf32> to vector<1xf32>
        %squeeze3A_961 = vector.extract %slice3A_960[0] : f32 from vector<1xf32>
        %broadcast_in_dim3A_962 = vector.broadcast %squeeze3A_961 : f32 to vector<16xf32>
        %mul3A_963 = arith.constant 2 : i32
        %mul3A_964 = arith.muli %mul3A_963, %scan3A_342 : i32
        %add3A_965 = arith.constant 0 : i32
        %add3A_966 = arith.addi %mul3A_964, %add3A_965 : i32
        %mul3A_967 = arith.constant 16 : i32
        %mul3A_968 = arith.muli %add3A_966, %mul3A_967 : i32
        %add3A_969 = arith.constant 13 : i32
        %add3A_970 = arith.addi %mul3A_968, %add3A_969 : i32
        %get3A_971 = arith.index_cast %add3A_970 : i32 to index
        %get3A_972 = arith.constant 0 : index
        %get3A_973 = tpu.vector_load %arg14[%get3A_971, %get3A_972] {strides = array<i32>} : memref<128x64xbf16, #tpu.memory_space<vmem>>, vector<32xbf16>,
        %bitcast3A_974 = vector.bitcast %get3A_973 : vector<32xbf16> to vector<16xi32>
        %shift_left3A_975 = arith.constant 16 : i32
        %shift_left3A_976 = vector.broadcast %shift_left3A_975 : i32 to vector<16xi32>
        %shift_left3A_977 = arith.shli %bitcast3A_974, %shift_left3A_976 : vector<16xi32>
        %bitcast3A_978 = vector.bitcast %shift_left3A_977 : vector<16xi32> to vector<16xf32>
        %and3A_979 = arith.andi %bitcast3A_974, %broadcast_in_dim3A_65 : vector<16xi32>
        %bitcast3A_980 = vector.bitcast %and3A_979 : vector<16xi32> to vector<16xf32>
        %mul3A_981 = arith.mulf %bitcast3A_978, %broadcast_in_dim3A_962 : vector<16xf32>
        %swap3A_982 = arith.index_cast %add3A_970 : i32 to index
        %swap3A_983 = arith.constant 0 : index
        %swap3A_984 = tpu.vector_load %arg16[%swap3A_982, %swap3A_983] {strides = array<i32>} : memref<128x64xf32, #tpu.memory_space<vmem>>, vector<16xf32>,
        tpu.vector_store %arg16[%swap3A_982, %swap3A_983], %mul3A_981 {strides = array<i32>} : memref<128x64xf32, #tpu.memory_space<vmem>>, vector<16xf32>,
        %mul3A_985 = arith.mulf %bitcast3A_980, %broadcast_in_dim3A_962 : vector<16xf32>
        %swap3A_986 = arith.index_cast %add3A_970 : i32 to index
        %swap3A_987 = arith.constant 16 : index
        %swap3A_988 = tpu.vector_load %arg16[%swap3A_986, %swap3A_987] {strides = array<i32>} : memref<128x64xf32, #tpu.memory_space<vmem>>, vector<16xf32>,
        tpu.vector_store %arg16[%swap3A_986, %swap3A_987], %mul3A_985 {strides = array<i32>} : memref<128x64xf32, #tpu.memory_space<vmem>>, vector<16xf32>,
        %get3A_989 = arith.index_cast %add3A_970 : i32 to index
        %get3A_990 = arith.constant 32 : index
        %get3A_991 = tpu.vector_load %arg14[%get3A_989, %get3A_990] {strides = array<i32>} : memref<128x64xbf16, #tpu.memory_space<vmem>>, vector<32xbf16>,
        %bitcast3A_992 = vector.bitcast %get3A_991 : vector<32xbf16> to vector<16xi32>
        %shift_left3A_993 = arith.constant 16 : i32
        %shift_left3A_994 = vector.broadcast %shift_left3A_993 : i32 to vector<16xi32>
        %shift_left3A_995 = arith.shli %bitcast3A_992, %shift_left3A_994 : vector<16xi32>
        %bitcast3A_996 = vector.bitcast %shift_left3A_995 : vector<16xi32> to vector<16xf32>
        %and3A_997 = arith.andi %bitcast3A_992, %broadcast_in_dim3A_65 : vector<16xi32>
        %bitcast3A_998 = vector.bitcast %and3A_997 : vector<16xi32> to vector<16xf32>
        %mul3A_999 = arith.mulf %bitcast3A_996, %broadcast_in_dim3A_962 : vector<16xf32>
        %swap3A_1000 = arith.index_cast %add3A_970 : i32 to index
        %swap3A_1001 = arith.constant 32 : index
        %swap3A_1002 = tpu.vector_load %arg16[%swap3A_1000, %swap3A_1001] {strides = array<i32>} : memref<128x64xf32, #tpu.memory_space<vmem>>, vector<16xf32>,
        tpu.vector_store %arg16[%swap3A_1000, %swap3A_1001], %mul3A_999 {strides = array<i32>} : memref<128x64xf32, #tpu.memory_space<vmem>>, vector<16xf32>,
        %mul3A_1003 = arith.mulf %bitcast3A_998, %broadcast_in_dim3A_962 : vector<16xf32>
        %swap3A_1004 = arith.index_cast %add3A_970 : i32 to index
        %swap3A_1005 = arith.constant 48 : index
        %swap3A_1006 = tpu.vector_load %arg16[%swap3A_1004, %swap3A_1005] {strides = array<i32>} : memref<128x64xf32, #tpu.memory_space<vmem>>, vector<16xf32>,
        tpu.vector_store %arg16[%swap3A_1004, %swap3A_1005], %mul3A_1003 {strides = array<i32>} : memref<128x64xf32, #tpu.memory_space<vmem>>, vector<16xf32>,
        %slice3A_1007 = vector.extract_strided_slice %get3A_350 {offsets = [14], sizes = [1], strides = [1]} : vector<16xf32> to vector<1xf32>
        %squeeze3A_1008 = vector.extract %slice3A_1007[0] : f32 from vector<1xf32>
        %broadcast_in_dim3A_1009 = vector.broadcast %squeeze3A_1008 : f32 to vector<16xf32>
        %mul3A_1010 = arith.constant 2 : i32
        %mul3A_1011 = arith.muli %mul3A_1010, %scan3A_342 : i32
        %add3A_1012 = arith.constant 0 : i32
        %add3A_1013 = arith.addi %mul3A_1011, %add3A_1012 : i32
        %mul3A_1014 = arith.constant 16 : i32
        %mul3A_1015 = arith.muli %add3A_1013, %mul3A_1014 : i32
        %add3A_1016 = arith.constant 14 : i32
        %add3A_1017 = arith.addi %mul3A_1015, %add3A_1016 : i32
        %get3A_1018 = arith.index_cast %add3A_1017 : i32 to index
        %get3A_1019 = arith.constant 0 : index
        %get3A_1020 = tpu.vector_load %arg14[%get3A_1018, %get3A_1019] {strides = array<i32>} : memref<128x64xbf16, #tpu.memory_space<vmem>>, vector<32xbf16>,
        %bitcast3A_1021 = vector.bitcast %get3A_1020 : vector<32xbf16> to vector<16xi32>
        %shift_left3A_1022 = arith.constant 16 : i32
        %shift_left3A_1023 = vector.broadcast %shift_left3A_1022 : i32 to vector<16xi32>
        %shift_left3A_1024 = arith.shli %bitcast3A_1021, %shift_left3A_1023 : vector<16xi32>
        %bitcast3A_1025 = vector.bitcast %shift_left3A_1024 : vector<16xi32> to vector<16xf32>
        %and3A_1026 = arith.andi %bitcast3A_1021, %broadcast_in_dim3A_65 : vector<16xi32>
        %bitcast3A_1027 = vector.bitcast %and3A_1026 : vector<16xi32> to vector<16xf32>
        %mul3A_1028 = arith.mulf %bitcast3A_1025, %broadcast_in_dim3A_1009 : vector<16xf32>
        %swap3A_1029 = arith.index_cast %add3A_1017 : i32 to index
        %swap3A_1030 = arith.constant 0 : index
        %swap3A_1031 = tpu.vector_load %arg16[%swap3A_1029, %swap3A_1030] {strides = array<i32>} : memref<128x64xf32, #tpu.memory_space<vmem>>, vector<16xf32>,
        tpu.vector_store %arg16[%swap3A_1029, %swap3A_1030], %mul3A_1028 {strides = array<i32>} : memref<128x64xf32, #tpu.memory_space<vmem>>, vector<16xf32>,
        %mul3A_1032 = arith.mulf %bitcast3A_1027, %broadcast_in_dim3A_1009 : vector<16xf32>
        %swap3A_1033 = arith.index_cast %add3A_1017 : i32 to index
        %swap3A_1034 = arith.constant 16 : index
        %swap3A_1035 = tpu.vector_load %arg16[%swap3A_1033, %swap3A_1034] {strides = array<i32>} : memref<128x64xf32, #tpu.memory_space<vmem>>, vector<16xf32>,
        tpu.vector_store %arg16[%swap3A_1033, %swap3A_1034], %mul3A_1032 {strides = array<i32>} : memref<128x64xf32, #tpu.memory_space<vmem>>, vector<16xf32>,
        %get3A_1036 = arith.index_cast %add3A_1017 : i32 to index
        %get3A_1037 = arith.constant 32 : index
        %get3A_1038 = tpu.vector_load %arg14[%get3A_1036, %get3A_1037] {strides = array<i32>} : memref<128x64xbf16, #tpu.memory_space<vmem>>, vector<32xbf16>,
        %bitcast3A_1039 = vector.bitcast %get3A_1038 : vector<32xbf16> to vector<16xi32>
        %shift_left3A_1040 = arith.constant 16 : i32
        %shift_left3A_1041 = vector.broadcast %shift_left3A_1040 : i32 to vector<16xi32>
        %shift_left3A_1042 = arith.shli %bitcast3A_1039, %shift_left3A_1041 : vector<16xi32>
        %bitcast3A_1043 = vector.bitcast %shift_left3A_1042 : vector<16xi32> to vector<16xf32>
        %and3A_1044 = arith.andi %bitcast3A_1039, %broadcast_in_dim3A_65 : vector<16xi32>
        %bitcast3A_1045 = vector.bitcast %and3A_1044 : vector<16xi32> to vector<16xf32>
        %mul3A_1046 = arith.mulf %bitcast3A_1043, %broadcast_in_dim3A_1009 : vector<16xf32>
        %swap3A_1047 = arith.index_cast %add3A_1017 : i32 to index
        %swap3A_1048 = arith.constant 32 : index
        %swap3A_1049 = tpu.vector_load %arg16[%swap3A_1047, %swap3A_1048] {strides = array<i32>} : memref<128x64xf32, #tpu.memory_space<vmem>>, vector<16xf32>,
        tpu.vector_store %arg16[%swap3A_1047, %swap3A_1048], %mul3A_1046 {strides = array<i32>} : memref<128x64xf32, #tpu.memory_space<vmem>>, vector<16xf32>,
        %mul3A_1050 = arith.mulf %bitcast3A_1045, %broadcast_in_dim3A_1009 : vector<16xf32>
        %swap3A_1051 = arith.index_cast %add3A_1017 : i32 to index
        %swap3A_1052 = arith.constant 48 : index
        %swap3A_1053 = tpu.vector_load %arg16[%swap3A_1051, %swap3A_1052] {strides = array<i32>} : memref<128x64xf32, #tpu.memory_space<vmem>>, vector<16xf32>,
        tpu.vector_store %arg16[%swap3A_1051, %swap3A_1052], %mul3A_1050 {strides = array<i32>} : memref<128x64xf32, #tpu.memory_space<vmem>>, vector<16xf32>,
        %slice3A_1054 = vector.extract_strided_slice %get3A_350 {offsets = [15], sizes = [1], strides = [1]} : vector<16xf32> to vector<1xf32>
        %squeeze3A_1055 = vector.extract %slice3A_1054[0] : f32 from vector<1xf32>
        %broadcast_in_dim3A_1056 = vector.broadcast %squeeze3A_1055 : f32 to vector<16xf32>
        %mul3A_1057 = arith.constant 2 : i32
        %mul3A_1058 = arith.muli %mul3A_1057, %scan3A_342 : i32
        %add3A_1059 = arith.constant 0 : i32
        %add3A_1060 = arith.addi %mul3A_1058, %add3A_1059 : i32
        %mul3A_1061 = arith.constant 16 : i32
        %mul3A_1062 = arith.muli %add3A_1060, %mul3A_1061 : i32
        %add3A_1063 = arith.constant 15 : i32
        %add3A_1064 = arith.addi %mul3A_1062, %add3A_1063 : i32
        %get3A_1065 = arith.index_cast %add3A_1064 : i32 to index
        %get3A_1066 = arith.constant 0 : index
        %get3A_1067 = tpu.vector_load %arg14[%get3A_1065, %get3A_1066] {strides = array<i32>} : memref<128x64xbf16, #tpu.memory_space<vmem>>, vector<32xbf16>,
        %bitcast3A_1068 = vector.bitcast %get3A_1067 : vector<32xbf16> to vector<16xi32>
        %shift_left3A_1069 = arith.constant 16 : i32
        %shift_left3A_1070 = vector.broadcast %shift_left3A_1069 : i32 to vector<16xi32>
        %shift_left3A_1071 = arith.shli %bitcast3A_1068, %shift_left3A_1070 : vector<16xi32>
        %bitcast3A_1072 = vector.bitcast %shift_left3A_1071 : vector<16xi32> to vector<16xf32>
        %and3A_1073 = arith.andi %bitcast3A_1068, %broadcast_in_dim3A_65 : vector<16xi32>
        %bitcast3A_1074 = vector.bitcast %and3A_1073 : vector<16xi32> to vector<16xf32>
        %mul3A_1075 = arith.mulf %bitcast3A_1072, %broadcast_in_dim3A_1056 : vector<16xf32>
        %swap3A_1076 = arith.index_cast %add3A_1064 : i32 to index
        %swap3A_1077 = arith.constant 0 : index
        %swap3A_1078 = tpu.vector_load %arg16[%swap3A_1076, %swap3A_1077] {strides = array<i32>} : memref<128x64xf32, #tpu.memory_space<vmem>>, vector<16xf32>,
        tpu.vector_store %arg16[%swap3A_1076, %swap3A_1077], %mul3A_1075 {strides = array<i32>} : memref<128x64xf32, #tpu.memory_space<vmem>>, vector<16xf32>,
        %mul3A_1079 = arith.mulf %bitcast3A_1074, %broadcast_in_dim3A_1056 : vector<16xf32>
        %swap3A_1080 = arith.index_cast %add3A_1064 : i32 to index
        %swap3A_1081 = arith.constant 16 : index
        %swap3A_1082 = tpu.vector_load %arg16[%swap3A_1080, %swap3A_1081] {strides = array<i32>} : memref<128x64xf32, #tpu.memory_space<vmem>>, vector<16xf32>,
        tpu.vector_store %arg16[%swap3A_1080, %swap3A_1081], %mul3A_1079 {strides = array<i32>} : memref<128x64xf32, #tpu.memory_space<vmem>>, vector<16xf32>,
        %get3A_1083 = arith.index_cast %add3A_1064 : i32 to index
        %get3A_1084 = arith.constant 32 : index
        %get3A_1085 = tpu.vector_load %arg14[%get3A_1083, %get3A_1084] {strides = array<i32>} : memref<128x64xbf16, #tpu.memory_space<vmem>>, vector<32xbf16>,
        %bitcast3A_1086 = vector.bitcast %get3A_1085 : vector<32xbf16> to vector<16xi32>
        %shift_left3A_1087 = arith.constant 16 : i32
        %shift_left3A_1088 = vector.broadcast %shift_left3A_1087 : i32 to vector<16xi32>
        %shift_left3A_1089 = arith.shli %bitcast3A_1086, %shift_left3A_1088 : vector<16xi32>
        %bitcast3A_1090 = vector.bitcast %shift_left3A_1089 : vector<16xi32> to vector<16xf32>
        %and3A_1091 = arith.andi %bitcast3A_1086, %broadcast_in_dim3A_65 : vector<16xi32>
        %bitcast3A_1092 = vector.bitcast %and3A_1091 : vector<16xi32> to vector<16xf32>
        %mul3A_1093 = arith.mulf %bitcast3A_1090, %broadcast_in_dim3A_1056 : vector<16xf32>
        %swap3A_1094 = arith.index_cast %add3A_1064 : i32 to index
        %swap3A_1095 = arith.constant 32 : index
        %swap3A_1096 = tpu.vector_load %arg16[%swap3A_1094, %swap3A_1095] {strides = array<i32>} : memref<128x64xf32, #tpu.memory_space<vmem>>, vector<16xf32>,
        tpu.vector_store %arg16[%swap3A_1094, %swap3A_1095], %mul3A_1093 {strides = array<i32>} : memref<128x64xf32, #tpu.memory_space<vmem>>, vector<16xf32>,
        %mul3A_1097 = arith.mulf %bitcast3A_1092, %broadcast_in_dim3A_1056 : vector<16xf32>
        %swap3A_1098 = arith.index_cast %add3A_1064 : i32 to index
        %swap3A_1099 = arith.constant 48 : index
        %swap3A_1100 = tpu.vector_load %arg16[%swap3A_1098, %swap3A_1099] {strides = array<i32>} : memref<128x64xf32, #tpu.memory_space<vmem>>, vector<16xf32>,
        tpu.vector_store %arg16[%swap3A_1098, %swap3A_1099], %mul3A_1097 {strides = array<i32>} : memref<128x64xf32, #tpu.memory_space<vmem>>, vector<16xf32>,
        %mul3A_1101 = arith.constant 2 : i32
        %mul3A_1102 = arith.muli %mul3A_1101, %scan3A_342 : i32
        %add3A_1103 = arith.constant 1 : i32
        %add3A_1104 = arith.addi %mul3A_1102, %add3A_1103 : i32
        %mul3A_1105 = arith.constant 16 : i32
        %mul3A_1106 = arith.muli %add3A_1104, %mul3A_1105 : i32
        %get3A_1107 = arith.index_cast %mul3A_1106 : i32 to index
        %get3A_1108 = tpu.vector_load %arg12[%get3A_1107] {strides = array<i32>} : memref<128xf32, #tpu.memory_space<vmem>>, vector<16xf32>,
        %slice3A_1109 = vector.extract_strided_slice %get3A_1108 {offsets = [0], sizes = [1], strides = [1]} : vector<16xf32> to vector<1xf32>
        %squeeze3A_1110 = vector.extract %slice3A_1109[0] : f32 from vector<1xf32>
        %broadcast_in_dim3A_1111 = vector.broadcast %squeeze3A_1110 : f32 to vector<16xf32>
        %mul3A_1112 = arith.constant 2 : i32
        %mul3A_1113 = arith.muli %mul3A_1112, %scan3A_342 : i32
        %add3A_1114 = arith.constant 1 : i32
        %add3A_1115 = arith.addi %mul3A_1113, %add3A_1114 : i32
        %mul3A_1116 = arith.constant 16 : i32
        %mul3A_1117 = arith.muli %add3A_1115, %mul3A_1116 : i32
        %add3A_1118 = arith.constant 0 : i32
        %add3A_1119 = arith.addi %mul3A_1117, %add3A_1118 : i32
        %get3A_1120 = arith.index_cast %add3A_1119 : i32 to index
        %get3A_1121 = arith.constant 0 : index
        %get3A_1122 = tpu.vector_load %arg14[%get3A_1120, %get3A_1121] {strides = array<i32>} : memref<128x64xbf16, #tpu.memory_space<vmem>>, vector<32xbf16>,
        %bitcast3A_1123 = vector.bitcast %get3A_1122 : vector<32xbf16> to vector<16xi32>
        %shift_left3A_1124 = arith.constant 16 : i32
        %shift_left3A_1125 = vector.broadcast %shift_left3A_1124 : i32 to vector<16xi32>
        %shift_left3A_1126 = arith.shli %bitcast3A_1123, %shift_left3A_1125 : vector<16xi32>
        %bitcast3A_1127 = vector.bitcast %shift_left3A_1126 : vector<16xi32> to vector<16xf32>
        %and3A_1128 = arith.andi %bitcast3A_1123, %broadcast_in_dim3A_65 : vector<16xi32>
        %bitcast3A_1129 = vector.bitcast %and3A_1128 : vector<16xi32> to vector<16xf32>
        %mul3A_1130 = arith.mulf %bitcast3A_1127, %broadcast_in_dim3A_1111 : vector<16xf32>
        %swap3A_1131 = arith.index_cast %add3A_1119 : i32 to index
        %swap3A_1132 = arith.constant 0 : index
        %swap3A_1133 = tpu.vector_load %arg16[%swap3A_1131, %swap3A_1132] {strides = array<i32>} : memref<128x64xf32, #tpu.memory_space<vmem>>, vector<16xf32>,
        tpu.vector_store %arg16[%swap3A_1131, %swap3A_1132], %mul3A_1130 {strides = array<i32>} : memref<128x64xf32, #tpu.memory_space<vmem>>, vector<16xf32>,
        %mul3A_1134 = arith.mulf %bitcast3A_1129, %broadcast_in_dim3A_1111 : vector<16xf32>
        %swap3A_1135 = arith.index_cast %add3A_1119 : i32 to index
        %swap3A_1136 = arith.constant 16 : index
        %swap3A_1137 = tpu.vector_load %arg16[%swap3A_1135, %swap3A_1136] {strides = array<i32>} : memref<128x64xf32, #tpu.memory_space<vmem>>, vector<16xf32>,
        tpu.vector_store %arg16[%swap3A_1135, %swap3A_1136], %mul3A_1134 {strides = array<i32>} : memref<128x64xf32, #tpu.memory_space<vmem>>, vector<16xf32>,
        %get3A_1138 = arith.index_cast %add3A_1119 : i32 to index
        %get3A_1139 = arith.constant 32 : index
        %get3A_1140 = tpu.vector_load %arg14[%get3A_1138, %get3A_1139] {strides = array<i32>} : memref<128x64xbf16, #tpu.memory_space<vmem>>, vector<32xbf16>,
        %bitcast3A_1141 = vector.bitcast %get3A_1140 : vector<32xbf16> to vector<16xi32>
        %shift_left3A_1142 = arith.constant 16 : i32
        %shift_left3A_1143 = vector.broadcast %shift_left3A_1142 : i32 to vector<16xi32>
        %shift_left3A_1144 = arith.shli %bitcast3A_1141, %shift_left3A_1143 : vector<16xi32>
        %bitcast3A_1145 = vector.bitcast %shift_left3A_1144 : vector<16xi32> to vector<16xf32>
        %and3A_1146 = arith.andi %bitcast3A_1141, %broadcast_in_dim3A_65 : vector<16xi32>
        %bitcast3A_1147 = vector.bitcast %and3A_1146 : vector<16xi32> to vector<16xf32>
        %mul3A_1148 = arith.mulf %bitcast3A_1145, %broadcast_in_dim3A_1111 : vector<16xf32>
        %swap3A_1149 = arith.index_cast %add3A_1119 : i32 to index
        %swap3A_1150 = arith.constant 32 : index
        %swap3A_1151 = tpu.vector_load %arg16[%swap3A_1149, %swap3A_1150] {strides = array<i32>} : memref<128x64xf32, #tpu.memory_space<vmem>>, vector<16xf32>,
        tpu.vector_store %arg16[%swap3A_1149, %swap3A_1150], %mul3A_1148 {strides = array<i32>} : memref<128x64xf32, #tpu.memory_space<vmem>>, vector<16xf32>,
        %mul3A_1152 = arith.mulf %bitcast3A_1147, %broadcast_in_dim3A_1111 : vector<16xf32>
        %swap3A_1153 = arith.index_cast %add3A_1119 : i32 to index
        %swap3A_1154 = arith.constant 48 : index
        %swap3A_1155 = tpu.vector_load %arg16[%swap3A_1153, %swap3A_1154] {strides = array<i32>} : memref<128x64xf32, #tpu.memory_space<vmem>>, vector<16xf32>,
        tpu.vector_store %arg16[%swap3A_1153, %swap3A_1154], %mul3A_1152 {strides = array<i32>} : memref<128x64xf32, #tpu.memory_space<vmem>>, vector<16xf32>,
        %slice3A_1156 = vector.extract_strided_slice %get3A_1108 {offsets = [1], sizes = [1], strides = [1]} : vector<16xf32> to vector<1xf32>
        %squeeze3A_1157 = vector.extract %slice3A_1156[0] : f32 from vector<1xf32>
        %broadcast_in_dim3A_1158 = vector.broadcast %squeeze3A_1157 : f32 to vector<16xf32>
        %mul3A_1159 = arith.constant 2 : i32
        %mul3A_1160 = arith.muli %mul3A_1159, %scan3A_342 : i32
        %add3A_1161 = arith.constant 1 : i32
        %add3A_1162 = arith.addi %mul3A_1160, %add3A_1161 : i32
        %mul3A_1163 = arith.constant 16 : i32
        %mul3A_1164 = arith.muli %add3A_1162, %mul3A_1163 : i32
        %add3A_1165 = arith.constant 1 : i32
        %add3A_1166 = arith.addi %mul3A_1164, %add3A_1165 : i32
        %get3A_1167 = arith.index_cast %add3A_1166 : i32 to index
        %get3A_1168 = arith.constant 0 : index
        %get3A_1169 = tpu.vector_load %arg14[%get3A_1167, %get3A_1168] {strides = array<i32>} : memref<128x64xbf16, #tpu.memory_space<vmem>>, vector<32xbf16>,
        %bitcast3A_1170 = vector.bitcast %get3A_1169 : vector<32xbf16> to vector<16xi32>
        %shift_left3A_1171 = arith.constant 16 : i32
        %shift_left3A_1172 = vector.broadcast %shift_left3A_1171 : i32 to vector<16xi32>
        %shift_left3A_1173 = arith.shli %bitcast3A_1170, %shift_left3A_1172 : vector<16xi32>
        %bitcast3A_1174 = vector.bitcast %shift_left3A_1173 : vector<16xi32> to vector<16xf32>
        %and3A_1175 = arith.andi %bitcast3A_1170, %broadcast_in_dim3A_65 : vector<16xi32>
        %bitcast3A_1176 = vector.bitcast %and3A_1175 : vector<16xi32> to vector<16xf32>
        %mul3A_1177 = arith.mulf %bitcast3A_1174, %broadcast_in_dim3A_1158 : vector<16xf32>
        %swap3A_1178 = arith.index_cast %add3A_1166 : i32 to index
        %swap3A_1179 = arith.constant 0 : index
        %swap3A_1180 = tpu.vector_load %arg16[%swap3A_1178, %swap3A_1179] {strides = array<i32>} : memref<128x64xf32, #tpu.memory_space<vmem>>, vector<16xf32>,
        tpu.vector_store %arg16[%swap3A_1178, %swap3A_1179], %mul3A_1177 {strides = array<i32>} : memref<128x64xf32, #tpu.memory_space<vmem>>, vector<16xf32>,
        %mul3A_1181 = arith.mulf %bitcast3A_1176, %broadcast_in_dim3A_1158 : vector<16xf32>
        %swap3A_1182 = arith.index_cast %add3A_1166 : i32 to index
        %swap3A_1183 = arith.constant 16 : index
        %swap3A_1184 = tpu.vector_load %arg16[%swap3A_1182, %swap3A_1183] {strides = array<i32>} : memref<128x64xf32, #tpu.memory_space<vmem>>, vector<16xf32>,
        tpu.vector_store %arg16[%swap3A_1182, %swap3A_1183], %mul3A_1181 {strides = array<i32>} : memref<128x64xf32, #tpu.memory_space<vmem>>, vector<16xf32>,
        %get3A_1185 = arith.index_cast %add3A_1166 : i32 to index
        %get3A_1186 = arith.constant 32 : index
        %get3A_1187 = tpu.vector_load %arg14[%get3A_1185, %get3A_1186] {strides = array<i32>} : memref<128x64xbf16, #tpu.memory_space<vmem>>, vector<32xbf16>,
        %bitcast3A_1188 = vector.bitcast %get3A_1187 : vector<32xbf16> to vector<16xi32>
        %shift_left3A_1189 = arith.constant 16 : i32
        %shift_left3A_1190 = vector.broadcast %shift_left3A_1189 : i32 to vector<16xi32>
        %shift_left3A_1191 = arith.shli %bitcast3A_1188, %shift_left3A_1190 : vector<16xi32>
        %bitcast3A_1192 = vector.bitcast %shift_left3A_1191 : vector<16xi32> to vector<16xf32>
        %and3A_1193 = arith.andi %bitcast3A_1188, %broadcast_in_dim3A_65 : vector<16xi32>
        %bitcast3A_1194 = vector.bitcast %and3A_1193 : vector<16xi32> to vector<16xf32>
        %mul3A_1195 = arith.mulf %bitcast3A_1192, %broadcast_in_dim3A_1158 : vector<16xf32>
        %swap3A_1196 = arith.index_cast %add3A_1166 : i32 to index
        %swap3A_1197 = arith.constant 32 : index
        %swap3A_1198 = tpu.vector_load %arg16[%swap3A_1196, %swap3A_1197] {strides = array<i32>} : memref<128x64xf32, #tpu.memory_space<vmem>>, vector<16xf32>,
        tpu.vector_store %arg16[%swap3A_1196, %swap3A_1197], %mul3A_1195 {strides = array<i32>} : memref<128x64xf32, #tpu.memory_space<vmem>>, vector<16xf32>,
        %mul3A_1199 = arith.mulf %bitcast3A_1194, %broadcast_in_dim3A_1158 : vector<16xf32>
        %swap3A_1200 = arith.index_cast %add3A_1166 : i32 to index
        %swap3A_1201 = arith.constant 48 : index
        %swap3A_1202 = tpu.vector_load %arg16[%swap3A_1200, %swap3A_1201] {strides = array<i32>} : memref<128x64xf32, #tpu.memory_space<vmem>>, vector<16xf32>,
        tpu.vector_store %arg16[%swap3A_1200, %swap3A_1201], %mul3A_1199 {strides = array<i32>} : memref<128x64xf32, #tpu.memory_space<vmem>>, vector<16xf32>,
        %slice3A_1203 = vector.extract_strided_slice %get3A_1108 {offsets = [2], sizes = [1], strides = [1]} : vector<16xf32> to vector<1xf32>
        %squeeze3A_1204 = vector.extract %slice3A_1203[0] : f32 from vector<1xf32>
        %broadcast_in_dim3A_1205 = vector.broadcast %squeeze3A_1204 : f32 to vector<16xf32>
        %mul3A_1206 = arith.constant 2 : i32
        %mul3A_1207 = arith.muli %mul3A_1206, %scan3A_342 : i32
        %add3A_1208 = arith.constant 1 : i32
        %add3A_1209 = arith.addi %mul3A_1207, %add3A_1208 : i32
        %mul3A_1210 = arith.constant 16 : i32
        %mul3A_1211 = arith.muli %add3A_1209, %mul3A_1210 : i32
        %add3A_1212 = arith.constant 2 : i32
        %add3A_1213 = arith.addi %mul3A_1211, %add3A_1212 : i32
        %get3A_1214 = arith.index_cast %add3A_1213 : i32 to index
        %get3A_1215 = arith.constant 0 : index
        %get3A_1216 = tpu.vector_load %arg14[%get3A_1214, %get3A_1215] {strides = array<i32>} : memref<128x64xbf16, #tpu.memory_space<vmem>>, vector<32xbf16>,
        %bitcast3A_1217 = vector.bitcast %get3A_1216 : vector<32xbf16> to vector<16xi32>
        %shift_left3A_1218 = arith.constant 16 : i32
        %shift_left3A_1219 = vector.broadcast %shift_left3A_1218 : i32 to vector<16xi32>
        %shift_left3A_1220 = arith.shli %bitcast3A_1217, %shift_left3A_1219 : vector<16xi32>
        %bitcast3A_1221 = vector.bitcast %shift_left3A_1220 : vector<16xi32> to vector<16xf32>
        %and3A_1222 = arith.andi %bitcast3A_1217, %broadcast_in_dim3A_65 : vector<16xi32>
        %bitcast3A_1223 = vector.bitcast %and3A_1222 : vector<16xi32> to vector<16xf32>
        %mul3A_1224 = arith.mulf %bitcast3A_1221, %broadcast_in_dim3A_1205 : vector<16xf32>
        %swap3A_1225 = arith.index_cast %add3A_1213 : i32 to index
        %swap3A_1226 = arith.constant 0 : index
        %swap3A_1227 = tpu.vector_load %arg16[%swap3A_1225, %swap3A_1226] {strides = array<i32>} : memref<128x64xf32, #tpu.memory_space<vmem>>, vector<16xf32>,
        tpu.vector_store %arg16[%swap3A_1225, %swap3A_1226], %mul3A_1224 {strides = array<i32>} : memref<128x64xf32, #tpu.memory_space<vmem>>, vector<16xf32>,
        %mul3A_1228 = arith.mulf %bitcast3A_1223, %broadcast_in_dim3A_1205 : vector<16xf32>
        %swap3A_1229 = arith.index_cast %add3A_1213 : i32 to index
        %swap3A_1230 = arith.constant 16 : index
        %swap3A_1231 = tpu.vector_load %arg16[%swap3A_1229, %swap3A_1230] {strides = array<i32>} : memref<128x64xf32, #tpu.memory_space<vmem>>, vector<16xf32>,
        tpu.vector_store %arg16[%swap3A_1229, %swap3A_1230], %mul3A_1228 {strides = array<i32>} : memref<128x64xf32, #tpu.memory_space<vmem>>, vector<16xf32>,
        %get3A_1232 = arith.index_cast %add3A_1213 : i32 to index
        %get3A_1233 = arith.constant 32 : index
        %get3A_1234 = tpu.vector_load %arg14[%get3A_1232, %get3A_1233] {strides = array<i32>} : memref<128x64xbf16, #tpu.memory_space<vmem>>, vector<32xbf16>,
        %bitcast3A_1235 = vector.bitcast %get3A_1234 : vector<32xbf16> to vector<16xi32>
        %shift_left3A_1236 = arith.constant 16 : i32
        %shift_left3A_1237 = vector.broadcast %shift_left3A_1236 : i32 to vector<16xi32>
        %shift_left3A_1238 = arith.shli %bitcast3A_1235, %shift_left3A_1237 : vector<16xi32>
        %bitcast3A_1239 = vector.bitcast %shift_left3A_1238 : vector<16xi32> to vector<16xf32>
        %and3A_1240 = arith.andi %bitcast3A_1235, %broadcast_in_dim3A_65 : vector<16xi32>
        %bitcast3A_1241 = vector.bitcast %and3A_1240 : vector<16xi32> to vector<16xf32>
        %mul3A_1242 = arith.mulf %bitcast3A_1239, %broadcast_in_dim3A_1205 : vector<16xf32>
        %swap3A_1243 = arith.index_cast %add3A_1213 : i32 to index
        %swap3A_1244 = arith.constant 32 : index
        %swap3A_1245 = tpu.vector_load %arg16[%swap3A_1243, %swap3A_1244] {strides = array<i32>} : memref<128x64xf32, #tpu.memory_space<vmem>>, vector<16xf32>,
        tpu.vector_store %arg16[%swap3A_1243, %swap3A_1244], %mul3A_1242 {strides = array<i32>} : memref<128x64xf32, #tpu.memory_space<vmem>>, vector<16xf32>,
        %mul3A_1246 = arith.mulf %bitcast3A_1241, %broadcast_in_dim3A_1205 : vector<16xf32>
        %swap3A_1247 = arith.index_cast %add3A_1213 : i32 to index
        %swap3A_1248 = arith.constant 48 : index
        %swap3A_1249 = tpu.vector_load %arg16[%swap3A_1247, %swap3A_1248] {strides = array<i32>} : memref<128x64xf32, #tpu.memory_space<vmem>>, vector<16xf32>,
        tpu.vector_store %arg16[%swap3A_1247, %swap3A_1248], %mul3A_1246 {strides = array<i32>} : memref<128x64xf32, #tpu.memory_space<vmem>>, vector<16xf32>,
        %slice3A_1250 = vector.extract_strided_slice %get3A_1108 {offsets = [3], sizes = [1], strides = [1]} : vector<16xf32> to vector<1xf32>
        %squeeze3A_1251 = vector.extract %slice3A_1250[0] : f32 from vector<1xf32>
        %broadcast_in_dim3A_1252 = vector.broadcast %squeeze3A_1251 : f32 to vector<16xf32>
        %mul3A_1253 = arith.constant 2 : i32
        %mul3A_1254 = arith.muli %mul3A_1253, %scan3A_342 : i32
        %add3A_1255 = arith.constant 1 : i32
        %add3A_1256 = arith.addi %mul3A_1254, %add3A_1255 : i32
        %mul3A_1257 = arith.constant 16 : i32
        %mul3A_1258 = arith.muli %add3A_1256, %mul3A_1257 : i32
        %add3A_1259 = arith.constant 3 : i32
        %add3A_1260 = arith.addi %mul3A_1258, %add3A_1259 : i32
        %get3A_1261 = arith.index_cast %add3A_1260 : i32 to index
        %get3A_1262 = arith.constant 0 : index
        %get3A_1263 = tpu.vector_load %arg14[%get3A_1261, %get3A_1262] {strides = array<i32>} : memref<128x64xbf16, #tpu.memory_space<vmem>>, vector<32xbf16>,
        %bitcast3A_1264 = vector.bitcast %get3A_1263 : vector<32xbf16> to vector<16xi32>
        %shift_left3A_1265 = arith.constant 16 : i32
        %shift_left3A_1266 = vector.broadcast %shift_left3A_1265 : i32 to vector<16xi32>
        %shift_left3A_1267 = arith.shli %bitcast3A_1264, %shift_left3A_1266 : vector<16xi32>
        %bitcast3A_1268 = vector.bitcast %shift_left3A_1267 : vector<16xi32> to vector<16xf32>
        %and3A_1269 = arith.andi %bitcast3A_1264, %broadcast_in_dim3A_65 : vector<16xi32>
        %bitcast3A_1270 = vector.bitcast %and3A_1269 : vector<16xi32> to vector<16xf32>
        %mul3A_1271 = arith.mulf %bitcast3A_1268, %broadcast_in_dim3A_1252 : vector<16xf32>
        %swap3A_1272 = arith.index_cast %add3A_1260 : i32 to index
        %swap3A_1273 = arith.constant 0 : index
        %swap3A_1274 = tpu.vector_load %arg16[%swap3A_1272, %swap3A_1273] {strides = array<i32>} : memref<128x64xf32, #tpu.memory_space<vmem>>, vector<16xf32>,
        tpu.vector_store %arg16[%swap3A_1272, %swap3A_1273], %mul3A_1271 {strides = array<i32>} : memref<128x64xf32, #tpu.memory_space<vmem>>, vector<16xf32>,
        %mul3A_1275 = arith.mulf %bitcast3A_1270, %broadcast_in_dim3A_1252 : vector<16xf32>
        %swap3A_1276 = arith.index_cast %add3A_1260 : i32 to index
        %swap3A_1277 = arith.constant 16 : index
        %swap3A_1278 = tpu.vector_load %arg16[%swap3A_1276, %swap3A_1277] {strides = array<i32>} : memref<128x64xf32, #tpu.memory_space<vmem>>, vector<16xf32>,
        tpu.vector_store %arg16[%swap3A_1276, %swap3A_1277], %mul3A_1275 {strides = array<i32>} : memref<128x64xf32, #tpu.memory_space<vmem>>, vector<16xf32>,
        %get3A_1279 = arith.index_cast %add3A_1260 : i32 to index
        %get3A_1280 = arith.constant 32 : index
        %get3A_1281 = tpu.vector_load %arg14[%get3A_1279, %get3A_1280] {strides = array<i32>} : memref<128x64xbf16, #tpu.memory_space<vmem>>, vector<32xbf16>,
        %bitcast3A_1282 = vector.bitcast %get3A_1281 : vector<32xbf16> to vector<16xi32>
        %shift_left3A_1283 = arith.constant 16 : i32
        %shift_left3A_1284 = vector.broadcast %shift_left3A_1283 : i32 to vector<16xi32>
        %shift_left3A_1285 = arith.shli %bitcast3A_1282, %shift_left3A_1284 : vector<16xi32>
        %bitcast3A_1286 = vector.bitcast %shift_left3A_1285 : vector<16xi32> to vector<16xf32>
        %and3A_1287 = arith.andi %bitcast3A_1282, %broadcast_in_dim3A_65 : vector<16xi32>
        %bitcast3A_1288 = vector.bitcast %and3A_1287 : vector<16xi32> to vector<16xf32>
        %mul3A_1289 = arith.mulf %bitcast3A_1286, %broadcast_in_dim3A_1252 : vector<16xf32>
        %swap3A_1290 = arith.index_cast %add3A_1260 : i32 to index
        %swap3A_1291 = arith.constant 32 : index
        %swap3A_1292 = tpu.vector_load %arg16[%swap3A_1290, %swap3A_1291] {strides = array<i32>} : memref<128x64xf32, #tpu.memory_space<vmem>>, vector<16xf32>,
        tpu.vector_store %arg16[%swap3A_1290, %swap3A_1291], %mul3A_1289 {strides = array<i32>} : memref<128x64xf32, #tpu.memory_space<vmem>>, vector<16xf32>,
        %mul3A_1293 = arith.mulf %bitcast3A_1288, %broadcast_in_dim3A_1252 : vector<16xf32>
        %swap3A_1294 = arith.index_cast %add3A_1260 : i32 to index
        %swap3A_1295 = arith.constant 48 : index
        %swap3A_1296 = tpu.vector_load %arg16[%swap3A_1294, %swap3A_1295] {strides = array<i32>} : memref<128x64xf32, #tpu.memory_space<vmem>>, vector<16xf32>,
        tpu.vector_store %arg16[%swap3A_1294, %swap3A_1295], %mul3A_1293 {strides = array<i32>} : memref<128x64xf32, #tpu.memory_space<vmem>>, vector<16xf32>,
        %slice3A_1297 = vector.extract_strided_slice %get3A_1108 {offsets = [4], sizes = [1], strides = [1]} : vector<16xf32> to vector<1xf32>
        %squeeze3A_1298 = vector.extract %slice3A_1297[0] : f32 from vector<1xf32>
        %broadcast_in_dim3A_1299 = vector.broadcast %squeeze3A_1298 : f32 to vector<16xf32>
        %mul3A_1300 = arith.constant 2 : i32
        %mul3A_1301 = arith.muli %mul3A_1300, %scan3A_342 : i32
        %add3A_1302 = arith.constant 1 : i32
        %add3A_1303 = arith.addi %mul3A_1301, %add3A_1302 : i32
        %mul3A_1304 = arith.constant 16 : i32
        %mul3A_1305 = arith.muli %add3A_1303, %mul3A_1304 : i32
        %add3A_1306 = arith.constant 4 : i32
        %add3A_1307 = arith.addi %mul3A_1305, %add3A_1306 : i32
        %get3A_1308 = arith.index_cast %add3A_1307 : i32 to index
        %get3A_1309 = arith.constant 0 : index
        %get3A_1310 = tpu.vector_load %arg14[%get3A_1308, %get3A_1309] {strides = array<i32>} : memref<128x64xbf16, #tpu.memory_space<vmem>>, vector<32xbf16>,
        %bitcast3A_1311 = vector.bitcast %get3A_1310 : vector<32xbf16> to vector<16xi32>
        %shift_left3A_1312 = arith.constant 16 : i32
        %shift_left3A_1313 = vector.broadcast %shift_left3A_1312 : i32 to vector<16xi32>
        %shift_left3A_1314 = arith.shli %bitcast3A_1311, %shift_left3A_1313 : vector<16xi32>
        %bitcast3A_1315 = vector.bitcast %shift_left3A_1314 : vector<16xi32> to vector<16xf32>
        %and3A_1316 = arith.andi %bitcast3A_1311, %broadcast_in_dim3A_65 : vector<16xi32>
        %bitcast3A_1317 = vector.bitcast %and3A_1316 : vector<16xi32> to vector<16xf32>
        %mul3A_1318 = arith.mulf %bitcast3A_1315, %broadcast_in_dim3A_1299 : vector<16xf32>
        %swap3A_1319 = arith.index_cast %add3A_1307 : i32 to index
        %swap3A_1320 = arith.constant 0 : index
        %swap3A_1321 = tpu.vector_load %arg16[%swap3A_1319, %swap3A_1320] {strides = array<i32>} : memref<128x64xf32, #tpu.memory_space<vmem>>, vector<16xf32>,
        tpu.vector_store %arg16[%swap3A_1319, %swap3A_1320], %mul3A_1318 {strides = array<i32>} : memref<128x64xf32, #tpu.memory_space<vmem>>, vector<16xf32>,
        %mul3A_1322 = arith.mulf %bitcast3A_1317, %broadcast_in_dim3A_1299 : vector<16xf32>
        %swap3A_1323 = arith.index_cast %add3A_1307 : i32 to index
        %swap3A_1324 = arith.constant 16 : index
        %swap3A_1325 = tpu.vector_load %arg16[%swap3A_1323, %swap3A_1324] {strides = array<i32>} : memref<128x64xf32, #tpu.memory_space<vmem>>, vector<16xf32>,
        tpu.vector_store %arg16[%swap3A_1323, %swap3A_1324], %mul3A_1322 {strides = array<i32>} : memref<128x64xf32, #tpu.memory_space<vmem>>, vector<16xf32>,
        %get3A_1326 = arith.index_cast %add3A_1307 : i32 to index
        %get3A_1327 = arith.constant 32 : index
        %get3A_1328 = tpu.vector_load %arg14[%get3A_1326, %get3A_1327] {strides = array<i32>} : memref<128x64xbf16, #tpu.memory_space<vmem>>, vector<32xbf16>,
        %bitcast3A_1329 = vector.bitcast %get3A_1328 : vector<32xbf16> to vector<16xi32>
        %shift_left3A_1330 = arith.constant 16 : i32
        %shift_left3A_1331 = vector.broadcast %shift_left3A_1330 : i32 to vector<16xi32>
        %shift_left3A_1332 = arith.shli %bitcast3A_1329, %shift_left3A_1331 : vector<16xi32>
        %bitcast3A_1333 = vector.bitcast %shift_left3A_1332 : vector<16xi32> to vector<16xf32>
        %and3A_1334 = arith.andi %bitcast3A_1329, %broadcast_in_dim3A_65 : vector<16xi32>
        %bitcast3A_1335 = vector.bitcast %and3A_1334 : vector<16xi32> to vector<16xf32>
        %mul3A_1336 = arith.mulf %bitcast3A_1333, %broadcast_in_dim3A_1299 : vector<16xf32>
        %swap3A_1337 = arith.index_cast %add3A_1307 : i32 to index
        %swap3A_1338 = arith.constant 32 : index
        %swap3A_1339 = tpu.vector_load %arg16[%swap3A_1337, %swap3A_1338] {strides = array<i32>} : memref<128x64xf32, #tpu.memory_space<vmem>>, vector<16xf32>,
        tpu.vector_store %arg16[%swap3A_1337, %swap3A_1338], %mul3A_1336 {strides = array<i32>} : memref<128x64xf32, #tpu.memory_space<vmem>>, vector<16xf32>,
        %mul3A_1340 = arith.mulf %bitcast3A_1335, %broadcast_in_dim3A_1299 : vector<16xf32>
        %swap3A_1341 = arith.index_cast %add3A_1307 : i32 to index
        %swap3A_1342 = arith.constant 48 : index
        %swap3A_1343 = tpu.vector_load %arg16[%swap3A_1341, %swap3A_1342] {strides = array<i32>} : memref<128x64xf32, #tpu.memory_space<vmem>>, vector<16xf32>,
        tpu.vector_store %arg16[%swap3A_1341, %swap3A_1342], %mul3A_1340 {strides = array<i32>} : memref<128x64xf32, #tpu.memory_space<vmem>>, vector<16xf32>,
        %slice3A_1344 = vector.extract_strided_slice %get3A_1108 {offsets = [5], sizes = [1], strides = [1]} : vector<16xf32> to vector<1xf32>
        %squeeze3A_1345 = vector.extract %slice3A_1344[0] : f32 from vector<1xf32>
        %broadcast_in_dim3A_1346 = vector.broadcast %squeeze3A_1345 : f32 to vector<16xf32>
        %mul3A_1347 = arith.constant 2 : i32
        %mul3A_1348 = arith.muli %mul3A_1347, %scan3A_342 : i32
        %add3A_1349 = arith.constant 1 : i32
        %add3A_1350 = arith.addi %mul3A_1348, %add3A_1349 : i32
        %mul3A_1351 = arith.constant 16 : i32
        %mul3A_1352 = arith.muli %add3A_1350, %mul3A_1351 : i32
        %add3A_1353 = arith.constant 5 : i32
        %add3A_1354 = arith.addi %mul3A_1352, %add3A_1353 : i32
        %get3A_1355 = arith.index_cast %add3A_1354 : i32 to index
        %get3A_1356 = arith.constant 0 : index
        %get3A_1357 = tpu.vector_load %arg14[%get3A_1355, %get3A_1356] {strides = array<i32>} : memref<128x64xbf16, #tpu.memory_space<vmem>>, vector<32xbf16>,
        %bitcast3A_1358 = vector.bitcast %get3A_1357 : vector<32xbf16> to vector<16xi32>
        %shift_left3A_1359 = arith.constant 16 : i32
        %shift_left3A_1360 = vector.broadcast %shift_left3A_1359 : i32 to vector<16xi32>
        %shift_left3A_1361 = arith.shli %bitcast3A_1358, %shift_left3A_1360 : vector<16xi32>
        %bitcast3A_1362 = vector.bitcast %shift_left3A_1361 : vector<16xi32> to vector<16xf32>
        %and3A_1363 = arith.andi %bitcast3A_1358, %broadcast_in_dim3A_65 : vector<16xi32>
        %bitcast3A_1364 = vector.bitcast %and3A_1363 : vector<16xi32> to vector<16xf32>
        %mul3A_1365 = arith.mulf %bitcast3A_1362, %broadcast_in_dim3A_1346 : vector<16xf32>
        %swap3A_1366 = arith.index_cast %add3A_1354 : i32 to index
        %swap3A_1367 = arith.constant 0 : index
        %swap3A_1368 = tpu.vector_load %arg16[%swap3A_1366, %swap3A_1367] {strides = array<i32>} : memref<128x64xf32, #tpu.memory_space<vmem>>, vector<16xf32>,
        tpu.vector_store %arg16[%swap3A_1366, %swap3A_1367], %mul3A_1365 {strides = array<i32>} : memref<128x64xf32, #tpu.memory_space<vmem>>, vector<16xf32>,
        %mul3A_1369 = arith.mulf %bitcast3A_1364, %broadcast_in_dim3A_1346 : vector<16xf32>
        %swap3A_1370 = arith.index_cast %add3A_1354 : i32 to index
        %swap3A_1371 = arith.constant 16 : index
        %swap3A_1372 = tpu.vector_load %arg16[%swap3A_1370, %swap3A_1371] {strides = array<i32>} : memref<128x64xf32, #tpu.memory_space<vmem>>, vector<16xf32>,
        tpu.vector_store %arg16[%swap3A_1370, %swap3A_1371], %mul3A_1369 {strides = array<i32>} : memref<128x64xf32, #tpu.memory_space<vmem>>, vector<16xf32>,
        %get3A_1373 = arith.index_cast %add3A_1354 : i32 to index
        %get3A_1374 = arith.constant 32 : index
        %get3A_1375 = tpu.vector_load %arg14[%get3A_1373, %get3A_1374] {strides = array<i32>} : memref<128x64xbf16, #tpu.memory_space<vmem>>, vector<32xbf16>,
        %bitcast3A_1376 = vector.bitcast %get3A_1375 : vector<32xbf16> to vector<16xi32>
        %shift_left3A_1377 = arith.constant 16 : i32
        %shift_left3A_1378 = vector.broadcast %shift_left3A_1377 : i32 to vector<16xi32>
        %shift_left3A_1379 = arith.shli %bitcast3A_1376, %shift_left3A_1378 : vector<16xi32>
        %bitcast3A_1380 = vector.bitcast %shift_left3A_1379 : vector<16xi32> to vector<16xf32>
        %and3A_1381 = arith.andi %bitcast3A_1376, %broadcast_in_dim3A_65 : vector<16xi32>
        %bitcast3A_1382 = vector.bitcast %and3A_1381 : vector<16xi32> to vector<16xf32>
        %mul3A_1383 = arith.mulf %bitcast3A_1380, %broadcast_in_dim3A_1346 : vector<16xf32>
        %swap3A_1384 = arith.index_cast %add3A_1354 : i32 to index
        %swap3A_1385 = arith.constant 32 : index
        %swap3A_1386 = tpu.vector_load %arg16[%swap3A_1384, %swap3A_1385] {strides = array<i32>} : memref<128x64xf32, #tpu.memory_space<vmem>>, vector<16xf32>,
        tpu.vector_store %arg16[%swap3A_1384, %swap3A_1385], %mul3A_1383 {strides = array<i32>} : memref<128x64xf32, #tpu.memory_space<vmem>>, vector<16xf32>,
        %mul3A_1387 = arith.mulf %bitcast3A_1382, %broadcast_in_dim3A_1346 : vector<16xf32>
        %swap3A_1388 = arith.index_cast %add3A_1354 : i32 to index
        %swap3A_1389 = arith.constant 48 : index
        %swap3A_1390 = tpu.vector_load %arg16[%swap3A_1388, %swap3A_1389] {strides = array<i32>} : memref<128x64xf32, #tpu.memory_space<vmem>>, vector<16xf32>,
        tpu.vector_store %arg16[%swap3A_1388, %swap3A_1389], %mul3A_1387 {strides = array<i32>} : memref<128x64xf32, #tpu.memory_space<vmem>>, vector<16xf32>,
        %slice3A_1391 = vector.extract_strided_slice %get3A_1108 {offsets = [6], sizes = [1], strides = [1]} : vector<16xf32> to vector<1xf32>
        %squeeze3A_1392 = vector.extract %slice3A_1391[0] : f32 from vector<1xf32>
        %broadcast_in_dim3A_1393 = vector.broadcast %squeeze3A_1392 : f32 to vector<16xf32>
        %mul3A_1394 = arith.constant 2 : i32
        %mul3A_1395 = arith.muli %mul3A_1394, %scan3A_342 : i32
        %add3A_1396 = arith.constant 1 : i32
        %add3A_1397 = arith.addi %mul3A_1395, %add3A_1396 : i32
        %mul3A_1398 = arith.constant 16 : i32
        %mul3A_1399 = arith.muli %add3A_1397, %mul3A_1398 : i32
        %add3A_1400 = arith.constant 6 : i32
        %add3A_1401 = arith.addi %mul3A_1399, %add3A_1400 : i32
        %get3A_1402 = arith.index_cast %add3A_1401 : i32 to index
        %get3A_1403 = arith.constant 0 : index
        %get3A_1404 = tpu.vector_load %arg14[%get3A_1402, %get3A_1403] {strides = array<i32>} : memref<128x64xbf16, #tpu.memory_space<vmem>>, vector<32xbf16>,
        %bitcast3A_1405 = vector.bitcast %get3A_1404 : vector<32xbf16> to vector<16xi32>
        %shift_left3A_1406 = arith.constant 16 : i32
        %shift_left3A_1407 = vector.broadcast %shift_left3A_1406 : i32 to vector<16xi32>
        %shift_left3A_1408 = arith.shli %bitcast3A_1405, %shift_left3A_1407 : vector<16xi32>
        %bitcast3A_1409 = vector.bitcast %shift_left3A_1408 : vector<16xi32> to vector<16xf32>
        %and3A_1410 = arith.andi %bitcast3A_1405, %broadcast_in_dim3A_65 : vector<16xi32>
        %bitcast3A_1411 = vector.bitcast %and3A_1410 : vector<16xi32> to vector<16xf32>
        %mul3A_1412 = arith.mulf %bitcast3A_1409, %broadcast_in_dim3A_1393 : vector<16xf32>
        %swap3A_1413 = arith.index_cast %add3A_1401 : i32 to index
        %swap3A_1414 = arith.constant 0 : index
        %swap3A_1415 = tpu.vector_load %arg16[%swap3A_1413, %swap3A_1414] {strides = array<i32>} : memref<128x64xf32, #tpu.memory_space<vmem>>, vector<16xf32>,
        tpu.vector_store %arg16[%swap3A_1413, %swap3A_1414], %mul3A_1412 {strides = array<i32>} : memref<128x64xf32, #tpu.memory_space<vmem>>, vector<16xf32>,
        %mul3A_1416 = arith.mulf %bitcast3A_1411, %broadcast_in_dim3A_1393 : vector<16xf32>
        %swap3A_1417 = arith.index_cast %add3A_1401 : i32 to index
        %swap3A_1418 = arith.constant 16 : index
        %swap3A_1419 = tpu.vector_load %arg16[%swap3A_1417, %swap3A_1418] {strides = array<i32>} : memref<128x64xf32, #tpu.memory_space<vmem>>, vector<16xf32>,
        tpu.vector_store %arg16[%swap3A_1417, %swap3A_1418], %mul3A_1416 {strides = array<i32>} : memref<128x64xf32, #tpu.memory_space<vmem>>, vector<16xf32>,
        %get3A_1420 = arith.index_cast %add3A_1401 : i32 to index
        %get3A_1421 = arith.constant 32 : index
        %get3A_1422 = tpu.vector_load %arg14[%get3A_1420, %get3A_1421] {strides = array<i32>} : memref<128x64xbf16, #tpu.memory_space<vmem>>, vector<32xbf16>,
        %bitcast3A_1423 = vector.bitcast %get3A_1422 : vector<32xbf16> to vector<16xi32>
        %shift_left3A_1424 = arith.constant 16 : i32
        %shift_left3A_1425 = vector.broadcast %shift_left3A_1424 : i32 to vector<16xi32>
        %shift_left3A_1426 = arith.shli %bitcast3A_1423, %shift_left3A_1425 : vector<16xi32>
        %bitcast3A_1427 = vector.bitcast %shift_left3A_1426 : vector<16xi32> to vector<16xf32>
        %and3A_1428 = arith.andi %bitcast3A_1423, %broadcast_in_dim3A_65 : vector<16xi32>
        %bitcast3A_1429 = vector.bitcast %and3A_1428 : vector<16xi32> to vector<16xf32>
        %mul3A_1430 = arith.mulf %bitcast3A_1427, %broadcast_in_dim3A_1393 : vector<16xf32>
        %swap3A_1431 = arith.index_cast %add3A_1401 : i32 to index
        %swap3A_1432 = arith.constant 32 : index
        %swap3A_1433 = tpu.vector_load %arg16[%swap3A_1431, %swap3A_1432] {strides = array<i32>} : memref<128x64xf32, #tpu.memory_space<vmem>>, vector<16xf32>,
        tpu.vector_store %arg16[%swap3A_1431, %swap3A_1432], %mul3A_1430 {strides = array<i32>} : memref<128x64xf32, #tpu.memory_space<vmem>>, vector<16xf32>,
        %mul3A_1434 = arith.mulf %bitcast3A_1429, %broadcast_in_dim3A_1393 : vector<16xf32>
        %swap3A_1435 = arith.index_cast %add3A_1401 : i32 to index
        %swap3A_1436 = arith.constant 48 : index
        %swap3A_1437 = tpu.vector_load %arg16[%swap3A_1435, %swap3A_1436] {strides = array<i32>} : memref<128x64xf32, #tpu.memory_space<vmem>>, vector<16xf32>,
        tpu.vector_store %arg16[%swap3A_1435, %swap3A_1436], %mul3A_1434 {strides = array<i32>} : memref<128x64xf32, #tpu.memory_space<vmem>>, vector<16xf32>,
        %slice3A_1438 = vector.extract_strided_slice %get3A_1108 {offsets = [7], sizes = [1], strides = [1]} : vector<16xf32> to vector<1xf32>
        %squeeze3A_1439 = vector.extract %slice3A_1438[0] : f32 from vector<1xf32>
        %broadcast_in_dim3A_1440 = vector.broadcast %squeeze3A_1439 : f32 to vector<16xf32>
        %mul3A_1441 = arith.constant 2 : i32
        %mul3A_1442 = arith.muli %mul3A_1441, %scan3A_342 : i32
        %add3A_1443 = arith.constant 1 : i32
        %add3A_1444 = arith.addi %mul3A_1442, %add3A_1443 : i32
        %mul3A_1445 = arith.constant 16 : i32
        %mul3A_1446 = arith.muli %add3A_1444, %mul3A_1445 : i32
        %add3A_1447 = arith.constant 7 : i32
        %add3A_1448 = arith.addi %mul3A_1446, %add3A_1447 : i32
        %get3A_1449 = arith.index_cast %add3A_1448 : i32 to index
        %get3A_1450 = arith.constant 0 : index
        %get3A_1451 = tpu.vector_load %arg14[%get3A_1449, %get3A_1450] {strides = array<i32>} : memref<128x64xbf16, #tpu.memory_space<vmem>>, vector<32xbf16>,
        %bitcast3A_1452 = vector.bitcast %get3A_1451 : vector<32xbf16> to vector<16xi32>
        %shift_left3A_1453 = arith.constant 16 : i32
        %shift_left3A_1454 = vector.broadcast %shift_left3A_1453 : i32 to vector<16xi32>
        %shift_left3A_1455 = arith.shli %bitcast3A_1452, %shift_left3A_1454 : vector<16xi32>
        %bitcast3A_1456 = vector.bitcast %shift_left3A_1455 : vector<16xi32> to vector<16xf32>
        %and3A_1457 = arith.andi %bitcast3A_1452, %broadcast_in_dim3A_65 : vector<16xi32>
        %bitcast3A_1458 = vector.bitcast %and3A_1457 : vector<16xi32> to vector<16xf32>
        %mul3A_1459 = arith.mulf %bitcast3A_1456, %broadcast_in_dim3A_1440 : vector<16xf32>
        %swap3A_1460 = arith.index_cast %add3A_1448 : i32 to index
        %swap3A_1461 = arith.constant 0 : index
        %swap3A_1462 = tpu.vector_load %arg16[%swap3A_1460, %swap3A_1461] {strides = array<i32>} : memref<128x64xf32, #tpu.memory_space<vmem>>, vector<16xf32>,
        tpu.vector_store %arg16[%swap3A_1460, %swap3A_1461], %mul3A_1459 {strides = array<i32>} : memref<128x64xf32, #tpu.memory_space<vmem>>, vector<16xf32>,
        %mul3A_1463 = arith.mulf %bitcast3A_1458, %broadcast_in_dim3A_1440 : vector<16xf32>
        %swap3A_1464 = arith.index_cast %add3A_1448 : i32 to index
        %swap3A_1465 = arith.constant 16 : index
        %swap3A_1466 = tpu.vector_load %arg16[%swap3A_1464, %swap3A_1465] {strides = array<i32>} : memref<128x64xf32, #tpu.memory_space<vmem>>, vector<16xf32>,
        tpu.vector_store %arg16[%swap3A_1464, %swap3A_1465], %mul3A_1463 {strides = array<i32>} : memref<128x64xf32, #tpu.memory_space<vmem>>, vector<16xf32>,
        %get3A_1467 = arith.index_cast %add3A_1448 : i32 to index
        %get3A_1468 = arith.constant 32 : index
        %get3A_1469 = tpu.vector_load %arg14[%get3A_1467, %get3A_1468] {strides = array<i32>} : memref<128x64xbf16, #tpu.memory_space<vmem>>, vector<32xbf16>,
        %bitcast3A_1470 = vector.bitcast %get3A_1469 : vector<32xbf16> to vector<16xi32>
        %shift_left3A_1471 = arith.constant 16 : i32
        %shift_left3A_1472 = vector.broadcast %shift_left3A_1471 : i32 to vector<16xi32>
        %shift_left3A_1473 = arith.shli %bitcast3A_1470, %shift_left3A_1472 : vector<16xi32>
        %bitcast3A_1474 = vector.bitcast %shift_left3A_1473 : vector<16xi32> to vector<16xf32>
        %and3A_1475 = arith.andi %bitcast3A_1470, %broadcast_in_dim3A_65 : vector<16xi32>
        %bitcast3A_1476 = vector.bitcast %and3A_1475 : vector<16xi32> to vector<16xf32>
        %mul3A_1477 = arith.mulf %bitcast3A_1474, %broadcast_in_dim3A_1440 : vector<16xf32>
        %swap3A_1478 = arith.index_cast %add3A_1448 : i32 to index
        %swap3A_1479 = arith.constant 32 : index
        %swap3A_1480 = tpu.vector_load %arg16[%swap3A_1478, %swap3A_1479] {strides = array<i32>} : memref<128x64xf32, #tpu.memory_space<vmem>>, vector<16xf32>,
        tpu.vector_store %arg16[%swap3A_1478, %swap3A_1479], %mul3A_1477 {strides = array<i32>} : memref<128x64xf32, #tpu.memory_space<vmem>>, vector<16xf32>,
        %mul3A_1481 = arith.mulf %bitcast3A_1476, %broadcast_in_dim3A_1440 : vector<16xf32>
        %swap3A_1482 = arith.index_cast %add3A_1448 : i32 to index
        %swap3A_1483 = arith.constant 48 : index
        %swap3A_1484 = tpu.vector_load %arg16[%swap3A_1482, %swap3A_1483] {strides = array<i32>} : memref<128x64xf32, #tpu.memory_space<vmem>>, vector<16xf32>,
        tpu.vector_store %arg16[%swap3A_1482, %swap3A_1483], %mul3A_1481 {strides = array<i32>} : memref<128x64xf32, #tpu.memory_space<vmem>>, vector<16xf32>,
        %slice3A_1485 = vector.extract_strided_slice %get3A_1108 {offsets = [8], sizes = [1], strides = [1]} : vector<16xf32> to vector<1xf32>
        %squeeze3A_1486 = vector.extract %slice3A_1485[0] : f32 from vector<1xf32>
        %broadcast_in_dim3A_1487 = vector.broadcast %squeeze3A_1486 : f32 to vector<16xf32>
        %mul3A_1488 = arith.constant 2 : i32
        %mul3A_1489 = arith.muli %mul3A_1488, %scan3A_342 : i32
        %add3A_1490 = arith.constant 1 : i32
        %add3A_1491 = arith.addi %mul3A_1489, %add3A_1490 : i32
        %mul3A_1492 = arith.constant 16 : i32
        %mul3A_1493 = arith.muli %add3A_1491, %mul3A_1492 : i32
        %add3A_1494 = arith.constant 8 : i32
        %add3A_1495 = arith.addi %mul3A_1493, %add3A_1494 : i32
        %get3A_1496 = arith.index_cast %add3A_1495 : i32 to index
        %get3A_1497 = arith.constant 0 : index
        %get3A_1498 = tpu.vector_load %arg14[%get3A_1496, %get3A_1497] {strides = array<i32>} : memref<128x64xbf16, #tpu.memory_space<vmem>>, vector<32xbf16>,
        %bitcast3A_1499 = vector.bitcast %get3A_1498 : vector<32xbf16> to vector<16xi32>
        %shift_left3A_1500 = arith.constant 16 : i32
        %shift_left3A_1501 = vector.broadcast %shift_left3A_1500 : i32 to vector<16xi32>
        %shift_left3A_1502 = arith.shli %bitcast3A_1499, %shift_left3A_1501 : vector<16xi32>
        %bitcast3A_1503 = vector.bitcast %shift_left3A_1502 : vector<16xi32> to vector<16xf32>
        %and3A_1504 = arith.andi %bitcast3A_1499, %broadcast_in_dim3A_65 : vector<16xi32>
        %bitcast3A_1505 = vector.bitcast %and3A_1504 : vector<16xi32> to vector<16xf32>
        %mul3A_1506 = arith.mulf %bitcast3A_1503, %broadcast_in_dim3A_1487 : vector<16xf32>
        %swap3A_1507 = arith.index_cast %add3A_1495 : i32 to index
        %swap3A_1508 = arith.constant 0 : index
        %swap3A_1509 = tpu.vector_load %arg16[%swap3A_1507, %swap3A_1508] {strides = array<i32>} : memref<128x64xf32, #tpu.memory_space<vmem>>, vector<16xf32>,
        tpu.vector_store %arg16[%swap3A_1507, %swap3A_1508], %mul3A_1506 {strides = array<i32>} : memref<128x64xf32, #tpu.memory_space<vmem>>, vector<16xf32>,
        %mul3A_1510 = arith.mulf %bitcast3A_1505, %broadcast_in_dim3A_1487 : vector<16xf32>
        %swap3A_1511 = arith.index_cast %add3A_1495 : i32 to index
        %swap3A_1512 = arith.constant 16 : index
        %swap3A_1513 = tpu.vector_load %arg16[%swap3A_1511, %swap3A_1512] {strides = array<i32>} : memref<128x64xf32, #tpu.memory_space<vmem>>, vector<16xf32>,
        tpu.vector_store %arg16[%swap3A_1511, %swap3A_1512], %mul3A_1510 {strides = array<i32>} : memref<128x64xf32, #tpu.memory_space<vmem>>, vector<16xf32>,
        %get3A_1514 = arith.index_cast %add3A_1495 : i32 to index
        %get3A_1515 = arith.constant 32 : index
        %get3A_1516 = tpu.vector_load %arg14[%get3A_1514, %get3A_1515] {strides = array<i32>} : memref<128x64xbf16, #tpu.memory_space<vmem>>, vector<32xbf16>,
        %bitcast3A_1517 = vector.bitcast %get3A_1516 : vector<32xbf16> to vector<16xi32>
        %shift_left3A_1518 = arith.constant 16 : i32
        %shift_left3A_1519 = vector.broadcast %shift_left3A_1518 : i32 to vector<16xi32>
        %shift_left3A_1520 = arith.shli %bitcast3A_1517, %shift_left3A_1519 : vector<16xi32>
        %bitcast3A_1521 = vector.bitcast %shift_left3A_1520 : vector<16xi32> to vector<16xf32>
        %and3A_1522 = arith.andi %bitcast3A_1517, %broadcast_in_dim3A_65 : vector<16xi32>
        %bitcast3A_1523 = vector.bitcast %and3A_1522 : vector<16xi32> to vector<16xf32>
        %mul3A_1524 = arith.mulf %bitcast3A_1521, %broadcast_in_dim3A_1487 : vector<16xf32>
        %swap3A_1525 = arith.index_cast %add3A_1495 : i32 to index
        %swap3A_1526 = arith.constant 32 : index
        %swap3A_1527 = tpu.vector_load %arg16[%swap3A_1525, %swap3A_1526] {strides = array<i32>} : memref<128x64xf32, #tpu.memory_space<vmem>>, vector<16xf32>,
        tpu.vector_store %arg16[%swap3A_1525, %swap3A_1526], %mul3A_1524 {strides = array<i32>} : memref<128x64xf32, #tpu.memory_space<vmem>>, vector<16xf32>,
        %mul3A_1528 = arith.mulf %bitcast3A_1523, %broadcast_in_dim3A_1487 : vector<16xf32>
        %swap3A_1529 = arith.index_cast %add3A_1495 : i32 to index
        %swap3A_1530 = arith.constant 48 : index
        %swap3A_1531 = tpu.vector_load %arg16[%swap3A_1529, %swap3A_1530] {strides = array<i32>} : memref<128x64xf32, #tpu.memory_space<vmem>>, vector<16xf32>,
        tpu.vector_store %arg16[%swap3A_1529, %swap3A_1530], %mul3A_1528 {strides = array<i32>} : memref<128x64xf32, #tpu.memory_space<vmem>>, vector<16xf32>,
        %slice3A_1532 = vector.extract_strided_slice %get3A_1108 {offsets = [9], sizes = [1], strides = [1]} : vector<16xf32> to vector<1xf32>
        %squeeze3A_1533 = vector.extract %slice3A_1532[0] : f32 from vector<1xf32>
        %broadcast_in_dim3A_1534 = vector.broadcast %squeeze3A_1533 : f32 to vector<16xf32>
        %mul3A_1535 = arith.constant 2 : i32
        %mul3A_1536 = arith.muli %mul3A_1535, %scan3A_342 : i32
        %add3A_1537 = arith.constant 1 : i32
        %add3A_1538 = arith.addi %mul3A_1536, %add3A_1537 : i32
        %mul3A_1539 = arith.constant 16 : i32
        %mul3A_1540 = arith.muli %add3A_1538, %mul3A_1539 : i32
        %add3A_1541 = arith.constant 9 : i32
        %add3A_1542 = arith.addi %mul3A_1540, %add3A_1541 : i32
        %get3A_1543 = arith.index_cast %add3A_1542 : i32 to index
        %get3A_1544 = arith.constant 0 : index
        %get3A_1545 = tpu.vector_load %arg14[%get3A_1543, %get3A_1544] {strides = array<i32>} : memref<128x64xbf16, #tpu.memory_space<vmem>>, vector<32xbf16>,
        %bitcast3A_1546 = vector.bitcast %get3A_1545 : vector<32xbf16> to vector<16xi32>
        %shift_left3A_1547 = arith.constant 16 : i32
        %shift_left3A_1548 = vector.broadcast %shift_left3A_1547 : i32 to vector<16xi32>
        %shift_left3A_1549 = arith.shli %bitcast3A_1546, %shift_left3A_1548 : vector<16xi32>
        %bitcast3A_1550 = vector.bitcast %shift_left3A_1549 : vector<16xi32> to vector<16xf32>
        %and3A_1551 = arith.andi %bitcast3A_1546, %broadcast_in_dim3A_65 : vector<16xi32>
        %bitcast3A_1552 = vector.bitcast %and3A_1551 : vector<16xi32> to vector<16xf32>
        %mul3A_1553 = arith.mulf %bitcast3A_1550, %broadcast_in_dim3A_1534 : vector<16xf32>
        %swap3A_1554 = arith.index_cast %add3A_1542 : i32 to index
        %swap3A_1555 = arith.constant 0 : index
        %swap3A_1556 = tpu.vector_load %arg16[%swap3A_1554, %swap3A_1555] {strides = array<i32>} : memref<128x64xf32, #tpu.memory_space<vmem>>, vector<16xf32>,
        tpu.vector_store %arg16[%swap3A_1554, %swap3A_1555], %mul3A_1553 {strides = array<i32>} : memref<128x64xf32, #tpu.memory_space<vmem>>, vector<16xf32>,
        %mul3A_1557 = arith.mulf %bitcast3A_1552, %broadcast_in_dim3A_1534 : vector<16xf32>
        %swap3A_1558 = arith.index_cast %add3A_1542 : i32 to index
        %swap3A_1559 = arith.constant 16 : index
        %swap3A_1560 = tpu.vector_load %arg16[%swap3A_1558, %swap3A_1559] {strides = array<i32>} : memref<128x64xf32, #tpu.memory_space<vmem>>, vector<16xf32>,
        tpu.vector_store %arg16[%swap3A_1558, %swap3A_1559], %mul3A_1557 {strides = array<i32>} : memref<128x64xf32, #tpu.memory_space<vmem>>, vector<16xf32>,
        %get3A_1561 = arith.index_cast %add3A_1542 : i32 to index
        %get3A_1562 = arith.constant 32 : index
        %get3A_1563 = tpu.vector_load %arg14[%get3A_1561, %get3A_1562] {strides = array<i32>} : memref<128x64xbf16, #tpu.memory_space<vmem>>, vector<32xbf16>,
        %bitcast3A_1564 = vector.bitcast %get3A_1563 : vector<32xbf16> to vector<16xi32>
        %shift_left3A_1565 = arith.constant 16 : i32
        %shift_left3A_1566 = vector.broadcast %shift_left3A_1565 : i32 to vector<16xi32>
        %shift_left3A_1567 = arith.shli %bitcast3A_1564, %shift_left3A_1566 : vector<16xi32>
        %bitcast3A_1568 = vector.bitcast %shift_left3A_1567 : vector<16xi32> to vector<16xf32>
        %and3A_1569 = arith.andi %bitcast3A_1564, %broadcast_in_dim3A_65 : vector<16xi32>
        %bitcast3A_1570 = vector.bitcast %and3A_1569 : vector<16xi32> to vector<16xf32>
        %mul3A_1571 = arith.mulf %bitcast3A_1568, %broadcast_in_dim3A_1534 : vector<16xf32>
        %swap3A_1572 = arith.index_cast %add3A_1542 : i32 to index
        %swap3A_1573 = arith.constant 32 : index
        %swap3A_1574 = tpu.vector_load %arg16[%swap3A_1572, %swap3A_1573] {strides = array<i32>} : memref<128x64xf32, #tpu.memory_space<vmem>>, vector<16xf32>,
        tpu.vector_store %arg16[%swap3A_1572, %swap3A_1573], %mul3A_1571 {strides = array<i32>} : memref<128x64xf32, #tpu.memory_space<vmem>>, vector<16xf32>,
        %mul3A_1575 = arith.mulf %bitcast3A_1570, %broadcast_in_dim3A_1534 : vector<16xf32>
        %swap3A_1576 = arith.index_cast %add3A_1542 : i32 to index
        %swap3A_1577 = arith.constant 48 : index
        %swap3A_1578 = tpu.vector_load %arg16[%swap3A_1576, %swap3A_1577] {strides = array<i32>} : memref<128x64xf32, #tpu.memory_space<vmem>>, vector<16xf32>,
        tpu.vector_store %arg16[%swap3A_1576, %swap3A_1577], %mul3A_1575 {strides = array<i32>} : memref<128x64xf32, #tpu.memory_space<vmem>>, vector<16xf32>,
        %slice3A_1579 = vector.extract_strided_slice %get3A_1108 {offsets = [10], sizes = [1], strides = [1]} : vector<16xf32> to vector<1xf32>
        %squeeze3A_1580 = vector.extract %slice3A_1579[0] : f32 from vector<1xf32>
        %broadcast_in_dim3A_1581 = vector.broadcast %squeeze3A_1580 : f32 to vector<16xf32>
        %mul3A_1582 = arith.constant 2 : i32
        %mul3A_1583 = arith.muli %mul3A_1582, %scan3A_342 : i32
        %add3A_1584 = arith.constant 1 : i32
        %add3A_1585 = arith.addi %mul3A_1583, %add3A_1584 : i32
        %mul3A_1586 = arith.constant 16 : i32
        %mul3A_1587 = arith.muli %add3A_1585, %mul3A_1586 : i32
        %add3A_1588 = arith.constant 10 : i32
        %add3A_1589 = arith.addi %mul3A_1587, %add3A_1588 : i32
        %get3A_1590 = arith.index_cast %add3A_1589 : i32 to index
        %get3A_1591 = arith.constant 0 : index
        %get3A_1592 = tpu.vector_load %arg14[%get3A_1590, %get3A_1591] {strides = array<i32>} : memref<128x64xbf16, #tpu.memory_space<vmem>>, vector<32xbf16>,
        %bitcast3A_1593 = vector.bitcast %get3A_1592 : vector<32xbf16> to vector<16xi32>
        %shift_left3A_1594 = arith.constant 16 : i32
        %shift_left3A_1595 = vector.broadcast %shift_left3A_1594 : i32 to vector<16xi32>
        %shift_left3A_1596 = arith.shli %bitcast3A_1593, %shift_left3A_1595 : vector<16xi32>
        %bitcast3A_1597 = vector.bitcast %shift_left3A_1596 : vector<16xi32> to vector<16xf32>
        %and3A_1598 = arith.andi %bitcast3A_1593, %broadcast_in_dim3A_65 : vector<16xi32>
        %bitcast3A_1599 = vector.bitcast %and3A_1598 : vector<16xi32> to vector<16xf32>
        %mul3A_1600 = arith.mulf %bitcast3A_1597, %broadcast_in_dim3A_1581 : vector<16xf32>
        %swap3A_1601 = arith.index_cast %add3A_1589 : i32 to index
        %swap3A_1602 = arith.constant 0 : index
        %swap3A_1603 = tpu.vector_load %arg16[%swap3A_1601, %swap3A_1602] {strides = array<i32>} : memref<128x64xf32, #tpu.memory_space<vmem>>, vector<16xf32>,
        tpu.vector_store %arg16[%swap3A_1601, %swap3A_1602], %mul3A_1600 {strides = array<i32>} : memref<128x64xf32, #tpu.memory_space<vmem>>, vector<16xf32>,
        %mul3A_1604 = arith.mulf %bitcast3A_1599, %broadcast_in_dim3A_1581 : vector<16xf32>
        %swap3A_1605 = arith.index_cast %add3A_1589 : i32 to index
        %swap3A_1606 = arith.constant 16 : index
        %swap3A_1607 = tpu.vector_load %arg16[%swap3A_1605, %swap3A_1606] {strides = array<i32>} : memref<128x64xf32, #tpu.memory_space<vmem>>, vector<16xf32>,
        tpu.vector_store %arg16[%swap3A_1605, %swap3A_1606], %mul3A_1604 {strides = array<i32>} : memref<128x64xf32, #tpu.memory_space<vmem>>, vector<16xf32>,
        %get3A_1608 = arith.index_cast %add3A_1589 : i32 to index
        %get3A_1609 = arith.constant 32 : index
        %get3A_1610 = tpu.vector_load %arg14[%get3A_1608, %get3A_1609] {strides = array<i32>} : memref<128x64xbf16, #tpu.memory_space<vmem>>, vector<32xbf16>,
        %bitcast3A_1611 = vector.bitcast %get3A_1610 : vector<32xbf16> to vector<16xi32>
        %shift_left3A_1612 = arith.constant 16 : i32
        %shift_left3A_1613 = vector.broadcast %shift_left3A_1612 : i32 to vector<16xi32>
        %shift_left3A_1614 = arith.shli %bitcast3A_1611, %shift_left3A_1613 : vector<16xi32>
        %bitcast3A_1615 = vector.bitcast %shift_left3A_1614 : vector<16xi32> to vector<16xf32>
        %and3A_1616 = arith.andi %bitcast3A_1611, %broadcast_in_dim3A_65 : vector<16xi32>
        %bitcast3A_1617 = vector.bitcast %and3A_1616 : vector<16xi32> to vector<16xf32>
        %mul3A_1618 = arith.mulf %bitcast3A_1615, %broadcast_in_dim3A_1581 : vector<16xf32>
        %swap3A_1619 = arith.index_cast %add3A_1589 : i32 to index
        %swap3A_1620 = arith.constant 32 : index
        %swap3A_1621 = tpu.vector_load %arg16[%swap3A_1619, %swap3A_1620] {strides = array<i32>} : memref<128x64xf32, #tpu.memory_space<vmem>>, vector<16xf32>,
        tpu.vector_store %arg16[%swap3A_1619, %swap3A_1620], %mul3A_1618 {strides = array<i32>} : memref<128x64xf32, #tpu.memory_space<vmem>>, vector<16xf32>,
        %mul3A_1622 = arith.mulf %bitcast3A_1617, %broadcast_in_dim3A_1581 : vector<16xf32>
        %swap3A_1623 = arith.index_cast %add3A_1589 : i32 to index
        %swap3A_1624 = arith.constant 48 : index
        %swap3A_1625 = tpu.vector_load %arg16[%swap3A_1623, %swap3A_1624] {strides = array<i32>} : memref<128x64xf32, #tpu.memory_space<vmem>>, vector<16xf32>,
        tpu.vector_store %arg16[%swap3A_1623, %swap3A_1624], %mul3A_1622 {strides = array<i32>} : memref<128x64xf32, #tpu.memory_space<vmem>>, vector<16xf32>,
        %slice3A_1626 = vector.extract_strided_slice %get3A_1108 {offsets = [11], sizes = [1], strides = [1]} : vector<16xf32> to vector<1xf32>
        %squeeze3A_1627 = vector.extract %slice3A_1626[0] : f32 from vector<1xf32>
        %broadcast_in_dim3A_1628 = vector.broadcast %squeeze3A_1627 : f32 to vector<16xf32>
        %mul3A_1629 = arith.constant 2 : i32
        %mul3A_1630 = arith.muli %mul3A_1629, %scan3A_342 : i32
        %add3A_1631 = arith.constant 1 : i32
        %add3A_1632 = arith.addi %mul3A_1630, %add3A_1631 : i32
        %mul3A_1633 = arith.constant 16 : i32
        %mul3A_1634 = arith.muli %add3A_1632, %mul3A_1633 : i32
        %add3A_1635 = arith.constant 11 : i32
        %add3A_1636 = arith.addi %mul3A_1634, %add3A_1635 : i32
        %get3A_1637 = arith.index_cast %add3A_1636 : i32 to index
        %get3A_1638 = arith.constant 0 : index
        %get3A_1639 = tpu.vector_load %arg14[%get3A_1637, %get3A_1638] {strides = array<i32>} : memref<128x64xbf16, #tpu.memory_space<vmem>>, vector<32xbf16>,
        %bitcast3A_1640 = vector.bitcast %get3A_1639 : vector<32xbf16> to vector<16xi32>
        %shift_left3A_1641 = arith.constant 16 : i32
        %shift_left3A_1642 = vector.broadcast %shift_left3A_1641 : i32 to vector<16xi32>
        %shift_left3A_1643 = arith.shli %bitcast3A_1640, %shift_left3A_1642 : vector<16xi32>
        %bitcast3A_1644 = vector.bitcast %shift_left3A_1643 : vector<16xi32> to vector<16xf32>
        %and3A_1645 = arith.andi %bitcast3A_1640, %broadcast_in_dim3A_65 : vector<16xi32>
        %bitcast3A_1646 = vector.bitcast %and3A_1645 : vector<16xi32> to vector<16xf32>
        %mul3A_1647 = arith.mulf %bitcast3A_1644, %broadcast_in_dim3A_1628 : vector<16xf32>
        %swap3A_1648 = arith.index_cast %add3A_1636 : i32 to index
        %swap3A_1649 = arith.constant 0 : index
        %swap3A_1650 = tpu.vector_load %arg16[%swap3A_1648, %swap3A_1649] {strides = array<i32>} : memref<128x64xf32, #tpu.memory_space<vmem>>, vector<16xf32>,
        tpu.vector_store %arg16[%swap3A_1648, %swap3A_1649], %mul3A_1647 {strides = array<i32>} : memref<128x64xf32, #tpu.memory_space<vmem>>, vector<16xf32>,
        %mul3A_1651 = arith.mulf %bitcast3A_1646, %broadcast_in_dim3A_1628 : vector<16xf32>
        %swap3A_1652 = arith.index_cast %add3A_1636 : i32 to index
        %swap3A_1653 = arith.constant 16 : index
        %swap3A_1654 = tpu.vector_load %arg16[%swap3A_1652, %swap3A_1653] {strides = array<i32>} : memref<128x64xf32, #tpu.memory_space<vmem>>, vector<16xf32>,
        tpu.vector_store %arg16[%swap3A_1652, %swap3A_1653], %mul3A_1651 {strides = array<i32>} : memref<128x64xf32, #tpu.memory_space<vmem>>, vector<16xf32>,
        %get3A_1655 = arith.index_cast %add3A_1636 : i32 to index
        %get3A_1656 = arith.constant 32 : index
        %get3A_1657 = tpu.vector_load %arg14[%get3A_1655, %get3A_1656] {strides = array<i32>} : memref<128x64xbf16, #tpu.memory_space<vmem>>, vector<32xbf16>,
        %bitcast3A_1658 = vector.bitcast %get3A_1657 : vector<32xbf16> to vector<16xi32>
        %shift_left3A_1659 = arith.constant 16 : i32
        %shift_left3A_1660 = vector.broadcast %shift_left3A_1659 : i32 to vector<16xi32>
        %shift_left3A_1661 = arith.shli %bitcast3A_1658, %shift_left3A_1660 : vector<16xi32>
        %bitcast3A_1662 = vector.bitcast %shift_left3A_1661 : vector<16xi32> to vector<16xf32>
        %and3A_1663 = arith.andi %bitcast3A_1658, %broadcast_in_dim3A_65 : vector<16xi32>
        %bitcast3A_1664 = vector.bitcast %and3A_1663 : vector<16xi32> to vector<16xf32>
        %mul3A_1665 = arith.mulf %bitcast3A_1662, %broadcast_in_dim3A_1628 : vector<16xf32>
        %swap3A_1666 = arith.index_cast %add3A_1636 : i32 to index
        %swap3A_1667 = arith.constant 32 : index
        %swap3A_1668 = tpu.vector_load %arg16[%swap3A_1666, %swap3A_1667] {strides = array<i32>} : memref<128x64xf32, #tpu.memory_space<vmem>>, vector<16xf32>,
        tpu.vector_store %arg16[%swap3A_1666, %swap3A_1667], %mul3A_1665 {strides = array<i32>} : memref<128x64xf32, #tpu.memory_space<vmem>>, vector<16xf32>,
        %mul3A_1669 = arith.mulf %bitcast3A_1664, %broadcast_in_dim3A_1628 : vector<16xf32>
        %swap3A_1670 = arith.index_cast %add3A_1636 : i32 to index
        %swap3A_1671 = arith.constant 48 : index
        %swap3A_1672 = tpu.vector_load %arg16[%swap3A_1670, %swap3A_1671] {strides = array<i32>} : memref<128x64xf32, #tpu.memory_space<vmem>>, vector<16xf32>,
        tpu.vector_store %arg16[%swap3A_1670, %swap3A_1671], %mul3A_1669 {strides = array<i32>} : memref<128x64xf32, #tpu.memory_space<vmem>>, vector<16xf32>,
        %slice3A_1673 = vector.extract_strided_slice %get3A_1108 {offsets = [12], sizes = [1], strides = [1]} : vector<16xf32> to vector<1xf32>
        %squeeze3A_1674 = vector.extract %slice3A_1673[0] : f32 from vector<1xf32>
        %broadcast_in_dim3A_1675 = vector.broadcast %squeeze3A_1674 : f32 to vector<16xf32>
        %mul3A_1676 = arith.constant 2 : i32
        %mul3A_1677 = arith.muli %mul3A_1676, %scan3A_342 : i32
        %add3A_1678 = arith.constant 1 : i32
        %add3A_1679 = arith.addi %mul3A_1677, %add3A_1678 : i32
        %mul3A_1680 = arith.constant 16 : i32
        %mul3A_1681 = arith.muli %add3A_1679, %mul3A_1680 : i32
        %add3A_1682 = arith.constant 12 : i32
        %add3A_1683 = arith.addi %mul3A_1681, %add3A_1682 : i32
        %get3A_1684 = arith.index_cast %add3A_1683 : i32 to index
        %get3A_1685 = arith.constant 0 : index
        %get3A_1686 = tpu.vector_load %arg14[%get3A_1684, %get3A_1685] {strides = array<i32>} : memref<128x64xbf16, #tpu.memory_space<vmem>>, vector<32xbf16>,
        %bitcast3A_1687 = vector.bitcast %get3A_1686 : vector<32xbf16> to vector<16xi32>
        %shift_left3A_1688 = arith.constant 16 : i32
        %shift_left3A_1689 = vector.broadcast %shift_left3A_1688 : i32 to vector<16xi32>
        %shift_left3A_1690 = arith.shli %bitcast3A_1687, %shift_left3A_1689 : vector<16xi32>
        %bitcast3A_1691 = vector.bitcast %shift_left3A_1690 : vector<16xi32> to vector<16xf32>
        %and3A_1692 = arith.andi %bitcast3A_1687, %broadcast_in_dim3A_65 : vector<16xi32>
        %bitcast3A_1693 = vector.bitcast %and3A_1692 : vector<16xi32> to vector<16xf32>
        %mul3A_1694 = arith.mulf %bitcast3A_1691, %broadcast_in_dim3A_1675 : vector<16xf32>
        %swap3A_1695 = arith.index_cast %add3A_1683 : i32 to index
        %swap3A_1696 = arith.constant 0 : index
        %swap3A_1697 = tpu.vector_load %arg16[%swap3A_1695, %swap3A_1696] {strides = array<i32>} : memref<128x64xf32, #tpu.memory_space<vmem>>, vector<16xf32>,
        tpu.vector_store %arg16[%swap3A_1695, %swap3A_1696], %mul3A_1694 {strides = array<i32>} : memref<128x64xf32, #tpu.memory_space<vmem>>, vector<16xf32>,
        %mul3A_1698 = arith.mulf %bitcast3A_1693, %broadcast_in_dim3A_1675 : vector<16xf32>
        %swap3A_1699 = arith.index_cast %add3A_1683 : i32 to index
        %swap3A_1700 = arith.constant 16 : index
        %swap3A_1701 = tpu.vector_load %arg16[%swap3A_1699, %swap3A_1700] {strides = array<i32>} : memref<128x64xf32, #tpu.memory_space<vmem>>, vector<16xf32>,
        tpu.vector_store %arg16[%swap3A_1699, %swap3A_1700], %mul3A_1698 {strides = array<i32>} : memref<128x64xf32, #tpu.memory_space<vmem>>, vector<16xf32>,
        %get3A_1702 = arith.index_cast %add3A_1683 : i32 to index
        %get3A_1703 = arith.constant 32 : index
        %get3A_1704 = tpu.vector_load %arg14[%get3A_1702, %get3A_1703] {strides = array<i32>} : memref<128x64xbf16, #tpu.memory_space<vmem>>, vector<32xbf16>,
        %bitcast3A_1705 = vector.bitcast %get3A_1704 : vector<32xbf16> to vector<16xi32>
        %shift_left3A_1706 = arith.constant 16 : i32
        %shift_left3A_1707 = vector.broadcast %shift_left3A_1706 : i32 to vector<16xi32>
        %shift_left3A_1708 = arith.shli %bitcast3A_1705, %shift_left3A_1707 : vector<16xi32>
        %bitcast3A_1709 = vector.bitcast %shift_left3A_1708 : vector<16xi32> to vector<16xf32>
        %and3A_1710 = arith.andi %bitcast3A_1705, %broadcast_in_dim3A_65 : vector<16xi32>
        %bitcast3A_1711 = vector.bitcast %and3A_1710 : vector<16xi32> to vector<16xf32>
        %mul3A_1712 = arith.mulf %bitcast3A_1709, %broadcast_in_dim3A_1675 : vector<16xf32>
        %swap3A_1713 = arith.index_cast %add3A_1683 : i32 to index
        %swap3A_1714 = arith.constant 32 : index
        %swap3A_1715 = tpu.vector_load %arg16[%swap3A_1713, %swap3A_1714] {strides = array<i32>} : memref<128x64xf32, #tpu.memory_space<vmem>>, vector<16xf32>,
        tpu.vector_store %arg16[%swap3A_1713, %swap3A_1714], %mul3A_1712 {strides = array<i32>} : memref<128x64xf32, #tpu.memory_space<vmem>>, vector<16xf32>,
        %mul3A_1716 = arith.mulf %bitcast3A_1711, %broadcast_in_dim3A_1675 : vector<16xf32>
        %swap3A_1717 = arith.index_cast %add3A_1683 : i32 to index
        %swap3A_1718 = arith.constant 48 : index
        %swap3A_1719 = tpu.vector_load %arg16[%swap3A_1717, %swap3A_1718] {strides = array<i32>} : memref<128x64xf32, #tpu.memory_space<vmem>>, vector<16xf32>,
        tpu.vector_store %arg16[%swap3A_1717, %swap3A_1718], %mul3A_1716 {strides = array<i32>} : memref<128x64xf32, #tpu.memory_space<vmem>>, vector<16xf32>,
        %slice3A_1720 = vector.extract_strided_slice %get3A_1108 {offsets = [13], sizes = [1], strides = [1]} : vector<16xf32> to vector<1xf32>
        %squeeze3A_1721 = vector.extract %slice3A_1720[0] : f32 from vector<1xf32>
        %broadcast_in_dim3A_1722 = vector.broadcast %squeeze3A_1721 : f32 to vector<16xf32>
        %mul3A_1723 = arith.constant 2 : i32
        %mul3A_1724 = arith.muli %mul3A_1723, %scan3A_342 : i32
        %add3A_1725 = arith.constant 1 : i32
        %add3A_1726 = arith.addi %mul3A_1724, %add3A_1725 : i32
        %mul3A_1727 = arith.constant 16 : i32
        %mul3A_1728 = arith.muli %add3A_1726, %mul3A_1727 : i32
        %add3A_1729 = arith.constant 13 : i32
        %add3A_1730 = arith.addi %mul3A_1728, %add3A_1729 : i32
        %get3A_1731 = arith.index_cast %add3A_1730 : i32 to index
        %get3A_1732 = arith.constant 0 : index
        %get3A_1733 = tpu.vector_load %arg14[%get3A_1731, %get3A_1732] {strides = array<i32>} : memref<128x64xbf16, #tpu.memory_space<vmem>>, vector<32xbf16>,
        %bitcast3A_1734 = vector.bitcast %get3A_1733 : vector<32xbf16> to vector<16xi32>
        %shift_left3A_1735 = arith.constant 16 : i32
        %shift_left3A_1736 = vector.broadcast %shift_left3A_1735 : i32 to vector<16xi32>
        %shift_left3A_1737 = arith.shli %bitcast3A_1734, %shift_left3A_1736 : vector<16xi32>
        %bitcast3A_1738 = vector.bitcast %shift_left3A_1737 : vector<16xi32> to vector<16xf32>
        %and3A_1739 = arith.andi %bitcast3A_1734, %broadcast_in_dim3A_65 : vector<16xi32>
        %bitcast3A_1740 = vector.bitcast %and3A_1739 : vector<16xi32> to vector<16xf32>
        %mul3A_1741 = arith.mulf %bitcast3A_1738, %broadcast_in_dim3A_1722 : vector<16xf32>
        %swap3A_1742 = arith.index_cast %add3A_1730 : i32 to index
        %swap3A_1743 = arith.constant 0 : index
        %swap3A_1744 = tpu.vector_load %arg16[%swap3A_1742, %swap3A_1743] {strides = array<i32>} : memref<128x64xf32, #tpu.memory_space<vmem>>, vector<16xf32>,
        tpu.vector_store %arg16[%swap3A_1742, %swap3A_1743], %mul3A_1741 {strides = array<i32>} : memref<128x64xf32, #tpu.memory_space<vmem>>, vector<16xf32>,
        %mul3A_1745 = arith.mulf %bitcast3A_1740, %broadcast_in_dim3A_1722 : vector<16xf32>
        %swap3A_1746 = arith.index_cast %add3A_1730 : i32 to index
        %swap3A_1747 = arith.constant 16 : index
        %swap3A_1748 = tpu.vector_load %arg16[%swap3A_1746, %swap3A_1747] {strides = array<i32>} : memref<128x64xf32, #tpu.memory_space<vmem>>, vector<16xf32>,
        tpu.vector_store %arg16[%swap3A_1746, %swap3A_1747], %mul3A_1745 {strides = array<i32>} : memref<128x64xf32, #tpu.memory_space<vmem>>, vector<16xf32>,
        %get3A_1749 = arith.index_cast %add3A_1730 : i32 to index
        %get3A_1750 = arith.constant 32 : index
        %get3A_1751 = tpu.vector_load %arg14[%get3A_1749, %get3A_1750] {strides = array<i32>} : memref<128x64xbf16, #tpu.memory_space<vmem>>, vector<32xbf16>,
        %bitcast3A_1752 = vector.bitcast %get3A_1751 : vector<32xbf16> to vector<16xi32>
        %shift_left3A_1753 = arith.constant 16 : i32
        %shift_left3A_1754 = vector.broadcast %shift_left3A_1753 : i32 to vector<16xi32>
        %shift_left3A_1755 = arith.shli %bitcast3A_1752, %shift_left3A_1754 : vector<16xi32>
        %bitcast3A_1756 = vector.bitcast %shift_left3A_1755 : vector<16xi32> to vector<16xf32>
        %and3A_1757 = arith.andi %bitcast3A_1752, %broadcast_in_dim3A_65 : vector<16xi32>
        %bitcast3A_1758 = vector.bitcast %and3A_1757 : vector<16xi32> to vector<16xf32>
        %mul3A_1759 = arith.mulf %bitcast3A_1756, %broadcast_in_dim3A_1722 : vector<16xf32>
        %swap3A_1760 = arith.index_cast %add3A_1730 : i32 to index
        %swap3A_1761 = arith.constant 32 : index
        %swap3A_1762 = tpu.vector_load %arg16[%swap3A_1760, %swap3A_1761] {strides = array<i32>} : memref<128x64xf32, #tpu.memory_space<vmem>>, vector<16xf32>,
        tpu.vector_store %arg16[%swap3A_1760, %swap3A_1761], %mul3A_1759 {strides = array<i32>} : memref<128x64xf32, #tpu.memory_space<vmem>>, vector<16xf32>,
        %mul3A_1763 = arith.mulf %bitcast3A_1758, %broadcast_in_dim3A_1722 : vector<16xf32>
        %swap3A_1764 = arith.index_cast %add3A_1730 : i32 to index
        %swap3A_1765 = arith.constant 48 : index
        %swap3A_1766 = tpu.vector_load %arg16[%swap3A_1764, %swap3A_1765] {strides = array<i32>} : memref<128x64xf32, #tpu.memory_space<vmem>>, vector<16xf32>,
        tpu.vector_store %arg16[%swap3A_1764, %swap3A_1765], %mul3A_1763 {strides = array<i32>} : memref<128x64xf32, #tpu.memory_space<vmem>>, vector<16xf32>,
        %slice3A_1767 = vector.extract_strided_slice %get3A_1108 {offsets = [14], sizes = [1], strides = [1]} : vector<16xf32> to vector<1xf32>
        %squeeze3A_1768 = vector.extract %slice3A_1767[0] : f32 from vector<1xf32>
        %broadcast_in_dim3A_1769 = vector.broadcast %squeeze3A_1768 : f32 to vector<16xf32>
        %mul3A_1770 = arith.constant 2 : i32
        %mul3A_1771 = arith.muli %mul3A_1770, %scan3A_342 : i32
        %add3A_1772 = arith.constant 1 : i32
        %add3A_1773 = arith.addi %mul3A_1771, %add3A_1772 : i32
        %mul3A_1774 = arith.constant 16 : i32
        %mul3A_1775 = arith.muli %add3A_1773, %mul3A_1774 : i32
        %add3A_1776 = arith.constant 14 : i32
        %add3A_1777 = arith.addi %mul3A_1775, %add3A_1776 : i32
        %get3A_1778 = arith.index_cast %add3A_1777 : i32 to index
        %get3A_1779 = arith.constant 0 : index
        %get3A_1780 = tpu.vector_load %arg14[%get3A_1778, %get3A_1779] {strides = array<i32>} : memref<128x64xbf16, #tpu.memory_space<vmem>>, vector<32xbf16>,
        %bitcast3A_1781 = vector.bitcast %get3A_1780 : vector<32xbf16> to vector<16xi32>
        %shift_left3A_1782 = arith.constant 16 : i32
        %shift_left3A_1783 = vector.broadcast %shift_left3A_1782 : i32 to vector<16xi32>
        %shift_left3A_1784 = arith.shli %bitcast3A_1781, %shift_left3A_1783 : vector<16xi32>
        %bitcast3A_1785 = vector.bitcast %shift_left3A_1784 : vector<16xi32> to vector<16xf32>
        %and3A_1786 = arith.andi %bitcast3A_1781, %broadcast_in_dim3A_65 : vector<16xi32>
        %bitcast3A_1787 = vector.bitcast %and3A_1786 : vector<16xi32> to vector<16xf32>
        %mul3A_1788 = arith.mulf %bitcast3A_1785, %broadcast_in_dim3A_1769 : vector<16xf32>
        %swap3A_1789 = arith.index_cast %add3A_1777 : i32 to index
        %swap3A_1790 = arith.constant 0 : index
        %swap3A_1791 = tpu.vector_load %arg16[%swap3A_1789, %swap3A_1790] {strides = array<i32>} : memref<128x64xf32, #tpu.memory_space<vmem>>, vector<16xf32>,
        tpu.vector_store %arg16[%swap3A_1789, %swap3A_1790], %mul3A_1788 {strides = array<i32>} : memref<128x64xf32, #tpu.memory_space<vmem>>, vector<16xf32>,
        %mul3A_1792 = arith.mulf %bitcast3A_1787, %broadcast_in_dim3A_1769 : vector<16xf32>
        %swap3A_1793 = arith.index_cast %add3A_1777 : i32 to index
        %swap3A_1794 = arith.constant 16 : index
        %swap3A_1795 = tpu.vector_load %arg16[%swap3A_1793, %swap3A_1794] {strides = array<i32>} : memref<128x64xf32, #tpu.memory_space<vmem>>, vector<16xf32>,
        tpu.vector_store %arg16[%swap3A_1793, %swap3A_1794], %mul3A_1792 {strides = array<i32>} : memref<128x64xf32, #tpu.memory_space<vmem>>, vector<16xf32>,
        %get3A_1796 = arith.index_cast %add3A_1777 : i32 to index
        %get3A_1797 = arith.constant 32 : index
        %get3A_1798 = tpu.vector_load %arg14[%get3A_1796, %get3A_1797] {strides = array<i32>} : memref<128x64xbf16, #tpu.memory_space<vmem>>, vector<32xbf16>,
        %bitcast3A_1799 = vector.bitcast %get3A_1798 : vector<32xbf16> to vector<16xi32>
        %shift_left3A_1800 = arith.constant 16 : i32
        %shift_left3A_1801 = vector.broadcast %shift_left3A_1800 : i32 to vector<16xi32>
        %shift_left3A_1802 = arith.shli %bitcast3A_1799, %shift_left3A_1801 : vector<16xi32>
        %bitcast3A_1803 = vector.bitcast %shift_left3A_1802 : vector<16xi32> to vector<16xf32>
        %and3A_1804 = arith.andi %bitcast3A_1799, %broadcast_in_dim3A_65 : vector<16xi32>
        %bitcast3A_1805 = vector.bitcast %and3A_1804 : vector<16xi32> to vector<16xf32>
        %mul3A_1806 = arith.mulf %bitcast3A_1803, %broadcast_in_dim3A_1769 : vector<16xf32>
        %swap3A_1807 = arith.index_cast %add3A_1777 : i32 to index
        %swap3A_1808 = arith.constant 32 : index
        %swap3A_1809 = tpu.vector_load %arg16[%swap3A_1807, %swap3A_1808] {strides = array<i32>} : memref<128x64xf32, #tpu.memory_space<vmem>>, vector<16xf32>,
        tpu.vector_store %arg16[%swap3A_1807, %swap3A_1808], %mul3A_1806 {strides = array<i32>} : memref<128x64xf32, #tpu.memory_space<vmem>>, vector<16xf32>,
        %mul3A_1810 = arith.mulf %bitcast3A_1805, %broadcast_in_dim3A_1769 : vector<16xf32>
        %swap3A_1811 = arith.index_cast %add3A_1777 : i32 to index
        %swap3A_1812 = arith.constant 48 : index
        %swap3A_1813 = tpu.vector_load %arg16[%swap3A_1811, %swap3A_1812] {strides = array<i32>} : memref<128x64xf32, #tpu.memory_space<vmem>>, vector<16xf32>,
        tpu.vector_store %arg16[%swap3A_1811, %swap3A_1812], %mul3A_1810 {strides = array<i32>} : memref<128x64xf32, #tpu.memory_space<vmem>>, vector<16xf32>,
        %slice3A_1814 = vector.extract_strided_slice %get3A_1108 {offsets = [15], sizes = [1], strides = [1]} : vector<16xf32> to vector<1xf32>
        %squeeze3A_1815 = vector.extract %slice3A_1814[0] : f32 from vector<1xf32>
        %broadcast_in_dim3A_1816 = vector.broadcast %squeeze3A_1815 : f32 to vector<16xf32>
        %mul3A_1817 = arith.constant 2 : i32
        %mul3A_1818 = arith.muli %mul3A_1817, %scan3A_342 : i32
        %add3A_1819 = arith.constant 1 : i32
        %add3A_1820 = arith.addi %mul3A_1818, %add3A_1819 : i32
        %mul3A_1821 = arith.constant 16 : i32
        %mul3A_1822 = arith.muli %add3A_1820, %mul3A_1821 : i32
        %add3A_1823 = arith.constant 15 : i32
        %add3A_1824 = arith.addi %mul3A_1822, %add3A_1823 : i32
        %get3A_1825 = arith.index_cast %add3A_1824 : i32 to index
        %get3A_1826 = arith.constant 0 : index
        %get3A_1827 = tpu.vector_load %arg14[%get3A_1825, %get3A_1826] {strides = array<i32>} : memref<128x64xbf16, #tpu.memory_space<vmem>>, vector<32xbf16>,
        %bitcast3A_1828 = vector.bitcast %get3A_1827 : vector<32xbf16> to vector<16xi32>
        %shift_left3A_1829 = arith.constant 16 : i32
        %shift_left3A_1830 = vector.broadcast %shift_left3A_1829 : i32 to vector<16xi32>
        %shift_left3A_1831 = arith.shli %bitcast3A_1828, %shift_left3A_1830 : vector<16xi32>
        %bitcast3A_1832 = vector.bitcast %shift_left3A_1831 : vector<16xi32> to vector<16xf32>
        %and3A_1833 = arith.andi %bitcast3A_1828, %broadcast_in_dim3A_65 : vector<16xi32>
        %bitcast3A_1834 = vector.bitcast %and3A_1833 : vector<16xi32> to vector<16xf32>
        %mul3A_1835 = arith.mulf %bitcast3A_1832, %broadcast_in_dim3A_1816 : vector<16xf32>
        %swap3A_1836 = arith.index_cast %add3A_1824 : i32 to index
        %swap3A_1837 = arith.constant 0 : index
        %swap3A_1838 = tpu.vector_load %arg16[%swap3A_1836, %swap3A_1837] {strides = array<i32>} : memref<128x64xf32, #tpu.memory_space<vmem>>, vector<16xf32>,
        tpu.vector_store %arg16[%swap3A_1836, %swap3A_1837], %mul3A_1835 {strides = array<i32>} : memref<128x64xf32, #tpu.memory_space<vmem>>, vector<16xf32>,
        %mul3A_1839 = arith.mulf %bitcast3A_1834, %broadcast_in_dim3A_1816 : vector<16xf32>
        %swap3A_1840 = arith.index_cast %add3A_1824 : i32 to index
        %swap3A_1841 = arith.constant 16 : index
        %swap3A_1842 = tpu.vector_load %arg16[%swap3A_1840, %swap3A_1841] {strides = array<i32>} : memref<128x64xf32, #tpu.memory_space<vmem>>, vector<16xf32>,
        tpu.vector_store %arg16[%swap3A_1840, %swap3A_1841], %mul3A_1839 {strides = array<i32>} : memref<128x64xf32, #tpu.memory_space<vmem>>, vector<16xf32>,
        %get3A_1843 = arith.index_cast %add3A_1824 : i32 to index
        %get3A_1844 = arith.constant 32 : index
        %get3A_1845 = tpu.vector_load %arg14[%get3A_1843, %get3A_1844] {strides = array<i32>} : memref<128x64xbf16, #tpu.memory_space<vmem>>, vector<32xbf16>,
        %bitcast3A_1846 = vector.bitcast %get3A_1845 : vector<32xbf16> to vector<16xi32>
        %shift_left3A_1847 = arith.constant 16 : i32
        %shift_left3A_1848 = vector.broadcast %shift_left3A_1847 : i32 to vector<16xi32>
        %shift_left3A_1849 = arith.shli %bitcast3A_1846, %shift_left3A_1848 : vector<16xi32>
        %bitcast3A_1850 = vector.bitcast %shift_left3A_1849 : vector<16xi32> to vector<16xf32>
        %and3A_1851 = arith.andi %bitcast3A_1846, %broadcast_in_dim3A_65 : vector<16xi32>
        %bitcast3A_1852 = vector.bitcast %and3A_1851 : vector<16xi32> to vector<16xf32>
        %mul3A_1853 = arith.mulf %bitcast3A_1850, %broadcast_in_dim3A_1816 : vector<16xf32>
        %swap3A_1854 = arith.index_cast %add3A_1824 : i32 to index
        %swap3A_1855 = arith.constant 32 : index
        %swap3A_1856 = tpu.vector_load %arg16[%swap3A_1854, %swap3A_1855] {strides = array<i32>} : memref<128x64xf32, #tpu.memory_space<vmem>>, vector<16xf32>,
        tpu.vector_store %arg16[%swap3A_1854, %swap3A_1855], %mul3A_1853 {strides = array<i32>} : memref<128x64xf32, #tpu.memory_space<vmem>>, vector<16xf32>,
        %mul3A_1857 = arith.mulf %bitcast3A_1852, %broadcast_in_dim3A_1816 : vector<16xf32>
        %swap3A_1858 = arith.index_cast %add3A_1824 : i32 to index
        %swap3A_1859 = arith.constant 48 : index
        %swap3A_1860 = tpu.vector_load %arg16[%swap3A_1858, %swap3A_1859] {strides = array<i32>} : memref<128x64xf32, #tpu.memory_space<vmem>>, vector<16xf32>,
        tpu.vector_store %arg16[%swap3A_1858, %swap3A_1859], %mul3A_1857 {strides = array<i32>} : memref<128x64xf32, #tpu.memory_space<vmem>>, vector<16xf32>,
      }
      %scan3A_335 = arith.constant 4 : i32
      %dma_start3A_336 = arith.constant 0 : i32
      %dma_start3A_337 = tpu.memref_slice %arg10[%add3A_215, %dma_start3A_336] : memref<160x128xi32, #tpu.memory_space<vmem>> -> memref<1x128xi32, #tpu.memory_space<vmem>>
      %dma_start3A_338 = tpu.memref_squeeze %dma_start3A_337 : memref<1x128xi32, #tpu.memory_space<vmem>> -> memref<128xi32, #tpu.memory_space<vmem>>
      %dma_start3A_339 = arith.constant 0 : i32
      %dma_start3A_340 = arith.constant 0 : i32
      %dma_start3A_341 = tpu.memref_slice %arg17[%dma_start3A_339, %dma_start3A_340] : memref<10240x64xf32, #tpu.memory_space<vmem_shared>> -> memref<10240x64xf32, #tpu.memory_space<vmem_shared>>
      tpu.enqueue_indirect_dma source(%arg16 : memref<128x64xf32, #tpu.memory_space<vmem>>) target(%dma_start3A_341 : memref<10240x64xf32, #tpu.memory_space<vmem_shared>>) offsets(%dma_start3A_338 : memref<128xi32, #tpu.memory_space<vmem>>) semaphore(%arg21 : memref<!tpu.dma_semaphore, #tpu.memory_space<semaphore_mem>>) {add = true}
    }
    %scan3A_71 = arith.constant 80 : i32
    %dma_wait3A_72 = arith.constant 158 : i32
    %dma_wait3A_73 = arith.constant 0 : i32
    %dma_wait3A_74 = tpu.memref_slice %arg10[%dma_wait3A_72, %dma_wait3A_73] : memref<160x128xi32, #tpu.memory_space<vmem>> -> memref<1x128xi32, #tpu.memory_space<vmem>>
    %dma_wait3A_75 = tpu.memref_squeeze %dma_wait3A_74 : memref<1x128xi32, #tpu.memory_space<vmem>> -> memref<128xi32, #tpu.memory_space<vmem>>
    %dma_wait3A_76 = arith.constant 0 : i32
    %dma_wait3A_77 = arith.constant 0 : i32
    %dma_wait3A_78 = tpu.memref_slice %arg17[%dma_wait3A_76, %dma_wait3A_77] : memref<10240x64xf32, #tpu.memory_space<vmem_shared>> -> memref<10240x64xf32, #tpu.memory_space<vmem_shared>>
    tpu.wait_indirect_dma semaphore(%arg20 : memref<!tpu.dma_semaphore, #tpu.memory_space<semaphore_mem>>) src(%arg15 : memref<128x64xf32, #tpu.memory_space<vmem>>) dst(%dma_wait3A_78 : memref<10240x64xf32, #tpu.memory_space<vmem_shared>>)
    %dma_wait3A_79 = arith.constant 159 : i32
    %dma_wait3A_80 = arith.constant 0 : i32
    %dma_wait3A_81 = tpu.memref_slice %arg10[%dma_wait3A_79, %dma_wait3A_80] : memref<160x128xi32, #tpu.memory_space<vmem>> -> memref<1x128xi32, #tpu.memory_space<vmem>>
    %dma_wait3A_82 = tpu.memref_squeeze %dma_wait3A_81 : memref<1x128xi32, #tpu.memory_space<vmem>> -> memref<128xi32, #tpu.memory_space<vmem>>
    %dma_wait3A_83 = arith.constant 0 : i32
    %dma_wait3A_84 = arith.constant 0 : i32
    %dma_wait3A_85 = tpu.memref_slice %arg17[%dma_wait3A_83, %dma_wait3A_84] : memref<10240x64xf32, #tpu.memory_space<vmem_shared>> -> memref<10240x64xf32, #tpu.memory_space<vmem_shared>>
    tpu.wait_indirect_dma semaphore(%arg21 : memref<!tpu.dma_semaphore, #tpu.memory_space<semaphore_mem>>) src(%arg16 : memref<128x64xf32, #tpu.memory_space<vmem>>) dst(%dma_wait3A_85 : memref<10240x64xf32, #tpu.memory_space<vmem_shared>>)
    %barrier3A_86 = arith.constant 0 : index
    tpu.barrier barrier_id(%barrier3A_86)
    %mul3A_87 = arith.constant 640 : i32
    %mul3A_88 = arith.muli %arg1, %mul3A_87 : i32
    %mul3A_89 = arith.constant 640 : i32
    %mul3A_90 = arith.muli %arg1, %mul3A_89 : i32
    "tpu.region"() ({
      %run_scoped3A = tpu.sem_alloc : memref<!tpu.dma_semaphore, #tpu.memory_space<semaphore_mem>>
      %dma_start3A_91 = arith.constant 0 : i32
      %dma_start3A_92 = tpu.memref_slice %arg7[%arg0, %mul3A_90, %dma_start3A_91] : memref<2x10240x64xf32, #tpu.memory_space<hbm>> -> memref<1x640x64xf32, #tpu.memory_space<hbm>>
      %dma_start3A_93 = tpu.memref_squeeze %dma_start3A_92 : memref<1x640x64xf32, #tpu.memory_space<hbm>> -> memref<640x64xf32, #tpu.memory_space<hbm>>
      %dma_start3A_94 = arith.constant 0 : i32
      %dma_start3A_95 = tpu.memref_slice %arg17[%mul3A_88, %dma_start3A_94] : memref<10240x64xf32, #tpu.memory_space<vmem_shared>> -> memref<640x64xf32, #tpu.memory_space<vmem_shared>>
      tpu.enqueue_dma source(%dma_start3A_95 : memref<640x64xf32, #tpu.memory_space<vmem_shared>>) target(%dma_start3A_93 : memref<640x64xf32, #tpu.memory_space<hbm>>) target_semaphore(%run_scoped3A : memref<!tpu.dma_semaphore, #tpu.memory_space<semaphore_mem>>)
      %dma_wait3A_96 = arith.constant 0 : i32
      %dma_wait3A_97 = tpu.memref_slice %arg7[%arg0, %mul3A_90, %dma_wait3A_96] : memref<2x10240x64xf32, #tpu.memory_space<hbm>> -> memref<1x640x64xf32, #tpu.memory_space<hbm>>
      %dma_wait3A_98 = tpu.memref_squeeze %dma_wait3A_97 : memref<1x640x64xf32, #tpu.memory_space<hbm>> -> memref<640x64xf32, #tpu.memory_space<hbm>>
      %dma_wait3A_99 = arith.constant 0 : i32
      %dma_wait3A_100 = tpu.memref_slice %arg17[%mul3A_88, %dma_wait3A_99] : memref<10240x64xf32, #tpu.memory_space<vmem_shared>> -> memref<640x64xf32, #tpu.memory_space<vmem_shared>>
      tpu.wait_dma2 semaphore(%run_scoped3A : memref<!tpu.dma_semaphore, #tpu.memory_space<semaphore_mem>>) src(%dma_wait3A_100 : memref<640x64xf32, #tpu.memory_space<vmem_shared>>) dst(%dma_wait3A_98 : memref<640x64xf32, #tpu.memory_space<hbm>>)
      tpu.yield
    }) : () -> ()
    return
  }
}

module attributes {stable_mosaic.version = 14 : i64} {
  func.func @_tc_prep_body(%arg0: memref<10240x128xf32, #tpu.memory_space<vmem>>, %arg1: memref<128x128xf32, #tpu.memory_space<vmem>>, %arg2: memref<256xf32, #tpu.memory_space<vmem>>, %arg3: memref<20480x64xbf16, #tpu.memory_space<vmem>>, %arg4: memref<10240xf32, #tpu.memory_space<vmem>>, %arg5: memref<10240xf32, #tpu.memory_space<vmem>>) attributes {dimension_semantics = [], scalar_prefetch = 0 : i64, scratch_operands = 0 : i64, tpu.core_type = #tpu.core_type<tc>} {
    %get3A = arith.constant 0 : index
    %get3A_0 = arith.constant 0 : index
    %get3A_1 = vector.load %arg0[%get3A, %get3A_0] : memref<10240x128xf32, #tpu.memory_space<vmem>>, vector<10240x128xf32>
    %get3A_2 = arith.constant 0 : index
    %get3A_3 = arith.constant 0 : index
    %get3A_4 = vector.load %arg1[%get3A_2, %get3A_3] : memref<128x128xf32, #tpu.memory_space<vmem>>, vector<128x128xf32>
    %dot_general3A = arith.constant dense<0.000000e+00> : vector<10240x128xf32>
    %dot_general3A_5 = tpu.matmul %get3A_1, %get3A_4, %dot_general3A {dimension_numbers = #tpu.dot_dimension_numbers<[1], [1], [0], [0], [0, 0, 1, 0], [], []>, transpose_lhs_hint = false} : vector<10240x128xf32>, vector<128x128xf32>, vector<10240x128xf32> -> vector<10240x128xf32>
    %convert_element_type3A = arith.truncf %dot_general3A_5 : vector<10240x128xf32> to vector<10240x128xbf16>
    %slice3A = vector.extract_strided_slice %convert_element_type3A {offsets = [0, 0], sizes = [10240, 64], strides = [1, 1]} : vector<10240x128xbf16> to vector<10240x64xbf16>
    %swap3A = arith.constant 0 : index
    %swap3A_6 = arith.constant 0 : index
    %swap3A_7 = vector.load %arg3[%swap3A, %swap3A_6] : memref<20480x64xbf16, #tpu.memory_space<vmem>>, vector<10240x64xbf16>
    tpu.vector_store %arg3[%swap3A, %swap3A_6], %slice3A {strides = array<i32>} : memref<20480x64xbf16, #tpu.memory_space<vmem>>, vector<10240x64xbf16>,
    %slice3A_8 = vector.extract_strided_slice %convert_element_type3A {offsets = [0, 64], sizes = [10240, 64], strides = [1, 1]} : vector<10240x128xbf16> to vector<10240x64xbf16>
    %swap3A_9 = arith.constant 10240 : index
    %swap3A_10 = arith.constant 0 : index
    %swap3A_11 = vector.load %arg3[%swap3A_9, %swap3A_10] : memref<20480x64xbf16, #tpu.memory_space<vmem>>, vector<10240x64xbf16>
    tpu.vector_store %arg3[%swap3A_9, %swap3A_10], %slice3A_8 {strides = array<i32>} : memref<20480x64xbf16, #tpu.memory_space<vmem>>, vector<10240x64xbf16>,
    %get3A_12 = arith.constant 0 : index
    %get3A_13 = vector.load %arg2[%get3A_12] : memref<256xf32, #tpu.memory_space<vmem>>, vector<128xf32>
    %dot_general3A_14 = arith.constant dense<0.000000e+00> : vector<10240xf32>
    %dot_general3A_15 = tpu.matmul %dot_general3A_5, %get3A_13, %dot_general3A_14 {dimension_numbers = #tpu.dot_dimension_numbers<[1], [0], [0], [], [0, 0], [], []>, transpose_lhs_hint = false} : vector<10240x128xf32>, vector<128xf32>, vector<10240xf32> -> vector<10240xf32>
    %swap3A_16 = arith.constant 0 : index
    %swap3A_17 = vector.load %arg4[%swap3A_16] : memref<10240xf32, #tpu.memory_space<vmem>>, vector<10240xf32>
    tpu.vector_store %arg4[%swap3A_16], %dot_general3A_15 {strides = array<i32>} : memref<10240xf32, #tpu.memory_space<vmem>>, vector<10240xf32>,
    %get3A_18 = arith.constant 128 : index
    %get3A_19 = vector.load %arg2[%get3A_18] : memref<256xf32, #tpu.memory_space<vmem>>, vector<128xf32>
    %dot_general3A_20 = arith.constant dense<0.000000e+00> : vector<10240xf32>
    %dot_general3A_21 = tpu.matmul %dot_general3A_5, %get3A_19, %dot_general3A_20 {dimension_numbers = #tpu.dot_dimension_numbers<[1], [0], [0], [], [0, 0], [], []>, transpose_lhs_hint = false} : vector<10240x128xf32>, vector<128xf32>, vector<10240xf32> -> vector<10240xf32>
    %swap3A_22 = arith.constant 0 : index
    %swap3A_23 = vector.load %arg5[%swap3A_22] : memref<10240xf32, #tpu.memory_space<vmem>>, vector<10240xf32>
    tpu.vector_store %arg5[%swap3A_22], %dot_general3A_21 {strides = array<i32>} : memref<10240xf32, #tpu.memory_space<vmem>>, vector<10240xf32>,
    return
  }
}

module attributes {stable_mosaic.version = 14 : i64} {
  func.func @_tc_esum_body(%arg0: memref<32x10240xf32, #tpu.memory_space<vmem>>, %arg1: memref<10240xf32, #tpu.memory_space<vmem>>) attributes {dimension_semantics = [], scalar_prefetch = 0 : i64, scratch_operands = 0 : i64, tpu.core_type = #tpu.core_type<tc>} {
    %get3A = arith.constant 0 : index
    %get3A_0 = arith.constant 0 : index
    %get3A_1 = vector.load %arg0[%get3A, %get3A_0] : memref<32x10240xf32, #tpu.memory_space<vmem>>, vector<32x10240xf32>
    %reduce_sum3A = arith.constant dense<0.000000e+00> : vector<10240xf32>
    %reduce_sum3A_2 = vector.multi_reduction <add>, %get3A_1, %reduce_sum3A [0] : vector<32x10240xf32> to vector<10240xf32>
    %add3A = arith.constant 1.000000e-10 : f32
    %add3A_3 = vector.broadcast %add3A : f32 to vector<10240xf32>
    %add3A_4 = arith.addf %reduce_sum3A_2, %add3A_3 : vector<10240xf32>
    %div3A = arith.constant 1.000000e+00 : f32
    %div3A_5 = vector.broadcast %div3A : f32 to vector<10240xf32>
    %div3A_6 = arith.divf %div3A_5, %add3A_4 : vector<10240xf32>
    %swap3A = arith.constant 0 : index
    %swap3A_7 = vector.load %arg1[%swap3A] : memref<10240xf32, #tpu.memory_space<vmem>>, vector<10240xf32>
    tpu.vector_store %arg1[%swap3A], %div3A_6 {strides = array<i32>} : memref<10240xf32, #tpu.memory_space<vmem>>, vector<10240xf32>,
    return
  }
}

</mosaic_0001>

<sc_bundles>
// kernel: kernel.6.cloned.1.call-start
scs
__scs_entry_jumppad:
0x0: {  	(pc) =	sbr.rel $0x88, $3  }
0x1: {  	(tag) =	ssettag $0x0;
	lr =	simm.s32 $0x1  }
0x2: {  	[smem:$0x3F9D] =	sst lr;
	_ =	strace $0xD0000000  }
0x3: {  	_ = 	snop  }
0x4: {  	_ = 	snop  }
0x5: {  	_ = 	snop  }
0x6: {  	_ = 	snop  }
0x7: {  	_ = 	snop  }
__scs_overlays_trampoline_lowered:
0x8: {  	[smem:$0x3FAC] =	sst s0  }
0x9: {  	[smem:$0x3FAD] =	sst s1  }
0xa: {  	[smem:$0x3FAE] =	sst s2  }
0xb: {  	[smem:$0x3FAF] =	sst s3  }
0xc: {  	[smem:$0x3FB0] =	sst s4  }
0xd: {  	[smem:$0x3FB1] =	sst s5  }
0xe: {  	[smem:$0x3FB2] =	sst s6  }
0xf: {  	[smem:$0x3FB3] =	sst s7  }
0x10: {  	[smem:$0x3FB4] =	sst s8  }
0x11: {  	[smem:$0x3FB5] =	sst s9;
	s0 =	simm.s32 @!p0 $0x0  }
0x12: {  	s1 =	sld [smem:$0x3F9B];
	s0 =	simm.s32 @p0 $0x1  }
0x13: {  	[smem:$0x3FB6] =	sst s0;
	s0 =	simm.s32 @!p1 $0x0  }
0x14: {  	s2 =	sld [smem:$0x3F9A];
	s0 =	simm.s32 @p1 $0x1  }
0x15: {  	[smem:$0x3FB7] =	sst s0;
	s0 =	simm.s32 @!p2 $0x0  }
0x16: {  	s3 =	sld [smem:$0x3FDB];
	s0 =	simm.s32 @p2 $0x1  }
0x17: {  	s4 =	simm.s32 $0x1BF5;
	[smem:$0x3FB9] =	sst s0  }
0x18: {  	s0 =	sld [smem:$0x3F9C];
	_ =	swait.ge [sflag:s4], $0x0  }
0x19: {  	s7 =	sld [smem:$0x3F9D]  }
0x1a: {  	s8 =	sadd.s32 $0xFFFFE003, lr  }
0x1b: {  	s9 =	sadd.s32 $0xFFFFFEF7, lr;
	s5 =	simm.s32 $0xFFFFFFFF;
	p2 =	slt.u32 s8, $0xFFFFF086  }
0x1c: {  	p1 =	slt.u32 s9, $0xF7A;
	s5 =	simm.s32 @!p2 $0x0  }
0x1d: {  	s5 =	simm.s32 @p1 $0x1;
	p0 =	seq.s32 s7, s2  }
0x1e: {  	s7 =	smul.u32 @!p0 $0xF7A, s2;
	p2 =	seq.s32 @!p0 s5, $0x0  }
0x1f: {  	s9 =	smul.u32 $0xF7A, s1;
	s8 =	simm.s32 @!p0 $0x1BF5;
	p2 =	por !p2, p0  }
0x20: {  	[sflag:s8] =	ssyncset.s32 @!p0 $0xFFFFF086;
	s6 =	sadd.s32 @!p0 s3, s7;
	s7 =	simm.s32 @!p0 $0x108  }
0x21: {  	s3 =	sadd.s32 s3, s9;
	s6 =	sadd.s32 @!p0 $0x88, s6;
	s7 =	simm.s32 @p2 $0x1082  }
0x22: {  	[simem:s7], [sflag:s8] =	dma.local @!p0 [hbm:s6], $0xF7A  }
0x23: {  	s9 =	sor.u32 $0xD0000000, s2;
	s6 =	simm.s32 $0x108;
	_ =	swait.ge @!p0 [sflag:s8], $0x0  }
0x24: {  	s3 =	sadd.s32 $0x88, s3;
	s6 =	simm.s32 @!p1 $0x1082;
	[sflag:s4] =	ssyncset.s32 $0xFFFFF086  }
0x25: {  	[simem:s6], [sflag:s4] =	dma.local [hbm:s3], $0xF7A  }
0x26: {  	[smem:$0x3F9D] =	sst s1;
	(tag) =	ssettag s2;
	_ =	strace s9  }
0x27: {  	s1 =	sld [smem:$0x3FAD]  }
0x28: {  	s2 =	sld [smem:$0x3FAE]  }
0x29: {  	s4 =	sld [smem:$0x3FB0]  }
0x2a: {  	p0 =	seq.s32 s5, $0x0;
	s5 =	sld [smem:$0x3FB1]  }
0x2b: {  	s6 =	sld [smem:$0x3FB2]  }
0x2c: {  	s7 =	sld [smem:$0x3FB3]  }
0x2d: {  	s3 =	simm.s32 $0x108;
	s8 =	sld [smem:$0x3FB4]  }
0x2e: {  	s3 =	simm.s32 @!p0 $0x1082;
	s9 =	sld [smem:$0x3FB5]  }
0x2f: {  	lr =	sadd.s32 s0, s3;
	s0 =	sld [smem:$0x3FAC]  }
0x30: {  	s3 =	sld [smem:$0x3FAF]  }
0x31: {  	[smem:$0x3FB8] =	sst s10  }
0x32: {  	s10 =	sld [smem:$0x3FB6];
	_ =	sdelay $0x3  }
0x33: {  	p0 =	seq.s32 s10, $0x1;
	s10 =	sld [smem:$0x3FB8];
	_ =	sdelay $0x3  }
0x34: {  	[smem:$0x3FB8] =	sst s10  }
0x35: {  	s10 =	sld [smem:$0x3FB7];
	_ =	sdelay $0x3  }
0x36: {  	p1 =	seq.s32 s10, $0x1;
	s10 =	sld [smem:$0x3FB8];
	_ =	sdelay $0x3  }
0x37: {  	[smem:$0x3FB8] =	sst s10  }
0x38: {  	s10 =	sld [smem:$0x3FB9]  }
0x39: {  	_ = 	snop;
	(pc) =	sbr.ind lr, $3  }
0x3a: {  	_ = 	snop  }
0x3b: {  	_ = 	snop  }
0x3c: {  	p2 =	seq.s32 s10, $0x1;
	s10 =	sld [smem:$0x3FB8]  }
0x3d: {  	_ =	shalt  }
0x3e: {  	_ =	shalt  }
0x3f: {  	_ =	shalt  }
0x40: {  	_ =	shalt  }
0x41: {  	_ =	shalt  }
0x42: {  	_ =	shalt  }
0x43: {  	_ =	shalt  }
0x44: {  	_ =	shalt  }
0x45: {  	_ =	shalt  }
0x46: {  	_ =	shalt  }
0x47: {  	_ =	shalt  }
0x48: {  	_ =	shalt  }
0x49: {  	_ =	shalt  }
0x4a: {  	_ =	shalt  }
0x4b: {  	_ =	shalt  }
0x4c: {  	_ =	shalt  }
0x4d: {  	_ =	shalt  }
0x4e: {  	_ =	shalt  }
0x4f: {  	_ =	shalt  }
0x50: {  	_ =	shalt  }
0x51: {  	_ =	shalt  }
0x52: {  	_ =	shalt  }
0x53: {  	_ =	shalt  }
0x54: {  	_ =	shalt  }
0x55: {  	_ =	shalt  }
0x56: {  	_ =	shalt  }
0x57: {  	_ =	shalt  }
0x58: {  	_ =	shalt  }
0x59: {  	_ =	shalt  }
0x5a: {  	_ =	shalt  }
0x5b: {  	_ =	shalt  }
0x5c: {  	_ =	shalt  }
0x5d: {  	_ =	shalt  }
0x5e: {  	_ =	shalt  }
0x5f: {  	_ =	shalt  }
0x60: {  	_ =	shalt  }
0x61: {  	_ =	shalt  }
0x62: {  	_ =	shalt  }
0x63: {  	_ =	shalt  }
0x64: {  	_ =	shalt  }
0x65: {  	_ =	shalt  }
0x66: {  	_ =	shalt  }
0x67: {  	_ =	shalt  }
0x68: {  	_ =	shalt  }
0x69: {  	_ =	shalt  }
0x6a: {  	_ =	shalt  }
0x6b: {  	_ =	shalt  }
0x6c: {  	_ =	shalt  }
0x6d: {  	_ =	shalt  }
0x6e: {  	_ =	shalt  }
0x6f: {  	_ =	shalt  }
0x70: {  	_ =	shalt  }
0x71: {  	_ =	shalt  }
0x72: {  	_ =	shalt  }
0x73: {  	_ =	shalt  }
0x74: {  	_ =	shalt  }
0x75: {  	_ =	shalt  }
0x76: {  	_ =	shalt  }
0x77: {  	_ =	shalt  }
0x78: {  	_ =	shalt  }
0x79: {  	_ =	shalt  }
0x7a: {  	_ =	shalt  }
0x7b: {  	_ =	shalt  }
0x7c: {  	_ =	shalt  }
0x7d: {  	_ =	shalt  }
0x7e: {  	_ =	shalt  }
0x7f: {  	_ =	shalt  }
0x80: {  	_ =	shalt  }
0x81: {  	_ =	shalt  }
0x82: {  	_ =	shalt  }
0x83: {  	_ =	shalt  }
0x84: {  	_ =	shalt  }
0x85: {  	_ =	shalt  }
0x86: {  	_ =	shalt  }
0x87: {  	_ =	shalt  }
.Lfunc_end0:
.L_simem_size_0:
called_computation_lowered:
.L_overlay_start_0:
0x88: {  	s2 =	sld [smem:$0x3FD9]  }
0x89: {  	s3 =	sld [smem:$0x3FFE];
	_ =	sdelay $0x1  }
0x8a: {  	s1 =	srdreg.scid  }
0x8b: {  	s0 =	sand.u32 $0x1, s1  }
0x8c: {  	s16 =	sshll.u32 s0, $0xA;
	s2 =	sadd.s32 s3, s2  }
0x8d: {  	s2 =	sadd.s32 s2, s16  }
0x8e: {  	[smem:$0x3FC4] =	sst s2  }
0x8f: {  	_ = 	snop  }
0x90: {  	(tm) =	ssettm $0x1  }
0x91: {  	s17 =	sld [smem:$0x3FFB];
	_ =	sdelay $0x3  }
0x92: {  	_ =	strace s17  }
0x93: {  	s2 =	sld [smem:$0x3FFC];
	_ =	sdelay $0x3  }
0x94: {  	_ =	strace s2  }
0x95: {  	s2 =	sld [smem:$0x3FFD];
	_ =	sdelay $0x3  }
0x96: {  	_ =	strace s2  }
0x97: {  	_ =	strace $0x8FFFFFFF  }
0x98: {  	s18 =	sld [smem:$0x3FDB];
	_ =	sdelay $0x1  }
0x99: {  	s19 =	simm.s32 $_scs_section_size  }
0x9a: {  	s4 =	simm.s32 $_size__tile_overlayer_lowered;
	s5 =	simm.s32 $_tile_overlayer_lowered  }
0x9b: {  	s22 =	simm.s32 $0x1BFF;
	s21 =	sshll.u32 s5, $0x1;
	s2 =	sadd.s32 s19, s18  }
0x9c: {  	s6 =	simm.s32 $0x0;
	s20 =	sshll.u32 s4, $0x1;
	s4 =	sadd.s32 s21, s2  }
0x9d: {  	[timem:s6], [sflag:s22] =	dma.local [hbm:s4], s20  }
0x9e: {  	_ =	swait.ge [sflag:s22], s20  }
0x9f: {  	s3 =	ssub.s32 $0x0, s20;
	[sflag:s22] =	ssyncset.done $0x0  }
0xa0: {  	[sflag:s22] =	ssyncadd.s32 s3;
	_ =	sdelay $0x1  }
0xa1: {  	s23 =	simm.s32 $0x1B8B  }
0xa2: {  	_ =	swait.ge [sflag:s23], $0x1  }
0xa3: {  	[sflag:s23] =	ssyncset.done $0x0  }
0xa4: {  	s25 =	simm.s32 $0x1B8E;
	s24 =	sld [smem:$0x3FFE];
	[sflag:s23] =	ssyncadd.s32 $0xFFFFFFFF  }
0xa5: {  	s26 =	simm.s32 $execute0_lowered;
	[smem:$0x3FD2] =	sst s25  }
0xa6: {  	s4 =	sshll.u32 s26, $0x1;
	_ =	strace $0x80000046;
	[dreg:$0x1] =	wrdreg $0xFFFFFFFF  }
0xa7: {  	s28 =	simm.s32 $_size_execute0_lowered;
	s2 =	sadd.s32 s2, s4;
	[dreg:$0x0] =	wrdreg $0x0  }
0xa8: {  	s4 =	sshll.u32 s28, $0x1;
	[dreg:$0x2] =	wrdreg s2  }
0xa9: {  	[dreg:$0x3] =	wrdreg s4  }
0xaa: {  	[dreg:$0x4] =	wrdreg $0xC0  }
0xab: {  	_ =	task [dreg:s6], $0x5FFFF  }
0xac: {  	[dreg:$0x1] =	wrdreg $0xFFFFFFFF  }
0xad: {  	[dreg:$0x0] =	wrdreg $0x60  }
0xae: {  	[dreg:$0x2] =	wrdreg s24  }
0xaf: {  	[dreg:$0x3] =	wrdreg $0x9  }
0xb0: {  	_ =	task.clear_ibuf [dreg:s6], $0x4FFFF;
	_ =	strace $0x90000046  }
0xb1: {  	s29 =	simm.s32 $0x9;
	_ =	strace $0x80000048  }
0xb2: {  	_ =	swait.ge [sflag:s29], $0x1  }
0xb3: {  	[sflag:s29] =	ssyncadd.s32 $0xFFFFFFFF  }
0xb4: {  	_ =	strace $0x90000048  }
0xb5: {  	_ =	sfence  }
0xb6: {  	s30 =	sld [smem:$0x0];
	_ =	sdelay $0x2  }
0xb7: {  	s31 =	sshll.u32 s1, $0xD;
	s1 =	sshrl.u32 s1, $0x2  }
0xb8: {  	s3 =	sand.u32 $0x4000, s31;
	s1 =	sadd.s32 s1, s30  }
0xb9: {  	s0 =	sor.u32 s3, s0;
	s1 =	sshll.u32 s1, $0x11  }
0xba: {  	s0 =	sor.u32 s1, s0  }
0xbb: {  	s0 =	sadd.s32 $0x8F2B, s0  }
0xbc: {  	[sflag:s0] =	ssyncadd.remote.s32 $0x1  }
0xbd: {  	_ =	sfence.sel $0xFFFF  }
0xbe: {  	[dreg:$0x0] =	wrdreg $0xFFFFFFFF;
	(pc) =	sbr.abs _section_cstart, $3  }
0xbf: {  	[dreg:$0x1] =	wrdreg $0xFFFFFFFF  }
0xc0: {  	_ =	task.clear_ibuf [dreg:s6], $0x2FFFF;
	_ =	strace $0x9FFFFFFF  }
0xc1: {  	(tm) =	ssettm $0x7FFFFFFF  }
tec
execute0_lowered:
.L_overlay_start_1:
0x0: {  	(tag) =	ssettag $0x1  }
0x1: {  	s1 =	srdreg.scid  }
0x2: {  	s0 =	stileid.u32;
	s5 =	rddreg [dreg:$0x0]  }
0x3: {  	s2 =	simm.s32 $0x0;
	s13 =	simm.s32 $0x7800;
	s14 =	simm.s32 $0x1  }
0x4: {  	s15 =	simm.s32 $0xB400;
	s16 =	simm.s32 $0xA000;
	s17 =	simm.s32 $0x2  }
0x5: {  	s18 =	simm.s32 $0x0;
	s7 =	sand.u32 $0x1, s1;
	s1 =	rddreg [dreg:$0x1]  }
0x6: {  	s3 =	sshll.u32 s0, $0x1;
	[smem:$0x7FF] =	sst s2;
	s31 =	smul.u32 $0x5000, s0  }
0x7: {  	s3 =	sor.u32 s7, s3;
	s9 =	ssub.s32 $0x2, s7;
	s12 =	smul.u32 $0x2800, s7  }
0x8: {  	s4 =	sadd.s32 $0x16A00, s5;
	s6 =	smul.u32 $0x2800, s3;
	s10 =	sshrl.u32 s9, $0x1  }
0x9: {  	_ =	strace $0x80000047;
	s3 =	sadd.s32 $0x16400, s5;
	s9 =	ssub.s32 s9, s10  }
0xa: {  	s10 =	sadd.s32 s12, s31;
	s8 =	sshrl.u32 s6, $0x4;
	s6 =	sshrl.u32 s6, $0x3  }
0xb: {  	s12 =	simm.s32 $0x5000;
	s9 =	smax.u32 s9, $0x1;
	s11 =	sadd.s32 s6, s5  }
0xc: {  	s8 =	sadd.s32 s8, s5;
	s5 =	sadd.s32 $0x2400, s11;
	s6 =	sadd.s32 $0xC400, s11  }
0xd: {  	v0 =	vimm.f32 $0.0e+00;
	s7 =	sadd.s32 $0x17000, s8;
	s8 =	sadd.s32 $0x1C000, s11;
	s11 =	simm.s32 $0x2800  }
.LBB2_1:
0xe: {  	[tilespmem:s2], [sflag:$0x1] =	stream.linear.gather [hbm4b:s5+s2], $0x2800, $0x38;
	[tilespmem:$0xDC00] =	vst v63  }
0xf: {  	_ = 	snop  }
0x10: {  	[tilespmem:s11], [sflag:$0x1] =	stream.linear.gather [hbm4b:s6+s2], $0x2800, $0x38;
	[tilespmem:$0xDC00] =	vst v63  }
0x11: {  	_ = 	snop  }
0x12: {  	[tilespmem:s12], [sflag:$0x1] =	stream.linear.gather [hbm4b:s3+s2], $0x2800, $0x38;
	[tilespmem:$0xDC00] =	vst v63  }
0x13: {  	s19 =	simm.s32 $0x40;
	s20 =	simm.s32 $0x0  }
0x14: {  	[tilespmem:s13], [sflag:$0x1] =	stream.linear.gather [hbm4b:s4+s2], $0x2800, $0x38;
	[tilespmem:$0xDC00] =	vst v63  }
.LBB2_2:
0x15: {  	p0 =	sne.s32 s19, $0x9FC0;
	[tilespmem:s20+$0xB400] =	vst v0;
	s20 =	smov.u32 s19;
	s19 =	sadd.s32 $0x40, s19  }
.Ltmp0:
0x16: {  	(pc) =	sbr.rel @p0 .LBB2_2-.Ltmp0, $2  }
0x17: {  	_ =	sdelay $0x2  }
0x18: {  	s20 =	sshra.s32 s20, $0x2  }
0x19: {  	[tilespmem:s20+$0xB400] =	vst v0  }
0x1a: {  	_ =	swait.ge [sflag:s14], $0x2800  }
0x1b: {  	[sflag:s14] =	ssyncset.done $0x0  }
0x1c: {  	[sflag:s14] =	ssyncadd.s32 $0xFFFFD800  }
0x1d: {  	_ =	swait.ge [sflag:s14], $0x2800  }
0x1e: {  	[sflag:s14] =	ssyncset.done $0x0  }
0x1f: {  	[sflag:s14] =	ssyncadd.s32 $0xFFFFD800  }
0x20: {  	_ =	swait.ge [sflag:s14], $0x2800  }
0x21: {  	[sflag:s14] =	ssyncset.done $0x0  }
0x22: {  	[sflag:s14] =	ssyncadd.s32 $0xFFFFD800  }
0x23: {  	_ =	swait.ge [sflag:s14], $0x2800  }
0x24: {  	s19 =	simm.s32 $0x0;
	s20 =	simm.s32 $0x2840;
	[sflag:s14] =	ssyncset.done $0x0  }
0x25: {  	s21 =	simm.s32 $0xA020;
	s22 =	simm.s32 $0x40;
	[sflag:s14] =	ssyncadd.s32 $0xFFFFD800  }
.LBB2_4:
0x26: {  	v1 =	vld [tilespmem:s22+$0xFFFFFFC0]  }
0x27: {  	v2 =	vld [tilespmem:s20+$0xFFFFFFC0];
	_ =	sdelay $0x6  }
0x28: {  	v1 =	vld.idx.msk [tilespmem:v1+s12+$0x0], $0xffff  }
0x29: {  	v3 =	vld.idx.msk [tilespmem:v2+s13+$0x0], $0xffff;
	_ =	sdelay $0x4  }
0x2a: {  	v1 =	vadd.f32 v3, v1;
	_ =	sdelay $0x1  }
0x2b: {  	v3 =	vmul.f32 $2.000000030e-01, v1  }
0x2c: {  	vm0 =	vge.f32 v1, $0.0e+00  }
0x2d: {  	v1 =	vsel vm0, v1, v3  }
0x2e: {  	v1 =	vmul.f32 $1.442695020e+00, v1;
	_ =	sdelay $0x1  }
0x2f: {  	(erf) = vpow2.f32 v1;
	_ =	sdelay $0x7  }
0x30: {  	s23 =	sadd.s32 s19, s10  }
0x31: {  	p0 =	slt.u32 s23, $0x4E200;
	v1 =	vpop (erf)  }
0x32: {  	v1 =	vpsel !p0, $0x0, v1  }
0x33: {  	[tilespmem:v2+s15+$0x0] =	vst.idx.add.f32.msk $0xffff, v1  }
0x34: {  	v2 =	vld [tilespmem:s22+$0xFFFFFFD0]  }
0x35: {  	v3 =	vld [tilespmem:s20+$0xFFFFFFD0];
	_ =	sdelay $0x6  }
0x36: {  	v2 =	vld.idx.msk [tilespmem:v2+s12+$0x0], $0xffff  }
0x37: {  	v4 =	vld.idx.msk [tilespmem:v3+s13+$0x0], $0xffff;
	_ =	sdelay $0x4  }
0x38: {  	v2 =	vadd.f32 v4, v2;
	_ =	sdelay $0x1  }
0x39: {  	v4 =	vmul.f32 $2.000000030e-01, v2  }
0x3a: {  	vm9 =	vge.f32 v2, $0.0e+00  }
0x3b: {  	v2 =	vsel vm9, v2, v4  }
0x3c: {  	v2 =	vmul.f32 $1.442695020e+00, v2;
	_ =	sdelay $0x1  }
0x3d: {  	(erf) = vpow2.f32 v2;
	_ =	sdelay $0x7  }
0x3e: {  	s24 =	sadd.s32 $0x10, s23  }
0x3f: {  	p6 =	slt.u32 s24, $0x4E200;
	v2 =	vpop (erf)  }
0x40: {  	v2 =	vpsel !p6, $0x0, v2  }
0x41: {  	[tilespmem:v3+s15+$0x0] =	vst.idx.add.f32.msk $0xffff, v2;
	v1 =	vpack.i.f32.bf16 v2, v1  }
0x42: {  	[tilespmem:s21+$0xFFFFFFE0] =	vst v1  }
0x43: {  	v1 =	vld [tilespmem:s22+$0xFFFFFFE0]  }
0x44: {  	v2 =	vld [tilespmem:s20+$0xFFFFFFE0];
	_ =	sdelay $0x6  }
0x45: {  	v1 =	vld.idx.msk [tilespmem:v1+s12+$0x0], $0xffff  }
0x46: {  	v3 =	vld.idx.msk [tilespmem:v2+s13+$0x0], $0xffff;
	_ =	sdelay $0x4  }
0x47: {  	v1 =	vadd.f32 v3, v1;
	_ =	sdelay $0x1  }
0x48: {  	v3 =	vmul.f32 $2.000000030e-01, v1  }
0x49: {  	vm10 =	vge.f32 v1, $0.0e+00  }
0x4a: {  	v1 =	vsel vm10, v1, v3  }
0x4b: {  	v1 =	vmul.f32 $1.442695020e+00, v1;
	_ =	sdelay $0x1  }
0x4c: {  	(erf) = vpow2.f32 v1;
	_ =	sdelay $0x7  }
0x4d: {  	s26 =	sadd.s32 $0x20, s23  }
0x4e: {  	p1 =	slt.u32 s26, $0x4E200;
	v1 =	vpop (erf)  }
0x4f: {  	v1 =	vpsel !p1, $0x0, v1  }
0x50: {  	[tilespmem:v2+s15+$0x0] =	vst.idx.add.f32.msk $0xffff, v1  }
0x51: {  	v2 =	vld [tilespmem:s22+$0xFFFFFFF0]  }
0x52: {  	v3 =	vld [tilespmem:s20+$0xFFFFFFF0];
	_ =	sdelay $0x6  }
0x53: {  	v2 =	vld.idx.msk [tilespmem:v2+s12+$0x0], $0xffff  }
0x54: {  	v61 =	vld.idx.msk [tilespmem:v3+s13+$0x0], $0xffff;
	_ =	sdelay $0x4  }
0x55: {  	v2 =	vadd.f32 v61, v2;
	_ =	sdelay $0x1  }
0x56: {  	v4 =	vmul.f32 $2.000000030e-01, v2  }
0x57: {  	vm11 =	vge.f32 v2, $0.0e+00  }
0x58: {  	v2 =	vsel vm11, v2, v4  }
0x59: {  	v2 =	vmul.f32 $1.442695020e+00, v2;
	_ =	sdelay $0x1  }
0x5a: {  	(erf) = vpow2.f32 v2;
	_ =	sdelay $0x7  }
0x5b: {  	s28 =	sadd.s32 $0x30, s23  }
0x5c: {  	p2 =	slt.u32 s28, $0x4E200;
	v2 =	vpop (erf)  }
0x5d: {  	v2 =	vpsel !p2, $0x0, v2  }
0x5e: {  	[tilespmem:v3+s15+$0x0] =	vst.idx.add.f32.msk $0xffff, v2;
	v1 =	vpack.i.f32.bf16 v2, v1  }
0x5f: {  	[tilespmem:s21+$0xFFFFFFF0] =	vst v1  }
0x60: {  	v1 =	vld [tilespmem:s22+$0x0]  }
0x61: {  	v2 =	vld [tilespmem:s20+$0x0];
	_ =	sdelay $0x6  }
0x62: {  	v1 =	vld.idx.msk [tilespmem:v1+s12+$0x0], $0xffff  }
0x63: {  	v3 =	vld.idx.msk [tilespmem:v2+s13+$0x0], $0xffff;
	_ =	sdelay $0x4  }
0x64: {  	v1 =	vadd.f32 v3, v1;
	_ =	sdelay $0x1  }
0x65: {  	v3 =	vmul.f32 $2.000000030e-01, v1  }
0x66: {  	vm12 =	vge.f32 v1, $0.0e+00  }
0x67: {  	v1 =	vsel vm12, v1, v3  }
0x68: {  	v1 =	vmul.f32 $1.442695020e+00, v1;
	_ =	sdelay $0x1  }
0x69: {  	(erf) = vpow2.f32 v1;
	_ =	sdelay $0x7  }
0x6a: {  	s29 =	sadd.s32 $0x40, s23  }
0x6b: {  	p3 =	slt.u32 s29, $0x4E200;
	v1 =	vpop (erf)  }
0x6c: {  	v1 =	vpsel !p3, $0x0, v1  }
0x6d: {  	[tilespmem:v2+s15+$0x0] =	vst.idx.add.f32.msk $0xffff, v1  }
0x6e: {  	v2 =	vld [tilespmem:s22+$0x10]  }
0x6f: {  	v3 =	vld [tilespmem:s20+$0x10];
	_ =	sdelay $0x6  }
0x70: {  	v2 =	vld.idx.msk [tilespmem:v2+s12+$0x0], $0xffff  }
0x71: {  	v62 =	vld.idx.msk [tilespmem:v3+s13+$0x0], $0xffff;
	_ =	sdelay $0x4  }
0x72: {  	v2 =	vadd.f32 v62, v2;
	_ =	sdelay $0x1  }
0x73: {  	v4 =	vmul.f32 $2.000000030e-01, v2  }
0x74: {  	vm13 =	vge.f32 v2, $0.0e+00  }
0x75: {  	v2 =	vsel vm13, v2, v4  }
0x76: {  	v2 =	vmul.f32 $1.442695020e+00, v2;
	_ =	sdelay $0x1  }
0x77: {  	(erf) = vpow2.f32 v2;
	_ =	sdelay $0x7  }
0x78: {  	s30 =	sadd.s32 $0x50, s23  }
0x79: {  	p4 =	slt.u32 s30, $0x4E200;
	v2 =	vpop (erf)  }
0x7a: {  	v2 =	vpsel !p4, $0x0, v2  }
0x7b: {  	[tilespmem:v3+s15+$0x0] =	vst.idx.add.f32.msk $0xffff, v2;
	v1 =	vpack.i.f32.bf16 v2, v1  }
0x7c: {  	[tilespmem:s21+$0x0] =	vst v1  }
0x7d: {  	v1 =	vld [tilespmem:s22+$0x20]  }
0x7e: {  	v2 =	vld [tilespmem:s20+$0x20];
	_ =	sdelay $0x6  }
0x7f: {  	v1 =	vld.idx.msk [tilespmem:v1+s12+$0x0], $0xffff  }
0x80: {  	v3 =	vld.idx.msk [tilespmem:v2+s13+$0x0], $0xffff;
	_ =	sdelay $0x4  }
0x81: {  	v1 =	vadd.f32 v3, v1;
	_ =	sdelay $0x1  }
0x82: {  	v3 =	vmul.f32 $2.000000030e-01, v1  }
0x83: {  	vm14 =	vge.f32 v1, $0.0e+00  }
0x84: {  	v1 =	vsel vm14, v1, v3  }
0x85: {  	v1 =	vmul.f32 $1.442695020e+00, v1;
	_ =	sdelay $0x1  }
0x86: {  	(erf) = vpow2.f32 v1;
	_ =	sdelay $0x7  }
0x87: {  	s31 =	sadd.s32 $0x60, s23  }
0x88: {  	p5 =	slt.u32 s31, $0x4E200;
	v1 =	vpop (erf)  }
0x89: {  	v1 =	vpsel !p5, $0x0, v1  }
0x8a: {  	[tilespmem:v2+s15+$0x0] =	vst.idx.add.f32.msk $0xffff, v1  }
0x8b: {  	v2 =	vld [tilespmem:s22+$0x30]  }
0x8c: {  	v3 =	vld [tilespmem:s20+$0x30];
	_ =	sdelay $0x6  }
0x8d: {  	v2 =	vld.idx.msk [tilespmem:v2+s12+$0x0], $0xffff  }
0x8e: {  	v63 =	vld.idx.msk [tilespmem:v3+s13+$0x0], $0xffff;
	_ =	sdelay $0x4  }
0x8f: {  	v2 =	vadd.f32 v63, v2;
	_ =	sdelay $0x1  }
0x90: {  	v4 =	vmul.f32 $2.000000030e-01, v2  }
0x91: {  	vm15 =	vge.f32 v2, $0.0e+00  }
0x92: {  	v2 =	vsel vm15, v2, v4  }
0x93: {  	v2 =	vmul.f32 $1.442695020e+00, v2;
	_ =	sdelay $0x1  }
0x94: {  	(erf) = vpow2.f32 v2;
	_ =	sdelay $0x6  }
0x95: {  	p0 =	sne.s32 s19, $0x2780  }
.Ltmp1:
0x96: {  	s23 =	sadd.s32 $0x70, s23;
	(pc) =	sbr.rel @p0 .LBB2_4-.Ltmp1, $4  }
0x97: {  	p6 =	slt.u32 s23, $0x4E200;
	v2 =	vpop (erf)  }
0x98: {  	v2 =	vpsel !p6, $0x0, v2  }
0x99: {  	s19 =	sadd.s32 $0x80, s19;
	[tilespmem:v3+s15+$0x0] =	vst.idx.add.f32.msk $0xffff, v2;
	v1 =	vpack.i.f32.bf16 v2, v1  }
0x9a: {  	s20 =	sadd.s32 $0x80, s20;
	s22 =	sadd.s32 $0x80, s22;
	[tilespmem:s21+$0x10] =	vst v1;
	s21 =	sadd.s32 $0x40, s21  }
0x9b: {  	[hbm4b:s7+s2] =	stream.linear.scatter [tilespmem:s16], [sflag:$0x2], $0x1400, $0x38;
	[tilespmem:$0xDC00] =	vst v63  }
0x9c: {  	s18 =	sadd.s32 $0x1, s18;
	_ =	swait.ge [sflag:s17], $0x1400  }
0x9d: {  	p0 =	sne.s32 s18, s9;
	[sflag:s17] =	ssyncset.done $0x0  }
.Ltmp2:
0x9e: {  	[sflag:s17] =	ssyncadd.s32 $0xFFFFEC00;
	(pc) =	sbr.rel @p0 .LBB2_1-.Ltmp2, $4  }
0x9f: {  	[hbm4b:s8+s2] =	stream.linear.scatter [tilespmem:s15], [sflag:$0x2], $0x2800, $0x38;
	[tilespmem:$0xDC00] =	vst v63  }
0xa0: {  	_ =	swait.ge [sflag:s17], $0x2800  }
0xa1: {  	[sflag:s17] =	ssyncset.done $0x0  }
0xa2: {  	[sflag:s17] =	ssyncadd.s32 $0xFFFFD800  }
0xa3: {  	_ =	sfence.sel $0x180000  }
0xa4: {  	[bflag:$0x0] =	sbarrier.arrive $0xFFFF  }
0xa5: {  	p0 =	sne.s32 s0, $0x0;
	_ =	strace $0x90000047  }
0xa6: {  	s0 =	sadd.s32 @!p0 $0x100000, s1;
	[bflag:$0x2] =	sbarrier.arrive $0xFFFF  }
0xa7: {  	[sflag:s0] =	ssyncadd.tile.s32 @!p0 $0x1;
	_ =	shalt  }
.Lfunc_end2:
_tile_overlayer_lowered:
.L_overlay_start_2:
0xa8: {  	(tag) =	ssettag $0x2  }
0xa9: {  	s0 =	rddreg [dreg:$0x0];
	s2 =	stileid.u32  }
0xaa: {  	s1 =	rddreg [dreg:$0x1];
	p0 =	sne.s32 s2, $0x0  }
0xab: {  	s3 =	rddreg [dreg:$0x2];
	[bflag:$0x3] =	sbarrier.arrive $0xFFFF;
	s2 =	simm.s32 @!p0 $0x1C02  }
0xac: {  	[timem:s3], [sflag:s2] =	dma.local @!p0 [hbm:s0], s1  }
0xad: {  	s0 =	simm.s32 @!p0 $0x2  }
0xae: {  	_ =	swait.ge @!p0 [sflag:s0], s1  }
0xaf: {  	s1 =	ssub.s32 @!p0 $0x0, s1;
	[sflag:s0] =	ssyncset.done @!p0 $0x0  }
0xb0: {  	[sflag:s0] =	ssyncadd.s32 @!p0 s1  }
0xb1: {  	[bflag:$0x3] =	sbarrier.arrive $0xFFFF  }
0xb2: {  	_ =	shalt  }

// kernel: kernel.9.cloned.1.call-start
scs
__scs_entry_jumppad:
0x0: {  	(pc) =	sbr.rel $0x88, $3  }
0x1: {  	(tag) =	ssettag $0x0;
	lr =	simm.s32 $0x1  }
0x2: {  	[smem:$0x3F9D] =	sst lr;
	_ =	strace $0xD0000000  }
0x3: {  	_ = 	snop  }
0x4: {  	_ = 	snop  }
0x5: {  	_ = 	snop  }
0x6: {  	_ = 	snop  }
0x7: {  	_ = 	snop  }
__scs_overlays_trampoline_lowered:
0x8: {  	[smem:$0x3FAC] =	sst s0  }
0x9: {  	[smem:$0x3FAD] =	sst s1  }
0xa: {  	[smem:$0x3FAE] =	sst s2  }
0xb: {  	[smem:$0x3FAF] =	sst s3  }
0xc: {  	[smem:$0x3FB0] =	sst s4  }
0xd: {  	[smem:$0x3FB1] =	sst s5  }
0xe: {  	[smem:$0x3FB2] =	sst s6  }
0xf: {  	[smem:$0x3FB3] =	sst s7  }
0x10: {  	[smem:$0x3FB4] =	sst s8  }
0x11: {  	[smem:$0x3FB5] =	sst s9;
	s0 =	simm.s32 @!p0 $0x0  }
0x12: {  	s1 =	sld [smem:$0x3F9B];
	s0 =	simm.s32 @p0 $0x1  }
0x13: {  	[smem:$0x3FB6] =	sst s0;
	s0 =	simm.s32 @!p1 $0x0  }
0x14: {  	s2 =	sld [smem:$0x3F9A];
	s0 =	simm.s32 @p1 $0x1  }
0x15: {  	[smem:$0x3FB7] =	sst s0;
	s0 =	simm.s32 @!p2 $0x0  }
0x16: {  	s3 =	sld [smem:$0x3FDB];
	s0 =	simm.s32 @p2 $0x1  }
0x17: {  	s4 =	simm.s32 $0x1BF5;
	[smem:$0x3FB9] =	sst s0  }
0x18: {  	s0 =	sld [smem:$0x3F9C];
	_ =	swait.ge [sflag:s4], $0x0  }
0x19: {  	s7 =	sld [smem:$0x3F9D]  }
0x1a: {  	s8 =	sadd.s32 $0xFFFFE003, lr  }
0x1b: {  	s9 =	sadd.s32 $0xFFFFFEF7, lr;
	s5 =	simm.s32 $0xFFFFFFFF;
	p2 =	slt.u32 s8, $0xFFFFF086  }
0x1c: {  	p1 =	slt.u32 s9, $0xF7A;
	s5 =	simm.s32 @!p2 $0x0  }
0x1d: {  	s5 =	simm.s32 @p1 $0x1;
	p0 =	seq.s32 s7, s2  }
0x1e: {  	s7 =	smul.u32 @!p0 $0xF7A, s2;
	p2 =	seq.s32 @!p0 s5, $0x0  }
0x1f: {  	s9 =	smul.u32 $0xF7A, s1;
	s8 =	simm.s32 @!p0 $0x1BF5;
	p2 =	por !p2, p0  }
0x20: {  	[sflag:s8] =	ssyncset.s32 @!p0 $0xFFFFF086;
	s6 =	sadd.s32 @!p0 s3, s7;
	s7 =	simm.s32 @!p0 $0x108  }
0x21: {  	s3 =	sadd.s32 s3, s9;
	s6 =	sadd.s32 @!p0 $0x88, s6;
	s7 =	simm.s32 @p2 $0x1082  }
0x22: {  	[simem:s7], [sflag:s8] =	dma.local @!p0 [hbm:s6], $0xF7A  }
0x23: {  	s9 =	sor.u32 $0xD0000000, s2;
	s6 =	simm.s32 $0x108;
	_ =	swait.ge @!p0 [sflag:s8], $0x0  }
0x24: {  	s3 =	sadd.s32 $0x88, s3;
	s6 =	simm.s32 @!p1 $0x1082;
	[sflag:s4] =	ssyncset.s32 $0xFFFFF086  }
0x25: {  	[simem:s6], [sflag:s4] =	dma.local [hbm:s3], $0xF7A  }
0x26: {  	[smem:$0x3F9D] =	sst s1;
	(tag) =	ssettag s2;
	_ =	strace s9  }
0x27: {  	s1 =	sld [smem:$0x3FAD]  }
0x28: {  	s2 =	sld [smem:$0x3FAE]  }
0x29: {  	s4 =	sld [smem:$0x3FB0]  }
0x2a: {  	p0 =	seq.s32 s5, $0x0;
	s5 =	sld [smem:$0x3FB1]  }
0x2b: {  	s6 =	sld [smem:$0x3FB2]  }
0x2c: {  	s7 =	sld [smem:$0x3FB3]  }
0x2d: {  	s3 =	simm.s32 $0x108;
	s8 =	sld [smem:$0x3FB4]  }
0x2e: {  	s3 =	simm.s32 @!p0 $0x1082;
	s9 =	sld [smem:$0x3FB5]  }
0x2f: {  	lr =	sadd.s32 s0, s3;
	s0 =	sld [smem:$0x3FAC]  }
0x30: {  	s3 =	sld [smem:$0x3FAF]  }
0x31: {  	[smem:$0x3FB8] =	sst s10  }
0x32: {  	s10 =	sld [smem:$0x3FB6];
	_ =	sdelay $0x3  }
0x33: {  	p0 =	seq.s32 s10, $0x1;
	s10 =	sld [smem:$0x3FB8];
	_ =	sdelay $0x3  }
0x34: {  	[smem:$0x3FB8] =	sst s10  }
0x35: {  	s10 =	sld [smem:$0x3FB7];
	_ =	sdelay $0x3  }
0x36: {  	p1 =	seq.s32 s10, $0x1;
	s10 =	sld [smem:$0x3FB8];
	_ =	sdelay $0x3  }
0x37: {  	[smem:$0x3FB8] =	sst s10  }
0x38: {  	s10 =	sld [smem:$0x3FB9]  }
0x39: {  	_ = 	snop;
	(pc) =	sbr.ind lr, $3  }
0x3a: {  	_ = 	snop  }
0x3b: {  	_ = 	snop  }
0x3c: {  	p2 =	seq.s32 s10, $0x1;
	s10 =	sld [smem:$0x3FB8]  }
0x3d: {  	_ =	shalt  }
0x3e: {  	_ =	shalt  }
0x3f: {  	_ =	shalt  }
0x40: {  	_ =	shalt  }
0x41: {  	_ =	shalt  }
0x42: {  	_ =	shalt  }
0x43: {  	_ =	shalt  }
0x44: {  	_ =	shalt  }
0x45: {  	_ =	shalt  }
0x46: {  	_ =	shalt  }
0x47: {  	_ =	shalt  }
0x48: {  	_ =	shalt  }
0x49: {  	_ =	shalt  }
0x4a: {  	_ =	shalt  }
0x4b: {  	_ =	shalt  }
0x4c: {  	_ =	shalt  }
0x4d: {  	_ =	shalt  }
0x4e: {  	_ =	shalt  }
0x4f: {  	_ =	shalt  }
0x50: {  	_ =	shalt  }
0x51: {  	_ =	shalt  }
0x52: {  	_ =	shalt  }
0x53: {  	_ =	shalt  }
0x54: {  	_ =	shalt  }
0x55: {  	_ =	shalt  }
0x56: {  	_ =	shalt  }
0x57: {  	_ =	shalt  }
0x58: {  	_ =	shalt  }
0x59: {  	_ =	shalt  }
0x5a: {  	_ =	shalt  }
0x5b: {  	_ =	shalt  }
0x5c: {  	_ =	shalt  }
0x5d: {  	_ =	shalt  }
0x5e: {  	_ =	shalt  }
0x5f: {  	_ =	shalt  }
0x60: {  	_ =	shalt  }
0x61: {  	_ =	shalt  }
0x62: {  	_ =	shalt  }
0x63: {  	_ =	shalt  }
0x64: {  	_ =	shalt  }
0x65: {  	_ =	shalt  }
0x66: {  	_ =	shalt  }
0x67: {  	_ =	shalt  }
0x68: {  	_ =	shalt  }
0x69: {  	_ =	shalt  }
0x6a: {  	_ =	shalt  }
0x6b: {  	_ =	shalt  }
0x6c: {  	_ =	shalt  }
0x6d: {  	_ =	shalt  }
0x6e: {  	_ =	shalt  }
0x6f: {  	_ =	shalt  }
0x70: {  	_ =	shalt  }
0x71: {  	_ =	shalt  }
0x72: {  	_ =	shalt  }
0x73: {  	_ =	shalt  }
0x74: {  	_ =	shalt  }
0x75: {  	_ =	shalt  }
0x76: {  	_ =	shalt  }
0x77: {  	_ =	shalt  }
0x78: {  	_ =	shalt  }
0x79: {  	_ =	shalt  }
0x7a: {  	_ =	shalt  }
0x7b: {  	_ =	shalt  }
0x7c: {  	_ =	shalt  }
0x7d: {  	_ =	shalt  }
0x7e: {  	_ =	shalt  }
0x7f: {  	_ =	shalt  }
0x80: {  	_ =	shalt  }
0x81: {  	_ =	shalt  }
0x82: {  	_ =	shalt  }
0x83: {  	_ =	shalt  }
0x84: {  	_ =	shalt  }
0x85: {  	_ =	shalt  }
0x86: {  	_ =	shalt  }
0x87: {  	_ =	shalt  }
.Lfunc_end0:
.L_simem_size_0:
called_computation.1_lowered:
.L_overlay_start_0:
0x88: {  	s2 =	sld [smem:$0x3FD9]  }
0x89: {  	s3 =	sld [smem:$0x3FFE];
	_ =	sdelay $0x1  }
0x8a: {  	s1 =	srdreg.scid  }
0x8b: {  	s0 =	sand.u32 $0x1, s1  }
0x8c: {  	s17 =	sshll.u32 s0, $0xA;
	s2 =	sadd.s32 s3, s2  }
0x8d: {  	s2 =	sadd.s32 s2, s17  }
0x8e: {  	[smem:$0x3FC4] =	sst s2  }
0x8f: {  	_ = 	snop  }
0x90: {  	s2 =	sld [smem:$0x3FD0];
	(tm) =	ssettm $0x1  }
0x91: {  	s18 =	sld [smem:$0x3FFB];
	_ =	sdelay $0x3  }
0x92: {  	_ =	strace s18  }
0x93: {  	s3 =	sld [smem:$0x3FFC];
	_ =	sdelay $0x3  }
0x94: {  	_ =	strace s3  }
0x95: {  	s3 =	sld [smem:$0x3FFD];
	_ =	sdelay $0x3  }
0x96: {  	_ =	strace s3  }
0x97: {  	_ =	strace $0x8FFFFFFF  }
0x98: {  	s19 =	sld [smem:$0x3FDB];
	_ =	sdelay $0x1  }
0x99: {  	s4 =	simm.s32 $_scs_section_size  }
0x9a: {  	s5 =	simm.s32 $_size__tile_overlayer_lowered;
	s6 =	simm.s32 $_tile_overlayer_lowered  }
0x9b: {  	s22 =	simm.s32 $0x1BFF;
	s21 =	sshll.u32 s6, $0x1;
	s3 =	sadd.s32 s4, s19  }
0x9c: {  	s7 =	simm.s32 $0x0;
	s20 =	sshll.u32 s5, $0x1;
	s5 =	sadd.s32 s21, s3  }
0x9d: {  	[timem:s7], [sflag:s22] =	dma.local [hbm:s5], s20  }
0x9e: {  	_ =	swait.ge [sflag:s22], s20  }
0x9f: {  	s4 =	ssub.s32 $0x0, s20;
	[sflag:s22] =	ssyncset.done $0x0  }
0xa0: {  	[sflag:s22] =	ssyncadd.s32 s4;
	_ =	sdelay $0x1  }
0xa1: {  	s23 =	simm.s32 $0x1B8B  }
0xa2: {  	_ =	swait.ge [sflag:s23], $0x1  }
0xa3: {  	[sflag:s23] =	ssyncset.done $0x0  }
0xa4: {  	s25 =	simm.s32 $0x1B8E;
	s24 =	sld [smem:$0x3FFE];
	[sflag:s23] =	ssyncadd.s32 $0xFFFFFFFF  }
0xa5: {  	s26 =	simm.s32 $execute0_lowered;
	[smem:$0x3FD2] =	sst s25  }
0xa6: {  	s5 =	sshll.u32 s26, $0x1;
	_ =	strace $0x80000049;
	[dreg:$0x1] =	wrdreg $0xFFFFFFFF  }
0xa7: {  	s28 =	simm.s32 $_size_execute0_lowered;
	s3 =	sadd.s32 s3, s5;
	[dreg:$0x0] =	wrdreg $0x0  }
0xa8: {  	s5 =	sshll.u32 s28, $0x1;
	[dreg:$0x2] =	wrdreg s3  }
0xa9: {  	[dreg:$0x3] =	wrdreg s5  }
0xaa: {  	[dreg:$0x4] =	wrdreg $0xC0  }
0xab: {  	_ =	task [dreg:s7], $0x5FFFF  }
0xac: {  	[dreg:$0x1] =	wrdreg $0xFFFFFFFF  }
0xad: {  	[dreg:$0x0] =	wrdreg $0x60  }
0xae: {  	[dreg:$0x2] =	wrdreg s2  }
0xaf: {  	[dreg:$0x3] =	wrdreg s24  }
0xb0: {  	[dreg:$0x4] =	wrdreg $0x150800  }
0xb1: {  	[dreg:$0x5] =	wrdreg $0x9  }
0xb2: {  	_ =	task.clear_ibuf [dreg:s7], $0x6FFFF;
	_ =	strace $0x90000049  }
0xb3: {  	s29 =	simm.s32 $0x9;
	_ =	strace $0x8000004B  }
0xb4: {  	_ =	swait.ge [sflag:s29], $0x1  }
0xb5: {  	[sflag:s29] =	ssyncadd.s32 $0xFFFFFFFF  }
0xb6: {  	_ =	strace $0x9000004B  }
0xb7: {  	_ =	sfence  }
0xb8: {  	s30 =	sld [smem:$0x0];
	_ =	sdelay $0x2  }
0xb9: {  	s31 =	sshll.u32 s1, $0xD;
	s1 =	sshrl.u32 s1, $0x2  }
0xba: {  	s3 =	sand.u32 $0x4000, s31;
	s1 =	sadd.s32 s1, s30  }
0xbb: {  	s0 =	sor.u32 s3, s0;
	s1 =	sshll.u32 s1, $0x11  }
0xbc: {  	s0 =	sor.u32 s1, s0  }
0xbd: {  	s0 =	sadd.s32 $0x8F2B, s0  }
0xbe: {  	[sflag:s0] =	ssyncadd.remote.s32 $0x1  }
0xbf: {  	_ =	sfence.sel $0xFFFF  }
0xc0: {  	[dreg:$0x0] =	wrdreg $0xFFFFFFFF;
	(pc) =	sbr.abs _section_cstart, $3  }
0xc1: {  	[dreg:$0x1] =	wrdreg $0xFFFFFFFF  }
0xc2: {  	_ =	task.clear_ibuf [dreg:s7], $0x2FFFF;
	_ =	strace $0x9FFFFFFF  }
0xc3: {  	(tm) =	ssettm $0x7FFFFFFF  }
tec
execute0_lowered:
.L_overlay_start_1:
0x0: {  	(tag) =	ssettag $0x1  }
0x1: {  	s0 =	rddreg [dreg:$0x0]  }
0x2: {  	s1 =	rddreg [dreg:$0x1]  }
0x3: {  	s2 =	rddreg [dreg:$0x2];
	s12 =	stileid.u32  }
0x4: {  	s3 =	simm.s32 $0x0;
	s6 =	srdreg.scid;
	s17 =	simm.s32 $0x6  }
0x5: {  	s18 =	simm.s32 $0x80;
	s22 =	simm.s32 $0x11080;
	s23 =	simm.s32 $0x5  }
0x6: {  	s28 =	simm.s32 $0x13080;
	s29 =	simm.s32 $0x3;
	s30 =	simm.s32 $0x4  }
0x7: {  	s31 =	simm.s32 $0x0;
	s4 =	smul.u32 $0x5000, s12;
	[smem:$0x7FF] =	sst s3  }
0x8: {  	s24 =	sand.u32 $0x1, s6;
	s9 =	smul.u32 $0xA000, s12;
	s10 =	sadd.s32 $0x2400, s1  }
0x9: {  	_ =	strace $0x8000004A;
	s6 =	smul.u32 $0xA0000, s24;
	s8 =	sshll.u32 s24, $0x4  }
0xa: {  	[dreg:$0x4] =	wrdreg s10;
	s25 =	ssub.s32 $0x2, s24;
	s24 =	simm.s32 $0x1  }
0xb: {  	s5 =	sshrl.u32 s4, $0x3;
	s4 =	sshrl.u32 s4, $0x4;
	s8 =	sor.u32 s12, s8  }
0xc: {  	s11 =	sshrl.u32 s25, $0x1;
	s12 =	smul.u32 $0x28000, s12;
	s7 =	sadd.s32 s5, s1  }
0xd: {  	s4 =	sadd.s32 s4, s1;
	s6 =	sadd.s32 s9, s6;
	s8 =	smul.u32 $0xA00, s8  }
0xe: {  	s5 =	sadd.s32 $0x26000, s1;
	s15 =	ssub.s32 s25, s11;
	s9 =	sadd.s32 s9, s2  }
0xf: {  	s25 =	simm.s32 $0x10080;
	s6 =	sshrl.u32 s6, $0x3;
	s7 =	sadd.s32 $0xC400, s7  }
0x10: {  	s26 =	sshrl.u32 s12, $0x2;
	s15 =	smax.u32 s15, $0x1;
	s1 =	sadd.s32 s6, s1  }
0x11: {  	s6 =	sadd.s32 s0, s8;
	s8 =	sadd.s32 $0x16400, s4;
	s0 =	sadd.s32 s26, s2  }
0x12: {  	s26 =	simm.s32 $0x2;
	s10 =	sadd.s32 $0x2000, s0;
	s11 =	sadd.s32 $0x4000, s0  }
0x13: {  	v0 =	vimm.f32 $0.0e+00;
	s12 =	sadd.s32 $0x6000, s0;
	s13 =	sadd.s32 $0x8000, s0;
	s14 =	sadd.s32 $0x3A000, s1  }
.LBB2_1:
0x14: {  	s0 =	simm.s32 $0x2800  }
0x15: {  	[tilespmem:s0], [sflag:$0x6] =	stream.linear.gather [hbm4b:s6+s3], $0x5000, $0x38;
	[tilespmem:$0x1F080] =	vst v63  }
0x16: {  	_ =	swait.ge [sflag:s17], $0x5000  }
0x17: {  	[sflag:s17] =	ssyncset.done $0x0  }
0x18: {  	s1 =	simm.s32 $0xF080;
	[sflag:s17] =	ssyncadd.s32 $0xFFFFB000  }
0x19: {  	[tilespmem:s1], [sflag:$0x1] =	stream.indirect.gather [hbm4b:s5+s18], $0x20, s0, s18, $0xb8;
	[tilespmem:$0x1F080] =	vst v63  }
0x1a: {  	s19 =	simm.s32 $0x7800  }
0x1b: {  	[tilespmem:s19], [sflag:$0x5] =	stream.linear.gather [hbm4b:s7+s3], $0x5000, $0x38;
	[tilespmem:$0x1F080] =	vst v63  }
0x1c: {  	s20 =	simm.s32 $0xC800  }
0x1d: {  	[tilespmem:s20], [sflag:$0x5] =	stream.linear.gather [hbm4b:s8+s3], $0x2800, $0x38;
	[tilespmem:$0x1F080] =	vst v63  }
0x1e: {  	s21 =	rddreg [dreg:$0x4];
	s1 =	simm.s32 $0x100;
	s0 =	simm.s32 $0x0  }
0x1f: {  	[tilespmem:s3], [sflag:$0x5] =	stream.linear.gather [hbm4b:s21+s3], $0x2800, $0x38;
	[tilespmem:$0x1F080] =	vst v63  }
.LBB2_2:
0x20: {  	p0 =	sne.s32 s1, $0x7F00;
	[tilespmem:s0+$0x110B0] =	vst v0;
	s4 =	smov.u32 s1;
	s1 =	sadd.s32 $0x100, s1  }
.Ltmp0:
0x21: {  	[tilespmem:s0+$0x110A0] =	vst v0;
	(pc) =	sbr.rel @p0 .LBB2_2-.Ltmp0, $3  }
0x22: {  	[tilespmem:s0+$0x11080] =	vst v0  }
0x23: {  	[tilespmem:s0+$0x11090] =	vst v0;
	_ =	sdelay $0x1  }
0x24: {  	s0 =	sshra.s32 s4, $0x2  }
0x25: {  	[tilespmem:s0+$0x110B0] =	vst v0  }
0x26: {  	[tilespmem:s0+$0x110A0] =	vst v0  }
0x27: {  	[tilespmem:s0+$0x11080] =	vst v0  }
0x28: {  	[tilespmem:s0+$0x11090] =	vst v0  }
0x29: {  	[spmem:s9] =	stream.linear.scatter [tilespmem:s22], [sflag:$0x6], $0x2000, $0x38;
	[tilespmem:$0x1F080] =	vst v63  }
0x2a: {  	_ =	swait.ge [sflag:s17], $0x2000  }
0x2b: {  	[sflag:s17] =	ssyncset.done $0x0  }
0x2c: {  	[sflag:s17] =	ssyncadd.s32 $0xFFFFE000  }
0x2d: {  	[spmem:s10] =	stream.linear.scatter [tilespmem:s22], [sflag:$0x6], $0x2000, $0x38;
	[tilespmem:$0x1F080] =	vst v63  }
0x2e: {  	_ =	swait.ge [sflag:s17], $0x2000  }
0x2f: {  	[sflag:s17] =	ssyncset.done $0x0  }
0x30: {  	[sflag:s17] =	ssyncadd.s32 $0xFFFFE000  }
0x31: {  	[spmem:s11] =	stream.linear.scatter [tilespmem:s22], [sflag:$0x6], $0x2000, $0x38;
	[tilespmem:$0x1F080] =	vst v63  }
0x32: {  	_ =	swait.ge [sflag:s17], $0x2000  }
0x33: {  	[sflag:s17] =	ssyncset.done $0x0  }
0x34: {  	[sflag:s17] =	ssyncadd.s32 $0xFFFFE000  }
0x35: {  	[spmem:s12] =	stream.linear.scatter [tilespmem:s22], [sflag:$0x6], $0x2000, $0x38;
	[tilespmem:$0x1F080] =	vst v63  }
0x36: {  	_ =	swait.ge [sflag:s17], $0x2000  }
0x37: {  	[sflag:s17] =	ssyncset.done $0x0  }
0x38: {  	[sflag:s17] =	ssyncadd.s32 $0xFFFFE000  }
0x39: {  	[spmem:s13] =	stream.linear.scatter [tilespmem:s22], [sflag:$0x6], $0x2000, $0x38;
	[tilespmem:$0x1F080] =	vst v63  }
0x3a: {  	_ =	swait.ge [sflag:s17], $0x2000  }
0x3b: {  	[sflag:s17] =	ssyncset.done $0x0  }
0x3c: {  	[sflag:s17] =	ssyncadd.s32 $0xFFFFE000  }
0x3d: {  	_ =	swait.ge [sflag:s23], $0x5000  }
0x3e: {  	[sflag:s23] =	ssyncset.done $0x0  }
0x3f: {  	[sflag:s23] =	ssyncadd.s32 $0xFFFFB000  }
0x40: {  	_ =	swait.ge [sflag:s23], $0x2800  }
0x41: {  	[sflag:s23] =	ssyncset.done $0x0  }
0x42: {  	[sflag:s23] =	ssyncadd.s32 $0xFFFFD800  }
0x43: {  	_ =	swait.ge [sflag:s23], $0x2800  }
0x44: {  	[sflag:s23] =	ssyncset.done $0x0  }
0x45: {  	[sflag:s23] =	ssyncadd.s32 $0xFFFFD800  }
0x46: {  	s0 =	simm.s32 $0x0;
	[bflag:$0x0] =	sbarrier.arrive $0xFFFF  }
.LBB2_4:
0x47: {  	s1 =	sshll.u32 s0, $0x8  }
0x48: {  	v1 =	vld [tilespmem:s1+$0x7800];
	_ =	sdelay $0x5  }
0x49: {  	s4 =	sshrl.u32 s1, $0x1  }
0x4a: {  	v2 =	vld [tilespmem:s4+$0xC800]  }
0x4b: {  	v1 =	vld.idx.msk [tilespmem:v1+s3+$0x0], $0xffff;
	_ =	sdelay $0x3  }
0x4c: {  	v3 =	vshll.u32 v2, $0x10  }
0x4d: {  	v1 =	vmul.f32 v3, v1;
	_ =	sdelay $0x1  }
0x4e: {  	[tilespmem:$0xF000] =	vst v1  }
0x4f: {  	v1 =	vld [tilespmem:s1+$0x7810];
	_ =	sdelay $0x7  }
0x50: {  	v1 =	vld.idx.msk [tilespmem:v1+s3+$0x0], $0xffff;
	_ =	sdelay $0x3  }
0x51: {  	v2 =	vand.u32 $0xFFFF0000, v2  }
0x52: {  	v1 =	vmul.f32 v2, v1;
	_ =	sdelay $0x1  }
0x53: {  	[tilespmem:$0xF010] =	vst v1  }
0x54: {  	v1 =	vld [tilespmem:s1+$0x7820];
	_ =	sdelay $0x6  }
0x55: {  	v2 =	vld [tilespmem:s4+$0xC810]  }
0x56: {  	v1 =	vld.idx.msk [tilespmem:v1+s3+$0x0], $0xffff;
	_ =	sdelay $0x3  }
0x57: {  	v3 =	vshll.u32 v2, $0x10  }
0x58: {  	v1 =	vmul.f32 v3, v1;
	_ =	sdelay $0x1  }
0x59: {  	[tilespmem:$0xF020] =	vst v1  }
0x5a: {  	v1 =	vld [tilespmem:s1+$0x7830];
	_ =	sdelay $0x7  }
0x5b: {  	v1 =	vld.idx.msk [tilespmem:v1+s3+$0x0], $0xffff;
	_ =	sdelay $0x3  }
0x5c: {  	v2 =	vand.u32 $0xFFFF0000, v2  }
0x5d: {  	v1 =	vmul.f32 v2, v1;
	_ =	sdelay $0x1  }
0x5e: {  	[tilespmem:$0xF030] =	vst v1  }
0x5f: {  	v1 =	vld [tilespmem:s1+$0x7840];
	_ =	sdelay $0x6  }
0x60: {  	v2 =	vld [tilespmem:s4+$0xC820]  }
0x61: {  	v1 =	vld.idx.msk [tilespmem:v1+s3+$0x0], $0xffff;
	_ =	sdelay $0x3  }
0x62: {  	v3 =	vshll.u32 v2, $0x10  }
0x63: {  	v1 =	vmul.f32 v3, v1;
	_ =	sdelay $0x1  }
0x64: {  	[tilespmem:$0xF040] =	vst v1  }
0x65: {  	v1 =	vld [tilespmem:s1+$0x7850];
	_ =	sdelay $0x7  }
0x66: {  	v1 =	vld.idx.msk [tilespmem:v1+s3+$0x0], $0xffff;
	_ =	sdelay $0x3  }
0x67: {  	v2 =	vand.u32 $0xFFFF0000, v2  }
0x68: {  	v1 =	vmul.f32 v2, v1;
	_ =	sdelay $0x1  }
0x69: {  	[tilespmem:$0xF050] =	vst v1  }
0x6a: {  	v1 =	vld [tilespmem:s1+$0x7860];
	_ =	sdelay $0x6  }
0x6b: {  	v2 =	vld [tilespmem:s4+$0xC830]  }
0x6c: {  	v1 =	vld.idx.msk [tilespmem:v1+s3+$0x0], $0xffff;
	_ =	sdelay $0x3  }
0x6d: {  	v3 =	vshll.u32 v2, $0x10  }
0x6e: {  	v1 =	vmul.f32 v3, v1;
	_ =	sdelay $0x1  }
0x6f: {  	[tilespmem:$0xF060] =	vst v1  }
0x70: {  	v1 =	vld [tilespmem:s1+$0x7870];
	_ =	sdelay $0x7  }
0x71: {  	v1 =	vld.idx.msk [tilespmem:v1+s3+$0x0], $0xffff;
	_ =	sdelay $0x3  }
0x72: {  	v2 =	vand.u32 $0xFFFF0000, v2  }
0x73: {  	v1 =	vmul.f32 v2, v1;
	_ =	sdelay $0x1  }
0x74: {  	s21 =	sshllo.u32 s0, $0x1;
	[tilespmem:$0xF070] =	vst v1  }
0x75: {  	s19 =	sshll.u32 s21, $0x7;
	_ =	swait.ge [sflag:s24], $0x1000  }
0x76: {  	s4 =	sand.u32 $0x3FFFFF80, s19;
	[sflag:s24] =	ssyncset.done $0x0  }
0x77: {  	p0 =	seq.s32 s0, $0x0;
	s4 =	sadd.s32 $0x2800, s4;
	[sflag:s24] =	ssyncadd.s32 $0xFFFFF000  }
0x78: {  	[tilespmem:s25], [sflag:$0x2] =	stream.indirect.gather [hbm4b:s5+s18], $0x20, s4, s18, $0xb8;
	[tilespmem:$0x1F080] =	vst v63  }
0x79: {  	s4 =	simm.s32 @!p0 $0x3  }
0x7a: {  	_ =	swait.ge @!p0 [sflag:s4], $0x2000  }
0x7b: {  	s20 =	sadd.s32 $0x7800, s1;
	s21 =	simm.s32 $0x11480;
	[sflag:s4] =	ssyncset.done @!p0 $0x0  }
0x7c: {  	s1 =	simm.s32 $0xF280;
	[sflag:s4] =	ssyncadd.s32 @!p0 $0xFFFFE000;
	s4 =	simm.s32 $0x0  }
.LBB2_5:
0x7d: {  	s16 =	sshra.s32 s4, $0x2  }
0x7e: {  	v1 =	vld [tilespmem:s16+$0xF000]  }
0x7f: {  	v2 =	vld [tilespmem:s1+$0xFFFFFE00];
	_ =	sdelay $0x3  }
0x80: {  	v3 =	vbroadcast v1, $0x0  }
0x81: {  	v4 =	vshll.u32 v2, $0x10  }
0x82: {  	v2 =	vand.u32 $0xFFFF0000, v2;
	v4 =	vmul.f32 v4, v3  }
0x83: {  	v2 =	vmul.f32 v2, v3  }
0x84: {  	[tilespmem:s21+$0xFFFFFC00] =	vst v4  }
0x85: {  	[tilespmem:s21+$0xFFFFFC10] =	vst v2  }
0x86: {  	v2 =	vld [tilespmem:s1+$0xFFFFFE10];
	_ =	sdelay $0x4  }
0x87: {  	v61 =	vshll.u32 v2, $0x10  }
0x88: {  	v2 =	vand.u32 $0xFFFF0000, v2;
	v4 =	vmul.f32 v61, v3  }
0x89: {  	v2 =	vmul.f32 v2, v3  }
0x8a: {  	[tilespmem:s21+$0xFFFFFC20] =	vst v4  }
0x8b: {  	[tilespmem:s21+$0xFFFFFC30] =	vst v2  }
0x8c: {  	v2 =	vld [tilespmem:s1+$0xFFFFFE20];
	_ =	sdelay $0x3  }
0x8d: {  	v3 =	vbroadcast v1, $0x1  }
0x8e: {  	v62 =	vshll.u32 v2, $0x10  }
0x8f: {  	v2 =	vand.u32 $0xFFFF0000, v2;
	v4 =	vmul.f32 v62, v3  }
0x90: {  	v2 =	vmul.f32 v2, v3  }
0x91: {  	[tilespmem:s21+$0xFFFFFC40] =	vst v4  }
0x92: {  	[tilespmem:s21+$0xFFFFFC50] =	vst v2  }
0x93: {  	v2 =	vld [tilespmem:s1+$0xFFFFFE30];
	_ =	sdelay $0x4  }
0x94: {  	v63 =	vshll.u32 v2, $0x10  }
0x95: {  	v2 =	vand.u32 $0xFFFF0000, v2;
	v4 =	vmul.f32 v63, v3  }
0x96: {  	v2 =	vmul.f32 v2, v3  }
0x97: {  	[tilespmem:s21+$0xFFFFFC60] =	vst v4  }
0x98: {  	[tilespmem:s21+$0xFFFFFC70] =	vst v2  }
0x99: {  	v2 =	vld [tilespmem:s1+$0xFFFFFE40];
	_ =	sdelay $0x3  }
0x9a: {  	v3 =	vbroadcast v1, $0x2  }
0x9b: {  	v8 =	vshll.u32 v2, $0x10  }
0x9c: {  	v2 =	vand.u32 $0xFFFF0000, v2;
	v4 =	vmul.f32 v8, v3  }
0x9d: {  	v2 =	vmul.f32 v2, v3  }
0x9e: {  	[tilespmem:s21+$0xFFFFFC80] =	vst v4  }
0x9f: {  	[tilespmem:s21+$0xFFFFFC90] =	vst v2  }
0xa0: {  	v2 =	vld [tilespmem:s1+$0xFFFFFE50];
	_ =	sdelay $0x4  }
0xa1: {  	v9 =	vshll.u32 v2, $0x10  }
0xa2: {  	v2 =	vand.u32 $0xFFFF0000, v2;
	v4 =	vmul.f32 v9, v3  }
0xa3: {  	v2 =	vmul.f32 v2, v3  }
0xa4: {  	[tilespmem:s21+$0xFFFFFCA0] =	vst v4  }
0xa5: {  	[tilespmem:s21+$0xFFFFFCB0] =	vst v2  }
0xa6: {  	v2 =	vld [tilespmem:s1+$0xFFFFFE60];
	_ =	sdelay $0x3  }
0xa7: {  	v3 =	vbroadcast v1, $0x3  }
0xa8: {  	v10 =	vshll.u32 v2, $0x10  }
0xa9: {  	v2 =	vand.u32 $0xFFFF0000, v2;
	v4 =	vmul.f32 v10, v3  }
0xaa: {  	v2 =	vmul.f32 v2, v3  }
0xab: {  	[tilespmem:s21+$0xFFFFFCC0] =	vst v4  }
0xac: {  	[tilespmem:s21+$0xFFFFFCD0] =	vst v2  }
0xad: {  	v2 =	vld [tilespmem:s1+$0xFFFFFE70];
	_ =	sdelay $0x4  }
0xae: {  	v11 =	vshll.u32 v2, $0x10  }
0xaf: {  	v2 =	vand.u32 $0xFFFF0000, v2;
	v4 =	vmul.f32 v11, v3  }
0xb0: {  	v2 =	vmul.f32 v2, v3  }
0xb1: {  	[tilespmem:s21+$0xFFFFFCE0] =	vst v4  }
0xb2: {  	[tilespmem:s21+$0xFFFFFCF0] =	vst v2  }
0xb3: {  	v2 =	vld [tilespmem:s1+$0xFFFFFE80];
	_ =	sdelay $0x3  }
0xb4: {  	v3 =	vbroadcast v1, $0x4  }
0xb5: {  	v12 =	vshll.u32 v2, $0x10  }
0xb6: {  	v2 =	vand.u32 $0xFFFF0000, v2;
	v4 =	vmul.f32 v12, v3  }
0xb7: {  	v2 =	vmul.f32 v2, v3  }
0xb8: {  	[tilespmem:s21+$0xFFFFFD00] =	vst v4  }
0xb9: {  	[tilespmem:s21+$0xFFFFFD10] =	vst v2  }
0xba: {  	v2 =	vld [tilespmem:s1+$0xFFFFFE90];
	_ =	sdelay $0x4  }
0xbb: {  	v13 =	vshll.u32 v2, $0x10  }
0xbc: {  	v2 =	vand.u32 $0xFFFF0000, v2;
	v4 =	vmul.f32 v13, v3  }
0xbd: {  	v2 =	vmul.f32 v2, v3  }
0xbe: {  	[tilespmem:s21+$0xFFFFFD20] =	vst v4  }
0xbf: {  	[tilespmem:s21+$0xFFFFFD30] =	vst v2  }
0xc0: {  	v2 =	vld [tilespmem:s1+$0xFFFFFEA0];
	_ =	sdelay $0x3  }
0xc1: {  	v3 =	vbroadcast v1, $0x5  }
0xc2: {  	v14 =	vshll.u32 v2, $0x10  }
0xc3: {  	v2 =	vand.u32 $0xFFFF0000, v2;
	v4 =	vmul.f32 v14, v3  }
0xc4: {  	v2 =	vmul.f32 v2, v3  }
0xc5: {  	[tilespmem:s21+$0xFFFFFD40] =	vst v4  }
0xc6: {  	[tilespmem:s21+$0xFFFFFD50] =	vst v2  }
0xc7: {  	v2 =	vld [tilespmem:s1+$0xFFFFFEB0];
	_ =	sdelay $0x4  }
0xc8: {  	v15 =	vshll.u32 v2, $0x10  }
0xc9: {  	v2 =	vand.u32 $0xFFFF0000, v2;
	v4 =	vmul.f32 v15, v3  }
0xca: {  	v2 =	vmul.f32 v2, v3  }
0xcb: {  	[tilespmem:s21+$0xFFFFFD60] =	vst v4  }
0xcc: {  	[tilespmem:s21+$0xFFFFFD70] =	vst v2  }
0xcd: {  	v2 =	vld [tilespmem:s1+$0xFFFFFEC0];
	_ =	sdelay $0x3  }
0xce: {  	v3 =	vbroadcast v1, $0x6  }
0xcf: {  	v16 =	vshll.u32 v2, $0x10  }
0xd0: {  	v2 =	vand.u32 $0xFFFF0000, v2;
	v4 =	vmul.f32 v16, v3  }
0xd1: {  	v2 =	vmul.f32 v2, v3  }
0xd2: {  	[tilespmem:s21+$0xFFFFFD80] =	vst v4  }
0xd3: {  	[tilespmem:s21+$0xFFFFFD90] =	vst v2  }
0xd4: {  	v2 =	vld [tilespmem:s1+$0xFFFFFED0];
	_ =	sdelay $0x4  }
0xd5: {  	v17 =	vshll.u32 v2, $0x10  }
0xd6: {  	v2 =	vand.u32 $0xFFFF0000, v2;
	v4 =	vmul.f32 v17, v3  }
0xd7: {  	v2 =	vmul.f32 v2, v3  }
0xd8: {  	[tilespmem:s21+$0xFFFFFDA0] =	vst v4  }
0xd9: {  	[tilespmem:s21+$0xFFFFFDB0] =	vst v2  }
0xda: {  	v2 =	vld [tilespmem:s1+$0xFFFFFEE0];
	_ =	sdelay $0x3  }
0xdb: {  	v3 =	vbroadcast v1, $0x7  }
0xdc: {  	v18 =	vshll.u32 v2, $0x10  }
0xdd: {  	v2 =	vand.u32 $0xFFFF0000, v2;
	v4 =	vmul.f32 v18, v3  }
0xde: {  	v2 =	vmul.f32 v2, v3  }
0xdf: {  	[tilespmem:s21+$0xFFFFFDC0] =	vst v4  }
0xe0: {  	[tilespmem:s21+$0xFFFFFDD0] =	vst v2  }
0xe1: {  	v2 =	vld [tilespmem:s1+$0xFFFFFEF0];
	_ =	sdelay $0x4  }
0xe2: {  	v19 =	vshll.u32 v2, $0x10  }
0xe3: {  	v2 =	vand.u32 $0xFFFF0000, v2;
	v4 =	vmul.f32 v19, v3  }
0xe4: {  	v2 =	vmul.f32 v2, v3  }
0xe5: {  	[tilespmem:s21+$0xFFFFFDE0] =	vst v4  }
0xe6: {  	[tilespmem:s21+$0xFFFFFDF0] =	vst v2  }
0xe7: {  	v2 =	vld [tilespmem:s1+$0xFFFFFF00];
	_ =	sdelay $0x3  }
0xe8: {  	v3 =	vbroadcast v1, $0x8  }
0xe9: {  	v20 =	vshll.u32 v2, $0x10  }
0xea: {  	v2 =	vand.u32 $0xFFFF0000, v2;
	v4 =	vmul.f32 v20, v3  }
0xeb: {  	v2 =	vmul.f32 v2, v3  }
0xec: {  	[tilespmem:s21+$0xFFFFFE00] =	vst v4  }
0xed: {  	[tilespmem:s21+$0xFFFFFE10] =	vst v2  }
0xee: {  	v2 =	vld [tilespmem:s1+$0xFFFFFF10];
	_ =	sdelay $0x4  }
0xef: {  	v21 =	vshll.u32 v2, $0x10  }
0xf0: {  	v2 =	vand.u32 $0xFFFF0000, v2;
	v4 =	vmul.f32 v21, v3  }
0xf1: {  	v2 =	vmul.f32 v2, v3  }
0xf2: {  	[tilespmem:s21+$0xFFFFFE20] =	vst v4  }
0xf3: {  	[tilespmem:s21+$0xFFFFFE30] =	vst v2  }
0xf4: {  	v2 =	vld [tilespmem:s1+$0xFFFFFF20];
	_ =	sdelay $0x3  }
0xf5: {  	v3 =	vbroadcast v1, $0x9  }
0xf6: {  	v22 =	vshll.u32 v2, $0x10  }
0xf7: {  	v2 =	vand.u32 $0xFFFF0000, v2;
	v4 =	vmul.f32 v22, v3  }
0xf8: {  	v2 =	vmul.f32 v2, v3  }
0xf9: {  	[tilespmem:s21+$0xFFFFFE40] =	vst v4  }
0xfa: {  	[tilespmem:s21+$0xFFFFFE50] =	vst v2  }
0xfb: {  	v2 =	vld [tilespmem:s1+$0xFFFFFF30];
	_ =	sdelay $0x4  }
0xfc: {  	v23 =	vshll.u32 v2, $0x10  }
0xfd: {  	v2 =	vand.u32 $0xFFFF0000, v2;
	v4 =	vmul.f32 v23, v3  }
0xfe: {  	v2 =	vmul.f32 v2, v3  }
0xff: {  	[tilespmem:s21+$0xFFFFFE60] =	vst v4  }
0x100: {  	[tilespmem:s21+$0xFFFFFE70] =	vst v2  }
0x101: {  	v2 =	vld [tilespmem:s1+$0xFFFFFF40];
	_ =	sdelay $0x3  }
0x102: {  	v3 =	vbroadcast v1, $0xA  }
0x103: {  	v24 =	vshll.u32 v2, $0x10  }
0x104: {  	v2 =	vand.u32 $0xFFFF0000, v2;
	v4 =	vmul.f32 v24, v3  }
0x105: {  	v2 =	vmul.f32 v2, v3  }
0x106: {  	[tilespmem:s21+$0xFFFFFE80] =	vst v4  }
0x107: {  	[tilespmem:s21+$0xFFFFFE90] =	vst v2  }
0x108: {  	v2 =	vld [tilespmem:s1+$0xFFFFFF50];
	_ =	sdelay $0x4  }
0x109: {  	v25 =	vshll.u32 v2, $0x10  }
0x10a: {  	v2 =	vand.u32 $0xFFFF0000, v2;
	v4 =	vmul.f32 v25, v3  }
0x10b: {  	v2 =	vmul.f32 v2, v3  }
0x10c: {  	[tilespmem:s21+$0xFFFFFEA0] =	vst v4  }
0x10d: {  	[tilespmem:s21+$0xFFFFFEB0] =	vst v2  }
0x10e: {  	v2 =	vld [tilespmem:s1+$0xFFFFFF60];
	_ =	sdelay $0x3  }
0x10f: {  	v3 =	vbroadcast v1, $0xB  }
0x110: {  	v26 =	vshll.u32 v2, $0x10  }
0x111: {  	v2 =	vand.u32 $0xFFFF0000, v2;
	v4 =	vmul.f32 v26, v3  }
0x112: {  	v2 =	vmul.f32 v2, v3  }
0x113: {  	[tilespmem:s21+$0xFFFFFEC0] =	vst v4  }
0x114: {  	[tilespmem:s21+$0xFFFFFED0] =	vst v2  }
0x115: {  	v2 =	vld [tilespmem:s1+$0xFFFFFF70];
	_ =	sdelay $0x4  }
0x116: {  	v27 =	vshll.u32 v2, $0x10  }
0x117: {  	v2 =	vand.u32 $0xFFFF0000, v2;
	v4 =	vmul.f32 v27, v3  }
0x118: {  	v2 =	vmul.f32 v2, v3  }
0x119: {  	[tilespmem:s21+$0xFFFFFEE0] =	vst v4  }
0x11a: {  	[tilespmem:s21+$0xFFFFFEF0] =	vst v2  }
0x11b: {  	v2 =	vld [tilespmem:s1+$0xFFFFFF80];
	_ =	sdelay $0x3  }
0x11c: {  	v3 =	vbroadcast v1, $0xC  }
0x11d: {  	v28 =	vshll.u32 v2, $0x10  }
0x11e: {  	v2 =	vand.u32 $0xFFFF0000, v2;
	v4 =	vmul.f32 v28, v3  }
0x11f: {  	v2 =	vmul.f32 v2, v3  }
0x120: {  	[tilespmem:s21+$0xFFFFFF00] =	vst v4  }
0x121: {  	[tilespmem:s21+$0xFFFFFF10] =	vst v2  }
0x122: {  	v2 =	vld [tilespmem:s1+$0xFFFFFF90];
	_ =	sdelay $0x4  }
0x123: {  	v29 =	vshll.u32 v2, $0x10  }
0x124: {  	v2 =	vand.u32 $0xFFFF0000, v2;
	v4 =	vmul.f32 v29, v3  }
0x125: {  	v2 =	vmul.f32 v2, v3  }
0x126: {  	[tilespmem:s21+$0xFFFFFF20] =	vst v4  }
0x127: {  	[tilespmem:s21+$0xFFFFFF30] =	vst v2  }
0x128: {  	v2 =	vld [tilespmem:s1+$0xFFFFFFA0];
	_ =	sdelay $0x3  }
0x129: {  	v3 =	vbroadcast v1, $0xD  }
0x12a: {  	v30 =	vshll.u32 v2, $0x10  }
0x12b: {  	v2 =	vand.u32 $0xFFFF0000, v2;
	v4 =	vmul.f32 v30, v3  }
0x12c: {  	v2 =	vmul.f32 v2, v3  }
0x12d: {  	[tilespmem:s21+$0xFFFFFF40] =	vst v4  }
0x12e: {  	[tilespmem:s21+$0xFFFFFF50] =	vst v2  }
0x12f: {  	v2 =	vld [tilespmem:s1+$0xFFFFFFB0];
	_ =	sdelay $0x4  }
0x130: {  	v31 =	vshll.u32 v2, $0x10  }
0x131: {  	v2 =	vand.u32 $0xFFFF0000, v2;
	v4 =	vmul.f32 v31, v3  }
0x132: {  	v2 =	vmul.f32 v2, v3  }
0x133: {  	[tilespmem:s21+$0xFFFFFF60] =	vst v4  }
0x134: {  	[tilespmem:s21+$0xFFFFFF70] =	vst v2  }
0x135: {  	v2 =	vld [tilespmem:s1+$0xFFFFFFC0];
	_ =	sdelay $0x3  }
0x136: {  	v3 =	vbroadcast v1, $0xE  }
0x137: {  	v32 =	vshll.u32 v2, $0x10  }
0x138: {  	v2 =	vand.u32 $0xFFFF0000, v2;
	v4 =	vmul.f32 v32, v3  }
0x139: {  	v2 =	vmul.f32 v2, v3  }
0x13a: {  	[tilespmem:s21+$0xFFFFFF80] =	vst v4  }
0x13b: {  	[tilespmem:s21+$0xFFFFFF90] =	vst v2  }
0x13c: {  	v2 =	vld [tilespmem:s1+$0xFFFFFFD0];
	_ =	sdelay $0x4  }
0x13d: {  	v33 =	vshll.u32 v2, $0x10  }
0x13e: {  	v2 =	vand.u32 $0xFFFF0000, v2;
	v4 =	vmul.f32 v33, v3  }
0x13f: {  	v2 =	vmul.f32 v2, v3  }
0x140: {  	[tilespmem:s21+$0xFFFFFFA0] =	vst v4  }
0x141: {  	[tilespmem:s21+$0xFFFFFFB0] =	vst v2  }
0x142: {  	v2 =	vld [tilespmem:s1+$0xFFFFFFE0];
	_ =	sdelay $0x3  }
0x143: {  	v1 =	vbroadcast v1, $0xF  }
0x144: {  	v3 =	vshll.u32 v2, $0x10  }
0x145: {  	v2 =	vand.u32 $0xFFFF0000, v2;
	v3 =	vmul.f32 v3, v1  }
0x146: {  	v2 =	vmul.f32 v2, v1  }
0x147: {  	[tilespmem:s21+$0xFFFFFFC0] =	vst v3  }
0x148: {  	[tilespmem:s21+$0xFFFFFFD0] =	vst v2  }
0x149: {  	v2 =	vld [tilespmem:s1+$0xFFFFFFF0];
	_ =	sdelay $0x4  }
0x14a: {  	v3 =	vshll.u32 v2, $0x10  }
0x14b: {  	v2 =	vand.u32 $0xFFFF0000, v2;
	v3 =	vmul.f32 v3, v1  }
0x14c: {  	v1 =	vmul.f32 v2, v1  }
0x14d: {  	[tilespmem:s21+$0xFFFFFFE0] =	vst v3  }
0x14e: {  	[tilespmem:s21+$0xFFFFFFF0] =	vst v1  }
0x14f: {  	v1 =	vld [tilespmem:s16+$0xF010]  }
0x150: {  	v2 =	vld [tilespmem:s1+$0x0];
	_ =	sdelay $0x3  }
0x151: {  	v3 =	vbroadcast v1, $0x0  }
0x152: {  	v34 =	vshll.u32 v2, $0x10  }
0x153: {  	v2 =	vand.u32 $0xFFFF0000, v2;
	v4 =	vmul.f32 v34, v3  }
0x154: {  	v2 =	vmul.f32 v2, v3  }
0x155: {  	[tilespmem:s21+$0x0] =	vst v4  }
0x156: {  	[tilespmem:s21+$0x10] =	vst v2  }
0x157: {  	v2 =	vld [tilespmem:s1+$0x10];
	_ =	sdelay $0x4  }
0x158: {  	v35 =	vshll.u32 v2, $0x10  }
0x159: {  	v2 =	vand.u32 $0xFFFF0000, v2;
	v4 =	vmul.f32 v35, v3  }
0x15a: {  	v2 =	vmul.f32 v2, v3  }
0x15b: {  	[tilespmem:s21+$0x20] =	vst v4  }
0x15c: {  	[tilespmem:s21+$0x30] =	vst v2  }
0x15d: {  	v2 =	vld [tilespmem:s1+$0x20];
	_ =	sdelay $0x3  }
0x15e: {  	v3 =	vbroadcast v1, $0x1  }
0x15f: {  	v36 =	vshll.u32 v2, $0x10  }
0x160: {  	v2 =	vand.u32 $0xFFFF0000, v2;
	v4 =	vmul.f32 v36, v3  }
0x161: {  	v2 =	vmul.f32 v2, v3  }
0x162: {  	[tilespmem:s21+$0x40] =	vst v4  }
0x163: {  	[tilespmem:s21+$0x50] =	vst v2  }
0x164: {  	v2 =	vld [tilespmem:s1+$0x30];
	_ =	sdelay $0x4  }
0x165: {  	v37 =	vshll.u32 v2, $0x10  }
0x166: {  	v2 =	vand.u32 $0xFFFF0000, v2;
	v4 =	vmul.f32 v37, v3  }
0x167: {  	v2 =	vmul.f32 v2, v3  }
0x168: {  	[tilespmem:s21+$0x60] =	vst v4  }
0x169: {  	[tilespmem:s21+$0x70] =	vst v2  }
0x16a: {  	v2 =	vld [tilespmem:s1+$0x40];
	_ =	sdelay $0x3  }
0x16b: {  	v3 =	vbroadcast v1, $0x2  }
0x16c: {  	v38 =	vshll.u32 v2, $0x10  }
0x16d: {  	v2 =	vand.u32 $0xFFFF0000, v2;
	v4 =	vmul.f32 v38, v3  }
0x16e: {  	v2 =	vmul.f32 v2, v3  }
0x16f: {  	[tilespmem:s21+$0x80] =	vst v4  }
0x170: {  	[tilespmem:s21+$0x90] =	vst v2  }
0x171: {  	v2 =	vld [tilespmem:s1+$0x50];
	_ =	sdelay $0x4  }
0x172: {  	v39 =	vshll.u32 v2, $0x10  }
0x173: {  	v2 =	vand.u32 $0xFFFF0000, v2;
	v4 =	vmul.f32 v39, v3  }
0x174: {  	v2 =	vmul.f32 v2, v3  }
0x175: {  	[tilespmem:s21+$0xA0] =	vst v4  }
0x176: {  	[tilespmem:s21+$0xB0] =	vst v2  }
0x177: {  	v2 =	vld [tilespmem:s1+$0x60];
	_ =	sdelay $0x3  }
0x178: {  	v3 =	vbroadcast v1, $0x3  }
0x179: {  	v40 =	vshll.u32 v2, $0x10  }
0x17a: {  	v2 =	vand.u32 $0xFFFF0000, v2;
	v4 =	vmul.f32 v40, v3  }
0x17b: {  	v2 =	vmul.f32 v2, v3  }
0x17c: {  	[tilespmem:s21+$0xC0] =	vst v4  }
0x17d: {  	[tilespmem:s21+$0xD0] =	vst v2  }
0x17e: {  	v2 =	vld [tilespmem:s1+$0x70];
	_ =	sdelay $0x4  }
0x17f: {  	v41 =	vshll.u32 v2, $0x10  }
0x180: {  	v2 =	vand.u32 $0xFFFF0000, v2;
	v4 =	vmul.f32 v41, v3  }
0x181: {  	v2 =	vmul.f32 v2, v3  }
0x182: {  	[tilespmem:s21+$0xE0] =	vst v4  }
0x183: {  	[tilespmem:s21+$0xF0] =	vst v2  }
0x184: {  	v2 =	vld [tilespmem:s1+$0x80];
	_ =	sdelay $0x3  }
0x185: {  	v3 =	vbroadcast v1, $0x4  }
0x186: {  	v42 =	vshll.u32 v2, $0x10  }
0x187: {  	v2 =	vand.u32 $0xFFFF0000, v2;
	v4 =	vmul.f32 v42, v3  }
0x188: {  	v2 =	vmul.f32 v2, v3  }
0x189: {  	[tilespmem:s21+$0x100] =	vst v4  }
0x18a: {  	[tilespmem:s21+$0x110] =	vst v2  }
0x18b: {  	v2 =	vld [tilespmem:s1+$0x90];
	_ =	sdelay $0x4  }
0x18c: {  	v43 =	vshll.u32 v2, $0x10  }
0x18d: {  	v2 =	vand.u32 $0xFFFF0000, v2;
	v4 =	vmul.f32 v43, v3  }
0x18e: {  	v2 =	vmul.f32 v2, v3  }
0x18f: {  	[tilespmem:s21+$0x120] =	vst v4  }
0x190: {  	[tilespmem:s21+$0x130] =	vst v2  }
0x191: {  	v2 =	vld [tilespmem:s1+$0xA0];
	_ =	sdelay $0x3  }
0x192: {  	v3 =	vbroadcast v1, $0x5  }
0x193: {  	v44 =	vshll.u32 v2, $0x10  }
0x194: {  	v2 =	vand.u32 $0xFFFF0000, v2;
	v4 =	vmul.f32 v44, v3  }
0x195: {  	v2 =	vmul.f32 v2, v3  }
0x196: {  	[tilespmem:s21+$0x140] =	vst v4  }
0x197: {  	[tilespmem:s21+$0x150] =	vst v2  }
0x198: {  	v2 =	vld [tilespmem:s1+$0xB0];
	_ =	sdelay $0x4  }
0x199: {  	v45 =	vshll.u32 v2, $0x10  }
0x19a: {  	v2 =	vand.u32 $0xFFFF0000, v2;
	v4 =	vmul.f32 v45, v3  }
0x19b: {  	v2 =	vmul.f32 v2, v3  }
0x19c: {  	[tilespmem:s21+$0x160] =	vst v4  }
0x19d: {  	[tilespmem:s21+$0x170] =	vst v2  }
0x19e: {  	v2 =	vld [tilespmem:s1+$0xC0];
	_ =	sdelay $0x3  }
0x19f: {  	v3 =	vbroadcast v1, $0x6  }
0x1a0: {  	v46 =	vshll.u32 v2, $0x10  }
0x1a1: {  	v2 =	vand.u32 $0xFFFF0000, v2;
	v4 =	vmul.f32 v46, v3  }
0x1a2: {  	v2 =	vmul.f32 v2, v3  }
0x1a3: {  	[tilespmem:s21+$0x180] =	vst v4  }
0x1a4: {  	[tilespmem:s21+$0x190] =	vst v2  }
0x1a5: {  	v2 =	vld [tilespmem:s1+$0xD0];
	_ =	sdelay $0x4  }
0x1a6: {  	v47 =	vshll.u32 v2, $0x10  }
0x1a7: {  	v2 =	vand.u32 $0xFFFF0000, v2;
	v4 =	vmul.f32 v47, v3  }
0x1a8: {  	v2 =	vmul.f32 v2, v3  }
0x1a9: {  	[tilespmem:s21+$0x1A0] =	vst v4  }
0x1aa: {  	[tilespmem:s21+$0x1B0] =	vst v2  }
0x1ab: {  	v2 =	vld [tilespmem:s1+$0xE0];
	_ =	sdelay $0x3  }
0x1ac: {  	v3 =	vbroadcast v1, $0x7  }
0x1ad: {  	v48 =	vshll.u32 v2, $0x10  }
0x1ae: {  	v2 =	vand.u32 $0xFFFF0000, v2;
	v4 =	vmul.f32 v48, v3  }
0x1af: {  	v2 =	vmul.f32 v2, v3  }
0x1b0: {  	[tilespmem:s21+$0x1C0] =	vst v4  }
0x1b1: {  	[tilespmem:s21+$0x1D0] =	vst v2  }
0x1b2: {  	v2 =	vld [tilespmem:s1+$0xF0];
	_ =	sdelay $0x4  }
0x1b3: {  	v49 =	vshll.u32 v2, $0x10  }
0x1b4: {  	v2 =	vand.u32 $0xFFFF0000, v2;
	v4 =	vmul.f32 v49, v3  }
0x1b5: {  	v2 =	vmul.f32 v2, v3  }
0x1b6: {  	[tilespmem:s21+$0x1E0] =	vst v4  }
0x1b7: {  	[tilespmem:s21+$0x1F0] =	vst v2  }
0x1b8: {  	v2 =	vld [tilespmem:s1+$0x100];
	_ =	sdelay $0x3  }
0x1b9: {  	v3 =	vbroadcast v1, $0x8  }
0x1ba: {  	v50 =	vshll.u32 v2, $0x10  }
0x1bb: {  	v2 =	vand.u32 $0xFFFF0000, v2;
	v4 =	vmul.f32 v50, v3  }
0x1bc: {  	v2 =	vmul.f32 v2, v3  }
0x1bd: {  	[tilespmem:s21+$0x200] =	vst v4  }
0x1be: {  	[tilespmem:s21+$0x210] =	vst v2  }
0x1bf: {  	v2 =	vld [tilespmem:s1+$0x110];
	_ =	sdelay $0x4  }
0x1c0: {  	v51 =	vshll.u32 v2, $0x10  }
0x1c1: {  	v2 =	vand.u32 $0xFFFF0000, v2;
	v4 =	vmul.f32 v51, v3  }
0x1c2: {  	v2 =	vmul.f32 v2, v3  }
0x1c3: {  	[tilespmem:s21+$0x220] =	vst v4  }
0x1c4: {  	[tilespmem:s21+$0x230] =	vst v2  }
0x1c5: {  	v2 =	vld [tilespmem:s1+$0x120];
	_ =	sdelay $0x3  }
0x1c6: {  	v3 =	vbroadcast v1, $0x9  }
0x1c7: {  	v52 =	vshll.u32 v2, $0x10  }
0x1c8: {  	v2 =	vand.u32 $0xFFFF0000, v2;
	v4 =	vmul.f32 v52, v3  }
0x1c9: {  	v2 =	vmul.f32 v2, v3  }
0x1ca: {  	[tilespmem:s21+$0x240] =	vst v4  }
0x1cb: {  	[tilespmem:s21+$0x250] =	vst v2  }
0x1cc: {  	v2 =	vld [tilespmem:s1+$0x130];
	_ =	sdelay $0x4  }
0x1cd: {  	v53 =	vshll.u32 v2, $0x10  }
0x1ce: {  	v2 =	vand.u32 $0xFFFF0000, v2;
	v4 =	vmul.f32 v53, v3  }
0x1cf: {  	v2 =	vmul.f32 v2, v3  }
0x1d0: {  	[tilespmem:s21+$0x260] =	vst v4  }
0x1d1: {  	[tilespmem:s21+$0x270] =	vst v2  }
0x1d2: {  	v2 =	vld [tilespmem:s1+$0x140];
	_ =	sdelay $0x3  }
0x1d3: {  	v3 =	vbroadcast v1, $0xA  }
0x1d4: {  	v54 =	vshll.u32 v2, $0x10  }
0x1d5: {  	v2 =	vand.u32 $0xFFFF0000, v2;
	v4 =	vmul.f32 v54, v3  }
0x1d6: {  	v2 =	vmul.f32 v2, v3  }
0x1d7: {  	[tilespmem:s21+$0x280] =	vst v4  }
0x1d8: {  	[tilespmem:s21+$0x290] =	vst v2  }
0x1d9: {  	v2 =	vld [tilespmem:s1+$0x150];
	_ =	sdelay $0x4  }
0x1da: {  	v55 =	vshll.u32 v2, $0x10  }
0x1db: {  	v2 =	vand.u32 $0xFFFF0000, v2;
	v4 =	vmul.f32 v55, v3  }
0x1dc: {  	v2 =	vmul.f32 v2, v3  }
0x1dd: {  	[tilespmem:s21+$0x2A0] =	vst v4  }
0x1de: {  	[tilespmem:s21+$0x2B0] =	vst v2  }
0x1df: {  	v2 =	vld [tilespmem:s1+$0x160];
	_ =	sdelay $0x3  }
0x1e0: {  	v3 =	vbroadcast v1, $0xB  }
0x1e1: {  	v56 =	vshll.u32 v2, $0x10  }
0x1e2: {  	v2 =	vand.u32 $0xFFFF0000, v2;
	v4 =	vmul.f32 v56, v3  }
0x1e3: {  	v2 =	vmul.f32 v2, v3  }
0x1e4: {  	[tilespmem:s21+$0x2C0] =	vst v4  }
0x1e5: {  	[tilespmem:s21+$0x2D0] =	vst v2  }
0x1e6: {  	v2 =	vld [tilespmem:s1+$0x170];
	_ =	sdelay $0x4  }
0x1e7: {  	v57 =	vshll.u32 v2, $0x10  }
0x1e8: {  	v2 =	vand.u32 $0xFFFF0000, v2;
	v4 =	vmul.f32 v57, v3  }
0x1e9: {  	v2 =	vmul.f32 v2, v3  }
0x1ea: {  	[tilespmem:s21+$0x2E0] =	vst v4  }
0x1eb: {  	[tilespmem:s21+$0x2F0] =	vst v2  }
0x1ec: {  	v2 =	vld [tilespmem:s1+$0x180];
	_ =	sdelay $0x3  }
0x1ed: {  	v3 =	vbroadcast v1, $0xC  }
0x1ee: {  	v58 =	vshll.u32 v2, $0x10  }
0x1ef: {  	v2 =	vand.u32 $0xFFFF0000, v2;
	v4 =	vmul.f32 v58, v3  }
0x1f0: {  	v2 =	vmul.f32 v2, v3  }
0x1f1: {  	[tilespmem:s21+$0x300] =	vst v4  }
0x1f2: {  	[tilespmem:s21+$0x310] =	vst v2  }
0x1f3: {  	v2 =	vld [tilespmem:s1+$0x190];
	_ =	sdelay $0x4  }
0x1f4: {  	v59 =	vshll.u32 v2, $0x10  }
0x1f5: {  	v2 =	vand.u32 $0xFFFF0000, v2;
	v4 =	vmul.f32 v59, v3  }
0x1f6: {  	v2 =	vmul.f32 v2, v3  }
0x1f7: {  	[tilespmem:s21+$0x320] =	vst v4  }
0x1f8: {  	[tilespmem:s21+$0x330] =	vst v2  }
0x1f9: {  	v2 =	vld [tilespmem:s1+$0x1A0];
	_ =	sdelay $0x3  }
0x1fa: {  	v3 =	vbroadcast v1, $0xD  }
0x1fb: {  	v60 =	vshll.u32 v2, $0x10  }
0x1fc: {  	v2 =	vand.u32 $0xFFFF0000, v2;
	v4 =	vmul.f32 v60, v3  }
0x1fd: {  	v2 =	vmul.f32 v2, v3  }
0x1fe: {  	[tilespmem:s21+$0x340] =	vst v4  }
0x1ff: {  	[tilespmem:s21+$0x350] =	vst v2  }
0x200: {  	v2 =	vld [tilespmem:s1+$0x1B0];
	_ =	sdelay $0x4  }
0x201: {  	v61 =	vshll.u32 v2, $0x10  }
0x202: {  	v2 =	vand.u32 $0xFFFF0000, v2;
	v4 =	vmul.f32 v61, v3  }
0x203: {  	v2 =	vmul.f32 v2, v3  }
0x204: {  	[tilespmem:s21+$0x360] =	vst v4  }
0x205: {  	[tilespmem:s21+$0x370] =	vst v2  }
0x206: {  	v2 =	vld [tilespmem:s1+$0x1C0];
	_ =	sdelay $0x3  }
0x207: {  	v3 =	vbroadcast v1, $0xE  }
0x208: {  	v62 =	vshll.u32 v2, $0x10  }
0x209: {  	v2 =	vand.u32 $0xFFFF0000, v2;
	v4 =	vmul.f32 v62, v3  }
0x20a: {  	v2 =	vmul.f32 v2, v3  }
0x20b: {  	[tilespmem:s21+$0x380] =	vst v4  }
0x20c: {  	[tilespmem:s21+$0x390] =	vst v2  }
0x20d: {  	v2 =	vld [tilespmem:s1+$0x1D0];
	_ =	sdelay $0x4  }
0x20e: {  	v63 =	vshll.u32 v2, $0x10  }
0x20f: {  	v2 =	vand.u32 $0xFFFF0000, v2;
	v4 =	vmul.f32 v63, v3  }
0x210: {  	v2 =	vmul.f32 v2, v3  }
0x211: {  	[tilespmem:s21+$0x3A0] =	vst v4  }
0x212: {  	[tilespmem:s21+$0x3B0] =	vst v2  }
0x213: {  	v2 =	vld [tilespmem:s1+$0x1E0];
	_ =	sdelay $0x3  }
0x214: {  	v1 =	vbroadcast v1, $0xF  }
0x215: {  	v3 =	vshll.u32 v2, $0x10  }
0x216: {  	v2 =	vand.u32 $0xFFFF0000, v2;
	v3 =	vmul.f32 v3, v1  }
0x217: {  	v2 =	vmul.f32 v2, v1  }
0x218: {  	[tilespmem:s21+$0x3C0] =	vst v3  }
0x219: {  	[tilespmem:s21+$0x3D0] =	vst v2  }
0x21a: {  	v2 =	vld [tilespmem:s1+$0x1F0];
	_ =	sdelay $0x3  }
0x21b: {  	p0 =	sne.s32 s4, $0x180  }
.Ltmp1:
0x21c: {  	v3 =	vshll.u32 v2, $0x10;
	(pc) =	sbr.rel @p0 .LBB2_5-.Ltmp1, $4  }
0x21d: {  	v2 =	vand.u32 $0xFFFF0000, v2;
	v3 =	vmul.f32 v3, v1  }
0x21e: {  	v1 =	vmul.f32 v2, v1  }
0x21f: {  	[tilespmem:s21+$0x3E0] =	vst v3  }
0x220: {  	s4 =	sadd.s32 $0x80, s4;
	s1 =	sadd.s32 $0x400, s1;
	[tilespmem:s21+$0x3F0] =	vst v1;
	s21 =	sadd.s32 $0x800, s21  }
0x221: {  	[spmem:s2] =	stream.indirect.scatter.add.f32 [tilespmem:s22], [sflag:$0x3], $0x40, s20, s18, $0xb8;
	[tilespmem:$0x1F080] =	vst v63  }
0x222: {  	v1 =	vld [tilespmem:s19+$0x7800];
	_ =	sdelay $0x5  }
0x223: {  	s1 =	sshrl.u32 s19, $0x1  }
0x224: {  	v2 =	vld [tilespmem:s1+$0xC800]  }
0x225: {  	v1 =	vld.idx.msk [tilespmem:v1+s3+$0x0], $0xffff;
	_ =	sdelay $0x3  }
0x226: {  	v3 =	vshll.u32 v2, $0x10  }
0x227: {  	v1 =	vmul.f32 v3, v1;
	_ =	sdelay $0x1  }
0x228: {  	[tilespmem:$0xF000] =	vst v1  }
0x229: {  	v1 =	vld [tilespmem:s19+$0x7810];
	_ =	sdelay $0x7  }
0x22a: {  	v1 =	vld.idx.msk [tilespmem:v1+s3+$0x0], $0xffff;
	_ =	sdelay $0x3  }
0x22b: {  	v2 =	vand.u32 $0xFFFF0000, v2  }
0x22c: {  	v1 =	vmul.f32 v2, v1;
	_ =	sdelay $0x1  }
0x22d: {  	[tilespmem:$0xF010] =	vst v1  }
0x22e: {  	v1 =	vld [tilespmem:s19+$0x7820];
	_ =	sdelay $0x6  }
0x22f: {  	v2 =	vld [tilespmem:s1+$0xC810]  }
0x230: {  	v1 =	vld.idx.msk [tilespmem:v1+s3+$0x0], $0xffff;
	_ =	sdelay $0x3  }
0x231: {  	v3 =	vshll.u32 v2, $0x10  }
0x232: {  	v1 =	vmul.f32 v3, v1;
	_ =	sdelay $0x1  }
0x233: {  	[tilespmem:$0xF020] =	vst v1  }
0x234: {  	v1 =	vld [tilespmem:s19+$0x7830];
	_ =	sdelay $0x7  }
0x235: {  	v1 =	vld.idx.msk [tilespmem:v1+s3+$0x0], $0xffff;
	_ =	sdelay $0x3  }
0x236: {  	v2 =	vand.u32 $0xFFFF0000, v2  }
0x237: {  	v1 =	vmul.f32 v2, v1;
	_ =	sdelay $0x1  }
0x238: {  	[tilespmem:$0xF030] =	vst v1  }
0x239: {  	v1 =	vld [tilespmem:s19+$0x7840];
	_ =	sdelay $0x6  }
0x23a: {  	v2 =	vld [tilespmem:s1+$0xC820]  }
0x23b: {  	v1 =	vld.idx.msk [tilespmem:v1+s3+$0x0], $0xffff;
	_ =	sdelay $0x3  }
0x23c: {  	v3 =	vshll.u32 v2, $0x10  }
0x23d: {  	v1 =	vmul.f32 v3, v1;
	_ =	sdelay $0x1  }
0x23e: {  	[tilespmem:$0xF040] =	vst v1  }
0x23f: {  	v1 =	vld [tilespmem:s19+$0x7850];
	_ =	sdelay $0x7  }
0x240: {  	v1 =	vld.idx.msk [tilespmem:v1+s3+$0x0], $0xffff;
	_ =	sdelay $0x3  }
0x241: {  	v2 =	vand.u32 $0xFFFF0000, v2  }
0x242: {  	v1 =	vmul.f32 v2, v1;
	_ =	sdelay $0x1  }
0x243: {  	[tilespmem:$0xF050] =	vst v1  }
0x244: {  	v1 =	vld [tilespmem:s19+$0x7860];
	_ =	sdelay $0x6  }
0x245: {  	v2 =	vld [tilespmem:s1+$0xC830]  }
0x246: {  	v1 =	vld.idx.msk [tilespmem:v1+s3+$0x0], $0xffff;
	_ =	sdelay $0x3  }
0x247: {  	v3 =	vshll.u32 v2, $0x10  }
0x248: {  	v1 =	vmul.f32 v3, v1;
	_ =	sdelay $0x1  }
0x249: {  	[tilespmem:$0xF060] =	vst v1  }
0x24a: {  	v1 =	vld [tilespmem:s19+$0x7870];
	_ =	sdelay $0x7  }
0x24b: {  	v1 =	vld.idx.msk [tilespmem:v1+s3+$0x0], $0xffff;
	_ =	sdelay $0x3  }
0x24c: {  	v2 =	vand.u32 $0xFFFF0000, v2  }
0x24d: {  	v1 =	vmul.f32 v2, v1;
	_ =	sdelay $0x1  }
0x24e: {  	p0 =	seq.s32 s0, $0x4F;
	[tilespmem:$0xF070] =	vst v1  }
0x24f: {  	p1 =	seq.s32 @!p0 s0, $0x0;
	s1 =	sshll.u32 @!p0 s0, $0x8;
	_ =	swait.ge [sflag:s26], $0x1000  }
0x250: {  	s4 =	simm.s32 @!p0 $0x80;
	s1 =	sand.u32 @!p0 $0x3FFFFF00, s1;
	[sflag:s26] =	ssyncset.done $0x0  }
0x251: {  	s16 =	simm.s32 @!p0 $0xF080;
	s1 =	sadd.s32 @!p0 $0x2900, s1;
	[sflag:s26] =	ssyncadd.s32 $0xFFFFF000  }
0x252: {  	[tilespmem:s16], [sflag:$0x1] =	stream.indirect.gather @!p0 [hbm4b:s5+s4], $0x20, s1, s4, $0xb8;
	[tilespmem:$0x1F080] =	vst v63  }
0x253: {  	p0 =	por p0, !p1  }
0x254: {  	_ =	swait.ge @p0 [sflag:s30], $0x2000  }
0x255: {  	s20 =	simm.s32 $0x0;
	s19 =	sadd.s32 $0x7800, s19;
	[sflag:s30] =	ssyncset.done @p0 $0x0  }
0x256: {  	s1 =	simm.s32 $0x13480;
	s4 =	simm.s32 $0x10280;
	[sflag:s30] =	ssyncadd.s32 @p0 $0xFFFFE000  }
.LBB2_7:
0x257: {  	s16 =	sshra.s32 s20, $0x2  }
0x258: {  	v1 =	vld [tilespmem:s16+$0xF000]  }
0x259: {  	v2 =	vld [tilespmem:s4+$0xFFFFFE00];
	_ =	sdelay $0x3  }
0x25a: {  	v3 =	vbroadcast v1, $0x0  }
0x25b: {  	v4 =	vshll.u32 v2, $0x10  }
0x25c: {  	v2 =	vand.u32 $0xFFFF0000, v2;
	v4 =	vmul.f32 v4, v3  }
0x25d: {  	v2 =	vmul.f32 v2, v3  }
0x25e: {  	[tilespmem:s1+$0xFFFFFC00] =	vst v4  }
0x25f: {  	[tilespmem:s1+$0xFFFFFC10] =	vst v2  }
0x260: {  	v2 =	vld [tilespmem:s4+$0xFFFFFE10];
	_ =	sdelay $0x4  }
0x261: {  	v61 =	vshll.u32 v2, $0x10  }
0x262: {  	v2 =	vand.u32 $0xFFFF0000, v2;
	v4 =	vmul.f32 v61, v3  }
0x263: {  	v2 =	vmul.f32 v2, v3  }
0x264: {  	[tilespmem:s1+$0xFFFFFC20] =	vst v4  }
0x265: {  	[tilespmem:s1+$0xFFFFFC30] =	vst v2  }
0x266: {  	v2 =	vld [tilespmem:s4+$0xFFFFFE20];
	_ =	sdelay $0x3  }
0x267: {  	v3 =	vbroadcast v1, $0x1  }
0x268: {  	v62 =	vshll.u32 v2, $0x10  }
0x269: {  	v2 =	vand.u32 $0xFFFF0000, v2;
	v4 =	vmul.f32 v62, v3  }
0x26a: {  	v2 =	vmul.f32 v2, v3  }
0x26b: {  	[tilespmem:s1+$0xFFFFFC40] =	vst v4  }
0x26c: {  	[tilespmem:s1+$0xFFFFFC50] =	vst v2  }
0x26d: {  	v2 =	vld [tilespmem:s4+$0xFFFFFE30];
	_ =	sdelay $0x4  }
0x26e: {  	v63 =	vshll.u32 v2, $0x10  }
0x26f: {  	v2 =	vand.u32 $0xFFFF0000, v2;
	v4 =	vmul.f32 v63, v3  }
0x270: {  	v2 =	vmul.f32 v2, v3  }
0x271: {  	[tilespmem:s1+$0xFFFFFC60] =	vst v4  }
0x272: {  	[tilespmem:s1+$0xFFFFFC70] =	vst v2  }
0x273: {  	v2 =	vld [tilespmem:s4+$0xFFFFFE40];
	_ =	sdelay $0x3  }
0x274: {  	v3 =	vbroadcast v1, $0x2  }
0x275: {  	v8 =	vshll.u32 v2, $0x10  }
0x276: {  	v2 =	vand.u32 $0xFFFF0000, v2;
	v4 =	vmul.f32 v8, v3  }
0x277: {  	v2 =	vmul.f32 v2, v3  }
0x278: {  	[tilespmem:s1+$0xFFFFFC80] =	vst v4  }
0x279: {  	[tilespmem:s1+$0xFFFFFC90] =	vst v2  }
0x27a: {  	v2 =	vld [tilespmem:s4+$0xFFFFFE50];
	_ =	sdelay $0x4  }
0x27b: {  	v9 =	vshll.u32 v2, $0x10  }
0x27c: {  	v2 =	vand.u32 $0xFFFF0000, v2;
	v4 =	vmul.f32 v9, v3  }
0x27d: {  	v2 =	vmul.f32 v2, v3  }
0x27e: {  	[tilespmem:s1+$0xFFFFFCA0] =	vst v4  }
0x27f: {  	[tilespmem:s1+$0xFFFFFCB0] =	vst v2  }
0x280: {  	v2 =	vld [tilespmem:s4+$0xFFFFFE60];
	_ =	sdelay $0x3  }
0x281: {  	v3 =	vbroadcast v1, $0x3  }
0x282: {  	v10 =	vshll.u32 v2, $0x10  }
0x283: {  	v2 =	vand.u32 $0xFFFF0000, v2;
	v4 =	vmul.f32 v10, v3  }
0x284: {  	v2 =	vmul.f32 v2, v3  }
0x285: {  	[tilespmem:s1+$0xFFFFFCC0] =	vst v4  }
0x286: {  	[tilespmem:s1+$0xFFFFFCD0] =	vst v2  }
0x287: {  	v2 =	vld [tilespmem:s4+$0xFFFFFE70];
	_ =	sdelay $0x4  }
0x288: {  	v11 =	vshll.u32 v2, $0x10  }
0x289: {  	v2 =	vand.u32 $0xFFFF0000, v2;
	v4 =	vmul.f32 v11, v3  }
0x28a: {  	v2 =	vmul.f32 v2, v3  }
0x28b: {  	[tilespmem:s1+$0xFFFFFCE0] =	vst v4  }
0x28c: {  	[tilespmem:s1+$0xFFFFFCF0] =	vst v2  }
0x28d: {  	v2 =	vld [tilespmem:s4+$0xFFFFFE80];
	_ =	sdelay $0x3  }
0x28e: {  	v3 =	vbroadcast v1, $0x4  }
0x28f: {  	v12 =	vshll.u32 v2, $0x10  }
0x290: {  	v2 =	vand.u32 $0xFFFF0000, v2;
	v4 =	vmul.f32 v12, v3  }
0x291: {  	v2 =	vmul.f32 v2, v3  }
0x292: {  	[tilespmem:s1+$0xFFFFFD00] =	vst v4  }
0x293: {  	[tilespmem:s1+$0xFFFFFD10] =	vst v2  }
0x294: {  	v2 =	vld [tilespmem:s4+$0xFFFFFE90];
	_ =	sdelay $0x4  }
0x295: {  	v13 =	vshll.u32 v2, $0x10  }
0x296: {  	v2 =	vand.u32 $0xFFFF0000, v2;
	v4 =	vmul.f32 v13, v3  }
0x297: {  	v2 =	vmul.f32 v2, v3  }
0x298: {  	[tilespmem:s1+$0xFFFFFD20] =	vst v4  }
0x299: {  	[tilespmem:s1+$0xFFFFFD30] =	vst v2  }
0x29a: {  	v2 =	vld [tilespmem:s4+$0xFFFFFEA0];
	_ =	sdelay $0x3  }
0x29b: {  	v3 =	vbroadcast v1, $0x5  }
0x29c: {  	v14 =	vshll.u32 v2, $0x10  }
0x29d: {  	v2 =	vand.u32 $0xFFFF0000, v2;
	v4 =	vmul.f32 v14, v3  }
0x29e: {  	v2 =	vmul.f32 v2, v3  }
0x29f: {  	[tilespmem:s1+$0xFFFFFD40] =	vst v4  }
0x2a0: {  	[tilespmem:s1+$0xFFFFFD50] =	vst v2  }
0x2a1: {  	v2 =	vld [tilespmem:s4+$0xFFFFFEB0];
	_ =	sdelay $0x4  }
0x2a2: {  	v15 =	vshll.u32 v2, $0x10  }
0x2a3: {  	v2 =	vand.u32 $0xFFFF0000, v2;
	v4 =	vmul.f32 v15, v3  }
0x2a4: {  	v2 =	vmul.f32 v2, v3  }
0x2a5: {  	[tilespmem:s1+$0xFFFFFD60] =	vst v4  }
0x2a6: {  	[tilespmem:s1+$0xFFFFFD70] =	vst v2  }
0x2a7: {  	v2 =	vld [tilespmem:s4+$0xFFFFFEC0];
	_ =	sdelay $0x3  }
0x2a8: {  	v3 =	vbroadcast v1, $0x6  }
0x2a9: {  	v16 =	vshll.u32 v2, $0x10  }
0x2aa: {  	v2 =	vand.u32 $0xFFFF0000, v2;
	v4 =	vmul.f32 v16, v3  }
0x2ab: {  	v2 =	vmul.f32 v2, v3  }
0x2ac: {  	[tilespmem:s1+$0xFFFFFD80] =	vst v4  }
0x2ad: {  	[tilespmem:s1+$0xFFFFFD90] =	vst v2  }
0x2ae: {  	v2 =	vld [tilespmem:s4+$0xFFFFFED0];
	_ =	sdelay $0x4  }
0x2af: {  	v17 =	vshll.u32 v2, $0x10  }
0x2b0: {  	v2 =	vand.u32 $0xFFFF0000, v2;
	v4 =	vmul.f32 v17, v3  }
0x2b1: {  	v2 =	vmul.f32 v2, v3  }
0x2b2: {  	[tilespmem:s1+$0xFFFFFDA0] =	vst v4  }
0x2b3: {  	[tilespmem:s1+$0xFFFFFDB0] =	vst v2  }
0x2b4: {  	v2 =	vld [tilespmem:s4+$0xFFFFFEE0];
	_ =	sdelay $0x3  }
0x2b5: {  	v3 =	vbroadcast v1, $0x7  }
0x2b6: {  	v18 =	vshll.u32 v2, $0x10  }
0x2b7: {  	v2 =	vand.u32 $0xFFFF0000, v2;
	v4 =	vmul.f32 v18, v3  }
0x2b8: {  	v2 =	vmul.f32 v2, v3  }
0x2b9: {  	[tilespmem:s1+$0xFFFFFDC0] =	vst v4  }
0x2ba: {  	[tilespmem:s1+$0xFFFFFDD0] =	vst v2  }
0x2bb: {  	v2 =	vld [tilespmem:s4+$0xFFFFFEF0];
	_ =	sdelay $0x4  }
0x2bc: {  	v19 =	vshll.u32 v2, $0x10  }
0x2bd: {  	v2 =	vand.u32 $0xFFFF0000, v2;
	v4 =	vmul.f32 v19, v3  }
0x2be: {  	v2 =	vmul.f32 v2, v3  }
0x2bf: {  	[tilespmem:s1+$0xFFFFFDE0] =	vst v4  }
0x2c0: {  	[tilespmem:s1+$0xFFFFFDF0] =	vst v2  }
0x2c1: {  	v2 =	vld [tilespmem:s4+$0xFFFFFF00];
	_ =	sdelay $0x3  }
0x2c2: {  	v3 =	vbroadcast v1, $0x8  }
0x2c3: {  	v20 =	vshll.u32 v2, $0x10  }
0x2c4: {  	v2 =	vand.u32 $0xFFFF0000, v2;
	v4 =	vmul.f32 v20, v3  }
0x2c5: {  	v2 =	vmul.f32 v2, v3  }
0x2c6: {  	[tilespmem:s1+$0xFFFFFE00] =	vst v4  }
0x2c7: {  	[tilespmem:s1+$0xFFFFFE10] =	vst v2  }
0x2c8: {  	v2 =	vld [tilespmem:s4+$0xFFFFFF10];
	_ =	sdelay $0x4  }
0x2c9: {  	v21 =	vshll.u32 v2, $0x10  }
0x2ca: {  	v2 =	vand.u32 $0xFFFF0000, v2;
	v4 =	vmul.f32 v21, v3  }
0x2cb: {  	v2 =	vmul.f32 v2, v3  }
0x2cc: {  	[tilespmem:s1+$0xFFFFFE20] =	vst v4  }
0x2cd: {  	[tilespmem:s1+$0xFFFFFE30] =	vst v2  }
0x2ce: {  	v2 =	vld [tilespmem:s4+$0xFFFFFF20];
	_ =	sdelay $0x3  }
0x2cf: {  	v3 =	vbroadcast v1, $0x9  }
0x2d0: {  	v22 =	vshll.u32 v2, $0x10  }
0x2d1: {  	v2 =	vand.u32 $0xFFFF0000, v2;
	v4 =	vmul.f32 v22, v3  }
0x2d2: {  	v2 =	vmul.f32 v2, v3  }
0x2d3: {  	[tilespmem:s1+$0xFFFFFE40] =	vst v4  }
0x2d4: {  	[tilespmem:s1+$0xFFFFFE50] =	vst v2  }
0x2d5: {  	v2 =	vld [tilespmem:s4+$0xFFFFFF30];
	_ =	sdelay $0x4  }
0x2d6: {  	v23 =	vshll.u32 v2, $0x10  }
0x2d7: {  	v2 =	vand.u32 $0xFFFF0000, v2;
	v4 =	vmul.f32 v23, v3  }
0x2d8: {  	v2 =	vmul.f32 v2, v3  }
0x2d9: {  	[tilespmem:s1+$0xFFFFFE60] =	vst v4  }
0x2da: {  	[tilespmem:s1+$0xFFFFFE70] =	vst v2  }
0x2db: {  	v2 =	vld [tilespmem:s4+$0xFFFFFF40];
	_ =	sdelay $0x3  }
0x2dc: {  	v3 =	vbroadcast v1, $0xA  }
0x2dd: {  	v24 =	vshll.u32 v2, $0x10  }
0x2de: {  	v2 =	vand.u32 $0xFFFF0000, v2;
	v4 =	vmul.f32 v24, v3  }
0x2df: {  	v2 =	vmul.f32 v2, v3  }
0x2e0: {  	[tilespmem:s1+$0xFFFFFE80] =	vst v4  }
0x2e1: {  	[tilespmem:s1+$0xFFFFFE90] =	vst v2  }
0x2e2: {  	v2 =	vld [tilespmem:s4+$0xFFFFFF50];
	_ =	sdelay $0x4  }
0x2e3: {  	v25 =	vshll.u32 v2, $0x10  }
0x2e4: {  	v2 =	vand.u32 $0xFFFF0000, v2;
	v4 =	vmul.f32 v25, v3  }
0x2e5: {  	v2 =	vmul.f32 v2, v3  }
0x2e6: {  	[tilespmem:s1+$0xFFFFFEA0] =	vst v4  }
0x2e7: {  	[tilespmem:s1+$0xFFFFFEB0] =	vst v2  }
0x2e8: {  	v2 =	vld [tilespmem:s4+$0xFFFFFF60];
	_ =	sdelay $0x3  }
0x2e9: {  	v3 =	vbroadcast v1, $0xB  }
0x2ea: {  	v26 =	vshll.u32 v2, $0x10  }
0x2eb: {  	v2 =	vand.u32 $0xFFFF0000, v2;
	v4 =	vmul.f32 v26, v3  }
0x2ec: {  	v2 =	vmul.f32 v2, v3  }
0x2ed: {  	[tilespmem:s1+$0xFFFFFEC0] =	vst v4  }
0x2ee: {  	[tilespmem:s1+$0xFFFFFED0] =	vst v2  }
0x2ef: {  	v2 =	vld [tilespmem:s4+$0xFFFFFF70];
	_ =	sdelay $0x4  }
0x2f0: {  	v27 =	vshll.u32 v2, $0x10  }
0x2f1: {  	v2 =	vand.u32 $0xFFFF0000, v2;
	v4 =	vmul.f32 v27, v3  }
0x2f2: {  	v2 =	vmul.f32 v2, v3  }
0x2f3: {  	[tilespmem:s1+$0xFFFFFEE0] =	vst v4  }
0x2f4: {  	[tilespmem:s1+$0xFFFFFEF0] =	vst v2  }
0x2f5: {  	v2 =	vld [tilespmem:s4+$0xFFFFFF80];
	_ =	sdelay $0x3  }
0x2f6: {  	v3 =	vbroadcast v1, $0xC  }
0x2f7: {  	v28 =	vshll.u32 v2, $0x10  }
0x2f8: {  	v2 =	vand.u32 $0xFFFF0000, v2;
	v4 =	vmul.f32 v28, v3  }
0x2f9: {  	v2 =	vmul.f32 v2, v3  }
0x2fa: {  	[tilespmem:s1+$0xFFFFFF00] =	vst v4  }
0x2fb: {  	[tilespmem:s1+$0xFFFFFF10] =	vst v2  }
0x2fc: {  	v2 =	vld [tilespmem:s4+$0xFFFFFF90];
	_ =	sdelay $0x4  }
0x2fd: {  	v29 =	vshll.u32 v2, $0x10  }
0x2fe: {  	v2 =	vand.u32 $0xFFFF0000, v2;
	v4 =	vmul.f32 v29, v3  }
0x2ff: {  	v2 =	vmul.f32 v2, v3  }
0x300: {  	[tilespmem:s1+$0xFFFFFF20] =	vst v4  }
0x301: {  	[tilespmem:s1+$0xFFFFFF30] =	vst v2  }
0x302: {  	v2 =	vld [tilespmem:s4+$0xFFFFFFA0];
	_ =	sdelay $0x3  }
0x303: {  	v3 =	vbroadcast v1, $0xD  }
0x304: {  	v30 =	vshll.u32 v2, $0x10  }
0x305: {  	v2 =	vand.u32 $0xFFFF0000, v2;
	v4 =	vmul.f32 v30, v3  }
0x306: {  	v2 =	vmul.f32 v2, v3  }
0x307: {  	[tilespmem:s1+$0xFFFFFF40] =	vst v4  }
0x308: {  	[tilespmem:s1+$0xFFFFFF50] =	vst v2  }
0x309: {  	v2 =	vld [tilespmem:s4+$0xFFFFFFB0];
	_ =	sdelay $0x4  }
0x30a: {  	v31 =	vshll.u32 v2, $0x10  }
0x30b: {  	v2 =	vand.u32 $0xFFFF0000, v2;
	v4 =	vmul.f32 v31, v3  }
0x30c: {  	v2 =	vmul.f32 v2, v3  }
0x30d: {  	[tilespmem:s1+$0xFFFFFF60] =	vst v4  }
0x30e: {  	[tilespmem:s1+$0xFFFFFF70] =	vst v2  }
0x30f: {  	v2 =	vld [tilespmem:s4+$0xFFFFFFC0];
	_ =	sdelay $0x3  }
0x310: {  	v3 =	vbroadcast v1, $0xE  }
0x311: {  	v32 =	vshll.u32 v2, $0x10  }
0x312: {  	v2 =	vand.u32 $0xFFFF0000, v2;
	v4 =	vmul.f32 v32, v3  }
0x313: {  	v2 =	vmul.f32 v2, v3  }
0x314: {  	[tilespmem:s1+$0xFFFFFF80] =	vst v4  }
0x315: {  	[tilespmem:s1+$0xFFFFFF90] =	vst v2  }
0x316: {  	v2 =	vld [tilespmem:s4+$0xFFFFFFD0];
	_ =	sdelay $0x4  }
0x317: {  	v33 =	vshll.u32 v2, $0x10  }
0x318: {  	v2 =	vand.u32 $0xFFFF0000, v2;
	v4 =	vmul.f32 v33, v3  }
0x319: {  	v2 =	vmul.f32 v2, v3  }
0x31a: {  	[tilespmem:s1+$0xFFFFFFA0] =	vst v4  }
0x31b: {  	[tilespmem:s1+$0xFFFFFFB0] =	vst v2  }
0x31c: {  	v2 =	vld [tilespmem:s4+$0xFFFFFFE0];
	_ =	sdelay $0x3  }
0x31d: {  	v1 =	vbroadcast v1, $0xF  }
0x31e: {  	v3 =	vshll.u32 v2, $0x10  }
0x31f: {  	v2 =	vand.u32 $0xFFFF0000, v2;
	v3 =	vmul.f32 v3, v1  }
0x320: {  	v2 =	vmul.f32 v2, v1  }
0x321: {  	[tilespmem:s1+$0xFFFFFFC0] =	vst v3  }
0x322: {  	[tilespmem:s1+$0xFFFFFFD0] =	vst v2  }
0x323: {  	v2 =	vld [tilespmem:s4+$0xFFFFFFF0];
	_ =	sdelay $0x4  }
0x324: {  	v3 =	vshll.u32 v2, $0x10  }
0x325: {  	v2 =	vand.u32 $0xFFFF0000, v2;
	v3 =	vmul.f32 v3, v1  }
0x326: {  	v1 =	vmul.f32 v2, v1  }
0x327: {  	[tilespmem:s1+$0xFFFFFFE0] =	vst v3  }
0x328: {  	[tilespmem:s1+$0xFFFFFFF0] =	vst v1  }
0x329: {  	v1 =	vld [tilespmem:s16+$0xF010]  }
0x32a: {  	v2 =	vld [tilespmem:s4+$0x0];
	_ =	sdelay $0x3  }
0x32b: {  	v3 =	vbroadcast v1, $0x0  }
0x32c: {  	v34 =	vshll.u32 v2, $0x10  }
0x32d: {  	v2 =	vand.u32 $0xFFFF0000, v2;
	v4 =	vmul.f32 v34, v3  }
0x32e: {  	v2 =	vmul.f32 v2, v3  }
0x32f: {  	[tilespmem:s1+$0x0] =	vst v4  }
0x330: {  	[tilespmem:s1+$0x10] =	vst v2  }
0x331: {  	v2 =	vld [tilespmem:s4+$0x10];
	_ =	sdelay $0x4  }
0x332: {  	v35 =	vshll.u32 v2, $0x10  }
0x333: {  	v2 =	vand.u32 $0xFFFF0000, v2;
	v4 =	vmul.f32 v35, v3  }
0x334: {  	v2 =	vmul.f32 v2, v3  }
0x335: {  	[tilespmem:s1+$0x20] =	vst v4  }
0x336: {  	[tilespmem:s1+$0x30] =	vst v2  }
0x337: {  	v2 =	vld [tilespmem:s4+$0x20];
	_ =	sdelay $0x3  }
0x338: {  	v3 =	vbroadcast v1, $0x1  }
0x339: {  	v36 =	vshll.u32 v2, $0x10  }
0x33a: {  	v2 =	vand.u32 $0xFFFF0000, v2;
	v4 =	vmul.f32 v36, v3  }
0x33b: {  	v2 =	vmul.f32 v2, v3  }
0x33c: {  	[tilespmem:s1+$0x40] =	vst v4  }
0x33d: {  	[tilespmem:s1+$0x50] =	vst v2  }
0x33e: {  	v2 =	vld [tilespmem:s4+$0x30];
	_ =	sdelay $0x4  }
0x33f: {  	v37 =	vshll.u32 v2, $0x10  }
0x340: {  	v2 =	vand.u32 $0xFFFF0000, v2;
	v4 =	vmul.f32 v37, v3  }
0x341: {  	v2 =	vmul.f32 v2, v3  }
0x342: {  	[tilespmem:s1+$0x60] =	vst v4  }
0x343: {  	[tilespmem:s1+$0x70] =	vst v2  }
0x344: {  	v2 =	vld [tilespmem:s4+$0x40];
	_ =	sdelay $0x3  }
0x345: {  	v3 =	vbroadcast v1, $0x2  }
0x346: {  	v38 =	vshll.u32 v2, $0x10  }
0x347: {  	v2 =	vand.u32 $0xFFFF0000, v2;
	v4 =	vmul.f32 v38, v3  }
0x348: {  	v2 =	vmul.f32 v2, v3  }
0x349: {  	[tilespmem:s1+$0x80] =	vst v4  }
0x34a: {  	[tilespmem:s1+$0x90] =	vst v2  }
0x34b: {  	v2 =	vld [tilespmem:s4+$0x50];
	_ =	sdelay $0x4  }
0x34c: {  	v39 =	vshll.u32 v2, $0x10  }
0x34d: {  	v2 =	vand.u32 $0xFFFF0000, v2;
	v4 =	vmul.f32 v39, v3  }
0x34e: {  	v2 =	vmul.f32 v2, v3  }
0x34f: {  	[tilespmem:s1+$0xA0] =	vst v4  }
0x350: {  	[tilespmem:s1+$0xB0] =	vst v2  }
0x351: {  	v2 =	vld [tilespmem:s4+$0x60];
	_ =	sdelay $0x3  }
0x352: {  	v3 =	vbroadcast v1, $0x3  }
0x353: {  	v40 =	vshll.u32 v2, $0x10  }
0x354: {  	v2 =	vand.u32 $0xFFFF0000, v2;
	v4 =	vmul.f32 v40, v3  }
0x355: {  	v2 =	vmul.f32 v2, v3  }
0x356: {  	[tilespmem:s1+$0xC0] =	vst v4  }
0x357: {  	[tilespmem:s1+$0xD0] =	vst v2  }
0x358: {  	v2 =	vld [tilespmem:s4+$0x70];
	_ =	sdelay $0x4  }
0x359: {  	v41 =	vshll.u32 v2, $0x10  }
0x35a: {  	v2 =	vand.u32 $0xFFFF0000, v2;
	v4 =	vmul.f32 v41, v3  }
0x35b: {  	v2 =	vmul.f32 v2, v3  }
0x35c: {  	[tilespmem:s1+$0xE0] =	vst v4  }
0x35d: {  	[tilespmem:s1+$0xF0] =	vst v2  }
0x35e: {  	v2 =	vld [tilespmem:s4+$0x80];
	_ =	sdelay $0x3  }
0x35f: {  	v3 =	vbroadcast v1, $0x4  }
0x360: {  	v42 =	vshll.u32 v2, $0x10  }
0x361: {  	v2 =	vand.u32 $0xFFFF0000, v2;
	v4 =	vmul.f32 v42, v3  }
0x362: {  	v2 =	vmul.f32 v2, v3  }
0x363: {  	[tilespmem:s1+$0x100] =	vst v4  }
0x364: {  	[tilespmem:s1+$0x110] =	vst v2  }
0x365: {  	v2 =	vld [tilespmem:s4+$0x90];
	_ =	sdelay $0x4  }
0x366: {  	v43 =	vshll.u32 v2, $0x10  }
0x367: {  	v2 =	vand.u32 $0xFFFF0000, v2;
	v4 =	vmul.f32 v43, v3  }
0x368: {  	v2 =	vmul.f32 v2, v3  }
0x369: {  	[tilespmem:s1+$0x120] =	vst v4  }
0x36a: {  	[tilespmem:s1+$0x130] =	vst v2  }
0x36b: {  	v2 =	vld [tilespmem:s4+$0xA0];
	_ =	sdelay $0x3  }
0x36c: {  	v3 =	vbroadcast v1, $0x5  }
0x36d: {  	v44 =	vshll.u32 v2, $0x10  }
0x36e: {  	v2 =	vand.u32 $0xFFFF0000, v2;
	v4 =	vmul.f32 v44, v3  }
0x36f: {  	v2 =	vmul.f32 v2, v3  }
0x370: {  	[tilespmem:s1+$0x140] =	vst v4  }
0x371: {  	[tilespmem:s1+$0x150] =	vst v2  }
0x372: {  	v2 =	vld [tilespmem:s4+$0xB0];
	_ =	sdelay $0x4  }
0x373: {  	v45 =	vshll.u32 v2, $0x10  }
0x374: {  	v2 =	vand.u32 $0xFFFF0000, v2;
	v4 =	vmul.f32 v45, v3  }
0x375: {  	v2 =	vmul.f32 v2, v3  }
0x376: {  	[tilespmem:s1+$0x160] =	vst v4  }
0x377: {  	[tilespmem:s1+$0x170] =	vst v2  }
0x378: {  	v2 =	vld [tilespmem:s4+$0xC0];
	_ =	sdelay $0x3  }
0x379: {  	v3 =	vbroadcast v1, $0x6  }
0x37a: {  	v46 =	vshll.u32 v2, $0x10  }
0x37b: {  	v2 =	vand.u32 $0xFFFF0000, v2;
	v4 =	vmul.f32 v46, v3  }
0x37c: {  	v2 =	vmul.f32 v2, v3  }
0x37d: {  	[tilespmem:s1+$0x180] =	vst v4  }
0x37e: {  	[tilespmem:s1+$0x190] =	vst v2  }
0x37f: {  	v2 =	vld [tilespmem:s4+$0xD0];
	_ =	sdelay $0x4  }
0x380: {  	v47 =	vshll.u32 v2, $0x10  }
0x381: {  	v2 =	vand.u32 $0xFFFF0000, v2;
	v4 =	vmul.f32 v47, v3  }
0x382: {  	v2 =	vmul.f32 v2, v3  }
0x383: {  	[tilespmem:s1+$0x1A0] =	vst v4  }
0x384: {  	[tilespmem:s1+$0x1B0] =	vst v2  }
0x385: {  	v2 =	vld [tilespmem:s4+$0xE0];
	_ =	sdelay $0x3  }
0x386: {  	v3 =	vbroadcast v1, $0x7  }
0x387: {  	v48 =	vshll.u32 v2, $0x10  }
0x388: {  	v2 =	vand.u32 $0xFFFF0000, v2;
	v4 =	vmul.f32 v48, v3  }
0x389: {  	v2 =	vmul.f32 v2, v3  }
0x38a: {  	[tilespmem:s1+$0x1C0] =	vst v4  }
0x38b: {  	[tilespmem:s1+$0x1D0] =	vst v2  }
0x38c: {  	v2 =	vld [tilespmem:s4+$0xF0];
	_ =	sdelay $0x4  }
0x38d: {  	v49 =	vshll.u32 v2, $0x10  }
0x38e: {  	v2 =	vand.u32 $0xFFFF0000, v2;
	v4 =	vmul.f32 v49, v3  }
0x38f: {  	v2 =	vmul.f32 v2, v3  }
0x390: {  	[tilespmem:s1+$0x1E0] =	vst v4  }
0x391: {  	[tilespmem:s1+$0x1F0] =	vst v2  }
0x392: {  	v2 =	vld [tilespmem:s4+$0x100];
	_ =	sdelay $0x3  }
0x393: {  	v3 =	vbroadcast v1, $0x8  }
0x394: {  	v50 =	vshll.u32 v2, $0x10  }
0x395: {  	v2 =	vand.u32 $0xFFFF0000, v2;
	v4 =	vmul.f32 v50, v3  }
0x396: {  	v2 =	vmul.f32 v2, v3  }
0x397: {  	[tilespmem:s1+$0x200] =	vst v4  }
0x398: {  	[tilespmem:s1+$0x210] =	vst v2  }
0x399: {  	v2 =	vld [tilespmem:s4+$0x110];
	_ =	sdelay $0x4  }
0x39a: {  	v51 =	vshll.u32 v2, $0x10  }
0x39b: {  	v2 =	vand.u32 $0xFFFF0000, v2;
	v4 =	vmul.f32 v51, v3  }
0x39c: {  	v2 =	vmul.f32 v2, v3  }
0x39d: {  	[tilespmem:s1+$0x220] =	vst v4  }
0x39e: {  	[tilespmem:s1+$0x230] =	vst v2  }
0x39f: {  	v2 =	vld [tilespmem:s4+$0x120];
	_ =	sdelay $0x3  }
0x3a0: {  	v3 =	vbroadcast v1, $0x9  }
0x3a1: {  	v52 =	vshll.u32 v2, $0x10  }
0x3a2: {  	v2 =	vand.u32 $0xFFFF0000, v2;
	v4 =	vmul.f32 v52, v3  }
0x3a3: {  	v2 =	vmul.f32 v2, v3  }
0x3a4: {  	[tilespmem:s1+$0x240] =	vst v4  }
0x3a5: {  	[tilespmem:s1+$0x250] =	vst v2  }
0x3a6: {  	v2 =	vld [tilespmem:s4+$0x130];
	_ =	sdelay $0x4  }
0x3a7: {  	v53 =	vshll.u32 v2, $0x10  }
0x3a8: {  	v2 =	vand.u32 $0xFFFF0000, v2;
	v4 =	vmul.f32 v53, v3  }
0x3a9: {  	v2 =	vmul.f32 v2, v3  }
0x3aa: {  	[tilespmem:s1+$0x260] =	vst v4  }
0x3ab: {  	[tilespmem:s1+$0x270] =	vst v2  }
0x3ac: {  	v2 =	vld [tilespmem:s4+$0x140];
	_ =	sdelay $0x3  }
0x3ad: {  	v3 =	vbroadcast v1, $0xA  }
0x3ae: {  	v54 =	vshll.u32 v2, $0x10  }
0x3af: {  	v2 =	vand.u32 $0xFFFF0000, v2;
	v4 =	vmul.f32 v54, v3  }
0x3b0: {  	v2 =	vmul.f32 v2, v3  }
0x3b1: {  	[tilespmem:s1+$0x280] =	vst v4  }
0x3b2: {  	[tilespmem:s1+$0x290] =	vst v2  }
0x3b3: {  	v2 =	vld [tilespmem:s4+$0x150];
	_ =	sdelay $0x4  }
0x3b4: {  	v55 =	vshll.u32 v2, $0x10  }
0x3b5: {  	v2 =	vand.u32 $0xFFFF0000, v2;
	v4 =	vmul.f32 v55, v3  }
0x3b6: {  	v2 =	vmul.f32 v2, v3  }
0x3b7: {  	[tilespmem:s1+$0x2A0] =	vst v4  }
0x3b8: {  	[tilespmem:s1+$0x2B0] =	vst v2  }
0x3b9: {  	v2 =	vld [tilespmem:s4+$0x160];
	_ =	sdelay $0x3  }
0x3ba: {  	v3 =	vbroadcast v1, $0xB  }
0x3bb: {  	v56 =	vshll.u32 v2, $0x10  }
0x3bc: {  	v2 =	vand.u32 $0xFFFF0000, v2;
	v4 =	vmul.f32 v56, v3  }
0x3bd: {  	v2 =	vmul.f32 v2, v3  }
0x3be: {  	[tilespmem:s1+$0x2C0] =	vst v4  }
0x3bf: {  	[tilespmem:s1+$0x2D0] =	vst v2  }
0x3c0: {  	v2 =	vld [tilespmem:s4+$0x170];
	_ =	sdelay $0x4  }
0x3c1: {  	v57 =	vshll.u32 v2, $0x10  }
0x3c2: {  	v2 =	vand.u32 $0xFFFF0000, v2;
	v4 =	vmul.f32 v57, v3  }
0x3c3: {  	v2 =	vmul.f32 v2, v3  }
0x3c4: {  	[tilespmem:s1+$0x2E0] =	vst v4  }
0x3c5: {  	[tilespmem:s1+$0x2F0] =	vst v2  }
0x3c6: {  	v2 =	vld [tilespmem:s4+$0x180];
	_ =	sdelay $0x3  }
0x3c7: {  	v3 =	vbroadcast v1, $0xC  }
0x3c8: {  	v58 =	vshll.u32 v2, $0x10  }
0x3c9: {  	v2 =	vand.u32 $0xFFFF0000, v2;
	v4 =	vmul.f32 v58, v3  }
0x3ca: {  	v2 =	vmul.f32 v2, v3  }
0x3cb: {  	[tilespmem:s1+$0x300] =	vst v4  }
0x3cc: {  	[tilespmem:s1+$0x310] =	vst v2  }
0x3cd: {  	v2 =	vld [tilespmem:s4+$0x190];
	_ =	sdelay $0x4  }
0x3ce: {  	v59 =	vshll.u32 v2, $0x10  }
0x3cf: {  	v2 =	vand.u32 $0xFFFF0000, v2;
	v4 =	vmul.f32 v59, v3  }
0x3d0: {  	v2 =	vmul.f32 v2, v3  }
0x3d1: {  	[tilespmem:s1+$0x320] =	vst v4  }
0x3d2: {  	[tilespmem:s1+$0x330] =	vst v2  }
0x3d3: {  	v2 =	vld [tilespmem:s4+$0x1A0];
	_ =	sdelay $0x3  }
0x3d4: {  	v3 =	vbroadcast v1, $0xD  }
0x3d5: {  	v60 =	vshll.u32 v2, $0x10  }
0x3d6: {  	v2 =	vand.u32 $0xFFFF0000, v2;
	v4 =	vmul.f32 v60, v3  }
0x3d7: {  	v2 =	vmul.f32 v2, v3  }
0x3d8: {  	[tilespmem:s1+$0x340] =	vst v4  }
0x3d9: {  	[tilespmem:s1+$0x350] =	vst v2  }
0x3da: {  	v2 =	vld [tilespmem:s4+$0x1B0];
	_ =	sdelay $0x4  }
0x3db: {  	v61 =	vshll.u32 v2, $0x10  }
0x3dc: {  	v2 =	vand.u32 $0xFFFF0000, v2;
	v4 =	vmul.f32 v61, v3  }
0x3dd: {  	v2 =	vmul.f32 v2, v3  }
0x3de: {  	[tilespmem:s1+$0x360] =	vst v4  }
0x3df: {  	[tilespmem:s1+$0x370] =	vst v2  }
0x3e0: {  	v2 =	vld [tilespmem:s4+$0x1C0];
	_ =	sdelay $0x3  }
0x3e1: {  	v3 =	vbroadcast v1, $0xE  }
0x3e2: {  	v62 =	vshll.u32 v2, $0x10  }
0x3e3: {  	v2 =	vand.u32 $0xFFFF0000, v2;
	v4 =	vmul.f32 v62, v3  }
0x3e4: {  	v2 =	vmul.f32 v2, v3  }
0x3e5: {  	[tilespmem:s1+$0x380] =	vst v4  }
0x3e6: {  	[tilespmem:s1+$0x390] =	vst v2  }
0x3e7: {  	v2 =	vld [tilespmem:s4+$0x1D0];
	_ =	sdelay $0x4  }
0x3e8: {  	v63 =	vshll.u32 v2, $0x10  }
0x3e9: {  	v2 =	vand.u32 $0xFFFF0000, v2;
	v4 =	vmul.f32 v63, v3  }
0x3ea: {  	v2 =	vmul.f32 v2, v3  }
0x3eb: {  	[tilespmem:s1+$0x3A0] =	vst v4  }
0x3ec: {  	[tilespmem:s1+$0x3B0] =	vst v2  }
0x3ed: {  	v2 =	vld [tilespmem:s4+$0x1E0];
	_ =	sdelay $0x3  }
0x3ee: {  	v1 =	vbroadcast v1, $0xF  }
0x3ef: {  	v3 =	vshll.u32 v2, $0x10  }
0x3f0: {  	v2 =	vand.u32 $0xFFFF0000, v2;
	v3 =	vmul.f32 v3, v1  }
0x3f1: {  	v2 =	vmul.f32 v2, v1  }
0x3f2: {  	[tilespmem:s1+$0x3C0] =	vst v3  }
0x3f3: {  	[tilespmem:s1+$0x3D0] =	vst v2  }
0x3f4: {  	v2 =	vld [tilespmem:s4+$0x1F0];
	_ =	sdelay $0x3  }
0x3f5: {  	p0 =	sne.s32 s20, $0x180  }
.Ltmp2:
0x3f6: {  	v3 =	vshll.u32 v2, $0x10;
	(pc) =	sbr.rel @p0 .LBB2_7-.Ltmp2, $4  }
0x3f7: {  	v2 =	vand.u32 $0xFFFF0000, v2;
	v3 =	vmul.f32 v3, v1  }
0x3f8: {  	v1 =	vmul.f32 v2, v1  }
0x3f9: {  	[tilespmem:s1+$0x3E0] =	vst v3  }
0x3fa: {  	s20 =	sadd.s32 $0x80, s20;
	s4 =	sadd.s32 $0x400, s4;
	[tilespmem:s1+$0x3F0] =	vst v1;
	s1 =	sadd.s32 $0x800, s1  }
0x3fb: {  	s0 =	sadd.s32 $0x1, s0  }
0x3fc: {  	p0 =	sne.s32 s0, $0x50  }
.Ltmp3:
0x3fd: {  	_ = 	snop;
	(pc) =	sbr.rel @p0 .LBB2_4-.Ltmp3, $2  }
0x3fe: {  	_ =	sdelay $0x2  }
0x3ff: {  	[spmem:s2] =	stream.indirect.scatter.add.f32 [tilespmem:s28], [sflag:$0x4], $0x40, s19, s18, $0xb8;
	[tilespmem:$0x1F080] =	vst v63  }
0x400: {  	_ =	swait.ge [sflag:s29], $0x2000  }
0x401: {  	[sflag:s29] =	ssyncset.done $0x0  }
0x402: {  	[sflag:s29] =	ssyncadd.s32 $0xFFFFE000  }
0x403: {  	s0 =	stileid.u32;
	_ =	swait.ge [sflag:s30], $0x2000  }
0x404: {  	s1 =	sshrl.u32 s9, $0x3;
	s31 =	sadd.s32 $0x1, s31;
	[sflag:s30] =	ssyncset.done $0x0  }
0x405: {  	s0 =	sshll.u32 s0, $0x6;
	p0 =	sne.s32 s31, s15;
	[sflag:s30] =	ssyncadd.s32 $0xFFFFE000  }
.Ltmp4:
0x406: {  	s0 =	sor.u32 $0x1C06, s0;
	[bflag:$0x0] =	sbarrier.arrive $0xFFFF;
	(pc) =	sbr.rel @p0 .LBB2_1-.Ltmp4, $4  }
0x407: {  	[hbm:s14], [sflag:s0] =	dma.local [spmem:s1], $0x1400  }
0x408: {  	_ =	swait.ge [sflag:s17], $0x1400  }
0x409: {  	[sflag:s17] =	ssyncset.done $0x0  }
0x40a: {  	[sflag:s17] =	ssyncadd.s32 $0xFFFFEC00  }
0x40b: {  	_ =	sfence.sel $0x180000  }
0x40c: {  	[bflag:$0x0] =	sbarrier.arrive $0xFFFF  }
0x40d: {  	_ =	strace $0x9000004A  }
0x40e: {  	s0 =	stileid.u32;
	[bflag:$0x2] =	sbarrier.arrive $0xFFFF  }
0x40f: {  	p0 =	sne.s32 s0, $0x0;
	s0 =	rddreg [dreg:$0x3]  }
0x410: {  	s0 =	sadd.s32 @!p0 $0x100000, s0  }
0x411: {  	[sflag:s0] =	ssyncadd.tile.s32 @!p0 $0x1;
	_ =	shalt  }
.Lfunc_end2:
_tile_overlayer_lowered:
.L_overlay_start_2:
0x412: {  	(tag) =	ssettag $0x2  }
0x413: {  	s0 =	rddreg [dreg:$0x0];
	s2 =	stileid.u32  }
0x414: {  	s1 =	rddreg [dreg:$0x1];
	p0 =	sne.s32 s2, $0x0  }
0x415: {  	s3 =	rddreg [dreg:$0x2];
	[bflag:$0x3] =	sbarrier.arrive $0xFFFF;
	s2 =	simm.s32 @!p0 $0x1C06  }
0x416: {  	[timem:s3], [sflag:s2] =	dma.local @!p0 [hbm:s0], s1  }
0x417: {  	s0 =	simm.s32 @!p0 $0x6  }
0x418: {  	_ =	swait.ge @!p0 [sflag:s0], s1  }
0x419: {  	s1 =	ssub.s32 @!p0 $0x0, s1;
	[sflag:s0] =	ssyncset.done @!p0 $0x0  }
0x41a: {  	[sflag:s0] =	ssyncadd.s32 @!p0 s1  }
0x41b: {  	[bflag:$0x3] =	sbarrier.arrive $0xFFFF  }
0x41c: {  	_ =	shalt  }

</sc_bundles>
